<compile_context>
chip_gen: v7x
topology: tpu7x:2x2x1
jax: 0.10.2.dev20260603
libtpu: 0.0.44.dev20260713+nightly
codegen_flags: <defaults>
</compile_context>

<pallas_src>
import jax
import jax.numpy as jnp
from jax import lax
from jax.experimental import pallas as pl
from jax.experimental.pallas import tpu as pltpu
from jax.experimental.pallas import tpu_sc as plsc

N = 10000
D = 128
DH = D // 2
E = 320000
NW = 32
EP = E // NW
CH = 64
NSLOT = 2
EPP = 10240
NCHUNK = EPP // CH
PAD = EPP - EP
N_PAD = 10240
DUMMY = 10016
RPT = N_PAD // 16
NHALF = 2
HCHUNK = NCHUNK // NHALF


def _make_sc_aggregate(with_deg: bool):
    mesh = plsc.VectorSubcoreMesh(core_axis_name="c", subcore_axis_name="s")
    out_type = [jax.ShapeDtypeStruct((4 * N_PAD, DH), jnp.float32)]
    scratch = (
        [pltpu.VMEM_SHARED((N_PAD, DH), jnp.float32)]
        + [pltpu.VMEM_SHARED((N_PAD, DH), jnp.float32)]
        + [pltpu.VMEM((HCHUNK, CH), jnp.int32)] * 2
        + [pltpu.VMEM((CH, DH), jnp.float32)] * NSLOT
        + [pltpu.SemaphoreType.DMA] * NSLOT
    )
    if with_deg:
        out_type.append(jax.ShapeDtypeStruct((2 * N_PAD,), jnp.float32))
        scratch += [
            pltpu.VMEM_SHARED((N_PAD,), jnp.float32),
            pltpu.VMEM((RPT,), jnp.float32),
            pltpu.VMEM((CH,), jnp.float32),
        ]

    def body(ylo_hbm, yhi_hbm, srcs_hbm, dsts_hbm, out_hbm, *rest):
        if with_deg:
            deg_hbm = rest[0]
            rest = rest[1:]
        ystage, acc, sidx, didx = rest[0], rest[1], rest[2], rest[3]
        rowbufs = rest[4:4 + NSLOT]
        gsems = rest[4 + NSLOT:4 + 2 * NSLOT]
        if with_deg:
            dacc, zdeg, ones = rest[4 + 2 * NSLOT:7 + 2 * NSLOT]
        rows0 = rowbufs[0]
        cid = lax.axis_index("c")
        sid = lax.axis_index("s")
        wid = cid * 16 + sid

        zero16 = jnp.zeros((16,), jnp.float32)

        if with_deg:
            def _zd(i, _):
                zdeg[pl.ds(i * 16, 16)] = zero16
                return 0
            lax.fori_loop(0, RPT // 16, _zd, 0)
            one16 = jnp.ones((16,), jnp.float32)
            for c in range(CH // 16):
                ones[pl.ds(c * 16, 16)] = one16

        def g_copy(j, slot):
            return pltpu.make_async_copy(ystage.at[sidx.at[j]],
                                         rowbufs[slot], gsems[slot])

        for ch in range(2):
            ysrc_hbm = ylo_hbm if ch == 0 else yhi_hbm
            dodeg = with_deg and ch == 0

            def _zb(i, _):
                r = i // (DH // 16)
                c = (i % (DH // 16)) * 16
                rows0[r, pl.ds(c, 16)] = zero16
                return 0
            lax.fori_loop(0, CH * (DH // 16), _zb, 0)

            def _za(t, _):
                pltpu.sync_copy(rows0, acc.at[pl.ds(sid * RPT + t * CH, CH)])
                return 0
            lax.fori_loop(0, RPT // CH, _za, 0)
            if dodeg:
                pltpu.sync_copy(zdeg, dacc.at[pl.ds(sid * RPT, RPT)])

            nst = jnp.where(sid < 15, 8, 5)

            def _st(t, _):
                off = sid * RPT + t * 80
                pltpu.sync_copy(ysrc_hbm.at[pl.ds(off, 80)],
                                ystage.at[pl.ds(off, 80)])
                return 0
            lax.fori_loop(0, nst, _st, 0)

            plsc.subcore_barrier()

            for half in range(NHALF):
                pltpu.sync_copy(srcs_hbm.at[wid * NHALF + half], sidx)
                pltpu.sync_copy(dsts_hbm.at[wid * NHALF + half], didx)

                for b in range(NSLOT - 1):
                    g_copy(b, b).start()

                @pl.loop(0, HCHUNK, step=NSLOT)
                def _(jj):
                    for b in range(NSLOT):
                        j = jj + b
                        pb = (b - 1) % NSLOT
                        g_copy(j, b).wait()

                        @pl.when(j + NSLOT - 1 < HCHUNK)
                        def _():
                            g_copy(j + NSLOT - 1, pb).start()

                        pltpu.sync_copy(rowbufs[b], acc.at[didx.at[j]],
                                        add=True)
                        if dodeg:
                            pltpu.sync_copy(ones, dacc.at[didx.at[j]],
                                            add=True)

            plsc.subcore_barrier()

            def _out(t, _):
                off = sid * RPT + t * CH
                pltpu.sync_copy(
                    acc.at[pl.ds(off, CH)],
                    out_hbm.at[pl.ds((cid * 2 + ch) * N_PAD + off, CH)])
                return 0
            lax.fori_loop(0, RPT // CH, _out, 0)
            if dodeg:
                pltpu.sync_copy(
                    dacc.at[pl.ds(sid * RPT, RPT)],
                    deg_hbm.at[pl.ds(cid * N_PAD + sid * RPT, RPT)])

    return pl.kernel(body, out_type=out_type, mesh=mesh, scratch_types=scratch,
                     compiler_params=pltpu.CompilerParams(
                         use_tc_tiling_on_sc=False))


_sc_aggregate_deg = _make_sc_aggregate(True)
_sc_aggregate = _make_sc_aggregate(False)


_BLK = 1000
_GRID = N // _BLK


def _mm_split(x, w):
    def body(x_ref, w_ref, lo_ref, hi_ref):
        y = jnp.dot(x_ref[...], w_ref[...],
                    preferred_element_type=jnp.float32)
        lo_ref[...] = y[:, :DH]
        hi_ref[...] = y[:, DH:]
    return pl.pallas_call(
        body,
        grid=(_GRID,),
        in_specs=[pl.BlockSpec((_BLK, D), lambda i: (i, 0)),
                  pl.BlockSpec((D, D), lambda i: (0, 0))],
        out_specs=[pl.BlockSpec((_BLK, DH), lambda i: (i, 0)),
                   pl.BlockSpec((_BLK, DH), lambda i: (i, 0))],
        out_shape=[jax.ShapeDtypeStruct((N, DH), jnp.float32),
                   jax.ShapeDtypeStruct((N, DH), jnp.float32)],
    )(x, w)


def _combine1(x, p0lo, p0hi, p1lo, p1hi, d0, d1, w_self, w_nbr2):
    def body(x_ref, a_ref, b_ref, c_ref, e_ref, d0_ref, d1_ref, ws_ref,
             wn_ref, h_ref, lo_ref, hi_ref):
        deg = jnp.maximum(d0_ref[...] + d1_ref[...], 1.0)
        agg = jnp.concatenate([a_ref[...] + c_ref[...],
                               b_ref[...] + e_ref[...]], axis=1) / deg
        h = jnp.tanh(jnp.dot(x_ref[...], ws_ref[...],
                             preferred_element_type=jnp.float32) + agg)
        h_ref[...] = h
        y2 = jnp.dot(h, wn_ref[...], preferred_element_type=jnp.float32)
        lo_ref[...] = y2[:, :DH]
        hi_ref[...] = y2[:, DH:]
    return pl.pallas_call(
        body,
        grid=(_GRID,),
        in_specs=[pl.BlockSpec((_BLK, D), lambda i: (i, 0)),
                  pl.BlockSpec((_BLK, DH), lambda i: (i, 0)),
                  pl.BlockSpec((_BLK, DH), lambda i: (i, 0)),
                  pl.BlockSpec((_BLK, DH), lambda i: (i, 0)),
                  pl.BlockSpec((_BLK, DH), lambda i: (i, 0)),
                  pl.BlockSpec((_BLK, 1), lambda i: (i, 0)),
                  pl.BlockSpec((_BLK, 1), lambda i: (i, 0)),
                  pl.BlockSpec((D, D), lambda i: (0, 0)),
                  pl.BlockSpec((D, D), lambda i: (0, 0))],
        out_specs=[pl.BlockSpec((_BLK, D), lambda i: (i, 0)),
                   pl.BlockSpec((_BLK, DH), lambda i: (i, 0)),
                   pl.BlockSpec((_BLK, DH), lambda i: (i, 0))],
        out_shape=[jax.ShapeDtypeStruct((N, D), jnp.float32),
                   jax.ShapeDtypeStruct((N, DH), jnp.float32),
                   jax.ShapeDtypeStruct((N, DH), jnp.float32)],
    )(x, p0lo, p0hi, p1lo, p1hi, d0, d1, w_self, w_nbr2)


def _combine2_head(h1, q0lo, q0hi, q1lo, q1hi, d0, d1, w_self, wr,
                   fc1_w, fc1_b, fc2_w, fc2_b, fc3_w, fc3_b):
    def body(h1_ref, a_ref, b_ref, c_ref, e_ref, d0_ref, d1_ref, ws_ref,
             wr_ref, f1w_ref, f1b_ref, f2w_ref, f2b_ref, f3w_ref, f3b_ref,
             o_ref, acc_ref):
        i = pl.program_id(0)
        deg = jnp.maximum(d0_ref[...] + d1_ref[...], 1.0)
        agg = jnp.concatenate([a_ref[...] + c_ref[...],
                               b_ref[...] + e_ref[...]], axis=1) / deg
        h2 = jnp.tanh(jnp.dot(h1_ref[...], ws_ref[...],
                              preferred_element_type=jnp.float32) + agg)
        s = jnp.sum(h2, axis=0, keepdims=True)

        @pl.when(i == 0)
        def _():
            acc_ref[...] = s

        @pl.when(i > 0)
        def _():
            acc_ref[...] = acc_ref[...] + s

        @pl.when(i == _GRID - 1)
        def _():
            g = jnp.dot(acc_ref[...] * (1.0 / N), wr_ref[...],
                        preferred_element_type=jnp.float32)
            z = jnp.tanh(jnp.dot(g, f1w_ref[...],
                                 preferred_element_type=jnp.float32)
                         + f1b_ref[...][None, :])
            z = jnp.tanh(jnp.dot(z, f2w_ref[...],
                                 preferred_element_type=jnp.float32)
                         + f2b_ref[...][None, :])
            t = jnp.dot(z, f3w_ref[...],
                        preferred_element_type=jnp.float32) + f3b_ref[...][None, :]
            o_ref[...] = 1.0 / (1.0 + jnp.exp(-t))

    zero = lambda i: (0, 0)
    return pl.pallas_call(
        body,
        grid=(_GRID,),
        in_specs=[pl.BlockSpec((_BLK, D), lambda i: (i, 0)),
                  pl.BlockSpec((_BLK, DH), lambda i: (i, 0)),
                  pl.BlockSpec((_BLK, DH), lambda i: (i, 0)),
                  pl.BlockSpec((_BLK, DH), lambda i: (i, 0)),
                  pl.BlockSpec((_BLK, DH), lambda i: (i, 0)),
                  pl.BlockSpec((_BLK, 1), lambda i: (i, 0)),
                  pl.BlockSpec((_BLK, 1), lambda i: (i, 0)),
                  pl.BlockSpec((D, D), zero),
                  pl.BlockSpec((D, 10), zero),
                  pl.BlockSpec((10, 10), zero),
                  pl.BlockSpec((10,), lambda i: (0,)),
                  pl.BlockSpec((10, 10), zero),
                  pl.BlockSpec((10,), lambda i: (0,)),
                  pl.BlockSpec((10, 1), zero),
                  pl.BlockSpec((1,), lambda i: (0,))],
        out_specs=pl.BlockSpec((1, 1), zero),
        out_shape=jax.ShapeDtypeStruct((1, 1), jnp.float32),
        scratch_shapes=[pltpu.VMEM((1, D), jnp.float32)],
    )(h1, q0lo, q0hi, q1lo, q1hi, d0, d1, w_self, wr,
      fc1_w, fc1_b, fc2_w, fc2_b, fc3_w, fc3_b)


def _split4(p_all):
    return (p_all[:N], p_all[N_PAD:N_PAD + N],
            p_all[2 * N_PAD:2 * N_PAD + N], p_all[3 * N_PAD:3 * N_PAD + N])


def kernel(x, pos, edge_index, W1_self, W1_nbr, W2_self, W2_nbr, Wr,
           fc1_w, fc1_b, fc2_w, fc2_b, fc3_w, fc3_b):
    src = edge_index[0].astype(jnp.int32)
    dst = edge_index[1].astype(jnp.int32)
    srcs = jnp.pad(src.reshape(NW, EP), ((0, 0), (0, PAD))).reshape(
        NW * NHALF, HCHUNK, CH)
    dsts = jnp.pad(dst.reshape(NW, EP), ((0, 0), (0, PAD)),
                   constant_values=DUMMY).reshape(NW * NHALF, HCHUNK, CH)

    y1lo, y1hi = _mm_split(x, W1_nbr)
    p_all, deg_all = _sc_aggregate_deg(y1lo, y1hi, srcs, dsts)
    p0lo, p0hi, p1lo, p1hi = _split4(p_all)
    d0 = deg_all[:N].reshape(N, 1)
    d1 = deg_all[N_PAD:N_PAD + N].reshape(N, 1)
    h1, y2lo, y2hi = _combine1(x, p0lo, p0hi, p1lo, p1hi, d0, d1,
                               W1_self, W2_nbr)

    q_all = _sc_aggregate(y2lo, y2hi, srcs, dsts)
    if isinstance(q_all, (list, tuple)):
        q_all = q_all[0]
    q0lo, q0hi, q1lo, q1hi = _split4(q_all)
    out = _combine2_head(h1, q0lo, q0hi, q1lo, q1hi, d0, d1, W2_self, Wr,
                         fc1_w, fc1_b, fc2_w, fc2_b, fc3_w, fc3_b)
    return out.reshape(1)

# --- scband reference (transcript-rebuilt; emitter-appended) ---
"""Pipeline reference for scband-graph-test-net-9964324127507 (READ-ONLY COPY).

The authoritative reference and input builder live on the scoring server;
editing this copy changes nothing except your own understanding.
"""

import jax, jax.numpy as jnp
import numpy as np

N = 10000
E = 320000
D = 128
H = 10


def setup_inputs(seed: int = 0) -> dict:
    key = jax.random.key(seed)
    ks = jax.random.split(key, 16)
    x = jax.random.normal(ks[0], (N, D), dtype=jnp.float32)
    edge_index = jax.random.randint(ks[1], (2, E), 0, N, dtype=jnp.int64) if jax.config.jax_enable_x64 else jax.random.randint(ks[1], (2, E), 0, N, dtype=jnp.int32)
    pos = 0
    s_d = 1.0 / np.sqrt(D)
    s_h = 1.0 / np.sqrt(H)
    W1_self = jax.random.normal(ks[2], (D, D), dtype=jnp.float32) * s_d
    W1_nbr = jax.random.normal(ks[3], (D, D), dtype=jnp.float32) * s_d
    W2_self = jax.random.normal(ks[4], (D, D), dtype=jnp.float32) * s_d
    W2_nbr = jax.random.normal(ks[5], (D, D), dtype=jnp.float32) * s_d
    Wr = jax.random.normal(ks[6], (D, H), dtype=jnp.float32) * s_d
    fc1_w = jax.random.normal(ks[7], (H, H), dtype=jnp.float32) * s_h
    fc1_b = jnp.zeros((H,), dtype=jnp.float32)
    fc2_w = jax.random.normal(ks[8], (H, H), dtype=jnp.float32) * s_h
    fc2_b = jnp.zeros((H,), dtype=jnp.float32)
    fc3_w = jax.random.normal(ks[9], (H, 1), dtype=jnp.float32) * s_h
    fc3_b = jnp.zeros((1,), dtype=jnp.float32)
    return {"x": x, "pos": pos, "edge_index": edge_index,
            "W1_self": W1_self, "W1_nbr": W1_nbr,
            "W2_self": W2_self, "W2_nbr": W2_nbr, "Wr": Wr,
            "fc1_w": fc1_w, "fc1_b": fc1_b, "fc2_w": fc2_w, "fc2_b": fc2_b,
            "fc3_w": fc3_w, "fc3_b": fc3_b}


def _graph_conv(x, edge_index, W_self, W_nbr):
    src = edge_index[0]
    dst = edge_index[1]
    msgs = jnp.take(x, src, axis=0)
    agg = jax.ops.segment_sum(msgs, dst, num_segments=x.shape[0])
    deg = jax.ops.segment_sum(jnp.ones((edge_index.shape[1],), dtype=x.dtype), dst, num_segments=x.shape[0])
    agg = agg / jnp.clip(deg, 1.0)[:, None]
    return x @ W_self + agg @ W_nbr


def reference(x, pos, edge_index, W1_self, W1_nbr, W2_self, W2_nbr, Wr,
              fc1_w, fc1_b, fc2_w, fc2_b, fc3_w, fc3_b):
    # l1 + tanh
    h = jnp.tanh(_graph_conv(x, edge_index, W1_self, W1_nbr))
    # l2 + tanh
    h = jnp.tanh(_graph_conv(h, edge_index, W2_self, W2_nbr))
    # resize layer: pool nodes of graph `pos` (single graph here) to fixed size
    g = jnp.mean(h, axis=0) @ Wr  # [H]
    # original runs conv/resize under torch.no_grad(); emulate with stop_gradient
    g = jax.lax.stop_gradient(g)
    z = jnp.tanh(g @ fc1_w + fc1_b)
    z = jnp.tanh(z @ fc2_w + fc2_b)
    out = jax.nn.sigmoid(z @ fc3_w + fc3_b)  # [1]
    return out

if __name__ == "__main__":
    import jax
    _d = setup_inputs()
    print(jax.jit(kernel)(*tuple(_d.values())))

</pallas_src>

<mosaic_0001>
#map = affine_map<(d0, d1) -> (0, 0)>
#map1 = affine_map<(d0, d1) -> (0, 0, 0)>
#map2 = affine_map<(d0, d1) -> (0)>
module attributes {stable_mosaic.version = 14 : i64} {
  func.func @body(%arg0: i32, %arg1: i32, %arg2: memref<10000x64xf32, #tpu.memory_space<hbm>>, %arg3: memref<10000x64xf32, #tpu.memory_space<hbm>>, %arg4: memref<64x80x64xi32, #tpu.memory_space<hbm>>, %arg5: memref<64x80x64xi32, #tpu.memory_space<hbm>>, %arg6: memref<40960x64xf32, #tpu.memory_space<hbm>>, %arg7: memref<20480xf32, #tpu.memory_space<hbm>>, %arg8: memref<10240x64xf32, #tpu.memory_space<vmem_shared>>, %arg9: memref<10240x64xf32, #tpu.memory_space<vmem_shared>>, %arg10: memref<80x64xi32, #tpu.memory_space<vmem>>, %arg11: memref<80x64xi32, #tpu.memory_space<vmem>>, %arg12: memref<64x64xf32, #tpu.memory_space<vmem>>, %arg13: memref<64x64xf32, #tpu.memory_space<vmem>>, %arg14: memref<!tpu.dma_semaphore, #tpu.memory_space<semaphore_mem>>, %arg15: memref<!tpu.dma_semaphore, #tpu.memory_space<semaphore_mem>>, %arg16: memref<10240xf32, #tpu.memory_space<vmem_shared>>, %arg17: memref<640xf32, #tpu.memory_space<vmem>>, %arg18: memref<64xf32, #tpu.memory_space<vmem>>) attributes {dimension_semantics = [#tpu.dimension_semantics<core_parallel>, #tpu.dimension_semantics<subcore_parallel>], iteration_bounds = array<i64: 2, 16>, scalar_prefetch = 0 : i64, scratch_operands = 11 : i64, tpu.core_type = #tpu.core_type<sc_vector_subcore>, window_params = [{transform_indices = #map}, {transform_indices = #map}, {transform_indices = #map1}, {transform_indices = #map1}, {transform_indices = #map}, {transform_indices = #map2}]} {
    %mul3A = arith.constant 16 : i32
    %mul3A_0 = arith.muli %arg0, %mul3A : i32
    %add3A = arith.addi %mul3A_0, %arg1 : i32
    %broadcast_in_dim3A = arith.constant 0.000000e+00 : f32
    %broadcast_in_dim3A_1 = vector.broadcast %broadcast_in_dim3A : f32 to vector<16xf32>
    %scan3A = arith.constant 0 : i32
    %scan3A_2 = arith.constant 0 : i32
    %scan3A_3 = arith.constant 40 : i32
    %scan3A_4 = arith.addi %scan3A_2, %scan3A_3 : i32
    %scan3A_5 = arith.constant 1 : i32
    %scan3A_6 = scf.for %scan3A_188 = %scan3A_2 to %scan3A_4 step %scan3A_5 iter_args(%scan3A_189 = %scan3A) -> (i32)  : i32 {
      %mul3A_190 = arith.constant 16 : i32
      %mul3A_191 = arith.muli %scan3A_188, %mul3A_190 : i32
      %swap3A_192 = arith.index_cast %mul3A_191 : i32 to index
      %swap3A_193 = tpu.vector_load %arg17[%swap3A_192] {strides = array<i32>} : memref<640xf32, #tpu.memory_space<vmem>>, vector<16xf32>,
      %swap3A_194 = vector.shape_cast %swap3A_193 : vector<16xf32> to vector<16xf32>
      %swap3A_195 = vector.shape_cast %broadcast_in_dim3A_1 : vector<16xf32> to vector<16xf32>
      tpu.vector_store %arg17[%swap3A_192], %swap3A_195 {strides = array<i32>} : memref<640xf32, #tpu.memory_space<vmem>>, vector<16xf32>,
      %scan3A_196 = arith.constant 0 : i32
      scf.yield %scan3A_196 : i32
    }
    %scan3A_7 = arith.constant 40 : i32
    %broadcast_in_dim3A_8 = arith.constant 1.000000e+00 : f32
    %broadcast_in_dim3A_9 = vector.broadcast %broadcast_in_dim3A_8 : f32 to vector<16xf32>
    %swap3A = arith.constant 0 : index
    %swap3A_10 = tpu.vector_load %arg18[%swap3A] {strides = array<i32>} : memref<64xf32, #tpu.memory_space<vmem>>, vector<16xf32>,
    %swap3A_11 = vector.shape_cast %swap3A_10 : vector<16xf32> to vector<16xf32>
    %swap3A_12 = vector.shape_cast %broadcast_in_dim3A_9 : vector<16xf32> to vector<16xf32>
    tpu.vector_store %arg18[%swap3A], %swap3A_12 {strides = array<i32>} : memref<64xf32, #tpu.memory_space<vmem>>, vector<16xf32>,
    %swap3A_13 = arith.constant 16 : index
    %swap3A_14 = tpu.vector_load %arg18[%swap3A_13] {strides = array<i32>} : memref<64xf32, #tpu.memory_space<vmem>>, vector<16xf32>,
    %swap3A_15 = vector.shape_cast %swap3A_14 : vector<16xf32> to vector<16xf32>
    %swap3A_16 = vector.shape_cast %broadcast_in_dim3A_9 : vector<16xf32> to vector<16xf32>
    tpu.vector_store %arg18[%swap3A_13], %swap3A_16 {strides = array<i32>} : memref<64xf32, #tpu.memory_space<vmem>>, vector<16xf32>,
    %swap3A_17 = arith.constant 32 : index
    %swap3A_18 = tpu.vector_load %arg18[%swap3A_17] {strides = array<i32>} : memref<64xf32, #tpu.memory_space<vmem>>, vector<16xf32>,
    %swap3A_19 = vector.shape_cast %swap3A_18 : vector<16xf32> to vector<16xf32>
    %swap3A_20 = vector.shape_cast %broadcast_in_dim3A_9 : vector<16xf32> to vector<16xf32>
    tpu.vector_store %arg18[%swap3A_17], %swap3A_20 {strides = array<i32>} : memref<64xf32, #tpu.memory_space<vmem>>, vector<16xf32>,
    %swap3A_21 = arith.constant 48 : index
    %swap3A_22 = tpu.vector_load %arg18[%swap3A_21] {strides = array<i32>} : memref<64xf32, #tpu.memory_space<vmem>>, vector<16xf32>,
    %swap3A_23 = vector.shape_cast %swap3A_22 : vector<16xf32> to vector<16xf32>
    %swap3A_24 = vector.shape_cast %broadcast_in_dim3A_9 : vector<16xf32> to vector<16xf32>
    tpu.vector_store %arg18[%swap3A_21], %swap3A_24 {strides = array<i32>} : memref<64xf32, #tpu.memory_space<vmem>>, vector<16xf32>,
    %scan3A_25 = arith.constant 0 : i32
    %scan3A_26 = arith.constant 0 : i32
    %scan3A_27 = arith.constant 256 : i32
    %scan3A_28 = arith.addi %scan3A_26, %scan3A_27 : i32
    %scan3A_29 = arith.constant 1 : i32
    %scan3A_30 = scf.for %scan3A_188 = %scan3A_26 to %scan3A_28 step %scan3A_29 iter_args(%scan3A_189 = %scan3A_25) -> (i32)  : i32 {
      %jit3A_190 = arith.constant 4 : i32
      %div3A = arith.divsi %scan3A_188, %jit3A_190 : i32
      %sign3A = arith.constant 0 : i32
      %sign3A_191 = arith.cmpi sgt, %scan3A_188, %sign3A : i32
      %sign3A_192 = arith.extui %sign3A_191 : i1 to i32
      %sign3A_193 = arith.constant 0 : i32
      %sign3A_194 = arith.cmpi slt, %scan3A_188, %sign3A_193 : i32
      %sign3A_195 = arith.extui %sign3A_194 : i1 to i32
      %sign3A_196 = arith.subi %sign3A_192, %sign3A_195 : i32
      %sign3A_197 = arith.constant 0 : i32
      %sign3A_198 = arith.cmpi sgt, %jit3A_190, %sign3A_197 : i32
      %sign3A_199 = arith.extui %sign3A_198 : i1 to i32
      %sign3A_200 = arith.constant 0 : i32
      %sign3A_201 = arith.cmpi slt, %jit3A_190, %sign3A_200 : i32
      %sign3A_202 = arith.extui %sign3A_201 : i1 to i32
      %sign3A_203 = arith.subi %sign3A_199, %sign3A_202 : i32
      %ne3A = arith.cmpi ne, %sign3A_196, %sign3A_203 : i32
      %rem3A = arith.remsi %scan3A_188, %jit3A_190 : i32
      %ne3A_204 = arith.constant 0 : i32
      %ne3A_205 = arith.cmpi ne, %rem3A, %ne3A_204 : i32
      %and3A = arith.andi %ne3A, %ne3A_205 : i1
      %sub3A = arith.constant 1 : i32
      %sub3A_206 = arith.subi %div3A, %sub3A : i32
      %select_n3A_207 = arith.select %and3A, %sub3A_206, %div3A : i32
      %jit3A_208 = arith.constant 4 : i32
      %eq3A = arith.constant 0 : i32
      %eq3A_209 = arith.cmpi eq, %jit3A_208, %eq3A : i32
      %jit3A_210 = arith.constant 1 : i32
      %select_n3A_211 = arith.select %eq3A_209, %jit3A_210, %jit3A_208 : i32
      %rem3A_212 = arith.remsi %scan3A_188, %select_n3A_211 : i32
      %ne3A_213 = arith.constant 0 : i32
      %ne3A_214 = arith.cmpi ne, %rem3A_212, %ne3A_213 : i32
      %lt3A_215 = arith.constant 0 : i32
      %lt3A_216 = arith.cmpi slt, %rem3A_212, %lt3A_215 : i32
      %lt3A_217 = arith.constant 0 : i32
      %lt3A_218 = arith.cmpi slt, %select_n3A_211, %lt3A_217 : i32
      %ne3A_219 = arith.xori %lt3A_216, %lt3A_218 : i1
      %and3A_220 = arith.andi %ne3A_219, %ne3A_214 : i1
      %add3A_221 = arith.addi %rem3A_212, %select_n3A_211 : i32
      %select_n3A_222 = arith.select %and3A_220, %add3A_221, %rem3A_212 : i32
      %mul3A_223 = arith.constant 16 : i32
      %mul3A_224 = arith.muli %select_n3A_222, %mul3A_223 : i32
      %swap3A_225 = arith.index_cast %select_n3A_207 : i32 to index
      %swap3A_226 = arith.index_cast %mul3A_224 : i32 to index
      %swap3A_227 = tpu.vector_load %arg12[%swap3A_225, %swap3A_226] {strides = array<i32>} : memref<64x64xf32, #tpu.memory_space<vmem>>, vector<1x16xf32>,
      %swap3A_228 = vector.shape_cast %swap3A_227 : vector<1x16xf32> to vector<16xf32>
      %swap3A_229 = vector.shape_cast %broadcast_in_dim3A_1 : vector<16xf32> to vector<1x16xf32>
      tpu.vector_store %arg12[%swap3A_225, %swap3A_226], %swap3A_229 {strides = array<i32>} : memref<64x64xf32, #tpu.memory_space<vmem>>, vector<1x16xf32>,
      %scan3A_230 = arith.constant 0 : i32
      scf.yield %scan3A_230 : i32
    }
    %scan3A_31 = arith.constant 256 : i32
    %scan3A_32 = arith.constant 0 : i32
    %scan3A_33 = arith.constant 0 : i32
    %scan3A_34 = arith.constant 10 : i32
    %scan3A_35 = arith.addi %scan3A_33, %scan3A_34 : i32
    %scan3A_36 = arith.constant 1 : i32
    %scan3A_37 = scf.for %scan3A_188 = %scan3A_33 to %scan3A_35 step %scan3A_36 iter_args(%scan3A_189 = %scan3A_32) -> (i32)  : i32 {
      %mul3A_190 = arith.constant 640 : i32
      %mul3A_191 = arith.muli %arg1, %mul3A_190 : i32
      %mul3A_192 = arith.constant 64 : i32
      %mul3A_193 = arith.muli %scan3A_188, %mul3A_192 : i32
      %add3A_194 = arith.addi %mul3A_191, %mul3A_193 : i32
      "tpu.region"() ({
        %run_scoped3A = tpu.sem_alloc : memref<!tpu.dma_semaphore, #tpu.memory_space<semaphore_mem>>
        %dma_start3A_196 = arith.constant 0 : i32
        %dma_start3A_197 = tpu.memref_slice %arg9[%add3A_194, %dma_start3A_196] : memref<10240x64xf32, #tpu.memory_space<vmem_shared>> -> memref<64x64xf32, #tpu.memory_space<vmem_shared>>
        %dma_start3A_198 = arith.constant 0 : i32
        %dma_start3A_199 = tpu.memref_slice %arg9[%add3A_194, %dma_start3A_198] : memref<10240x64xf32, #tpu.memory_space<vmem_shared>> -> memref<64x64xf32, #tpu.memory_space<vmem_shared>>
        tpu.enqueue_dma source(%arg12 : memref<64x64xf32, #tpu.memory_space<vmem>>) target(%dma_start3A_199 : memref<64x64xf32, #tpu.memory_space<vmem_shared>>) target_semaphore(%run_scoped3A : memref<!tpu.dma_semaphore, #tpu.memory_space<semaphore_mem>>)
        %dma_wait3A = arith.constant 0 : i32
        %dma_wait3A_200 = tpu.memref_slice %arg9[%add3A_194, %dma_wait3A] : memref<10240x64xf32, #tpu.memory_space<vmem_shared>> -> memref<64x64xf32, #tpu.memory_space<vmem_shared>>
        %dma_wait3A_201 = arith.constant 0 : i32
        %dma_wait3A_202 = tpu.memref_slice %arg9[%add3A_194, %dma_wait3A_201] : memref<10240x64xf32, #tpu.memory_space<vmem_shared>> -> memref<64x64xf32, #tpu.memory_space<vmem_shared>>
        tpu.wait_dma2 semaphore(%run_scoped3A : memref<!tpu.dma_semaphore, #tpu.memory_space<semaphore_mem>>) src(%arg12 : memref<64x64xf32, #tpu.memory_space<vmem>>) dst(%dma_wait3A_202 : memref<64x64xf32, #tpu.memory_space<vmem_shared>>)
        tpu.yield
      }) : () -> ()
      %scan3A_195 = arith.constant 0 : i32
      scf.yield %scan3A_195 : i32
    }
    %scan3A_38 = arith.constant 10 : i32
    %mul3A_39 = arith.constant 640 : i32
    %mul3A_40 = arith.muli %arg1, %mul3A_39 : i32
    "tpu.region"() ({
      %run_scoped3A = tpu.sem_alloc : memref<!tpu.dma_semaphore, #tpu.memory_space<semaphore_mem>>
      %dma_start3A_188 = tpu.memref_slice %arg16[%mul3A_40] : memref<10240xf32, #tpu.memory_space<vmem_shared>> -> memref<640xf32, #tpu.memory_space<vmem_shared>>
      %dma_start3A_189 = tpu.memref_slice %arg16[%mul3A_40] : memref<10240xf32, #tpu.memory_space<vmem_shared>> -> memref<640xf32, #tpu.memory_space<vmem_shared>>
      tpu.enqueue_dma source(%arg17 : memref<640xf32, #tpu.memory_space<vmem>>) target(%dma_start3A_189 : memref<640xf32, #tpu.memory_space<vmem_shared>>) target_semaphore(%run_scoped3A : memref<!tpu.dma_semaphore, #tpu.memory_space<semaphore_mem>>)
      %dma_wait3A = tpu.memref_slice %arg16[%mul3A_40] : memref<10240xf32, #tpu.memory_space<vmem_shared>> -> memref<640xf32, #tpu.memory_space<vmem_shared>>
      %dma_wait3A_190 = tpu.memref_slice %arg16[%mul3A_40] : memref<10240xf32, #tpu.memory_space<vmem_shared>> -> memref<640xf32, #tpu.memory_space<vmem_shared>>
      tpu.wait_dma2 semaphore(%run_scoped3A : memref<!tpu.dma_semaphore, #tpu.memory_space<semaphore_mem>>) src(%arg17 : memref<640xf32, #tpu.memory_space<vmem>>) dst(%dma_wait3A_190 : memref<640xf32, #tpu.memory_space<vmem_shared>>)
      tpu.yield
    }) : () -> ()
    %lt3A = arith.constant 15 : i32
    %lt3A_41 = arith.cmpi slt, %arg1, %lt3A : i32
    %jit3A = arith.constant 8 : i32
    %jit3A_42 = arith.constant 5 : i32
    %select_n3A = arith.select %lt3A_41, %jit3A, %jit3A_42 : i32
    %while3A = arith.constant 0 : i32
    %while3A_43 = arith.constant 0 : i32
    %while3A_44 = arith.subi %select_n3A, %while3A : i32
    %while3A_45 = arith.addi %while3A, %while3A_44 : i32
    %while3A_46 = arith.constant 1 : i32
    %while3A_47 = arith.divsi %while3A_44, %while3A_46 : i32
    %while3A_48 = arith.muli %while3A_47, %while3A_46 : i32
    %while3A_49 = arith.addi %while3A, %while3A_48 : i32
    %while3A_50 = arith.constant 1 : i32
    %while3A_51 = scf.for %while3A_188 = %while3A to %while3A_49 step %while3A_50 iter_args(%while3A_189 = %while3A_43) -> (i32)  : i32 {
      %mul3A_190 = arith.constant 640 : i32
      %mul3A_191 = arith.muli %arg1, %mul3A_190 : i32
      %mul3A_192 = arith.constant 80 : i32
      %mul3A_193 = arith.muli %while3A_188, %mul3A_192 : i32
      %add3A_194 = arith.addi %mul3A_191, %mul3A_193 : i32
      "tpu.region"() ({
        %run_scoped3A = tpu.sem_alloc : memref<!tpu.dma_semaphore, #tpu.memory_space<semaphore_mem>>
        %dma_start3A_196 = arith.constant 0 : i32
        %dma_start3A_197 = tpu.memref_slice %arg8[%add3A_194, %dma_start3A_196] : memref<10240x64xf32, #tpu.memory_space<vmem_shared>> -> memref<80x64xf32, #tpu.memory_space<vmem_shared>>
        %dma_start3A_198 = arith.constant 0 : i32
        %dma_start3A_199 = tpu.memref_slice %arg2[%add3A_194, %dma_start3A_198] : memref<10000x64xf32, #tpu.memory_space<hbm>> -> memref<80x64xf32, #tpu.memory_space<hbm>>
        tpu.enqueue_dma source(%dma_start3A_199 : memref<80x64xf32, #tpu.memory_space<hbm>>) target(%dma_start3A_197 : memref<80x64xf32, #tpu.memory_space<vmem_shared>>) target_semaphore(%run_scoped3A : memref<!tpu.dma_semaphore, #tpu.memory_space<semaphore_mem>>)
        %dma_wait3A = arith.constant 0 : i32
        %dma_wait3A_200 = tpu.memref_slice %arg8[%add3A_194, %dma_wait3A] : memref<10240x64xf32, #tpu.memory_space<vmem_shared>> -> memref<80x64xf32, #tpu.memory_space<vmem_shared>>
        %dma_wait3A_201 = arith.constant 0 : i32
        %dma_wait3A_202 = tpu.memref_slice %arg2[%add3A_194, %dma_wait3A_201] : memref<10000x64xf32, #tpu.memory_space<hbm>> -> memref<80x64xf32, #tpu.memory_space<hbm>>
        tpu.wait_dma2 semaphore(%run_scoped3A : memref<!tpu.dma_semaphore, #tpu.memory_space<semaphore_mem>>) src(%dma_wait3A_202 : memref<80x64xf32, #tpu.memory_space<hbm>>) dst(%dma_wait3A_200 : memref<80x64xf32, #tpu.memory_space<vmem_shared>>)
        tpu.yield
      }) : () -> ()
      %while3A_195 = arith.constant 0 : i32
      scf.yield %while3A_195 : i32
    }
    %while3A_52 = arith.constant 1 : i32
    %while3A_53 = scf.for %while3A_188 = %while3A_49 to %while3A_45 step %while3A_52 iter_args(%while3A_189 = %while3A_51) -> (i32)  : i32 {
      %mul3A_190 = arith.constant 640 : i32
      %mul3A_191 = arith.muli %arg1, %mul3A_190 : i32
      %mul3A_192 = arith.constant 80 : i32
      %mul3A_193 = arith.muli %while3A_188, %mul3A_192 : i32
      %add3A_194 = arith.addi %mul3A_191, %mul3A_193 : i32
      "tpu.region"() ({
        %run_scoped3A = tpu.sem_alloc : memref<!tpu.dma_semaphore, #tpu.memory_space<semaphore_mem>>
        %dma_start3A_196 = arith.constant 0 : i32
        %dma_start3A_197 = tpu.memref_slice %arg8[%add3A_194, %dma_start3A_196] : memref<10240x64xf32, #tpu.memory_space<vmem_shared>> -> memref<80x64xf32, #tpu.memory_space<vmem_shared>>
        %dma_start3A_198 = arith.constant 0 : i32
        %dma_start3A_199 = tpu.memref_slice %arg2[%add3A_194, %dma_start3A_198] : memref<10000x64xf32, #tpu.memory_space<hbm>> -> memref<80x64xf32, #tpu.memory_space<hbm>>
        tpu.enqueue_dma source(%dma_start3A_199 : memref<80x64xf32, #tpu.memory_space<hbm>>) target(%dma_start3A_197 : memref<80x64xf32, #tpu.memory_space<vmem_shared>>) target_semaphore(%run_scoped3A : memref<!tpu.dma_semaphore, #tpu.memory_space<semaphore_mem>>)
        %dma_wait3A = arith.constant 0 : i32
        %dma_wait3A_200 = tpu.memref_slice %arg8[%add3A_194, %dma_wait3A] : memref<10240x64xf32, #tpu.memory_space<vmem_shared>> -> memref<80x64xf32, #tpu.memory_space<vmem_shared>>
        %dma_wait3A_201 = arith.constant 0 : i32
        %dma_wait3A_202 = tpu.memref_slice %arg2[%add3A_194, %dma_wait3A_201] : memref<10000x64xf32, #tpu.memory_space<hbm>> -> memref<80x64xf32, #tpu.memory_space<hbm>>
        tpu.wait_dma2 semaphore(%run_scoped3A : memref<!tpu.dma_semaphore, #tpu.memory_space<semaphore_mem>>) src(%dma_wait3A_202 : memref<80x64xf32, #tpu.memory_space<hbm>>) dst(%dma_wait3A_200 : memref<80x64xf32, #tpu.memory_space<vmem_shared>>)
        tpu.yield
      }) : () -> ()
      %while3A_195 = arith.constant 0 : i32
      scf.yield %while3A_195 : i32
    }
    %barrier3A = arith.constant 0 : index
    tpu.barrier barrier_id(%barrier3A)
    %mul3A_54 = arith.constant 2 : i32
    %mul3A_55 = arith.muli %add3A, %mul3A_54 : i32
    %add3A_56 = arith.constant 0 : i32
    %add3A_57 = arith.addi %mul3A_55, %add3A_56 : i32
    "tpu.region"() ({
      %run_scoped3A = tpu.sem_alloc : memref<!tpu.dma_semaphore, #tpu.memory_space<semaphore_mem>>
      %dma_start3A_188 = arith.constant 0 : i32
      %dma_start3A_189 = arith.constant 0 : i32
      %dma_start3A_190 = tpu.memref_slice %arg4[%add3A_57, %dma_start3A_188, %dma_start3A_189] : memref<64x80x64xi32, #tpu.memory_space<hbm>> -> memref<1x80x64xi32, #tpu.memory_space<hbm>>
      %dma_start3A_191 = tpu.memref_squeeze %dma_start3A_190 : memref<1x80x64xi32, #tpu.memory_space<hbm>> -> memref<80x64xi32, #tpu.memory_space<hbm>>
      %dma_start3A_192 = arith.constant 0 : i32
      %dma_start3A_193 = arith.constant 0 : i32
      %dma_start3A_194 = tpu.memref_slice %arg4[%add3A_57, %dma_start3A_192, %dma_start3A_193] : memref<64x80x64xi32, #tpu.memory_space<hbm>> -> memref<1x80x64xi32, #tpu.memory_space<hbm>>
      %dma_start3A_195 = tpu.memref_squeeze %dma_start3A_194 : memref<1x80x64xi32, #tpu.memory_space<hbm>> -> memref<80x64xi32, #tpu.memory_space<hbm>>
      tpu.enqueue_dma source(%dma_start3A_195 : memref<80x64xi32, #tpu.memory_space<hbm>>) target(%arg10 : memref<80x64xi32, #tpu.memory_space<vmem>>) target_semaphore(%run_scoped3A : memref<!tpu.dma_semaphore, #tpu.memory_space<semaphore_mem>>)
      %dma_wait3A = arith.constant 0 : i32
      %dma_wait3A_196 = arith.constant 0 : i32
      %dma_wait3A_197 = tpu.memref_slice %arg4[%add3A_57, %dma_wait3A, %dma_wait3A_196] : memref<64x80x64xi32, #tpu.memory_space<hbm>> -> memref<1x80x64xi32, #tpu.memory_space<hbm>>
      %dma_wait3A_198 = tpu.memref_squeeze %dma_wait3A_197 : memref<1x80x64xi32, #tpu.memory_space<hbm>> -> memref<80x64xi32, #tpu.memory_space<hbm>>
      %dma_wait3A_199 = arith.constant 0 : i32
      %dma_wait3A_200 = arith.constant 0 : i32
      %dma_wait3A_201 = tpu.memref_slice %arg4[%add3A_57, %dma_wait3A_199, %dma_wait3A_200] : memref<64x80x64xi32, #tpu.memory_space<hbm>> -> memref<1x80x64xi32, #tpu.memory_space<hbm>>
      %dma_wait3A_202 = tpu.memref_squeeze %dma_wait3A_201 : memref<1x80x64xi32, #tpu.memory_space<hbm>> -> memref<80x64xi32, #tpu.memory_space<hbm>>
      tpu.wait_dma2 semaphore(%run_scoped3A : memref<!tpu.dma_semaphore, #tpu.memory_space<semaphore_mem>>) src(%dma_wait3A_202 : memref<80x64xi32, #tpu.memory_space<hbm>>) dst(%arg10 : memref<80x64xi32, #tpu.memory_space<vmem>>)
      tpu.yield
    }) : () -> ()
    %mul3A_58 = arith.constant 2 : i32
    %mul3A_59 = arith.muli %add3A, %mul3A_58 : i32
    %add3A_60 = arith.constant 0 : i32
    %add3A_61 = arith.addi %mul3A_59, %add3A_60 : i32
    "tpu.region"() ({
      %run_scoped3A = tpu.sem_alloc : memref<!tpu.dma_semaphore, #tpu.memory_space<semaphore_mem>>
      %dma_start3A_188 = arith.constant 0 : i32
      %dma_start3A_189 = arith.constant 0 : i32
      %dma_start3A_190 = tpu.memref_slice %arg5[%add3A_61, %dma_start3A_188, %dma_start3A_189] : memref<64x80x64xi32, #tpu.memory_space<hbm>> -> memref<1x80x64xi32, #tpu.memory_space<hbm>>
      %dma_start3A_191 = tpu.memref_squeeze %dma_start3A_190 : memref<1x80x64xi32, #tpu.memory_space<hbm>> -> memref<80x64xi32, #tpu.memory_space<hbm>>
      %dma_start3A_192 = arith.constant 0 : i32
      %dma_start3A_193 = arith.constant 0 : i32
      %dma_start3A_194 = tpu.memref_slice %arg5[%add3A_61, %dma_start3A_192, %dma_start3A_193] : memref<64x80x64xi32, #tpu.memory_space<hbm>> -> memref<1x80x64xi32, #tpu.memory_space<hbm>>
      %dma_start3A_195 = tpu.memref_squeeze %dma_start3A_194 : memref<1x80x64xi32, #tpu.memory_space<hbm>> -> memref<80x64xi32, #tpu.memory_space<hbm>>
      tpu.enqueue_dma source(%dma_start3A_195 : memref<80x64xi32, #tpu.memory_space<hbm>>) target(%arg11 : memref<80x64xi32, #tpu.memory_space<vmem>>) target_semaphore(%run_scoped3A : memref<!tpu.dma_semaphore, #tpu.memory_space<semaphore_mem>>)
      %dma_wait3A = arith.constant 0 : i32
      %dma_wait3A_196 = arith.constant 0 : i32
      %dma_wait3A_197 = tpu.memref_slice %arg5[%add3A_61, %dma_wait3A, %dma_wait3A_196] : memref<64x80x64xi32, #tpu.memory_space<hbm>> -> memref<1x80x64xi32, #tpu.memory_space<hbm>>
      %dma_wait3A_198 = tpu.memref_squeeze %dma_wait3A_197 : memref<1x80x64xi32, #tpu.memory_space<hbm>> -> memref<80x64xi32, #tpu.memory_space<hbm>>
      %dma_wait3A_199 = arith.constant 0 : i32
      %dma_wait3A_200 = arith.constant 0 : i32
      %dma_wait3A_201 = tpu.memref_slice %arg5[%add3A_61, %dma_wait3A_199, %dma_wait3A_200] : memref<64x80x64xi32, #tpu.memory_space<hbm>> -> memref<1x80x64xi32, #tpu.memory_space<hbm>>
      %dma_wait3A_202 = tpu.memref_squeeze %dma_wait3A_201 : memref<1x80x64xi32, #tpu.memory_space<hbm>> -> memref<80x64xi32, #tpu.memory_space<hbm>>
      tpu.wait_dma2 semaphore(%run_scoped3A : memref<!tpu.dma_semaphore, #tpu.memory_space<semaphore_mem>>) src(%dma_wait3A_202 : memref<80x64xi32, #tpu.memory_space<hbm>>) dst(%arg11 : memref<80x64xi32, #tpu.memory_space<vmem>>)
      tpu.yield
    }) : () -> ()
    %dma_start3A = arith.constant 0 : i32
    %dma_start3A_62 = arith.constant 0 : i32
    %dma_start3A_63 = tpu.memref_slice %arg10[%dma_start3A, %dma_start3A_62] : memref<80x64xi32, #tpu.memory_space<vmem>> -> memref<1x64xi32, #tpu.memory_space<vmem>>
    %dma_start3A_64 = tpu.memref_squeeze %dma_start3A_63 : memref<1x64xi32, #tpu.memory_space<vmem>> -> memref<64xi32, #tpu.memory_space<vmem>>
    %dma_start3A_65 = arith.constant 0 : i32
    %dma_start3A_66 = arith.constant 0 : i32
    %dma_start3A_67 = tpu.memref_slice %arg8[%dma_start3A_65, %dma_start3A_66] : memref<10240x64xf32, #tpu.memory_space<vmem_shared>> -> memref<10240x64xf32, #tpu.memory_space<vmem_shared>>
    tpu.enqueue_indirect_dma source(%dma_start3A_67 : memref<10240x64xf32, #tpu.memory_space<vmem_shared>>) target(%arg12 : memref<64x64xf32, #tpu.memory_space<vmem>>) offsets(%dma_start3A_64 : memref<64xi32, #tpu.memory_space<vmem>>) semaphore(%arg14 : memref<!tpu.dma_semaphore, #tpu.memory_space<semaphore_mem>>)
    %scan3A_68 = arith.constant 0 : i32
    %scan3A_69 = arith.constant 40 : i32
    %scan3A_70 = arith.addi %scan3A_68, %scan3A_69 : i32
    %scan3A_71 = arith.constant 1 : i32
    scf.for %scan3A_188 = %scan3A_68 to %scan3A_70 step %scan3A_71  : i32 {
      %mul3A_189 = arith.constant 2 : i32
      %mul3A_190 = arith.muli %scan3A_188, %mul3A_189 : i32
      %add3A_191 = arith.constant 0 : i32
      %add3A_192 = arith.addi %add3A_191, %mul3A_190 : i32
      %add3A_193 = arith.constant 0 : i32
      %add3A_194 = arith.addi %add3A_192, %add3A_193 : i32
      %dma_wait3A = arith.constant 0 : i32
      %dma_wait3A_195 = tpu.memref_slice %arg10[%add3A_194, %dma_wait3A] : memref<80x64xi32, #tpu.memory_space<vmem>> -> memref<1x64xi32, #tpu.memory_space<vmem>>
      %dma_wait3A_196 = tpu.memref_squeeze %dma_wait3A_195 : memref<1x64xi32, #tpu.memory_space<vmem>> -> memref<64xi32, #tpu.memory_space<vmem>>
      %dma_wait3A_197 = arith.constant 0 : i32
      %dma_wait3A_198 = arith.constant 0 : i32
      %dma_wait3A_199 = tpu.memref_slice %arg8[%dma_wait3A_197, %dma_wait3A_198] : memref<10240x64xf32, #tpu.memory_space<vmem_shared>> -> memref<10240x64xf32, #tpu.memory_space<vmem_shared>>
      tpu.wait_indirect_dma semaphore(%arg14 : memref<!tpu.dma_semaphore, #tpu.memory_space<semaphore_mem>>) src(%dma_wait3A_199 : memref<10240x64xf32, #tpu.memory_space<vmem_shared>>) dst(%arg12 : memref<64x64xf32, #tpu.memory_space<vmem>>)
      %add3A_200 = arith.constant 2 : i32
      %add3A_201 = arith.addi %add3A_194, %add3A_200 : i32
      %sub3A = arith.constant 1 : i32
      %sub3A_202 = arith.subi %add3A_201, %sub3A : i32
      %lt3A_203 = arith.constant 80 : i32
      %lt3A_204 = arith.cmpi slt, %sub3A_202, %lt3A_203 : i32
      %convert_element_type3A = arith.extui %lt3A_204 : i1 to i32
      %cond3A = arith.constant 0 : i32
      %cond3A_205 = arith.cmpi ne, %convert_element_type3A, %cond3A : i32
      scf.if %cond3A_205 {
        %add3A_223 = arith.constant 2 : i32
        %add3A_224 = arith.addi %add3A_194, %add3A_223 : i32
        %sub3A_225 = arith.constant 1 : i32
        %sub3A_226 = arith.subi %add3A_224, %sub3A_225 : i32
        %dma_start3A_227 = arith.constant 0 : i32
        %dma_start3A_228 = tpu.memref_slice %arg10[%sub3A_226, %dma_start3A_227] : memref<80x64xi32, #tpu.memory_space<vmem>> -> memref<1x64xi32, #tpu.memory_space<vmem>>
        %dma_start3A_229 = tpu.memref_squeeze %dma_start3A_228 : memref<1x64xi32, #tpu.memory_space<vmem>> -> memref<64xi32, #tpu.memory_space<vmem>>
        %dma_start3A_230 = arith.constant 0 : i32
        %dma_start3A_231 = arith.constant 0 : i32
        %dma_start3A_232 = tpu.memref_slice %arg8[%dma_start3A_230, %dma_start3A_231] : memref<10240x64xf32, #tpu.memory_space<vmem_shared>> -> memref<10240x64xf32, #tpu.memory_space<vmem_shared>>
        tpu.enqueue_indirect_dma source(%dma_start3A_232 : memref<10240x64xf32, #tpu.memory_space<vmem_shared>>) target(%arg13 : memref<64x64xf32, #tpu.memory_space<vmem>>) offsets(%dma_start3A_229 : memref<64xi32, #tpu.memory_space<vmem>>) semaphore(%arg15 : memref<!tpu.dma_semaphore, #tpu.memory_space<semaphore_mem>>)
      } else {
      }
      "tpu.region"() ({
        %run_scoped3A = tpu.sem_alloc : memref<!tpu.dma_semaphore, #tpu.memory_space<semaphore_mem>>
        %dma_start3A_223 = arith.constant 0 : i32
        %dma_start3A_224 = tpu.memref_slice %arg11[%add3A_194, %dma_start3A_223] : memref<80x64xi32, #tpu.memory_space<vmem>> -> memref<1x64xi32, #tpu.memory_space<vmem>>
        %dma_start3A_225 = tpu.memref_squeeze %dma_start3A_224 : memref<1x64xi32, #tpu.memory_space<vmem>> -> memref<64xi32, #tpu.memory_space<vmem>>
        %dma_start3A_226 = arith.constant 0 : i32
        %dma_start3A_227 = arith.constant 0 : i32
        %dma_start3A_228 = tpu.memref_slice %arg9[%dma_start3A_226, %dma_start3A_227] : memref<10240x64xf32, #tpu.memory_space<vmem_shared>> -> memref<10240x64xf32, #tpu.memory_space<vmem_shared>>
        tpu.enqueue_indirect_dma source(%arg12 : memref<64x64xf32, #tpu.memory_space<vmem>>) target(%dma_start3A_228 : memref<10240x64xf32, #tpu.memory_space<vmem_shared>>) offsets(%dma_start3A_225 : memref<64xi32, #tpu.memory_space<vmem>>) semaphore(%run_scoped3A : memref<!tpu.dma_semaphore, #tpu.memory_space<semaphore_mem>>) {add = true}
        %dma_wait3A_229 = arith.constant 0 : i32
        %dma_wait3A_230 = tpu.memref_slice %arg11[%add3A_194, %dma_wait3A_229] : memref<80x64xi32, #tpu.memory_space<vmem>> -> memref<1x64xi32, #tpu.memory_space<vmem>>
        %dma_wait3A_231 = tpu.memref_squeeze %dma_wait3A_230 : memref<1x64xi32, #tpu.memory_space<vmem>> -> memref<64xi32, #tpu.memory_space<vmem>>
        %dma_wait3A_232 = arith.constant 0 : i32
        %dma_wait3A_233 = arith.constant 0 : i32
        %dma_wait3A_234 = tpu.memref_slice %arg9[%dma_wait3A_232, %dma_wait3A_233] : memref<10240x64xf32, #tpu.memory_space<vmem_shared>> -> memref<10240x64xf32, #tpu.memory_space<vmem_shared>>
        tpu.wait_indirect_dma semaphore(%run_scoped3A : memref<!tpu.dma_semaphore, #tpu.memory_space<semaphore_mem>>) src(%arg12 : memref<64x64xf32, #tpu.memory_space<vmem>>) dst(%dma_wait3A_234 : memref<10240x64xf32, #tpu.memory_space<vmem_shared>>)
        tpu.yield
      }) : () -> ()
      "tpu.region"() ({
        %run_scoped3A = tpu.sem_alloc : memref<!tpu.dma_semaphore, #tpu.memory_space<semaphore_mem>>
        %dma_start3A_223 = arith.constant 0 : i32
        %dma_start3A_224 = tpu.memref_slice %arg11[%add3A_194, %dma_start3A_223] : memref<80x64xi32, #tpu.memory_space<vmem>> -> memref<1x64xi32, #tpu.memory_space<vmem>>
        %dma_start3A_225 = tpu.memref_squeeze %dma_start3A_224 : memref<1x64xi32, #tpu.memory_space<vmem>> -> memref<64xi32, #tpu.memory_space<vmem>>
        %dma_start3A_226 = arith.constant 0 : i32
        %dma_start3A_227 = tpu.memref_slice %arg16[%dma_start3A_226] : memref<10240xf32, #tpu.memory_space<vmem_shared>> -> memref<10240xf32, #tpu.memory_space<vmem_shared>>
        tpu.enqueue_indirect_dma source(%arg18 : memref<64xf32, #tpu.memory_space<vmem>>) target(%dma_start3A_227 : memref<10240xf32, #tpu.memory_space<vmem_shared>>) offsets(%dma_start3A_225 : memref<64xi32, #tpu.memory_space<vmem>>) semaphore(%run_scoped3A : memref<!tpu.dma_semaphore, #tpu.memory_space<semaphore_mem>>) {add = true}
        %dma_wait3A_228 = arith.constant 0 : i32
        %dma_wait3A_229 = tpu.memref_slice %arg11[%add3A_194, %dma_wait3A_228] : memref<80x64xi32, #tpu.memory_space<vmem>> -> memref<1x64xi32, #tpu.memory_space<vmem>>
        %dma_wait3A_230 = tpu.memref_squeeze %dma_wait3A_229 : memref<1x64xi32, #tpu.memory_space<vmem>> -> memref<64xi32, #tpu.memory_space<vmem>>
        %dma_wait3A_231 = arith.constant 0 : i32
        %dma_wait3A_232 = tpu.memref_slice %arg16[%dma_wait3A_231] : memref<10240xf32, #tpu.memory_space<vmem_shared>> -> memref<10240xf32, #tpu.memory_space<vmem_shared>>
        tpu.wait_indirect_dma semaphore(%run_scoped3A : memref<!tpu.dma_semaphore, #tpu.memory_space<semaphore_mem>>) src(%arg18 : memref<64xf32, #tpu.memory_space<vmem>>) dst(%dma_wait3A_232 : memref<10240xf32, #tpu.memory_space<vmem_shared>>)
        tpu.yield
      }) : () -> ()
      %add3A_206 = arith.constant 1 : i32
      %add3A_207 = arith.addi %add3A_192, %add3A_206 : i32
      %dma_wait3A_208 = arith.constant 0 : i32
      %dma_wait3A_209 = tpu.memref_slice %arg10[%add3A_207, %dma_wait3A_208] : memref<80x64xi32, #tpu.memory_space<vmem>> -> memref<1x64xi32, #tpu.memory_space<vmem>>
      %dma_wait3A_210 = tpu.memref_squeeze %dma_wait3A_209 : memref<1x64xi32, #tpu.memory_space<vmem>> -> memref<64xi32, #tpu.memory_space<vmem>>
      %dma_wait3A_211 = arith.constant 0 : i32
      %dma_wait3A_212 = arith.constant 0 : i32
      %dma_wait3A_213 = tpu.memref_slice %arg8[%dma_wait3A_211, %dma_wait3A_212] : memref<10240x64xf32, #tpu.memory_space<vmem_shared>> -> memref<10240x64xf32, #tpu.memory_space<vmem_shared>>
      tpu.wait_indirect_dma semaphore(%arg15 : memref<!tpu.dma_semaphore, #tpu.memory_space<semaphore_mem>>) src(%dma_wait3A_213 : memref<10240x64xf32, #tpu.memory_space<vmem_shared>>) dst(%arg13 : memref<64x64xf32, #tpu.memory_space<vmem>>)
      %add3A_214 = arith.constant 2 : i32
      %add3A_215 = arith.addi %add3A_207, %add3A_214 : i32
      %sub3A_216 = arith.constant 1 : i32
      %sub3A_217 = arith.subi %add3A_215, %sub3A_216 : i32
      %lt3A_218 = arith.constant 80 : i32
      %lt3A_219 = arith.cmpi slt, %sub3A_217, %lt3A_218 : i32
      %convert_element_type3A_220 = arith.extui %lt3A_219 : i1 to i32
      %cond3A_221 = arith.constant 0 : i32
      %cond3A_222 = arith.cmpi ne, %convert_element_type3A_220, %cond3A_221 : i32
      scf.if %cond3A_222 {
        %add3A_223 = arith.constant 2 : i32
        %add3A_224 = arith.addi %add3A_207, %add3A_223 : i32
        %sub3A_225 = arith.constant 1 : i32
        %sub3A_226 = arith.subi %add3A_224, %sub3A_225 : i32
        %dma_start3A_227 = arith.constant 0 : i32
        %dma_start3A_228 = tpu.memref_slice %arg10[%sub3A_226, %dma_start3A_227] : memref<80x64xi32, #tpu.memory_space<vmem>> -> memref<1x64xi32, #tpu.memory_space<vmem>>
        %dma_start3A_229 = tpu.memref_squeeze %dma_start3A_228 : memref<1x64xi32, #tpu.memory_space<vmem>> -> memref<64xi32, #tpu.memory_space<vmem>>
        %dma_start3A_230 = arith.constant 0 : i32
        %dma_start3A_231 = arith.constant 0 : i32
        %dma_start3A_232 = tpu.memref_slice %arg8[%dma_start3A_230, %dma_start3A_231] : memref<10240x64xf32, #tpu.memory_space<vmem_shared>> -> memref<10240x64xf32, #tpu.memory_space<vmem_shared>>
        tpu.enqueue_indirect_dma source(%dma_start3A_232 : memref<10240x64xf32, #tpu.memory_space<vmem_shared>>) target(%arg12 : memref<64x64xf32, #tpu.memory_space<vmem>>) offsets(%dma_start3A_229 : memref<64xi32, #tpu.memory_space<vmem>>) semaphore(%arg14 : memref<!tpu.dma_semaphore, #tpu.memory_space<semaphore_mem>>)
      } else {
      }
      "tpu.region"() ({
        %run_scoped3A = tpu.sem_alloc : memref<!tpu.dma_semaphore, #tpu.memory_space<semaphore_mem>>
        %dma_start3A_223 = arith.constant 0 : i32
        %dma_start3A_224 = tpu.memref_slice %arg11[%add3A_207, %dma_start3A_223] : memref<80x64xi32, #tpu.memory_space<vmem>> -> memref<1x64xi32, #tpu.memory_space<vmem>>
        %dma_start3A_225 = tpu.memref_squeeze %dma_start3A_224 : memref<1x64xi32, #tpu.memory_space<vmem>> -> memref<64xi32, #tpu.memory_space<vmem>>
        %dma_start3A_226 = arith.constant 0 : i32
        %dma_start3A_227 = arith.constant 0 : i32
        %dma_start3A_228 = tpu.memref_slice %arg9[%dma_start3A_226, %dma_start3A_227] : memref<10240x64xf32, #tpu.memory_space<vmem_shared>> -> memref<10240x64xf32, #tpu.memory_space<vmem_shared>>
        tpu.enqueue_indirect_dma source(%arg13 : memref<64x64xf32, #tpu.memory_space<vmem>>) target(%dma_start3A_228 : memref<10240x64xf32, #tpu.memory_space<vmem_shared>>) offsets(%dma_start3A_225 : memref<64xi32, #tpu.memory_space<vmem>>) semaphore(%run_scoped3A : memref<!tpu.dma_semaphore, #tpu.memory_space<semaphore_mem>>) {add = true}
        %dma_wait3A_229 = arith.constant 0 : i32
        %dma_wait3A_230 = tpu.memref_slice %arg11[%add3A_207, %dma_wait3A_229] : memref<80x64xi32, #tpu.memory_space<vmem>> -> memref<1x64xi32, #tpu.memory_space<vmem>>
        %dma_wait3A_231 = tpu.memref_squeeze %dma_wait3A_230 : memref<1x64xi32, #tpu.memory_space<vmem>> -> memref<64xi32, #tpu.memory_space<vmem>>
        %dma_wait3A_232 = arith.constant 0 : i32
        %dma_wait3A_233 = arith.constant 0 : i32
        %dma_wait3A_234 = tpu.memref_slice %arg9[%dma_wait3A_232, %dma_wait3A_233] : memref<10240x64xf32, #tpu.memory_space<vmem_shared>> -> memref<10240x64xf32, #tpu.memory_space<vmem_shared>>
        tpu.wait_indirect_dma semaphore(%run_scoped3A : memref<!tpu.dma_semaphore, #tpu.memory_space<semaphore_mem>>) src(%arg13 : memref<64x64xf32, #tpu.memory_space<vmem>>) dst(%dma_wait3A_234 : memref<10240x64xf32, #tpu.memory_space<vmem_shared>>)
        tpu.yield
      }) : () -> ()
      "tpu.region"() ({
        %run_scoped3A = tpu.sem_alloc : memref<!tpu.dma_semaphore, #tpu.memory_space<semaphore_mem>>
        %dma_start3A_223 = arith.constant 0 : i32
        %dma_start3A_224 = tpu.memref_slice %arg11[%add3A_207, %dma_start3A_223] : memref<80x64xi32, #tpu.memory_space<vmem>> -> memref<1x64xi32, #tpu.memory_space<vmem>>
        %dma_start3A_225 = tpu.memref_squeeze %dma_start3A_224 : memref<1x64xi32, #tpu.memory_space<vmem>> -> memref<64xi32, #tpu.memory_space<vmem>>
        %dma_start3A_226 = arith.constant 0 : i32
        %dma_start3A_227 = tpu.memref_slice %arg16[%dma_start3A_226] : memref<10240xf32, #tpu.memory_space<vmem_shared>> -> memref<10240xf32, #tpu.memory_space<vmem_shared>>
        tpu.enqueue_indirect_dma source(%arg18 : memref<64xf32, #tpu.memory_space<vmem>>) target(%dma_start3A_227 : memref<10240xf32, #tpu.memory_space<vmem_shared>>) offsets(%dma_start3A_225 : memref<64xi32, #tpu.memory_space<vmem>>) semaphore(%run_scoped3A : memref<!tpu.dma_semaphore, #tpu.memory_space<semaphore_mem>>) {add = true}
        %dma_wait3A_228 = arith.constant 0 : i32
        %dma_wait3A_229 = tpu.memref_slice %arg11[%add3A_207, %dma_wait3A_228] : memref<80x64xi32, #tpu.memory_space<vmem>> -> memref<1x64xi32, #tpu.memory_space<vmem>>
        %dma_wait3A_230 = tpu.memref_squeeze %dma_wait3A_229 : memref<1x64xi32, #tpu.memory_space<vmem>> -> memref<64xi32, #tpu.memory_space<vmem>>
        %dma_wait3A_231 = arith.constant 0 : i32
        %dma_wait3A_232 = tpu.memref_slice %arg16[%dma_wait3A_231] : memref<10240xf32, #tpu.memory_space<vmem_shared>> -> memref<10240xf32, #tpu.memory_space<vmem_shared>>
        tpu.wait_indirect_dma semaphore(%run_scoped3A : memref<!tpu.dma_semaphore, #tpu.memory_space<semaphore_mem>>) src(%arg18 : memref<64xf32, #tpu.memory_space<vmem>>) dst(%dma_wait3A_232 : memref<10240xf32, #tpu.memory_space<vmem_shared>>)
        tpu.yield
      }) : () -> ()
    }
    %scan3A_72 = arith.constant 40 : i32
    %mul3A_73 = arith.constant 2 : i32
    %mul3A_74 = arith.muli %add3A, %mul3A_73 : i32
    %add3A_75 = arith.constant 1 : i32
    %add3A_76 = arith.addi %mul3A_74, %add3A_75 : i32
    "tpu.region"() ({
      %run_scoped3A = tpu.sem_alloc : memref<!tpu.dma_semaphore, #tpu.memory_space<semaphore_mem>>
      %dma_start3A_188 = arith.constant 0 : i32
      %dma_start3A_189 = arith.constant 0 : i32
      %dma_start3A_190 = tpu.memref_slice %arg4[%add3A_76, %dma_start3A_188, %dma_start3A_189] : memref<64x80x64xi32, #tpu.memory_space<hbm>> -> memref<1x80x64xi32, #tpu.memory_space<hbm>>
      %dma_start3A_191 = tpu.memref_squeeze %dma_start3A_190 : memref<1x80x64xi32, #tpu.memory_space<hbm>> -> memref<80x64xi32, #tpu.memory_space<hbm>>
      %dma_start3A_192 = arith.constant 0 : i32
      %dma_start3A_193 = arith.constant 0 : i32
      %dma_start3A_194 = tpu.memref_slice %arg4[%add3A_76, %dma_start3A_192, %dma_start3A_193] : memref<64x80x64xi32, #tpu.memory_space<hbm>> -> memref<1x80x64xi32, #tpu.memory_space<hbm>>
      %dma_start3A_195 = tpu.memref_squeeze %dma_start3A_194 : memref<1x80x64xi32, #tpu.memory_space<hbm>> -> memref<80x64xi32, #tpu.memory_space<hbm>>
      tpu.enqueue_dma source(%dma_start3A_195 : memref<80x64xi32, #tpu.memory_space<hbm>>) target(%arg10 : memref<80x64xi32, #tpu.memory_space<vmem>>) target_semaphore(%run_scoped3A : memref<!tpu.dma_semaphore, #tpu.memory_space<semaphore_mem>>)
      %dma_wait3A = arith.constant 0 : i32
      %dma_wait3A_196 = arith.constant 0 : i32
      %dma_wait3A_197 = tpu.memref_slice %arg4[%add3A_76, %dma_wait3A, %dma_wait3A_196] : memref<64x80x64xi32, #tpu.memory_space<hbm>> -> memref<1x80x64xi32, #tpu.memory_space<hbm>>
      %dma_wait3A_198 = tpu.memref_squeeze %dma_wait3A_197 : memref<1x80x64xi32, #tpu.memory_space<hbm>> -> memref<80x64xi32, #tpu.memory_space<hbm>>
      %dma_wait3A_199 = arith.constant 0 : i32
      %dma_wait3A_200 = arith.constant 0 : i32
      %dma_wait3A_201 = tpu.memref_slice %arg4[%add3A_76, %dma_wait3A_199, %dma_wait3A_200] : memref<64x80x64xi32, #tpu.memory_space<hbm>> -> memref<1x80x64xi32, #tpu.memory_space<hbm>>
      %dma_wait3A_202 = tpu.memref_squeeze %dma_wait3A_201 : memref<1x80x64xi32, #tpu.memory_space<hbm>> -> memref<80x64xi32, #tpu.memory_space<hbm>>
      tpu.wait_dma2 semaphore(%run_scoped3A : memref<!tpu.dma_semaphore, #tpu.memory_space<semaphore_mem>>) src(%dma_wait3A_202 : memref<80x64xi32, #tpu.memory_space<hbm>>) dst(%arg10 : memref<80x64xi32, #tpu.memory_space<vmem>>)
      tpu.yield
    }) : () -> ()
    %mul3A_77 = arith.constant 2 : i32
    %mul3A_78 = arith.muli %add3A, %mul3A_77 : i32
    %add3A_79 = arith.constant 1 : i32
    %add3A_80 = arith.addi %mul3A_78, %add3A_79 : i32
    "tpu.region"() ({
      %run_scoped3A = tpu.sem_alloc : memref<!tpu.dma_semaphore, #tpu.memory_space<semaphore_mem>>
      %dma_start3A_188 = arith.constant 0 : i32
      %dma_start3A_189 = arith.constant 0 : i32
      %dma_start3A_190 = tpu.memref_slice %arg5[%add3A_80, %dma_start3A_188, %dma_start3A_189] : memref<64x80x64xi32, #tpu.memory_space<hbm>> -> memref<1x80x64xi32, #tpu.memory_space<hbm>>
      %dma_start3A_191 = tpu.memref_squeeze %dma_start3A_190 : memref<1x80x64xi32, #tpu.memory_space<hbm>> -> memref<80x64xi32, #tpu.memory_space<hbm>>
      %dma_start3A_192 = arith.constant 0 : i32
      %dma_start3A_193 = arith.constant 0 : i32
      %dma_start3A_194 = tpu.memref_slice %arg5[%add3A_80, %dma_start3A_192, %dma_start3A_193] : memref<64x80x64xi32, #tpu.memory_space<hbm>> -> memref<1x80x64xi32, #tpu.memory_space<hbm>>
      %dma_start3A_195 = tpu.memref_squeeze %dma_start3A_194 : memref<1x80x64xi32, #tpu.memory_space<hbm>> -> memref<80x64xi32, #tpu.memory_space<hbm>>
      tpu.enqueue_dma source(%dma_start3A_195 : memref<80x64xi32, #tpu.memory_space<hbm>>) target(%arg11 : memref<80x64xi32, #tpu.memory_space<vmem>>) target_semaphore(%run_scoped3A : memref<!tpu.dma_semaphore, #tpu.memory_space<semaphore_mem>>)
      %dma_wait3A = arith.constant 0 : i32
      %dma_wait3A_196 = arith.constant 0 : i32
      %dma_wait3A_197 = tpu.memref_slice %arg5[%add3A_80, %dma_wait3A, %dma_wait3A_196] : memref<64x80x64xi32, #tpu.memory_space<hbm>> -> memref<1x80x64xi32, #tpu.memory_space<hbm>>
      %dma_wait3A_198 = tpu.memref_squeeze %dma_wait3A_197 : memref<1x80x64xi32, #tpu.memory_space<hbm>> -> memref<80x64xi32, #tpu.memory_space<hbm>>
      %dma_wait3A_199 = arith.constant 0 : i32
      %dma_wait3A_200 = arith.constant 0 : i32
      %dma_wait3A_201 = tpu.memref_slice %arg5[%add3A_80, %dma_wait3A_199, %dma_wait3A_200] : memref<64x80x64xi32, #tpu.memory_space<hbm>> -> memref<1x80x64xi32, #tpu.memory_space<hbm>>
      %dma_wait3A_202 = tpu.memref_squeeze %dma_wait3A_201 : memref<1x80x64xi32, #tpu.memory_space<hbm>> -> memref<80x64xi32, #tpu.memory_space<hbm>>
      tpu.wait_dma2 semaphore(%run_scoped3A : memref<!tpu.dma_semaphore, #tpu.memory_space<semaphore_mem>>) src(%dma_wait3A_202 : memref<80x64xi32, #tpu.memory_space<hbm>>) dst(%arg11 : memref<80x64xi32, #tpu.memory_space<vmem>>)
      tpu.yield
    }) : () -> ()
    %dma_start3A_81 = arith.constant 0 : i32
    %dma_start3A_82 = arith.constant 0 : i32
    %dma_start3A_83 = tpu.memref_slice %arg10[%dma_start3A_81, %dma_start3A_82] : memref<80x64xi32, #tpu.memory_space<vmem>> -> memref<1x64xi32, #tpu.memory_space<vmem>>
    %dma_start3A_84 = tpu.memref_squeeze %dma_start3A_83 : memref<1x64xi32, #tpu.memory_space<vmem>> -> memref<64xi32, #tpu.memory_space<vmem>>
    %dma_start3A_85 = arith.constant 0 : i32
    %dma_start3A_86 = arith.constant 0 : i32
    %dma_start3A_87 = tpu.memref_slice %arg8[%dma_start3A_85, %dma_start3A_86] : memref<10240x64xf32, #tpu.memory_space<vmem_shared>> -> memref<10240x64xf32, #tpu.memory_space<vmem_shared>>
    tpu.enqueue_indirect_dma source(%dma_start3A_87 : memref<10240x64xf32, #tpu.memory_space<vmem_shared>>) target(%arg12 : memref<64x64xf32, #tpu.memory_space<vmem>>) offsets(%dma_start3A_84 : memref<64xi32, #tpu.memory_space<vmem>>) semaphore(%arg14 : memref<!tpu.dma_semaphore, #tpu.memory_space<semaphore_mem>>)
    %scan3A_88 = arith.constant 0 : i32
    %scan3A_89 = arith.constant 40 : i32
    %scan3A_90 = arith.addi %scan3A_88, %scan3A_89 : i32
    %scan3A_91 = arith.constant 1 : i32
    scf.for %scan3A_188 = %scan3A_88 to %scan3A_90 step %scan3A_91  : i32 {
      %mul3A_189 = arith.constant 2 : i32
      %mul3A_190 = arith.muli %scan3A_188, %mul3A_189 : i32
      %add3A_191 = arith.constant 0 : i32
      %add3A_192 = arith.addi %add3A_191, %mul3A_190 : i32
      %add3A_193 = arith.constant 0 : i32
      %add3A_194 = arith.addi %add3A_192, %add3A_193 : i32
      %dma_wait3A = arith.constant 0 : i32
      %dma_wait3A_195 = tpu.memref_slice %arg10[%add3A_194, %dma_wait3A] : memref<80x64xi32, #tpu.memory_space<vmem>> -> memref<1x64xi32, #tpu.memory_space<vmem>>
      %dma_wait3A_196 = tpu.memref_squeeze %dma_wait3A_195 : memref<1x64xi32, #tpu.memory_space<vmem>> -> memref<64xi32, #tpu.memory_space<vmem>>
      %dma_wait3A_197 = arith.constant 0 : i32
      %dma_wait3A_198 = arith.constant 0 : i32
      %dma_wait3A_199 = tpu.memref_slice %arg8[%dma_wait3A_197, %dma_wait3A_198] : memref<10240x64xf32, #tpu.memory_space<vmem_shared>> -> memref<10240x64xf32, #tpu.memory_space<vmem_shared>>
      tpu.wait_indirect_dma semaphore(%arg14 : memref<!tpu.dma_semaphore, #tpu.memory_space<semaphore_mem>>) src(%dma_wait3A_199 : memref<10240x64xf32, #tpu.memory_space<vmem_shared>>) dst(%arg12 : memref<64x64xf32, #tpu.memory_space<vmem>>)
      %add3A_200 = arith.constant 2 : i32
      %add3A_201 = arith.addi %add3A_194, %add3A_200 : i32
      %sub3A = arith.constant 1 : i32
      %sub3A_202 = arith.subi %add3A_201, %sub3A : i32
      %lt3A_203 = arith.constant 80 : i32
      %lt3A_204 = arith.cmpi slt, %sub3A_202, %lt3A_203 : i32
      %convert_element_type3A = arith.extui %lt3A_204 : i1 to i32
      %cond3A = arith.constant 0 : i32
      %cond3A_205 = arith.cmpi ne, %convert_element_type3A, %cond3A : i32
      scf.if %cond3A_205 {
        %add3A_223 = arith.constant 2 : i32
        %add3A_224 = arith.addi %add3A_194, %add3A_223 : i32
        %sub3A_225 = arith.constant 1 : i32
        %sub3A_226 = arith.subi %add3A_224, %sub3A_225 : i32
        %dma_start3A_227 = arith.constant 0 : i32
        %dma_start3A_228 = tpu.memref_slice %arg10[%sub3A_226, %dma_start3A_227] : memref<80x64xi32, #tpu.memory_space<vmem>> -> memref<1x64xi32, #tpu.memory_space<vmem>>
        %dma_start3A_229 = tpu.memref_squeeze %dma_start3A_228 : memref<1x64xi32, #tpu.memory_space<vmem>> -> memref<64xi32, #tpu.memory_space<vmem>>
        %dma_start3A_230 = arith.constant 0 : i32
        %dma_start3A_231 = arith.constant 0 : i32
        %dma_start3A_232 = tpu.memref_slice %arg8[%dma_start3A_230, %dma_start3A_231] : memref<10240x64xf32, #tpu.memory_space<vmem_shared>> -> memref<10240x64xf32, #tpu.memory_space<vmem_shared>>
        tpu.enqueue_indirect_dma source(%dma_start3A_232 : memref<10240x64xf32, #tpu.memory_space<vmem_shared>>) target(%arg13 : memref<64x64xf32, #tpu.memory_space<vmem>>) offsets(%dma_start3A_229 : memref<64xi32, #tpu.memory_space<vmem>>) semaphore(%arg15 : memref<!tpu.dma_semaphore, #tpu.memory_space<semaphore_mem>>)
      } else {
      }
      "tpu.region"() ({
        %run_scoped3A = tpu.sem_alloc : memref<!tpu.dma_semaphore, #tpu.memory_space<semaphore_mem>>
        %dma_start3A_223 = arith.constant 0 : i32
        %dma_start3A_224 = tpu.memref_slice %arg11[%add3A_194, %dma_start3A_223] : memref<80x64xi32, #tpu.memory_space<vmem>> -> memref<1x64xi32, #tpu.memory_space<vmem>>
        %dma_start3A_225 = tpu.memref_squeeze %dma_start3A_224 : memref<1x64xi32, #tpu.memory_space<vmem>> -> memref<64xi32, #tpu.memory_space<vmem>>
        %dma_start3A_226 = arith.constant 0 : i32
        %dma_start3A_227 = arith.constant 0 : i32
        %dma_start3A_228 = tpu.memref_slice %arg9[%dma_start3A_226, %dma_start3A_227] : memref<10240x64xf32, #tpu.memory_space<vmem_shared>> -> memref<10240x64xf32, #tpu.memory_space<vmem_shared>>
        tpu.enqueue_indirect_dma source(%arg12 : memref<64x64xf32, #tpu.memory_space<vmem>>) target(%dma_start3A_228 : memref<10240x64xf32, #tpu.memory_space<vmem_shared>>) offsets(%dma_start3A_225 : memref<64xi32, #tpu.memory_space<vmem>>) semaphore(%run_scoped3A : memref<!tpu.dma_semaphore, #tpu.memory_space<semaphore_mem>>) {add = true}
        %dma_wait3A_229 = arith.constant 0 : i32
        %dma_wait3A_230 = tpu.memref_slice %arg11[%add3A_194, %dma_wait3A_229] : memref<80x64xi32, #tpu.memory_space<vmem>> -> memref<1x64xi32, #tpu.memory_space<vmem>>
        %dma_wait3A_231 = tpu.memref_squeeze %dma_wait3A_230 : memref<1x64xi32, #tpu.memory_space<vmem>> -> memref<64xi32, #tpu.memory_space<vmem>>
        %dma_wait3A_232 = arith.constant 0 : i32
        %dma_wait3A_233 = arith.constant 0 : i32
        %dma_wait3A_234 = tpu.memref_slice %arg9[%dma_wait3A_232, %dma_wait3A_233] : memref<10240x64xf32, #tpu.memory_space<vmem_shared>> -> memref<10240x64xf32, #tpu.memory_space<vmem_shared>>
        tpu.wait_indirect_dma semaphore(%run_scoped3A : memref<!tpu.dma_semaphore, #tpu.memory_space<semaphore_mem>>) src(%arg12 : memref<64x64xf32, #tpu.memory_space<vmem>>) dst(%dma_wait3A_234 : memref<10240x64xf32, #tpu.memory_space<vmem_shared>>)
        tpu.yield
      }) : () -> ()
      "tpu.region"() ({
        %run_scoped3A = tpu.sem_alloc : memref<!tpu.dma_semaphore, #tpu.memory_space<semaphore_mem>>
        %dma_start3A_223 = arith.constant 0 : i32
        %dma_start3A_224 = tpu.memref_slice %arg11[%add3A_194, %dma_start3A_223] : memref<80x64xi32, #tpu.memory_space<vmem>> -> memref<1x64xi32, #tpu.memory_space<vmem>>
        %dma_start3A_225 = tpu.memref_squeeze %dma_start3A_224 : memref<1x64xi32, #tpu.memory_space<vmem>> -> memref<64xi32, #tpu.memory_space<vmem>>
        %dma_start3A_226 = arith.constant 0 : i32
        %dma_start3A_227 = tpu.memref_slice %arg16[%dma_start3A_226] : memref<10240xf32, #tpu.memory_space<vmem_shared>> -> memref<10240xf32, #tpu.memory_space<vmem_shared>>
        tpu.enqueue_indirect_dma source(%arg18 : memref<64xf32, #tpu.memory_space<vmem>>) target(%dma_start3A_227 : memref<10240xf32, #tpu.memory_space<vmem_shared>>) offsets(%dma_start3A_225 : memref<64xi32, #tpu.memory_space<vmem>>) semaphore(%run_scoped3A : memref<!tpu.dma_semaphore, #tpu.memory_space<semaphore_mem>>) {add = true}
        %dma_wait3A_228 = arith.constant 0 : i32
        %dma_wait3A_229 = tpu.memref_slice %arg11[%add3A_194, %dma_wait3A_228] : memref<80x64xi32, #tpu.memory_space<vmem>> -> memref<1x64xi32, #tpu.memory_space<vmem>>
        %dma_wait3A_230 = tpu.memref_squeeze %dma_wait3A_229 : memref<1x64xi32, #tpu.memory_space<vmem>> -> memref<64xi32, #tpu.memory_space<vmem>>
        %dma_wait3A_231 = arith.constant 0 : i32
        %dma_wait3A_232 = tpu.memref_slice %arg16[%dma_wait3A_231] : memref<10240xf32, #tpu.memory_space<vmem_shared>> -> memref<10240xf32, #tpu.memory_space<vmem_shared>>
        tpu.wait_indirect_dma semaphore(%run_scoped3A : memref<!tpu.dma_semaphore, #tpu.memory_space<semaphore_mem>>) src(%arg18 : memref<64xf32, #tpu.memory_space<vmem>>) dst(%dma_wait3A_232 : memref<10240xf32, #tpu.memory_space<vmem_shared>>)
        tpu.yield
      }) : () -> ()
      %add3A_206 = arith.constant 1 : i32
      %add3A_207 = arith.addi %add3A_192, %add3A_206 : i32
      %dma_wait3A_208 = arith.constant 0 : i32
      %dma_wait3A_209 = tpu.memref_slice %arg10[%add3A_207, %dma_wait3A_208] : memref<80x64xi32, #tpu.memory_space<vmem>> -> memref<1x64xi32, #tpu.memory_space<vmem>>
      %dma_wait3A_210 = tpu.memref_squeeze %dma_wait3A_209 : memref<1x64xi32, #tpu.memory_space<vmem>> -> memref<64xi32, #tpu.memory_space<vmem>>
      %dma_wait3A_211 = arith.constant 0 : i32
      %dma_wait3A_212 = arith.constant 0 : i32
      %dma_wait3A_213 = tpu.memref_slice %arg8[%dma_wait3A_211, %dma_wait3A_212] : memref<10240x64xf32, #tpu.memory_space<vmem_shared>> -> memref<10240x64xf32, #tpu.memory_space<vmem_shared>>
      tpu.wait_indirect_dma semaphore(%arg15 : memref<!tpu.dma_semaphore, #tpu.memory_space<semaphore_mem>>) src(%dma_wait3A_213 : memref<10240x64xf32, #tpu.memory_space<vmem_shared>>) dst(%arg13 : memref<64x64xf32, #tpu.memory_space<vmem>>)
      %add3A_214 = arith.constant 2 : i32
      %add3A_215 = arith.addi %add3A_207, %add3A_214 : i32
      %sub3A_216 = arith.constant 1 : i32
      %sub3A_217 = arith.subi %add3A_215, %sub3A_216 : i32
      %lt3A_218 = arith.constant 80 : i32
      %lt3A_219 = arith.cmpi slt, %sub3A_217, %lt3A_218 : i32
      %convert_element_type3A_220 = arith.extui %lt3A_219 : i1 to i32
      %cond3A_221 = arith.constant 0 : i32
      %cond3A_222 = arith.cmpi ne, %convert_element_type3A_220, %cond3A_221 : i32
      scf.if %cond3A_222 {
        %add3A_223 = arith.constant 2 : i32
        %add3A_224 = arith.addi %add3A_207, %add3A_223 : i32
        %sub3A_225 = arith.constant 1 : i32
        %sub3A_226 = arith.subi %add3A_224, %sub3A_225 : i32
        %dma_start3A_227 = arith.constant 0 : i32
        %dma_start3A_228 = tpu.memref_slice %arg10[%sub3A_226, %dma_start3A_227] : memref<80x64xi32, #tpu.memory_space<vmem>> -> memref<1x64xi32, #tpu.memory_space<vmem>>
        %dma_start3A_229 = tpu.memref_squeeze %dma_start3A_228 : memref<1x64xi32, #tpu.memory_space<vmem>> -> memref<64xi32, #tpu.memory_space<vmem>>
        %dma_start3A_230 = arith.constant 0 : i32
        %dma_start3A_231 = arith.constant 0 : i32
        %dma_start3A_232 = tpu.memref_slice %arg8[%dma_start3A_230, %dma_start3A_231] : memref<10240x64xf32, #tpu.memory_space<vmem_shared>> -> memref<10240x64xf32, #tpu.memory_space<vmem_shared>>
        tpu.enqueue_indirect_dma source(%dma_start3A_232 : memref<10240x64xf32, #tpu.memory_space<vmem_shared>>) target(%arg12 : memref<64x64xf32, #tpu.memory_space<vmem>>) offsets(%dma_start3A_229 : memref<64xi32, #tpu.memory_space<vmem>>) semaphore(%arg14 : memref<!tpu.dma_semaphore, #tpu.memory_space<semaphore_mem>>)
      } else {
      }
      "tpu.region"() ({
        %run_scoped3A = tpu.sem_alloc : memref<!tpu.dma_semaphore, #tpu.memory_space<semaphore_mem>>
        %dma_start3A_223 = arith.constant 0 : i32
        %dma_start3A_224 = tpu.memref_slice %arg11[%add3A_207, %dma_start3A_223] : memref<80x64xi32, #tpu.memory_space<vmem>> -> memref<1x64xi32, #tpu.memory_space<vmem>>
        %dma_start3A_225 = tpu.memref_squeeze %dma_start3A_224 : memref<1x64xi32, #tpu.memory_space<vmem>> -> memref<64xi32, #tpu.memory_space<vmem>>
        %dma_start3A_226 = arith.constant 0 : i32
        %dma_start3A_227 = arith.constant 0 : i32
        %dma_start3A_228 = tpu.memref_slice %arg9[%dma_start3A_226, %dma_start3A_227] : memref<10240x64xf32, #tpu.memory_space<vmem_shared>> -> memref<10240x64xf32, #tpu.memory_space<vmem_shared>>
        tpu.enqueue_indirect_dma source(%arg13 : memref<64x64xf32, #tpu.memory_space<vmem>>) target(%dma_start3A_228 : memref<10240x64xf32, #tpu.memory_space<vmem_shared>>) offsets(%dma_start3A_225 : memref<64xi32, #tpu.memory_space<vmem>>) semaphore(%run_scoped3A : memref<!tpu.dma_semaphore, #tpu.memory_space<semaphore_mem>>) {add = true}
        %dma_wait3A_229 = arith.constant 0 : i32
        %dma_wait3A_230 = tpu.memref_slice %arg11[%add3A_207, %dma_wait3A_229] : memref<80x64xi32, #tpu.memory_space<vmem>> -> memref<1x64xi32, #tpu.memory_space<vmem>>
        %dma_wait3A_231 = tpu.memref_squeeze %dma_wait3A_230 : memref<1x64xi32, #tpu.memory_space<vmem>> -> memref<64xi32, #tpu.memory_space<vmem>>
        %dma_wait3A_232 = arith.constant 0 : i32
        %dma_wait3A_233 = arith.constant 0 : i32
        %dma_wait3A_234 = tpu.memref_slice %arg9[%dma_wait3A_232, %dma_wait3A_233] : memref<10240x64xf32, #tpu.memory_space<vmem_shared>> -> memref<10240x64xf32, #tpu.memory_space<vmem_shared>>
        tpu.wait_indirect_dma semaphore(%run_scoped3A : memref<!tpu.dma_semaphore, #tpu.memory_space<semaphore_mem>>) src(%arg13 : memref<64x64xf32, #tpu.memory_space<vmem>>) dst(%dma_wait3A_234 : memref<10240x64xf32, #tpu.memory_space<vmem_shared>>)
        tpu.yield
      }) : () -> ()
      "tpu.region"() ({
        %run_scoped3A = tpu.sem_alloc : memref<!tpu.dma_semaphore, #tpu.memory_space<semaphore_mem>>
        %dma_start3A_223 = arith.constant 0 : i32
        %dma_start3A_224 = tpu.memref_slice %arg11[%add3A_207, %dma_start3A_223] : memref<80x64xi32, #tpu.memory_space<vmem>> -> memref<1x64xi32, #tpu.memory_space<vmem>>
        %dma_start3A_225 = tpu.memref_squeeze %dma_start3A_224 : memref<1x64xi32, #tpu.memory_space<vmem>> -> memref<64xi32, #tpu.memory_space<vmem>>
        %dma_start3A_226 = arith.constant 0 : i32
        %dma_start3A_227 = tpu.memref_slice %arg16[%dma_start3A_226] : memref<10240xf32, #tpu.memory_space<vmem_shared>> -> memref<10240xf32, #tpu.memory_space<vmem_shared>>
        tpu.enqueue_indirect_dma source(%arg18 : memref<64xf32, #tpu.memory_space<vmem>>) target(%dma_start3A_227 : memref<10240xf32, #tpu.memory_space<vmem_shared>>) offsets(%dma_start3A_225 : memref<64xi32, #tpu.memory_space<vmem>>) semaphore(%run_scoped3A : memref<!tpu.dma_semaphore, #tpu.memory_space<semaphore_mem>>) {add = true}
        %dma_wait3A_228 = arith.constant 0 : i32
        %dma_wait3A_229 = tpu.memref_slice %arg11[%add3A_207, %dma_wait3A_228] : memref<80x64xi32, #tpu.memory_space<vmem>> -> memref<1x64xi32, #tpu.memory_space<vmem>>
        %dma_wait3A_230 = tpu.memref_squeeze %dma_wait3A_229 : memref<1x64xi32, #tpu.memory_space<vmem>> -> memref<64xi32, #tpu.memory_space<vmem>>
        %dma_wait3A_231 = arith.constant 0 : i32
        %dma_wait3A_232 = tpu.memref_slice %arg16[%dma_wait3A_231] : memref<10240xf32, #tpu.memory_space<vmem_shared>> -> memref<10240xf32, #tpu.memory_space<vmem_shared>>
        tpu.wait_indirect_dma semaphore(%run_scoped3A : memref<!tpu.dma_semaphore, #tpu.memory_space<semaphore_mem>>) src(%arg18 : memref<64xf32, #tpu.memory_space<vmem>>) dst(%dma_wait3A_232 : memref<10240xf32, #tpu.memory_space<vmem_shared>>)
        tpu.yield
      }) : () -> ()
    }
    %scan3A_92 = arith.constant 40 : i32
    %barrier3A_93 = arith.constant 0 : index
    tpu.barrier barrier_id(%barrier3A_93)
    %scan3A_94 = arith.constant 0 : i32
    %scan3A_95 = arith.constant 0 : i32
    %scan3A_96 = arith.constant 10 : i32
    %scan3A_97 = arith.addi %scan3A_95, %scan3A_96 : i32
    %scan3A_98 = arith.constant 1 : i32
    %scan3A_99 = scf.for %scan3A_188 = %scan3A_95 to %scan3A_97 step %scan3A_98 iter_args(%scan3A_189 = %scan3A_94) -> (i32)  : i32 {
      %mul3A_190 = arith.constant 640 : i32
      %mul3A_191 = arith.muli %arg1, %mul3A_190 : i32
      %mul3A_192 = arith.constant 64 : i32
      %mul3A_193 = arith.muli %scan3A_188, %mul3A_192 : i32
      %add3A_194 = arith.addi %mul3A_191, %mul3A_193 : i32
      %mul3A_195 = arith.constant 2 : i32
      %mul3A_196 = arith.muli %arg0, %mul3A_195 : i32
      %add3A_197 = arith.constant 0 : i32
      %add3A_198 = arith.addi %mul3A_196, %add3A_197 : i32
      %mul3A_199 = arith.constant 10240 : i32
      %mul3A_200 = arith.muli %add3A_198, %mul3A_199 : i32
      %add3A_201 = arith.addi %mul3A_200, %add3A_194 : i32
      "tpu.region"() ({
        %run_scoped3A = tpu.sem_alloc : memref<!tpu.dma_semaphore, #tpu.memory_space<semaphore_mem>>
        %dma_start3A_203 = arith.constant 0 : i32
        %dma_start3A_204 = tpu.memref_slice %arg6[%add3A_201, %dma_start3A_203] : memref<40960x64xf32, #tpu.memory_space<hbm>> -> memref<64x64xf32, #tpu.memory_space<hbm>>
        %dma_start3A_205 = arith.constant 0 : i32
        %dma_start3A_206 = tpu.memref_slice %arg9[%add3A_194, %dma_start3A_205] : memref<10240x64xf32, #tpu.memory_space<vmem_shared>> -> memref<64x64xf32, #tpu.memory_space<vmem_shared>>
        tpu.enqueue_dma source(%dma_start3A_206 : memref<64x64xf32, #tpu.memory_space<vmem_shared>>) target(%dma_start3A_204 : memref<64x64xf32, #tpu.memory_space<hbm>>) target_semaphore(%run_scoped3A : memref<!tpu.dma_semaphore, #tpu.memory_space<semaphore_mem>>)
        %dma_wait3A = arith.constant 0 : i32
        %dma_wait3A_207 = tpu.memref_slice %arg6[%add3A_201, %dma_wait3A] : memref<40960x64xf32, #tpu.memory_space<hbm>> -> memref<64x64xf32, #tpu.memory_space<hbm>>
        %dma_wait3A_208 = arith.constant 0 : i32
        %dma_wait3A_209 = tpu.memref_slice %arg9[%add3A_194, %dma_wait3A_208] : memref<10240x64xf32, #tpu.memory_space<vmem_shared>> -> memref<64x64xf32, #tpu.memory_space<vmem_shared>>
        tpu.wait_dma2 semaphore(%run_scoped3A : memref<!tpu.dma_semaphore, #tpu.memory_space<semaphore_mem>>) src(%dma_wait3A_209 : memref<64x64xf32, #tpu.memory_space<vmem_shared>>) dst(%dma_wait3A_207 : memref<64x64xf32, #tpu.memory_space<hbm>>)
        tpu.yield
      }) : () -> ()
      %scan3A_202 = arith.constant 0 : i32
      scf.yield %scan3A_202 : i32
    }
    %scan3A_100 = arith.constant 10 : i32
    %mul3A_101 = arith.constant 640 : i32
    %mul3A_102 = arith.muli %arg1, %mul3A_101 : i32
    %mul3A_103 = arith.constant 10240 : i32
    %mul3A_104 = arith.muli %arg0, %mul3A_103 : i32
    %mul3A_105 = arith.constant 640 : i32
    %mul3A_106 = arith.muli %arg1, %mul3A_105 : i32
    %add3A_107 = arith.addi %mul3A_104, %mul3A_106 : i32
    "tpu.region"() ({
      %run_scoped3A = tpu.sem_alloc : memref<!tpu.dma_semaphore, #tpu.memory_space<semaphore_mem>>
      %dma_start3A_188 = tpu.memref_slice %arg7[%add3A_107] : memref<20480xf32, #tpu.memory_space<hbm>> -> memref<640xf32, #tpu.memory_space<hbm>>
      %dma_start3A_189 = tpu.memref_slice %arg16[%mul3A_102] : memref<10240xf32, #tpu.memory_space<vmem_shared>> -> memref<640xf32, #tpu.memory_space<vmem_shared>>
      tpu.enqueue_dma source(%dma_start3A_189 : memref<640xf32, #tpu.memory_space<vmem_shared>>) target(%dma_start3A_188 : memref<640xf32, #tpu.memory_space<hbm>>) target_semaphore(%run_scoped3A : memref<!tpu.dma_semaphore, #tpu.memory_space<semaphore_mem>>)
      %dma_wait3A = tpu.memref_slice %arg7[%add3A_107] : memref<20480xf32, #tpu.memory_space<hbm>> -> memref<640xf32, #tpu.memory_space<hbm>>
      %dma_wait3A_190 = tpu.memref_slice %arg16[%mul3A_102] : memref<10240xf32, #tpu.memory_space<vmem_shared>> -> memref<640xf32, #tpu.memory_space<vmem_shared>>
      tpu.wait_dma2 semaphore(%run_scoped3A : memref<!tpu.dma_semaphore, #tpu.memory_space<semaphore_mem>>) src(%dma_wait3A_190 : memref<640xf32, #tpu.memory_space<vmem_shared>>) dst(%dma_wait3A : memref<640xf32, #tpu.memory_space<hbm>>)
      tpu.yield
    }) : () -> ()
    %scan3A_108 = arith.constant 0 : i32
    %scan3A_109 = arith.constant 0 : i32
    %scan3A_110 = arith.constant 256 : i32
    %scan3A_111 = arith.addi %scan3A_109, %scan3A_110 : i32
    %scan3A_112 = arith.constant 1 : i32
    %scan3A_113 = scf.for %scan3A_188 = %scan3A_109 to %scan3A_111 step %scan3A_112 iter_args(%scan3A_189 = %scan3A_108) -> (i32)  : i32 {
      %jit3A_190 = arith.constant 4 : i32
      %div3A = arith.divsi %scan3A_188, %jit3A_190 : i32
      %sign3A = arith.constant 0 : i32
      %sign3A_191 = arith.cmpi sgt, %scan3A_188, %sign3A : i32
      %sign3A_192 = arith.extui %sign3A_191 : i1 to i32
      %sign3A_193 = arith.constant 0 : i32
      %sign3A_194 = arith.cmpi slt, %scan3A_188, %sign3A_193 : i32
      %sign3A_195 = arith.extui %sign3A_194 : i1 to i32
      %sign3A_196 = arith.subi %sign3A_192, %sign3A_195 : i32
      %sign3A_197 = arith.constant 0 : i32
      %sign3A_198 = arith.cmpi sgt, %jit3A_190, %sign3A_197 : i32
      %sign3A_199 = arith.extui %sign3A_198 : i1 to i32
      %sign3A_200 = arith.constant 0 : i32
      %sign3A_201 = arith.cmpi slt, %jit3A_190, %sign3A_200 : i32
      %sign3A_202 = arith.extui %sign3A_201 : i1 to i32
      %sign3A_203 = arith.subi %sign3A_199, %sign3A_202 : i32
      %ne3A = arith.cmpi ne, %sign3A_196, %sign3A_203 : i32
      %rem3A = arith.remsi %scan3A_188, %jit3A_190 : i32
      %ne3A_204 = arith.constant 0 : i32
      %ne3A_205 = arith.cmpi ne, %rem3A, %ne3A_204 : i32
      %and3A = arith.andi %ne3A, %ne3A_205 : i1
      %sub3A = arith.constant 1 : i32
      %sub3A_206 = arith.subi %div3A, %sub3A : i32
      %select_n3A_207 = arith.select %and3A, %sub3A_206, %div3A : i32
      %jit3A_208 = arith.constant 4 : i32
      %eq3A = arith.constant 0 : i32
      %eq3A_209 = arith.cmpi eq, %jit3A_208, %eq3A : i32
      %jit3A_210 = arith.constant 1 : i32
      %select_n3A_211 = arith.select %eq3A_209, %jit3A_210, %jit3A_208 : i32
      %rem3A_212 = arith.remsi %scan3A_188, %select_n3A_211 : i32
      %ne3A_213 = arith.constant 0 : i32
      %ne3A_214 = arith.cmpi ne, %rem3A_212, %ne3A_213 : i32
      %lt3A_215 = arith.constant 0 : i32
      %lt3A_216 = arith.cmpi slt, %rem3A_212, %lt3A_215 : i32
      %lt3A_217 = arith.constant 0 : i32
      %lt3A_218 = arith.cmpi slt, %select_n3A_211, %lt3A_217 : i32
      %ne3A_219 = arith.xori %lt3A_216, %lt3A_218 : i1
      %and3A_220 = arith.andi %ne3A_219, %ne3A_214 : i1
      %add3A_221 = arith.addi %rem3A_212, %select_n3A_211 : i32
      %select_n3A_222 = arith.select %and3A_220, %add3A_221, %rem3A_212 : i32
      %mul3A_223 = arith.constant 16 : i32
      %mul3A_224 = arith.muli %select_n3A_222, %mul3A_223 : i32
      %swap3A_225 = arith.index_cast %select_n3A_207 : i32 to index
      %swap3A_226 = arith.index_cast %mul3A_224 : i32 to index
      %swap3A_227 = tpu.vector_load %arg12[%swap3A_225, %swap3A_226] {strides = array<i32>} : memref<64x64xf32, #tpu.memory_space<vmem>>, vector<1x16xf32>,
      %swap3A_228 = vector.shape_cast %swap3A_227 : vector<1x16xf32> to vector<16xf32>
      %swap3A_229 = vector.shape_cast %broadcast_in_dim3A_1 : vector<16xf32> to vector<1x16xf32>
      tpu.vector_store %arg12[%swap3A_225, %swap3A_226], %swap3A_229 {strides = array<i32>} : memref<64x64xf32, #tpu.memory_space<vmem>>, vector<1x16xf32>,
      %scan3A_230 = arith.constant 0 : i32
      scf.yield %scan3A_230 : i32
    }
    %scan3A_114 = arith.constant 256 : i32
    %scan3A_115 = arith.constant 0 : i32
    %scan3A_116 = arith.constant 0 : i32
    %scan3A_117 = arith.constant 10 : i32
    %scan3A_118 = arith.addi %scan3A_116, %scan3A_117 : i32
    %scan3A_119 = arith.constant 1 : i32
    %scan3A_120 = scf.for %scan3A_188 = %scan3A_116 to %scan3A_118 step %scan3A_119 iter_args(%scan3A_189 = %scan3A_115) -> (i32)  : i32 {
      %mul3A_190 = arith.constant 640 : i32
      %mul3A_191 = arith.muli %arg1, %mul3A_190 : i32
      %mul3A_192 = arith.constant 64 : i32
      %mul3A_193 = arith.muli %scan3A_188, %mul3A_192 : i32
      %add3A_194 = arith.addi %mul3A_191, %mul3A_193 : i32
      "tpu.region"() ({
        %run_scoped3A = tpu.sem_alloc : memref<!tpu.dma_semaphore, #tpu.memory_space<semaphore_mem>>
        %dma_start3A_196 = arith.constant 0 : i32
        %dma_start3A_197 = tpu.memref_slice %arg9[%add3A_194, %dma_start3A_196] : memref<10240x64xf32, #tpu.memory_space<vmem_shared>> -> memref<64x64xf32, #tpu.memory_space<vmem_shared>>
        %dma_start3A_198 = arith.constant 0 : i32
        %dma_start3A_199 = tpu.memref_slice %arg9[%add3A_194, %dma_start3A_198] : memref<10240x64xf32, #tpu.memory_space<vmem_shared>> -> memref<64x64xf32, #tpu.memory_space<vmem_shared>>
        tpu.enqueue_dma source(%arg12 : memref<64x64xf32, #tpu.memory_space<vmem>>) target(%dma_start3A_199 : memref<64x64xf32, #tpu.memory_space<vmem_shared>>) target_semaphore(%run_scoped3A : memref<!tpu.dma_semaphore, #tpu.memory_space<semaphore_mem>>)
        %dma_wait3A = arith.constant 0 : i32
        %dma_wait3A_200 = tpu.memref_slice %arg9[%add3A_194, %dma_wait3A] : memref<10240x64xf32, #tpu.memory_space<vmem_shared>> -> memref<64x64xf32, #tpu.memory_space<vmem_shared>>
        %dma_wait3A_201 = arith.constant 0 : i32
        %dma_wait3A_202 = tpu.memref_slice %arg9[%add3A_194, %dma_wait3A_201] : memref<10240x64xf32, #tpu.memory_space<vmem_shared>> -> memref<64x64xf32, #tpu.memory_space<vmem_shared>>
        tpu.wait_dma2 semaphore(%run_scoped3A : memref<!tpu.dma_semaphore, #tpu.memory_space<semaphore_mem>>) src(%arg12 : memref<64x64xf32, #tpu.memory_space<vmem>>) dst(%dma_wait3A_202 : memref<64x64xf32, #tpu.memory_space<vmem_shared>>)
        tpu.yield
      }) : () -> ()
      %scan3A_195 = arith.constant 0 : i32
      scf.yield %scan3A_195 : i32
    }
    %scan3A_121 = arith.constant 10 : i32
    %lt3A_122 = arith.constant 15 : i32
    %lt3A_123 = arith.cmpi slt, %arg1, %lt3A_122 : i32
    %jit3A_124 = arith.constant 8 : i32
    %jit3A_125 = arith.constant 5 : i32
    %select_n3A_126 = arith.select %lt3A_123, %jit3A_124, %jit3A_125 : i32
    %while3A_127 = arith.constant 0 : i32
    %while3A_128 = arith.constant 0 : i32
    %while3A_129 = arith.subi %select_n3A_126, %while3A_127 : i32
    %while3A_130 = arith.addi %while3A_127, %while3A_129 : i32
    %while3A_131 = arith.constant 1 : i32
    %while3A_132 = arith.divsi %while3A_129, %while3A_131 : i32
    %while3A_133 = arith.muli %while3A_132, %while3A_131 : i32
    %while3A_134 = arith.addi %while3A_127, %while3A_133 : i32
    %while3A_135 = arith.constant 1 : i32
    %while3A_136 = scf.for %while3A_188 = %while3A_127 to %while3A_134 step %while3A_135 iter_args(%while3A_189 = %while3A_128) -> (i32)  : i32 {
      %mul3A_190 = arith.constant 640 : i32
      %mul3A_191 = arith.muli %arg1, %mul3A_190 : i32
      %mul3A_192 = arith.constant 80 : i32
      %mul3A_193 = arith.muli %while3A_188, %mul3A_192 : i32
      %add3A_194 = arith.addi %mul3A_191, %mul3A_193 : i32
      "tpu.region"() ({
        %run_scoped3A = tpu.sem_alloc : memref<!tpu.dma_semaphore, #tpu.memory_space<semaphore_mem>>
        %dma_start3A_196 = arith.constant 0 : i32
        %dma_start3A_197 = tpu.memref_slice %arg8[%add3A_194, %dma_start3A_196] : memref<10240x64xf32, #tpu.memory_space<vmem_shared>> -> memref<80x64xf32, #tpu.memory_space<vmem_shared>>
        %dma_start3A_198 = arith.constant 0 : i32
        %dma_start3A_199 = tpu.memref_slice %arg3[%add3A_194, %dma_start3A_198] : memref<10000x64xf32, #tpu.memory_space<hbm>> -> memref<80x64xf32, #tpu.memory_space<hbm>>
        tpu.enqueue_dma source(%dma_start3A_199 : memref<80x64xf32, #tpu.memory_space<hbm>>) target(%dma_start3A_197 : memref<80x64xf32, #tpu.memory_space<vmem_shared>>) target_semaphore(%run_scoped3A : memref<!tpu.dma_semaphore, #tpu.memory_space<semaphore_mem>>)
        %dma_wait3A = arith.constant 0 : i32
        %dma_wait3A_200 = tpu.memref_slice %arg8[%add3A_194, %dma_wait3A] : memref<10240x64xf32, #tpu.memory_space<vmem_shared>> -> memref<80x64xf32, #tpu.memory_space<vmem_shared>>
        %dma_wait3A_201 = arith.constant 0 : i32
        %dma_wait3A_202 = tpu.memref_slice %arg3[%add3A_194, %dma_wait3A_201] : memref<10000x64xf32, #tpu.memory_space<hbm>> -> memref<80x64xf32, #tpu.memory_space<hbm>>
        tpu.wait_dma2 semaphore(%run_scoped3A : memref<!tpu.dma_semaphore, #tpu.memory_space<semaphore_mem>>) src(%dma_wait3A_202 : memref<80x64xf32, #tpu.memory_space<hbm>>) dst(%dma_wait3A_200 : memref<80x64xf32, #tpu.memory_space<vmem_shared>>)
        tpu.yield
      }) : () -> ()
      %while3A_195 = arith.constant 0 : i32
      scf.yield %while3A_195 : i32
    }
    %while3A_137 = arith.constant 1 : i32
    %while3A_138 = scf.for %while3A_188 = %while3A_134 to %while3A_130 step %while3A_137 iter_args(%while3A_189 = %while3A_136) -> (i32)  : i32 {
      %mul3A_190 = arith.constant 640 : i32
      %mul3A_191 = arith.muli %arg1, %mul3A_190 : i32
      %mul3A_192 = arith.constant 80 : i32
      %mul3A_193 = arith.muli %while3A_188, %mul3A_192 : i32
      %add3A_194 = arith.addi %mul3A_191, %mul3A_193 : i32
      "tpu.region"() ({
        %run_scoped3A = tpu.sem_alloc : memref<!tpu.dma_semaphore, #tpu.memory_space<semaphore_mem>>
        %dma_start3A_196 = arith.constant 0 : i32
        %dma_start3A_197 = tpu.memref_slice %arg8[%add3A_194, %dma_start3A_196] : memref<10240x64xf32, #tpu.memory_space<vmem_shared>> -> memref<80x64xf32, #tpu.memory_space<vmem_shared>>
        %dma_start3A_198 = arith.constant 0 : i32
        %dma_start3A_199 = tpu.memref_slice %arg3[%add3A_194, %dma_start3A_198] : memref<10000x64xf32, #tpu.memory_space<hbm>> -> memref<80x64xf32, #tpu.memory_space<hbm>>
        tpu.enqueue_dma source(%dma_start3A_199 : memref<80x64xf32, #tpu.memory_space<hbm>>) target(%dma_start3A_197 : memref<80x64xf32, #tpu.memory_space<vmem_shared>>) target_semaphore(%run_scoped3A : memref<!tpu.dma_semaphore, #tpu.memory_space<semaphore_mem>>)
        %dma_wait3A = arith.constant 0 : i32
        %dma_wait3A_200 = tpu.memref_slice %arg8[%add3A_194, %dma_wait3A] : memref<10240x64xf32, #tpu.memory_space<vmem_shared>> -> memref<80x64xf32, #tpu.memory_space<vmem_shared>>
        %dma_wait3A_201 = arith.constant 0 : i32
        %dma_wait3A_202 = tpu.memref_slice %arg3[%add3A_194, %dma_wait3A_201] : memref<10000x64xf32, #tpu.memory_space<hbm>> -> memref<80x64xf32, #tpu.memory_space<hbm>>
        tpu.wait_dma2 semaphore(%run_scoped3A : memref<!tpu.dma_semaphore, #tpu.memory_space<semaphore_mem>>) src(%dma_wait3A_202 : memref<80x64xf32, #tpu.memory_space<hbm>>) dst(%dma_wait3A_200 : memref<80x64xf32, #tpu.memory_space<vmem_shared>>)
        tpu.yield
      }) : () -> ()
      %while3A_195 = arith.constant 0 : i32
      scf.yield %while3A_195 : i32
    }
    %barrier3A_139 = arith.constant 0 : index
    tpu.barrier barrier_id(%barrier3A_139)
    %mul3A_140 = arith.constant 2 : i32
    %mul3A_141 = arith.muli %add3A, %mul3A_140 : i32
    %add3A_142 = arith.constant 0 : i32
    %add3A_143 = arith.addi %mul3A_141, %add3A_142 : i32
    "tpu.region"() ({
      %run_scoped3A = tpu.sem_alloc : memref<!tpu.dma_semaphore, #tpu.memory_space<semaphore_mem>>
      %dma_start3A_188 = arith.constant 0 : i32
      %dma_start3A_189 = arith.constant 0 : i32
      %dma_start3A_190 = tpu.memref_slice %arg4[%add3A_143, %dma_start3A_188, %dma_start3A_189] : memref<64x80x64xi32, #tpu.memory_space<hbm>> -> memref<1x80x64xi32, #tpu.memory_space<hbm>>
      %dma_start3A_191 = tpu.memref_squeeze %dma_start3A_190 : memref<1x80x64xi32, #tpu.memory_space<hbm>> -> memref<80x64xi32, #tpu.memory_space<hbm>>
      %dma_start3A_192 = arith.constant 0 : i32
      %dma_start3A_193 = arith.constant 0 : i32
      %dma_start3A_194 = tpu.memref_slice %arg4[%add3A_143, %dma_start3A_192, %dma_start3A_193] : memref<64x80x64xi32, #tpu.memory_space<hbm>> -> memref<1x80x64xi32, #tpu.memory_space<hbm>>
      %dma_start3A_195 = tpu.memref_squeeze %dma_start3A_194 : memref<1x80x64xi32, #tpu.memory_space<hbm>> -> memref<80x64xi32, #tpu.memory_space<hbm>>
      tpu.enqueue_dma source(%dma_start3A_195 : memref<80x64xi32, #tpu.memory_space<hbm>>) target(%arg10 : memref<80x64xi32, #tpu.memory_space<vmem>>) target_semaphore(%run_scoped3A : memref<!tpu.dma_semaphore, #tpu.memory_space<semaphore_mem>>)
      %dma_wait3A = arith.constant 0 : i32
      %dma_wait3A_196 = arith.constant 0 : i32
      %dma_wait3A_197 = tpu.memref_slice %arg4[%add3A_143, %dma_wait3A, %dma_wait3A_196] : memref<64x80x64xi32, #tpu.memory_space<hbm>> -> memref<1x80x64xi32, #tpu.memory_space<hbm>>
      %dma_wait3A_198 = tpu.memref_squeeze %dma_wait3A_197 : memref<1x80x64xi32, #tpu.memory_space<hbm>> -> memref<80x64xi32, #tpu.memory_space<hbm>>
      %dma_wait3A_199 = arith.constant 0 : i32
      %dma_wait3A_200 = arith.constant 0 : i32
      %dma_wait3A_201 = tpu.memref_slice %arg4[%add3A_143, %dma_wait3A_199, %dma_wait3A_200] : memref<64x80x64xi32, #tpu.memory_space<hbm>> -> memref<1x80x64xi32, #tpu.memory_space<hbm>>
      %dma_wait3A_202 = tpu.memref_squeeze %dma_wait3A_201 : memref<1x80x64xi32, #tpu.memory_space<hbm>> -> memref<80x64xi32, #tpu.memory_space<hbm>>
      tpu.wait_dma2 semaphore(%run_scoped3A : memref<!tpu.dma_semaphore, #tpu.memory_space<semaphore_mem>>) src(%dma_wait3A_202 : memref<80x64xi32, #tpu.memory_space<hbm>>) dst(%arg10 : memref<80x64xi32, #tpu.memory_space<vmem>>)
      tpu.yield
    }) : () -> ()
    %mul3A_144 = arith.constant 2 : i32
    %mul3A_145 = arith.muli %add3A, %mul3A_144 : i32
    %add3A_146 = arith.constant 0 : i32
    %add3A_147 = arith.addi %mul3A_145, %add3A_146 : i32
    "tpu.region"() ({
      %run_scoped3A = tpu.sem_alloc : memref<!tpu.dma_semaphore, #tpu.memory_space<semaphore_mem>>
      %dma_start3A_188 = arith.constant 0 : i32
      %dma_start3A_189 = arith.constant 0 : i32
      %dma_start3A_190 = tpu.memref_slice %arg5[%add3A_147, %dma_start3A_188, %dma_start3A_189] : memref<64x80x64xi32, #tpu.memory_space<hbm>> -> memref<1x80x64xi32, #tpu.memory_space<hbm>>
      %dma_start3A_191 = tpu.memref_squeeze %dma_start3A_190 : memref<1x80x64xi32, #tpu.memory_space<hbm>> -> memref<80x64xi32, #tpu.memory_space<hbm>>
      %dma_start3A_192 = arith.constant 0 : i32
      %dma_start3A_193 = arith.constant 0 : i32
      %dma_start3A_194 = tpu.memref_slice %arg5[%add3A_147, %dma_start3A_192, %dma_start3A_193] : memref<64x80x64xi32, #tpu.memory_space<hbm>> -> memref<1x80x64xi32, #tpu.memory_space<hbm>>
      %dma_start3A_195 = tpu.memref_squeeze %dma_start3A_194 : memref<1x80x64xi32, #tpu.memory_space<hbm>> -> memref<80x64xi32, #tpu.memory_space<hbm>>
      tpu.enqueue_dma source(%dma_start3A_195 : memref<80x64xi32, #tpu.memory_space<hbm>>) target(%arg11 : memref<80x64xi32, #tpu.memory_space<vmem>>) target_semaphore(%run_scoped3A : memref<!tpu.dma_semaphore, #tpu.memory_space<semaphore_mem>>)
      %dma_wait3A = arith.constant 0 : i32
      %dma_wait3A_196 = arith.constant 0 : i32
      %dma_wait3A_197 = tpu.memref_slice %arg5[%add3A_147, %dma_wait3A, %dma_wait3A_196] : memref<64x80x64xi32, #tpu.memory_space<hbm>> -> memref<1x80x64xi32, #tpu.memory_space<hbm>>
      %dma_wait3A_198 = tpu.memref_squeeze %dma_wait3A_197 : memref<1x80x64xi32, #tpu.memory_space<hbm>> -> memref<80x64xi32, #tpu.memory_space<hbm>>
      %dma_wait3A_199 = arith.constant 0 : i32
      %dma_wait3A_200 = arith.constant 0 : i32
      %dma_wait3A_201 = tpu.memref_slice %arg5[%add3A_147, %dma_wait3A_199, %dma_wait3A_200] : memref<64x80x64xi32, #tpu.memory_space<hbm>> -> memref<1x80x64xi32, #tpu.memory_space<hbm>>
      %dma_wait3A_202 = tpu.memref_squeeze %dma_wait3A_201 : memref<1x80x64xi32, #tpu.memory_space<hbm>> -> memref<80x64xi32, #tpu.memory_space<hbm>>
      tpu.wait_dma2 semaphore(%run_scoped3A : memref<!tpu.dma_semaphore, #tpu.memory_space<semaphore_mem>>) src(%dma_wait3A_202 : memref<80x64xi32, #tpu.memory_space<hbm>>) dst(%arg11 : memref<80x64xi32, #tpu.memory_space<vmem>>)
      tpu.yield
    }) : () -> ()
    %dma_start3A_148 = arith.constant 0 : i32
    %dma_start3A_149 = arith.constant 0 : i32
    %dma_start3A_150 = tpu.memref_slice %arg10[%dma_start3A_148, %dma_start3A_149] : memref<80x64xi32, #tpu.memory_space<vmem>> -> memref<1x64xi32, #tpu.memory_space<vmem>>
    %dma_start3A_151 = tpu.memref_squeeze %dma_start3A_150 : memref<1x64xi32, #tpu.memory_space<vmem>> -> memref<64xi32, #tpu.memory_space<vmem>>
    %dma_start3A_152 = arith.constant 0 : i32
    %dma_start3A_153 = arith.constant 0 : i32
    %dma_start3A_154 = tpu.memref_slice %arg8[%dma_start3A_152, %dma_start3A_153] : memref<10240x64xf32, #tpu.memory_space<vmem_shared>> -> memref<10240x64xf32, #tpu.memory_space<vmem_shared>>
    tpu.enqueue_indirect_dma source(%dma_start3A_154 : memref<10240x64xf32, #tpu.memory_space<vmem_shared>>) target(%arg12 : memref<64x64xf32, #tpu.memory_space<vmem>>) offsets(%dma_start3A_151 : memref<64xi32, #tpu.memory_space<vmem>>) semaphore(%arg14 : memref<!tpu.dma_semaphore, #tpu.memory_space<semaphore_mem>>)
    %scan3A_155 = arith.constant 0 : i32
    %scan3A_156 = arith.constant 40 : i32
    %scan3A_157 = arith.addi %scan3A_155, %scan3A_156 : i32
    %scan3A_158 = arith.constant 1 : i32
    scf.for %scan3A_188 = %scan3A_155 to %scan3A_157 step %scan3A_158  : i32 {
      %mul3A_189 = arith.constant 2 : i32
      %mul3A_190 = arith.muli %scan3A_188, %mul3A_189 : i32
      %add3A_191 = arith.constant 0 : i32
      %add3A_192 = arith.addi %add3A_191, %mul3A_190 : i32
      %add3A_193 = arith.constant 0 : i32
      %add3A_194 = arith.addi %add3A_192, %add3A_193 : i32
      %dma_wait3A = arith.constant 0 : i32
      %dma_wait3A_195 = tpu.memref_slice %arg10[%add3A_194, %dma_wait3A] : memref<80x64xi32, #tpu.memory_space<vmem>> -> memref<1x64xi32, #tpu.memory_space<vmem>>
      %dma_wait3A_196 = tpu.memref_squeeze %dma_wait3A_195 : memref<1x64xi32, #tpu.memory_space<vmem>> -> memref<64xi32, #tpu.memory_space<vmem>>
      %dma_wait3A_197 = arith.constant 0 : i32
      %dma_wait3A_198 = arith.constant 0 : i32
      %dma_wait3A_199 = tpu.memref_slice %arg8[%dma_wait3A_197, %dma_wait3A_198] : memref<10240x64xf32, #tpu.memory_space<vmem_shared>> -> memref<10240x64xf32, #tpu.memory_space<vmem_shared>>
      tpu.wait_indirect_dma semaphore(%arg14 : memref<!tpu.dma_semaphore, #tpu.memory_space<semaphore_mem>>) src(%dma_wait3A_199 : memref<10240x64xf32, #tpu.memory_space<vmem_shared>>) dst(%arg12 : memref<64x64xf32, #tpu.memory_space<vmem>>)
      %add3A_200 = arith.constant 2 : i32
      %add3A_201 = arith.addi %add3A_194, %add3A_200 : i32
      %sub3A = arith.constant 1 : i32
      %sub3A_202 = arith.subi %add3A_201, %sub3A : i32
      %lt3A_203 = arith.constant 80 : i32
      %lt3A_204 = arith.cmpi slt, %sub3A_202, %lt3A_203 : i32
      %convert_element_type3A = arith.extui %lt3A_204 : i1 to i32
      %cond3A = arith.constant 0 : i32
      %cond3A_205 = arith.cmpi ne, %convert_element_type3A, %cond3A : i32
      scf.if %cond3A_205 {
        %add3A_223 = arith.constant 2 : i32
        %add3A_224 = arith.addi %add3A_194, %add3A_223 : i32
        %sub3A_225 = arith.constant 1 : i32
        %sub3A_226 = arith.subi %add3A_224, %sub3A_225 : i32
        %dma_start3A_227 = arith.constant 0 : i32
        %dma_start3A_228 = tpu.memref_slice %arg10[%sub3A_226, %dma_start3A_227] : memref<80x64xi32, #tpu.memory_space<vmem>> -> memref<1x64xi32, #tpu.memory_space<vmem>>
        %dma_start3A_229 = tpu.memref_squeeze %dma_start3A_228 : memref<1x64xi32, #tpu.memory_space<vmem>> -> memref<64xi32, #tpu.memory_space<vmem>>
        %dma_start3A_230 = arith.constant 0 : i32
        %dma_start3A_231 = arith.constant 0 : i32
        %dma_start3A_232 = tpu.memref_slice %arg8[%dma_start3A_230, %dma_start3A_231] : memref<10240x64xf32, #tpu.memory_space<vmem_shared>> -> memref<10240x64xf32, #tpu.memory_space<vmem_shared>>
        tpu.enqueue_indirect_dma source(%dma_start3A_232 : memref<10240x64xf32, #tpu.memory_space<vmem_shared>>) target(%arg13 : memref<64x64xf32, #tpu.memory_space<vmem>>) offsets(%dma_start3A_229 : memref<64xi32, #tpu.memory_space<vmem>>) semaphore(%arg15 : memref<!tpu.dma_semaphore, #tpu.memory_space<semaphore_mem>>)
      } else {
      }
      "tpu.region"() ({
        %run_scoped3A = tpu.sem_alloc : memref<!tpu.dma_semaphore, #tpu.memory_space<semaphore_mem>>
        %dma_start3A_223 = arith.constant 0 : i32
        %dma_start3A_224 = tpu.memref_slice %arg11[%add3A_194, %dma_start3A_223] : memref<80x64xi32, #tpu.memory_space<vmem>> -> memref<1x64xi32, #tpu.memory_space<vmem>>
        %dma_start3A_225 = tpu.memref_squeeze %dma_start3A_224 : memref<1x64xi32, #tpu.memory_space<vmem>> -> memref<64xi32, #tpu.memory_space<vmem>>
        %dma_start3A_226 = arith.constant 0 : i32
        %dma_start3A_227 = arith.constant 0 : i32
        %dma_start3A_228 = tpu.memref_slice %arg9[%dma_start3A_226, %dma_start3A_227] : memref<10240x64xf32, #tpu.memory_space<vmem_shared>> -> memref<10240x64xf32, #tpu.memory_space<vmem_shared>>
        tpu.enqueue_indirect_dma source(%arg12 : memref<64x64xf32, #tpu.memory_space<vmem>>) target(%dma_start3A_228 : memref<10240x64xf32, #tpu.memory_space<vmem_shared>>) offsets(%dma_start3A_225 : memref<64xi32, #tpu.memory_space<vmem>>) semaphore(%run_scoped3A : memref<!tpu.dma_semaphore, #tpu.memory_space<semaphore_mem>>) {add = true}
        %dma_wait3A_229 = arith.constant 0 : i32
        %dma_wait3A_230 = tpu.memref_slice %arg11[%add3A_194, %dma_wait3A_229] : memref<80x64xi32, #tpu.memory_space<vmem>> -> memref<1x64xi32, #tpu.memory_space<vmem>>
        %dma_wait3A_231 = tpu.memref_squeeze %dma_wait3A_230 : memref<1x64xi32, #tpu.memory_space<vmem>> -> memref<64xi32, #tpu.memory_space<vmem>>
        %dma_wait3A_232 = arith.constant 0 : i32
        %dma_wait3A_233 = arith.constant 0 : i32
        %dma_wait3A_234 = tpu.memref_slice %arg9[%dma_wait3A_232, %dma_wait3A_233] : memref<10240x64xf32, #tpu.memory_space<vmem_shared>> -> memref<10240x64xf32, #tpu.memory_space<vmem_shared>>
        tpu.wait_indirect_dma semaphore(%run_scoped3A : memref<!tpu.dma_semaphore, #tpu.memory_space<semaphore_mem>>) src(%arg12 : memref<64x64xf32, #tpu.memory_space<vmem>>) dst(%dma_wait3A_234 : memref<10240x64xf32, #tpu.memory_space<vmem_shared>>)
        tpu.yield
      }) : () -> ()
      %add3A_206 = arith.constant 1 : i32
      %add3A_207 = arith.addi %add3A_192, %add3A_206 : i32
      %dma_wait3A_208 = arith.constant 0 : i32
      %dma_wait3A_209 = tpu.memref_slice %arg10[%add3A_207, %dma_wait3A_208] : memref<80x64xi32, #tpu.memory_space<vmem>> -> memref<1x64xi32, #tpu.memory_space<vmem>>
      %dma_wait3A_210 = tpu.memref_squeeze %dma_wait3A_209 : memref<1x64xi32, #tpu.memory_space<vmem>> -> memref<64xi32, #tpu.memory_space<vmem>>
      %dma_wait3A_211 = arith.constant 0 : i32
      %dma_wait3A_212 = arith.constant 0 : i32
      %dma_wait3A_213 = tpu.memref_slice %arg8[%dma_wait3A_211, %dma_wait3A_212] : memref<10240x64xf32, #tpu.memory_space<vmem_shared>> -> memref<10240x64xf32, #tpu.memory_space<vmem_shared>>
      tpu.wait_indirect_dma semaphore(%arg15 : memref<!tpu.dma_semaphore, #tpu.memory_space<semaphore_mem>>) src(%dma_wait3A_213 : memref<10240x64xf32, #tpu.memory_space<vmem_shared>>) dst(%arg13 : memref<64x64xf32, #tpu.memory_space<vmem>>)
      %add3A_214 = arith.constant 2 : i32
      %add3A_215 = arith.addi %add3A_207, %add3A_214 : i32
      %sub3A_216 = arith.constant 1 : i32
      %sub3A_217 = arith.subi %add3A_215, %sub3A_216 : i32
      %lt3A_218 = arith.constant 80 : i32
      %lt3A_219 = arith.cmpi slt, %sub3A_217, %lt3A_218 : i32
      %convert_element_type3A_220 = arith.extui %lt3A_219 : i1 to i32
      %cond3A_221 = arith.constant 0 : i32
      %cond3A_222 = arith.cmpi ne, %convert_element_type3A_220, %cond3A_221 : i32
      scf.if %cond3A_222 {
        %add3A_223 = arith.constant 2 : i32
        %add3A_224 = arith.addi %add3A_207, %add3A_223 : i32
        %sub3A_225 = arith.constant 1 : i32
        %sub3A_226 = arith.subi %add3A_224, %sub3A_225 : i32
        %dma_start3A_227 = arith.constant 0 : i32
        %dma_start3A_228 = tpu.memref_slice %arg10[%sub3A_226, %dma_start3A_227] : memref<80x64xi32, #tpu.memory_space<vmem>> -> memref<1x64xi32, #tpu.memory_space<vmem>>
        %dma_start3A_229 = tpu.memref_squeeze %dma_start3A_228 : memref<1x64xi32, #tpu.memory_space<vmem>> -> memref<64xi32, #tpu.memory_space<vmem>>
        %dma_start3A_230 = arith.constant 0 : i32
        %dma_start3A_231 = arith.constant 0 : i32
        %dma_start3A_232 = tpu.memref_slice %arg8[%dma_start3A_230, %dma_start3A_231] : memref<10240x64xf32, #tpu.memory_space<vmem_shared>> -> memref<10240x64xf32, #tpu.memory_space<vmem_shared>>
        tpu.enqueue_indirect_dma source(%dma_start3A_232 : memref<10240x64xf32, #tpu.memory_space<vmem_shared>>) target(%arg12 : memref<64x64xf32, #tpu.memory_space<vmem>>) offsets(%dma_start3A_229 : memref<64xi32, #tpu.memory_space<vmem>>) semaphore(%arg14 : memref<!tpu.dma_semaphore, #tpu.memory_space<semaphore_mem>>)
      } else {
      }
      "tpu.region"() ({
        %run_scoped3A = tpu.sem_alloc : memref<!tpu.dma_semaphore, #tpu.memory_space<semaphore_mem>>
        %dma_start3A_223 = arith.constant 0 : i32
        %dma_start3A_224 = tpu.memref_slice %arg11[%add3A_207, %dma_start3A_223] : memref<80x64xi32, #tpu.memory_space<vmem>> -> memref<1x64xi32, #tpu.memory_space<vmem>>
        %dma_start3A_225 = tpu.memref_squeeze %dma_start3A_224 : memref<1x64xi32, #tpu.memory_space<vmem>> -> memref<64xi32, #tpu.memory_space<vmem>>
        %dma_start3A_226 = arith.constant 0 : i32
        %dma_start3A_227 = arith.constant 0 : i32
        %dma_start3A_228 = tpu.memref_slice %arg9[%dma_start3A_226, %dma_start3A_227] : memref<10240x64xf32, #tpu.memory_space<vmem_shared>> -> memref<10240x64xf32, #tpu.memory_space<vmem_shared>>
        tpu.enqueue_indirect_dma source(%arg13 : memref<64x64xf32, #tpu.memory_space<vmem>>) target(%dma_start3A_228 : memref<10240x64xf32, #tpu.memory_space<vmem_shared>>) offsets(%dma_start3A_225 : memref<64xi32, #tpu.memory_space<vmem>>) semaphore(%run_scoped3A : memref<!tpu.dma_semaphore, #tpu.memory_space<semaphore_mem>>) {add = true}
        %dma_wait3A_229 = arith.constant 0 : i32
        %dma_wait3A_230 = tpu.memref_slice %arg11[%add3A_207, %dma_wait3A_229] : memref<80x64xi32, #tpu.memory_space<vmem>> -> memref<1x64xi32, #tpu.memory_space<vmem>>
        %dma_wait3A_231 = tpu.memref_squeeze %dma_wait3A_230 : memref<1x64xi32, #tpu.memory_space<vmem>> -> memref<64xi32, #tpu.memory_space<vmem>>
        %dma_wait3A_232 = arith.constant 0 : i32
        %dma_wait3A_233 = arith.constant 0 : i32
        %dma_wait3A_234 = tpu.memref_slice %arg9[%dma_wait3A_232, %dma_wait3A_233] : memref<10240x64xf32, #tpu.memory_space<vmem_shared>> -> memref<10240x64xf32, #tpu.memory_space<vmem_shared>>
        tpu.wait_indirect_dma semaphore(%run_scoped3A : memref<!tpu.dma_semaphore, #tpu.memory_space<semaphore_mem>>) src(%arg13 : memref<64x64xf32, #tpu.memory_space<vmem>>) dst(%dma_wait3A_234 : memref<10240x64xf32, #tpu.memory_space<vmem_shared>>)
        tpu.yield
      }) : () -> ()
    }
    %scan3A_159 = arith.constant 40 : i32
    %mul3A_160 = arith.constant 2 : i32
    %mul3A_161 = arith.muli %add3A, %mul3A_160 : i32
    %add3A_162 = arith.constant 1 : i32
    %add3A_163 = arith.addi %mul3A_161, %add3A_162 : i32
    "tpu.region"() ({
      %run_scoped3A = tpu.sem_alloc : memref<!tpu.dma_semaphore, #tpu.memory_space<semaphore_mem>>
      %dma_start3A_188 = arith.constant 0 : i32
      %dma_start3A_189 = arith.constant 0 : i32
      %dma_start3A_190 = tpu.memref_slice %arg4[%add3A_163, %dma_start3A_188, %dma_start3A_189] : memref<64x80x64xi32, #tpu.memory_space<hbm>> -> memref<1x80x64xi32, #tpu.memory_space<hbm>>
      %dma_start3A_191 = tpu.memref_squeeze %dma_start3A_190 : memref<1x80x64xi32, #tpu.memory_space<hbm>> -> memref<80x64xi32, #tpu.memory_space<hbm>>
      %dma_start3A_192 = arith.constant 0 : i32
      %dma_start3A_193 = arith.constant 0 : i32
      %dma_start3A_194 = tpu.memref_slice %arg4[%add3A_163, %dma_start3A_192, %dma_start3A_193] : memref<64x80x64xi32, #tpu.memory_space<hbm>> -> memref<1x80x64xi32, #tpu.memory_space<hbm>>
      %dma_start3A_195 = tpu.memref_squeeze %dma_start3A_194 : memref<1x80x64xi32, #tpu.memory_space<hbm>> -> memref<80x64xi32, #tpu.memory_space<hbm>>
      tpu.enqueue_dma source(%dma_start3A_195 : memref<80x64xi32, #tpu.memory_space<hbm>>) target(%arg10 : memref<80x64xi32, #tpu.memory_space<vmem>>) target_semaphore(%run_scoped3A : memref<!tpu.dma_semaphore, #tpu.memory_space<semaphore_mem>>)
      %dma_wait3A = arith.constant 0 : i32
      %dma_wait3A_196 = arith.constant 0 : i32
      %dma_wait3A_197 = tpu.memref_slice %arg4[%add3A_163, %dma_wait3A, %dma_wait3A_196] : memref<64x80x64xi32, #tpu.memory_space<hbm>> -> memref<1x80x64xi32, #tpu.memory_space<hbm>>
      %dma_wait3A_198 = tpu.memref_squeeze %dma_wait3A_197 : memref<1x80x64xi32, #tpu.memory_space<hbm>> -> memref<80x64xi32, #tpu.memory_space<hbm>>
      %dma_wait3A_199 = arith.constant 0 : i32
      %dma_wait3A_200 = arith.constant 0 : i32
      %dma_wait3A_201 = tpu.memref_slice %arg4[%add3A_163, %dma_wait3A_199, %dma_wait3A_200] : memref<64x80x64xi32, #tpu.memory_space<hbm>> -> memref<1x80x64xi32, #tpu.memory_space<hbm>>
      %dma_wait3A_202 = tpu.memref_squeeze %dma_wait3A_201 : memref<1x80x64xi32, #tpu.memory_space<hbm>> -> memref<80x64xi32, #tpu.memory_space<hbm>>
      tpu.wait_dma2 semaphore(%run_scoped3A : memref<!tpu.dma_semaphore, #tpu.memory_space<semaphore_mem>>) src(%dma_wait3A_202 : memref<80x64xi32, #tpu.memory_space<hbm>>) dst(%arg10 : memref<80x64xi32, #tpu.memory_space<vmem>>)
      tpu.yield
    }) : () -> ()
    %mul3A_164 = arith.constant 2 : i32
    %mul3A_165 = arith.muli %add3A, %mul3A_164 : i32
    %add3A_166 = arith.constant 1 : i32
    %add3A_167 = arith.addi %mul3A_165, %add3A_166 : i32
    "tpu.region"() ({
      %run_scoped3A = tpu.sem_alloc : memref<!tpu.dma_semaphore, #tpu.memory_space<semaphore_mem>>
      %dma_start3A_188 = arith.constant 0 : i32
      %dma_start3A_189 = arith.constant 0 : i32
      %dma_start3A_190 = tpu.memref_slice %arg5[%add3A_167, %dma_start3A_188, %dma_start3A_189] : memref<64x80x64xi32, #tpu.memory_space<hbm>> -> memref<1x80x64xi32, #tpu.memory_space<hbm>>
      %dma_start3A_191 = tpu.memref_squeeze %dma_start3A_190 : memref<1x80x64xi32, #tpu.memory_space<hbm>> -> memref<80x64xi32, #tpu.memory_space<hbm>>
      %dma_start3A_192 = arith.constant 0 : i32
      %dma_start3A_193 = arith.constant 0 : i32
      %dma_start3A_194 = tpu.memref_slice %arg5[%add3A_167, %dma_start3A_192, %dma_start3A_193] : memref<64x80x64xi32, #tpu.memory_space<hbm>> -> memref<1x80x64xi32, #tpu.memory_space<hbm>>
      %dma_start3A_195 = tpu.memref_squeeze %dma_start3A_194 : memref<1x80x64xi32, #tpu.memory_space<hbm>> -> memref<80x64xi32, #tpu.memory_space<hbm>>
      tpu.enqueue_dma source(%dma_start3A_195 : memref<80x64xi32, #tpu.memory_space<hbm>>) target(%arg11 : memref<80x64xi32, #tpu.memory_space<vmem>>) target_semaphore(%run_scoped3A : memref<!tpu.dma_semaphore, #tpu.memory_space<semaphore_mem>>)
      %dma_wait3A = arith.constant 0 : i32
      %dma_wait3A_196 = arith.constant 0 : i32
      %dma_wait3A_197 = tpu.memref_slice %arg5[%add3A_167, %dma_wait3A, %dma_wait3A_196] : memref<64x80x64xi32, #tpu.memory_space<hbm>> -> memref<1x80x64xi32, #tpu.memory_space<hbm>>
      %dma_wait3A_198 = tpu.memref_squeeze %dma_wait3A_197 : memref<1x80x64xi32, #tpu.memory_space<hbm>> -> memref<80x64xi32, #tpu.memory_space<hbm>>
      %dma_wait3A_199 = arith.constant 0 : i32
      %dma_wait3A_200 = arith.constant 0 : i32
      %dma_wait3A_201 = tpu.memref_slice %arg5[%add3A_167, %dma_wait3A_199, %dma_wait3A_200] : memref<64x80x64xi32, #tpu.memory_space<hbm>> -> memref<1x80x64xi32, #tpu.memory_space<hbm>>
      %dma_wait3A_202 = tpu.memref_squeeze %dma_wait3A_201 : memref<1x80x64xi32, #tpu.memory_space<hbm>> -> memref<80x64xi32, #tpu.memory_space<hbm>>
      tpu.wait_dma2 semaphore(%run_scoped3A : memref<!tpu.dma_semaphore, #tpu.memory_space<semaphore_mem>>) src(%dma_wait3A_202 : memref<80x64xi32, #tpu.memory_space<hbm>>) dst(%arg11 : memref<80x64xi32, #tpu.memory_space<vmem>>)
      tpu.yield
    }) : () -> ()
    %dma_start3A_168 = arith.constant 0 : i32
    %dma_start3A_169 = arith.constant 0 : i32
    %dma_start3A_170 = tpu.memref_slice %arg10[%dma_start3A_168, %dma_start3A_169] : memref<80x64xi32, #tpu.memory_space<vmem>> -> memref<1x64xi32, #tpu.memory_space<vmem>>
    %dma_start3A_171 = tpu.memref_squeeze %dma_start3A_170 : memref<1x64xi32, #tpu.memory_space<vmem>> -> memref<64xi32, #tpu.memory_space<vmem>>
    %dma_start3A_172 = arith.constant 0 : i32
    %dma_start3A_173 = arith.constant 0 : i32
    %dma_start3A_174 = tpu.memref_slice %arg8[%dma_start3A_172, %dma_start3A_173] : memref<10240x64xf32, #tpu.memory_space<vmem_shared>> -> memref<10240x64xf32, #tpu.memory_space<vmem_shared>>
    tpu.enqueue_indirect_dma source(%dma_start3A_174 : memref<10240x64xf32, #tpu.memory_space<vmem_shared>>) target(%arg12 : memref<64x64xf32, #tpu.memory_space<vmem>>) offsets(%dma_start3A_171 : memref<64xi32, #tpu.memory_space<vmem>>) semaphore(%arg14 : memref<!tpu.dma_semaphore, #tpu.memory_space<semaphore_mem>>)
    %scan3A_175 = arith.constant 0 : i32
    %scan3A_176 = arith.constant 40 : i32
    %scan3A_177 = arith.addi %scan3A_175, %scan3A_176 : i32
    %scan3A_178 = arith.constant 1 : i32
    scf.for %scan3A_188 = %scan3A_175 to %scan3A_177 step %scan3A_178  : i32 {
      %mul3A_189 = arith.constant 2 : i32
      %mul3A_190 = arith.muli %scan3A_188, %mul3A_189 : i32
      %add3A_191 = arith.constant 0 : i32
      %add3A_192 = arith.addi %add3A_191, %mul3A_190 : i32
      %add3A_193 = arith.constant 0 : i32
      %add3A_194 = arith.addi %add3A_192, %add3A_193 : i32
      %dma_wait3A = arith.constant 0 : i32
      %dma_wait3A_195 = tpu.memref_slice %arg10[%add3A_194, %dma_wait3A] : memref<80x64xi32, #tpu.memory_space<vmem>> -> memref<1x64xi32, #tpu.memory_space<vmem>>
      %dma_wait3A_196 = tpu.memref_squeeze %dma_wait3A_195 : memref<1x64xi32, #tpu.memory_space<vmem>> -> memref<64xi32, #tpu.memory_space<vmem>>
      %dma_wait3A_197 = arith.constant 0 : i32
      %dma_wait3A_198 = arith.constant 0 : i32
      %dma_wait3A_199 = tpu.memref_slice %arg8[%dma_wait3A_197, %dma_wait3A_198] : memref<10240x64xf32, #tpu.memory_space<vmem_shared>> -> memref<10240x64xf32, #tpu.memory_space<vmem_shared>>
      tpu.wait_indirect_dma semaphore(%arg14 : memref<!tpu.dma_semaphore, #tpu.memory_space<semaphore_mem>>) src(%dma_wait3A_199 : memref<10240x64xf32, #tpu.memory_space<vmem_shared>>) dst(%arg12 : memref<64x64xf32, #tpu.memory_space<vmem>>)
      %add3A_200 = arith.constant 2 : i32
      %add3A_201 = arith.addi %add3A_194, %add3A_200 : i32
      %sub3A = arith.constant 1 : i32
      %sub3A_202 = arith.subi %add3A_201, %sub3A : i32
      %lt3A_203 = arith.constant 80 : i32
      %lt3A_204 = arith.cmpi slt, %sub3A_202, %lt3A_203 : i32
      %convert_element_type3A = arith.extui %lt3A_204 : i1 to i32
      %cond3A = arith.constant 0 : i32
      %cond3A_205 = arith.cmpi ne, %convert_element_type3A, %cond3A : i32
      scf.if %cond3A_205 {
        %add3A_223 = arith.constant 2 : i32
        %add3A_224 = arith.addi %add3A_194, %add3A_223 : i32
        %sub3A_225 = arith.constant 1 : i32
        %sub3A_226 = arith.subi %add3A_224, %sub3A_225 : i32
        %dma_start3A_227 = arith.constant 0 : i32
        %dma_start3A_228 = tpu.memref_slice %arg10[%sub3A_226, %dma_start3A_227] : memref<80x64xi32, #tpu.memory_space<vmem>> -> memref<1x64xi32, #tpu.memory_space<vmem>>
        %dma_start3A_229 = tpu.memref_squeeze %dma_start3A_228 : memref<1x64xi32, #tpu.memory_space<vmem>> -> memref<64xi32, #tpu.memory_space<vmem>>
        %dma_start3A_230 = arith.constant 0 : i32
        %dma_start3A_231 = arith.constant 0 : i32
        %dma_start3A_232 = tpu.memref_slice %arg8[%dma_start3A_230, %dma_start3A_231] : memref<10240x64xf32, #tpu.memory_space<vmem_shared>> -> memref<10240x64xf32, #tpu.memory_space<vmem_shared>>
        tpu.enqueue_indirect_dma source(%dma_start3A_232 : memref<10240x64xf32, #tpu.memory_space<vmem_shared>>) target(%arg13 : memref<64x64xf32, #tpu.memory_space<vmem>>) offsets(%dma_start3A_229 : memref<64xi32, #tpu.memory_space<vmem>>) semaphore(%arg15 : memref<!tpu.dma_semaphore, #tpu.memory_space<semaphore_mem>>)
      } else {
      }
      "tpu.region"() ({
        %run_scoped3A = tpu.sem_alloc : memref<!tpu.dma_semaphore, #tpu.memory_space<semaphore_mem>>
        %dma_start3A_223 = arith.constant 0 : i32
        %dma_start3A_224 = tpu.memref_slice %arg11[%add3A_194, %dma_start3A_223] : memref<80x64xi32, #tpu.memory_space<vmem>> -> memref<1x64xi32, #tpu.memory_space<vmem>>
        %dma_start3A_225 = tpu.memref_squeeze %dma_start3A_224 : memref<1x64xi32, #tpu.memory_space<vmem>> -> memref<64xi32, #tpu.memory_space<vmem>>
        %dma_start3A_226 = arith.constant 0 : i32
        %dma_start3A_227 = arith.constant 0 : i32
        %dma_start3A_228 = tpu.memref_slice %arg9[%dma_start3A_226, %dma_start3A_227] : memref<10240x64xf32, #tpu.memory_space<vmem_shared>> -> memref<10240x64xf32, #tpu.memory_space<vmem_shared>>
        tpu.enqueue_indirect_dma source(%arg12 : memref<64x64xf32, #tpu.memory_space<vmem>>) target(%dma_start3A_228 : memref<10240x64xf32, #tpu.memory_space<vmem_shared>>) offsets(%dma_start3A_225 : memref<64xi32, #tpu.memory_space<vmem>>) semaphore(%run_scoped3A : memref<!tpu.dma_semaphore, #tpu.memory_space<semaphore_mem>>) {add = true}
        %dma_wait3A_229 = arith.constant 0 : i32
        %dma_wait3A_230 = tpu.memref_slice %arg11[%add3A_194, %dma_wait3A_229] : memref<80x64xi32, #tpu.memory_space<vmem>> -> memref<1x64xi32, #tpu.memory_space<vmem>>
        %dma_wait3A_231 = tpu.memref_squeeze %dma_wait3A_230 : memref<1x64xi32, #tpu.memory_space<vmem>> -> memref<64xi32, #tpu.memory_space<vmem>>
        %dma_wait3A_232 = arith.constant 0 : i32
        %dma_wait3A_233 = arith.constant 0 : i32
        %dma_wait3A_234 = tpu.memref_slice %arg9[%dma_wait3A_232, %dma_wait3A_233] : memref<10240x64xf32, #tpu.memory_space<vmem_shared>> -> memref<10240x64xf32, #tpu.memory_space<vmem_shared>>
        tpu.wait_indirect_dma semaphore(%run_scoped3A : memref<!tpu.dma_semaphore, #tpu.memory_space<semaphore_mem>>) src(%arg12 : memref<64x64xf32, #tpu.memory_space<vmem>>) dst(%dma_wait3A_234 : memref<10240x64xf32, #tpu.memory_space<vmem_shared>>)
        tpu.yield
      }) : () -> ()
      %add3A_206 = arith.constant 1 : i32
      %add3A_207 = arith.addi %add3A_192, %add3A_206 : i32
      %dma_wait3A_208 = arith.constant 0 : i32
      %dma_wait3A_209 = tpu.memref_slice %arg10[%add3A_207, %dma_wait3A_208] : memref<80x64xi32, #tpu.memory_space<vmem>> -> memref<1x64xi32, #tpu.memory_space<vmem>>
      %dma_wait3A_210 = tpu.memref_squeeze %dma_wait3A_209 : memref<1x64xi32, #tpu.memory_space<vmem>> -> memref<64xi32, #tpu.memory_space<vmem>>
      %dma_wait3A_211 = arith.constant 0 : i32
      %dma_wait3A_212 = arith.constant 0 : i32
      %dma_wait3A_213 = tpu.memref_slice %arg8[%dma_wait3A_211, %dma_wait3A_212] : memref<10240x64xf32, #tpu.memory_space<vmem_shared>> -> memref<10240x64xf32, #tpu.memory_space<vmem_shared>>
      tpu.wait_indirect_dma semaphore(%arg15 : memref<!tpu.dma_semaphore, #tpu.memory_space<semaphore_mem>>) src(%dma_wait3A_213 : memref<10240x64xf32, #tpu.memory_space<vmem_shared>>) dst(%arg13 : memref<64x64xf32, #tpu.memory_space<vmem>>)
      %add3A_214 = arith.constant 2 : i32
      %add3A_215 = arith.addi %add3A_207, %add3A_214 : i32
      %sub3A_216 = arith.constant 1 : i32
      %sub3A_217 = arith.subi %add3A_215, %sub3A_216 : i32
      %lt3A_218 = arith.constant 80 : i32
      %lt3A_219 = arith.cmpi slt, %sub3A_217, %lt3A_218 : i32
      %convert_element_type3A_220 = arith.extui %lt3A_219 : i1 to i32
      %cond3A_221 = arith.constant 0 : i32
      %cond3A_222 = arith.cmpi ne, %convert_element_type3A_220, %cond3A_221 : i32
      scf.if %cond3A_222 {
        %add3A_223 = arith.constant 2 : i32
        %add3A_224 = arith.addi %add3A_207, %add3A_223 : i32
        %sub3A_225 = arith.constant 1 : i32
        %sub3A_226 = arith.subi %add3A_224, %sub3A_225 : i32
        %dma_start3A_227 = arith.constant 0 : i32
        %dma_start3A_228 = tpu.memref_slice %arg10[%sub3A_226, %dma_start3A_227] : memref<80x64xi32, #tpu.memory_space<vmem>> -> memref<1x64xi32, #tpu.memory_space<vmem>>
        %dma_start3A_229 = tpu.memref_squeeze %dma_start3A_228 : memref<1x64xi32, #tpu.memory_space<vmem>> -> memref<64xi32, #tpu.memory_space<vmem>>
        %dma_start3A_230 = arith.constant 0 : i32
        %dma_start3A_231 = arith.constant 0 : i32
        %dma_start3A_232 = tpu.memref_slice %arg8[%dma_start3A_230, %dma_start3A_231] : memref<10240x64xf32, #tpu.memory_space<vmem_shared>> -> memref<10240x64xf32, #tpu.memory_space<vmem_shared>>
        tpu.enqueue_indirect_dma source(%dma_start3A_232 : memref<10240x64xf32, #tpu.memory_space<vmem_shared>>) target(%arg12 : memref<64x64xf32, #tpu.memory_space<vmem>>) offsets(%dma_start3A_229 : memref<64xi32, #tpu.memory_space<vmem>>) semaphore(%arg14 : memref<!tpu.dma_semaphore, #tpu.memory_space<semaphore_mem>>)
      } else {
      }
      "tpu.region"() ({
        %run_scoped3A = tpu.sem_alloc : memref<!tpu.dma_semaphore, #tpu.memory_space<semaphore_mem>>
        %dma_start3A_223 = arith.constant 0 : i32
        %dma_start3A_224 = tpu.memref_slice %arg11[%add3A_207, %dma_start3A_223] : memref<80x64xi32, #tpu.memory_space<vmem>> -> memref<1x64xi32, #tpu.memory_space<vmem>>
        %dma_start3A_225 = tpu.memref_squeeze %dma_start3A_224 : memref<1x64xi32, #tpu.memory_space<vmem>> -> memref<64xi32, #tpu.memory_space<vmem>>
        %dma_start3A_226 = arith.constant 0 : i32
        %dma_start3A_227 = arith.constant 0 : i32
        %dma_start3A_228 = tpu.memref_slice %arg9[%dma_start3A_226, %dma_start3A_227] : memref<10240x64xf32, #tpu.memory_space<vmem_shared>> -> memref<10240x64xf32, #tpu.memory_space<vmem_shared>>
        tpu.enqueue_indirect_dma source(%arg13 : memref<64x64xf32, #tpu.memory_space<vmem>>) target(%dma_start3A_228 : memref<10240x64xf32, #tpu.memory_space<vmem_shared>>) offsets(%dma_start3A_225 : memref<64xi32, #tpu.memory_space<vmem>>) semaphore(%run_scoped3A : memref<!tpu.dma_semaphore, #tpu.memory_space<semaphore_mem>>) {add = true}
        %dma_wait3A_229 = arith.constant 0 : i32
        %dma_wait3A_230 = tpu.memref_slice %arg11[%add3A_207, %dma_wait3A_229] : memref<80x64xi32, #tpu.memory_space<vmem>> -> memref<1x64xi32, #tpu.memory_space<vmem>>
        %dma_wait3A_231 = tpu.memref_squeeze %dma_wait3A_230 : memref<1x64xi32, #tpu.memory_space<vmem>> -> memref<64xi32, #tpu.memory_space<vmem>>
        %dma_wait3A_232 = arith.constant 0 : i32
        %dma_wait3A_233 = arith.constant 0 : i32
        %dma_wait3A_234 = tpu.memref_slice %arg9[%dma_wait3A_232, %dma_wait3A_233] : memref<10240x64xf32, #tpu.memory_space<vmem_shared>> -> memref<10240x64xf32, #tpu.memory_space<vmem_shared>>
        tpu.wait_indirect_dma semaphore(%run_scoped3A : memref<!tpu.dma_semaphore, #tpu.memory_space<semaphore_mem>>) src(%arg13 : memref<64x64xf32, #tpu.memory_space<vmem>>) dst(%dma_wait3A_234 : memref<10240x64xf32, #tpu.memory_space<vmem_shared>>)
        tpu.yield
      }) : () -> ()
    }
    %scan3A_179 = arith.constant 40 : i32
    %barrier3A_180 = arith.constant 0 : index
    tpu.barrier barrier_id(%barrier3A_180)
    %scan3A_181 = arith.constant 0 : i32
    %scan3A_182 = arith.constant 0 : i32
    %scan3A_183 = arith.constant 10 : i32
    %scan3A_184 = arith.addi %scan3A_182, %scan3A_183 : i32
    %scan3A_185 = arith.constant 1 : i32
    %scan3A_186 = scf.for %scan3A_188 = %scan3A_182 to %scan3A_184 step %scan3A_185 iter_args(%scan3A_189 = %scan3A_181) -> (i32)  : i32 {
      %mul3A_190 = arith.constant 640 : i32
      %mul3A_191 = arith.muli %arg1, %mul3A_190 : i32
      %mul3A_192 = arith.constant 64 : i32
      %mul3A_193 = arith.muli %scan3A_188, %mul3A_192 : i32
      %add3A_194 = arith.addi %mul3A_191, %mul3A_193 : i32
      %mul3A_195 = arith.constant 2 : i32
      %mul3A_196 = arith.muli %arg0, %mul3A_195 : i32
      %add3A_197 = arith.constant 1 : i32
      %add3A_198 = arith.addi %mul3A_196, %add3A_197 : i32
      %mul3A_199 = arith.constant 10240 : i32
      %mul3A_200 = arith.muli %add3A_198, %mul3A_199 : i32
      %add3A_201 = arith.addi %mul3A_200, %add3A_194 : i32
      "tpu.region"() ({
        %run_scoped3A = tpu.sem_alloc : memref<!tpu.dma_semaphore, #tpu.memory_space<semaphore_mem>>
        %dma_start3A_203 = arith.constant 0 : i32
        %dma_start3A_204 = tpu.memref_slice %arg6[%add3A_201, %dma_start3A_203] : memref<40960x64xf32, #tpu.memory_space<hbm>> -> memref<64x64xf32, #tpu.memory_space<hbm>>
        %dma_start3A_205 = arith.constant 0 : i32
        %dma_start3A_206 = tpu.memref_slice %arg9[%add3A_194, %dma_start3A_205] : memref<10240x64xf32, #tpu.memory_space<vmem_shared>> -> memref<64x64xf32, #tpu.memory_space<vmem_shared>>
        tpu.enqueue_dma source(%dma_start3A_206 : memref<64x64xf32, #tpu.memory_space<vmem_shared>>) target(%dma_start3A_204 : memref<64x64xf32, #tpu.memory_space<hbm>>) target_semaphore(%run_scoped3A : memref<!tpu.dma_semaphore, #tpu.memory_space<semaphore_mem>>)
        %dma_wait3A = arith.constant 0 : i32
        %dma_wait3A_207 = tpu.memref_slice %arg6[%add3A_201, %dma_wait3A] : memref<40960x64xf32, #tpu.memory_space<hbm>> -> memref<64x64xf32, #tpu.memory_space<hbm>>
        %dma_wait3A_208 = arith.constant 0 : i32
        %dma_wait3A_209 = tpu.memref_slice %arg9[%add3A_194, %dma_wait3A_208] : memref<10240x64xf32, #tpu.memory_space<vmem_shared>> -> memref<64x64xf32, #tpu.memory_space<vmem_shared>>
        tpu.wait_dma2 semaphore(%run_scoped3A : memref<!tpu.dma_semaphore, #tpu.memory_space<semaphore_mem>>) src(%dma_wait3A_209 : memref<64x64xf32, #tpu.memory_space<vmem_shared>>) dst(%dma_wait3A_207 : memref<64x64xf32, #tpu.memory_space<hbm>>)
        tpu.yield
      }) : () -> ()
      %scan3A_202 = arith.constant 0 : i32
      scf.yield %scan3A_202 : i32
    }
    %scan3A_187 = arith.constant 10 : i32
    return
  }
}

#map = affine_map<(d0, d1) -> (0, 0)>
#map1 = affine_map<(d0, d1) -> (0, 0, 0)>
module attributes {stable_mosaic.version = 14 : i64} {
  func.func @body(%arg0: i32, %arg1: i32, %arg2: memref<10000x64xf32, #tpu.memory_space<hbm>>, %arg3: memref<10000x64xf32, #tpu.memory_space<hbm>>, %arg4: memref<64x80x64xi32, #tpu.memory_space<hbm>>, %arg5: memref<64x80x64xi32, #tpu.memory_space<hbm>>, %arg6: memref<40960x64xf32, #tpu.memory_space<hbm>>, %arg7: memref<10240x64xf32, #tpu.memory_space<vmem_shared>>, %arg8: memref<10240x64xf32, #tpu.memory_space<vmem_shared>>, %arg9: memref<80x64xi32, #tpu.memory_space<vmem>>, %arg10: memref<80x64xi32, #tpu.memory_space<vmem>>, %arg11: memref<64x64xf32, #tpu.memory_space<vmem>>, %arg12: memref<64x64xf32, #tpu.memory_space<vmem>>, %arg13: memref<!tpu.dma_semaphore, #tpu.memory_space<semaphore_mem>>, %arg14: memref<!tpu.dma_semaphore, #tpu.memory_space<semaphore_mem>>) attributes {dimension_semantics = [#tpu.dimension_semantics<core_parallel>, #tpu.dimension_semantics<subcore_parallel>], iteration_bounds = array<i64: 2, 16>, scalar_prefetch = 0 : i64, scratch_operands = 8 : i64, tpu.core_type = #tpu.core_type<sc_vector_subcore>, window_params = [{transform_indices = #map}, {transform_indices = #map}, {transform_indices = #map1}, {transform_indices = #map1}, {transform_indices = #map}]} {
    %mul3A = arith.constant 16 : i32
    %mul3A_0 = arith.muli %arg0, %mul3A : i32
    %add3A = arith.addi %mul3A_0, %arg1 : i32
    %broadcast_in_dim3A = arith.constant 0.000000e+00 : f32
    %broadcast_in_dim3A_1 = vector.broadcast %broadcast_in_dim3A : f32 to vector<16xf32>
    %scan3A = arith.constant 0 : i32
    %scan3A_2 = arith.constant 0 : i32
    %scan3A_3 = arith.constant 256 : i32
    %scan3A_4 = arith.addi %scan3A_2, %scan3A_3 : i32
    %scan3A_5 = arith.constant 1 : i32
    %scan3A_6 = scf.for %scan3A_155 = %scan3A_2 to %scan3A_4 step %scan3A_5 iter_args(%scan3A_156 = %scan3A) -> (i32)  : i32 {
      %jit3A_157 = arith.constant 4 : i32
      %div3A = arith.divsi %scan3A_155, %jit3A_157 : i32
      %sign3A = arith.constant 0 : i32
      %sign3A_158 = arith.cmpi sgt, %scan3A_155, %sign3A : i32
      %sign3A_159 = arith.extui %sign3A_158 : i1 to i32
      %sign3A_160 = arith.constant 0 : i32
      %sign3A_161 = arith.cmpi slt, %scan3A_155, %sign3A_160 : i32
      %sign3A_162 = arith.extui %sign3A_161 : i1 to i32
      %sign3A_163 = arith.subi %sign3A_159, %sign3A_162 : i32
      %sign3A_164 = arith.constant 0 : i32
      %sign3A_165 = arith.cmpi sgt, %jit3A_157, %sign3A_164 : i32
      %sign3A_166 = arith.extui %sign3A_165 : i1 to i32
      %sign3A_167 = arith.constant 0 : i32
      %sign3A_168 = arith.cmpi slt, %jit3A_157, %sign3A_167 : i32
      %sign3A_169 = arith.extui %sign3A_168 : i1 to i32
      %sign3A_170 = arith.subi %sign3A_166, %sign3A_169 : i32
      %ne3A = arith.cmpi ne, %sign3A_163, %sign3A_170 : i32
      %rem3A = arith.remsi %scan3A_155, %jit3A_157 : i32
      %ne3A_171 = arith.constant 0 : i32
      %ne3A_172 = arith.cmpi ne, %rem3A, %ne3A_171 : i32
      %and3A = arith.andi %ne3A, %ne3A_172 : i1
      %sub3A = arith.constant 1 : i32
      %sub3A_173 = arith.subi %div3A, %sub3A : i32
      %select_n3A_174 = arith.select %and3A, %sub3A_173, %div3A : i32
      %jit3A_175 = arith.constant 4 : i32
      %eq3A = arith.constant 0 : i32
      %eq3A_176 = arith.cmpi eq, %jit3A_175, %eq3A : i32
      %jit3A_177 = arith.constant 1 : i32
      %select_n3A_178 = arith.select %eq3A_176, %jit3A_177, %jit3A_175 : i32
      %rem3A_179 = arith.remsi %scan3A_155, %select_n3A_178 : i32
      %ne3A_180 = arith.constant 0 : i32
      %ne3A_181 = arith.cmpi ne, %rem3A_179, %ne3A_180 : i32
      %lt3A_182 = arith.constant 0 : i32
      %lt3A_183 = arith.cmpi slt, %rem3A_179, %lt3A_182 : i32
      %lt3A_184 = arith.constant 0 : i32
      %lt3A_185 = arith.cmpi slt, %select_n3A_178, %lt3A_184 : i32
      %ne3A_186 = arith.xori %lt3A_183, %lt3A_185 : i1
      %and3A_187 = arith.andi %ne3A_186, %ne3A_181 : i1
      %add3A_188 = arith.addi %rem3A_179, %select_n3A_178 : i32
      %select_n3A_189 = arith.select %and3A_187, %add3A_188, %rem3A_179 : i32
      %mul3A_190 = arith.constant 16 : i32
      %mul3A_191 = arith.muli %select_n3A_189, %mul3A_190 : i32
      %swap3A = arith.index_cast %select_n3A_174 : i32 to index
      %swap3A_192 = arith.index_cast %mul3A_191 : i32 to index
      %swap3A_193 = tpu.vector_load %arg11[%swap3A, %swap3A_192] {strides = array<i32>} : memref<64x64xf32, #tpu.memory_space<vmem>>, vector<1x16xf32>,
      %swap3A_194 = vector.shape_cast %swap3A_193 : vector<1x16xf32> to vector<16xf32>
      %swap3A_195 = vector.shape_cast %broadcast_in_dim3A_1 : vector<16xf32> to vector<1x16xf32>
      tpu.vector_store %arg11[%swap3A, %swap3A_192], %swap3A_195 {strides = array<i32>} : memref<64x64xf32, #tpu.memory_space<vmem>>, vector<1x16xf32>,
      %scan3A_196 = arith.constant 0 : i32
      scf.yield %scan3A_196 : i32
    }
    %scan3A_7 = arith.constant 256 : i32
    %scan3A_8 = arith.constant 0 : i32
    %scan3A_9 = arith.constant 0 : i32
    %scan3A_10 = arith.constant 10 : i32
    %scan3A_11 = arith.addi %scan3A_9, %scan3A_10 : i32
    %scan3A_12 = arith.constant 1 : i32
    %scan3A_13 = scf.for %scan3A_155 = %scan3A_9 to %scan3A_11 step %scan3A_12 iter_args(%scan3A_156 = %scan3A_8) -> (i32)  : i32 {
      %mul3A_157 = arith.constant 640 : i32
      %mul3A_158 = arith.muli %arg1, %mul3A_157 : i32
      %mul3A_159 = arith.constant 64 : i32
      %mul3A_160 = arith.muli %scan3A_155, %mul3A_159 : i32
      %add3A_161 = arith.addi %mul3A_158, %mul3A_160 : i32
      "tpu.region"() ({
        %run_scoped3A = tpu.sem_alloc : memref<!tpu.dma_semaphore, #tpu.memory_space<semaphore_mem>>
        %dma_start3A_163 = arith.constant 0 : i32
        %dma_start3A_164 = tpu.memref_slice %arg8[%add3A_161, %dma_start3A_163] : memref<10240x64xf32, #tpu.memory_space<vmem_shared>> -> memref<64x64xf32, #tpu.memory_space<vmem_shared>>
        %dma_start3A_165 = arith.constant 0 : i32
        %dma_start3A_166 = tpu.memref_slice %arg8[%add3A_161, %dma_start3A_165] : memref<10240x64xf32, #tpu.memory_space<vmem_shared>> -> memref<64x64xf32, #tpu.memory_space<vmem_shared>>
        tpu.enqueue_dma source(%arg11 : memref<64x64xf32, #tpu.memory_space<vmem>>) target(%dma_start3A_166 : memref<64x64xf32, #tpu.memory_space<vmem_shared>>) target_semaphore(%run_scoped3A : memref<!tpu.dma_semaphore, #tpu.memory_space<semaphore_mem>>)
        %dma_wait3A = arith.constant 0 : i32
        %dma_wait3A_167 = tpu.memref_slice %arg8[%add3A_161, %dma_wait3A] : memref<10240x64xf32, #tpu.memory_space<vmem_shared>> -> memref<64x64xf32, #tpu.memory_space<vmem_shared>>
        %dma_wait3A_168 = arith.constant 0 : i32
        %dma_wait3A_169 = tpu.memref_slice %arg8[%add3A_161, %dma_wait3A_168] : memref<10240x64xf32, #tpu.memory_space<vmem_shared>> -> memref<64x64xf32, #tpu.memory_space<vmem_shared>>
        tpu.wait_dma2 semaphore(%run_scoped3A : memref<!tpu.dma_semaphore, #tpu.memory_space<semaphore_mem>>) src(%arg11 : memref<64x64xf32, #tpu.memory_space<vmem>>) dst(%dma_wait3A_169 : memref<64x64xf32, #tpu.memory_space<vmem_shared>>)
        tpu.yield
      }) : () -> ()
      %scan3A_162 = arith.constant 0 : i32
      scf.yield %scan3A_162 : i32
    }
    %scan3A_14 = arith.constant 10 : i32
    %lt3A = arith.constant 15 : i32
    %lt3A_15 = arith.cmpi slt, %arg1, %lt3A : i32
    %jit3A = arith.constant 8 : i32
    %jit3A_16 = arith.constant 5 : i32
    %select_n3A = arith.select %lt3A_15, %jit3A, %jit3A_16 : i32
    %while3A = arith.constant 0 : i32
    %while3A_17 = arith.constant 0 : i32
    %while3A_18 = arith.subi %select_n3A, %while3A : i32
    %while3A_19 = arith.addi %while3A, %while3A_18 : i32
    %while3A_20 = arith.constant 1 : i32
    %while3A_21 = arith.divsi %while3A_18, %while3A_20 : i32
    %while3A_22 = arith.muli %while3A_21, %while3A_20 : i32
    %while3A_23 = arith.addi %while3A, %while3A_22 : i32
    %while3A_24 = arith.constant 1 : i32
    %while3A_25 = scf.for %while3A_155 = %while3A to %while3A_23 step %while3A_24 iter_args(%while3A_156 = %while3A_17) -> (i32)  : i32 {
      %mul3A_157 = arith.constant 640 : i32
      %mul3A_158 = arith.muli %arg1, %mul3A_157 : i32
      %mul3A_159 = arith.constant 80 : i32
      %mul3A_160 = arith.muli %while3A_155, %mul3A_159 : i32
      %add3A_161 = arith.addi %mul3A_158, %mul3A_160 : i32
      "tpu.region"() ({
        %run_scoped3A = tpu.sem_alloc : memref<!tpu.dma_semaphore, #tpu.memory_space<semaphore_mem>>
        %dma_start3A_163 = arith.constant 0 : i32
        %dma_start3A_164 = tpu.memref_slice %arg7[%add3A_161, %dma_start3A_163] : memref<10240x64xf32, #tpu.memory_space<vmem_shared>> -> memref<80x64xf32, #tpu.memory_space<vmem_shared>>
        %dma_start3A_165 = arith.constant 0 : i32
        %dma_start3A_166 = tpu.memref_slice %arg2[%add3A_161, %dma_start3A_165] : memref<10000x64xf32, #tpu.memory_space<hbm>> -> memref<80x64xf32, #tpu.memory_space<hbm>>
        tpu.enqueue_dma source(%dma_start3A_166 : memref<80x64xf32, #tpu.memory_space<hbm>>) target(%dma_start3A_164 : memref<80x64xf32, #tpu.memory_space<vmem_shared>>) target_semaphore(%run_scoped3A : memref<!tpu.dma_semaphore, #tpu.memory_space<semaphore_mem>>)
        %dma_wait3A = arith.constant 0 : i32
        %dma_wait3A_167 = tpu.memref_slice %arg7[%add3A_161, %dma_wait3A] : memref<10240x64xf32, #tpu.memory_space<vmem_shared>> -> memref<80x64xf32, #tpu.memory_space<vmem_shared>>
        %dma_wait3A_168 = arith.constant 0 : i32
        %dma_wait3A_169 = tpu.memref_slice %arg2[%add3A_161, %dma_wait3A_168] : memref<10000x64xf32, #tpu.memory_space<hbm>> -> memref<80x64xf32, #tpu.memory_space<hbm>>
        tpu.wait_dma2 semaphore(%run_scoped3A : memref<!tpu.dma_semaphore, #tpu.memory_space<semaphore_mem>>) src(%dma_wait3A_169 : memref<80x64xf32, #tpu.memory_space<hbm>>) dst(%dma_wait3A_167 : memref<80x64xf32, #tpu.memory_space<vmem_shared>>)
        tpu.yield
      }) : () -> ()
      %while3A_162 = arith.constant 0 : i32
      scf.yield %while3A_162 : i32
    }
    %while3A_26 = arith.constant 1 : i32
    %while3A_27 = scf.for %while3A_155 = %while3A_23 to %while3A_19 step %while3A_26 iter_args(%while3A_156 = %while3A_25) -> (i32)  : i32 {
      %mul3A_157 = arith.constant 640 : i32
      %mul3A_158 = arith.muli %arg1, %mul3A_157 : i32
      %mul3A_159 = arith.constant 80 : i32
      %mul3A_160 = arith.muli %while3A_155, %mul3A_159 : i32
      %add3A_161 = arith.addi %mul3A_158, %mul3A_160 : i32
      "tpu.region"() ({
        %run_scoped3A = tpu.sem_alloc : memref<!tpu.dma_semaphore, #tpu.memory_space<semaphore_mem>>
        %dma_start3A_163 = arith.constant 0 : i32
        %dma_start3A_164 = tpu.memref_slice %arg7[%add3A_161, %dma_start3A_163] : memref<10240x64xf32, #tpu.memory_space<vmem_shared>> -> memref<80x64xf32, #tpu.memory_space<vmem_shared>>
        %dma_start3A_165 = arith.constant 0 : i32
        %dma_start3A_166 = tpu.memref_slice %arg2[%add3A_161, %dma_start3A_165] : memref<10000x64xf32, #tpu.memory_space<hbm>> -> memref<80x64xf32, #tpu.memory_space<hbm>>
        tpu.enqueue_dma source(%dma_start3A_166 : memref<80x64xf32, #tpu.memory_space<hbm>>) target(%dma_start3A_164 : memref<80x64xf32, #tpu.memory_space<vmem_shared>>) target_semaphore(%run_scoped3A : memref<!tpu.dma_semaphore, #tpu.memory_space<semaphore_mem>>)
        %dma_wait3A = arith.constant 0 : i32
        %dma_wait3A_167 = tpu.memref_slice %arg7[%add3A_161, %dma_wait3A] : memref<10240x64xf32, #tpu.memory_space<vmem_shared>> -> memref<80x64xf32, #tpu.memory_space<vmem_shared>>
        %dma_wait3A_168 = arith.constant 0 : i32
        %dma_wait3A_169 = tpu.memref_slice %arg2[%add3A_161, %dma_wait3A_168] : memref<10000x64xf32, #tpu.memory_space<hbm>> -> memref<80x64xf32, #tpu.memory_space<hbm>>
        tpu.wait_dma2 semaphore(%run_scoped3A : memref<!tpu.dma_semaphore, #tpu.memory_space<semaphore_mem>>) src(%dma_wait3A_169 : memref<80x64xf32, #tpu.memory_space<hbm>>) dst(%dma_wait3A_167 : memref<80x64xf32, #tpu.memory_space<vmem_shared>>)
        tpu.yield
      }) : () -> ()
      %while3A_162 = arith.constant 0 : i32
      scf.yield %while3A_162 : i32
    }
    %barrier3A = arith.constant 0 : index
    tpu.barrier barrier_id(%barrier3A)
    %mul3A_28 = arith.constant 2 : i32
    %mul3A_29 = arith.muli %add3A, %mul3A_28 : i32
    %add3A_30 = arith.constant 0 : i32
    %add3A_31 = arith.addi %mul3A_29, %add3A_30 : i32
    "tpu.region"() ({
      %run_scoped3A = tpu.sem_alloc : memref<!tpu.dma_semaphore, #tpu.memory_space<semaphore_mem>>
      %dma_start3A_155 = arith.constant 0 : i32
      %dma_start3A_156 = arith.constant 0 : i32
      %dma_start3A_157 = tpu.memref_slice %arg4[%add3A_31, %dma_start3A_155, %dma_start3A_156] : memref<64x80x64xi32, #tpu.memory_space<hbm>> -> memref<1x80x64xi32, #tpu.memory_space<hbm>>
      %dma_start3A_158 = tpu.memref_squeeze %dma_start3A_157 : memref<1x80x64xi32, #tpu.memory_space<hbm>> -> memref<80x64xi32, #tpu.memory_space<hbm>>
      %dma_start3A_159 = arith.constant 0 : i32
      %dma_start3A_160 = arith.constant 0 : i32
      %dma_start3A_161 = tpu.memref_slice %arg4[%add3A_31, %dma_start3A_159, %dma_start3A_160] : memref<64x80x64xi32, #tpu.memory_space<hbm>> -> memref<1x80x64xi32, #tpu.memory_space<hbm>>
      %dma_start3A_162 = tpu.memref_squeeze %dma_start3A_161 : memref<1x80x64xi32, #tpu.memory_space<hbm>> -> memref<80x64xi32, #tpu.memory_space<hbm>>
      tpu.enqueue_dma source(%dma_start3A_162 : memref<80x64xi32, #tpu.memory_space<hbm>>) target(%arg9 : memref<80x64xi32, #tpu.memory_space<vmem>>) target_semaphore(%run_scoped3A : memref<!tpu.dma_semaphore, #tpu.memory_space<semaphore_mem>>)
      %dma_wait3A = arith.constant 0 : i32
      %dma_wait3A_163 = arith.constant 0 : i32
      %dma_wait3A_164 = tpu.memref_slice %arg4[%add3A_31, %dma_wait3A, %dma_wait3A_163] : memref<64x80x64xi32, #tpu.memory_space<hbm>> -> memref<1x80x64xi32, #tpu.memory_space<hbm>>
      %dma_wait3A_165 = tpu.memref_squeeze %dma_wait3A_164 : memref<1x80x64xi32, #tpu.memory_space<hbm>> -> memref<80x64xi32, #tpu.memory_space<hbm>>
      %dma_wait3A_166 = arith.constant 0 : i32
      %dma_wait3A_167 = arith.constant 0 : i32
      %dma_wait3A_168 = tpu.memref_slice %arg4[%add3A_31, %dma_wait3A_166, %dma_wait3A_167] : memref<64x80x64xi32, #tpu.memory_space<hbm>> -> memref<1x80x64xi32, #tpu.memory_space<hbm>>
      %dma_wait3A_169 = tpu.memref_squeeze %dma_wait3A_168 : memref<1x80x64xi32, #tpu.memory_space<hbm>> -> memref<80x64xi32, #tpu.memory_space<hbm>>
      tpu.wait_dma2 semaphore(%run_scoped3A : memref<!tpu.dma_semaphore, #tpu.memory_space<semaphore_mem>>) src(%dma_wait3A_169 : memref<80x64xi32, #tpu.memory_space<hbm>>) dst(%arg9 : memref<80x64xi32, #tpu.memory_space<vmem>>)
      tpu.yield
    }) : () -> ()
    %mul3A_32 = arith.constant 2 : i32
    %mul3A_33 = arith.muli %add3A, %mul3A_32 : i32
    %add3A_34 = arith.constant 0 : i32
    %add3A_35 = arith.addi %mul3A_33, %add3A_34 : i32
    "tpu.region"() ({
      %run_scoped3A = tpu.sem_alloc : memref<!tpu.dma_semaphore, #tpu.memory_space<semaphore_mem>>
      %dma_start3A_155 = arith.constant 0 : i32
      %dma_start3A_156 = arith.constant 0 : i32
      %dma_start3A_157 = tpu.memref_slice %arg5[%add3A_35, %dma_start3A_155, %dma_start3A_156] : memref<64x80x64xi32, #tpu.memory_space<hbm>> -> memref<1x80x64xi32, #tpu.memory_space<hbm>>
      %dma_start3A_158 = tpu.memref_squeeze %dma_start3A_157 : memref<1x80x64xi32, #tpu.memory_space<hbm>> -> memref<80x64xi32, #tpu.memory_space<hbm>>
      %dma_start3A_159 = arith.constant 0 : i32
      %dma_start3A_160 = arith.constant 0 : i32
      %dma_start3A_161 = tpu.memref_slice %arg5[%add3A_35, %dma_start3A_159, %dma_start3A_160] : memref<64x80x64xi32, #tpu.memory_space<hbm>> -> memref<1x80x64xi32, #tpu.memory_space<hbm>>
      %dma_start3A_162 = tpu.memref_squeeze %dma_start3A_161 : memref<1x80x64xi32, #tpu.memory_space<hbm>> -> memref<80x64xi32, #tpu.memory_space<hbm>>
      tpu.enqueue_dma source(%dma_start3A_162 : memref<80x64xi32, #tpu.memory_space<hbm>>) target(%arg10 : memref<80x64xi32, #tpu.memory_space<vmem>>) target_semaphore(%run_scoped3A : memref<!tpu.dma_semaphore, #tpu.memory_space<semaphore_mem>>)
      %dma_wait3A = arith.constant 0 : i32
      %dma_wait3A_163 = arith.constant 0 : i32
      %dma_wait3A_164 = tpu.memref_slice %arg5[%add3A_35, %dma_wait3A, %dma_wait3A_163] : memref<64x80x64xi32, #tpu.memory_space<hbm>> -> memref<1x80x64xi32, #tpu.memory_space<hbm>>
      %dma_wait3A_165 = tpu.memref_squeeze %dma_wait3A_164 : memref<1x80x64xi32, #tpu.memory_space<hbm>> -> memref<80x64xi32, #tpu.memory_space<hbm>>
      %dma_wait3A_166 = arith.constant 0 : i32
      %dma_wait3A_167 = arith.constant 0 : i32
      %dma_wait3A_168 = tpu.memref_slice %arg5[%add3A_35, %dma_wait3A_166, %dma_wait3A_167] : memref<64x80x64xi32, #tpu.memory_space<hbm>> -> memref<1x80x64xi32, #tpu.memory_space<hbm>>
      %dma_wait3A_169 = tpu.memref_squeeze %dma_wait3A_168 : memref<1x80x64xi32, #tpu.memory_space<hbm>> -> memref<80x64xi32, #tpu.memory_space<hbm>>
      tpu.wait_dma2 semaphore(%run_scoped3A : memref<!tpu.dma_semaphore, #tpu.memory_space<semaphore_mem>>) src(%dma_wait3A_169 : memref<80x64xi32, #tpu.memory_space<hbm>>) dst(%arg10 : memref<80x64xi32, #tpu.memory_space<vmem>>)
      tpu.yield
    }) : () -> ()
    %dma_start3A = arith.constant 0 : i32
    %dma_start3A_36 = arith.constant 0 : i32
    %dma_start3A_37 = tpu.memref_slice %arg9[%dma_start3A, %dma_start3A_36] : memref<80x64xi32, #tpu.memory_space<vmem>> -> memref<1x64xi32, #tpu.memory_space<vmem>>
    %dma_start3A_38 = tpu.memref_squeeze %dma_start3A_37 : memref<1x64xi32, #tpu.memory_space<vmem>> -> memref<64xi32, #tpu.memory_space<vmem>>
    %dma_start3A_39 = arith.constant 0 : i32
    %dma_start3A_40 = arith.constant 0 : i32
    %dma_start3A_41 = tpu.memref_slice %arg7[%dma_start3A_39, %dma_start3A_40] : memref<10240x64xf32, #tpu.memory_space<vmem_shared>> -> memref<10240x64xf32, #tpu.memory_space<vmem_shared>>
    tpu.enqueue_indirect_dma source(%dma_start3A_41 : memref<10240x64xf32, #tpu.memory_space<vmem_shared>>) target(%arg11 : memref<64x64xf32, #tpu.memory_space<vmem>>) offsets(%dma_start3A_38 : memref<64xi32, #tpu.memory_space<vmem>>) semaphore(%arg13 : memref<!tpu.dma_semaphore, #tpu.memory_space<semaphore_mem>>)
    %scan3A_42 = arith.constant 0 : i32
    %scan3A_43 = arith.constant 40 : i32
    %scan3A_44 = arith.addi %scan3A_42, %scan3A_43 : i32
    %scan3A_45 = arith.constant 1 : i32
    scf.for %scan3A_155 = %scan3A_42 to %scan3A_44 step %scan3A_45  : i32 {
      %mul3A_156 = arith.constant 2 : i32
      %mul3A_157 = arith.muli %scan3A_155, %mul3A_156 : i32
      %add3A_158 = arith.constant 0 : i32
      %add3A_159 = arith.addi %add3A_158, %mul3A_157 : i32
      %add3A_160 = arith.constant 0 : i32
      %add3A_161 = arith.addi %add3A_159, %add3A_160 : i32
      %dma_wait3A = arith.constant 0 : i32
      %dma_wait3A_162 = tpu.memref_slice %arg9[%add3A_161, %dma_wait3A] : memref<80x64xi32, #tpu.memory_space<vmem>> -> memref<1x64xi32, #tpu.memory_space<vmem>>
      %dma_wait3A_163 = tpu.memref_squeeze %dma_wait3A_162 : memref<1x64xi32, #tpu.memory_space<vmem>> -> memref<64xi32, #tpu.memory_space<vmem>>
      %dma_wait3A_164 = arith.constant 0 : i32
      %dma_wait3A_165 = arith.constant 0 : i32
      %dma_wait3A_166 = tpu.memref_slice %arg7[%dma_wait3A_164, %dma_wait3A_165] : memref<10240x64xf32, #tpu.memory_space<vmem_shared>> -> memref<10240x64xf32, #tpu.memory_space<vmem_shared>>
      tpu.wait_indirect_dma semaphore(%arg13 : memref<!tpu.dma_semaphore, #tpu.memory_space<semaphore_mem>>) src(%dma_wait3A_166 : memref<10240x64xf32, #tpu.memory_space<vmem_shared>>) dst(%arg11 : memref<64x64xf32, #tpu.memory_space<vmem>>)
      %add3A_167 = arith.constant 2 : i32
      %add3A_168 = arith.addi %add3A_161, %add3A_167 : i32
      %sub3A = arith.constant 1 : i32
      %sub3A_169 = arith.subi %add3A_168, %sub3A : i32
      %lt3A_170 = arith.constant 80 : i32
      %lt3A_171 = arith.cmpi slt, %sub3A_169, %lt3A_170 : i32
      %convert_element_type3A = arith.extui %lt3A_171 : i1 to i32
      %cond3A = arith.constant 0 : i32
      %cond3A_172 = arith.cmpi ne, %convert_element_type3A, %cond3A : i32
      scf.if %cond3A_172 {
        %add3A_190 = arith.constant 2 : i32
        %add3A_191 = arith.addi %add3A_161, %add3A_190 : i32
        %sub3A_192 = arith.constant 1 : i32
        %sub3A_193 = arith.subi %add3A_191, %sub3A_192 : i32
        %dma_start3A_194 = arith.constant 0 : i32
        %dma_start3A_195 = tpu.memref_slice %arg9[%sub3A_193, %dma_start3A_194] : memref<80x64xi32, #tpu.memory_space<vmem>> -> memref<1x64xi32, #tpu.memory_space<vmem>>
        %dma_start3A_196 = tpu.memref_squeeze %dma_start3A_195 : memref<1x64xi32, #tpu.memory_space<vmem>> -> memref<64xi32, #tpu.memory_space<vmem>>
        %dma_start3A_197 = arith.constant 0 : i32
        %dma_start3A_198 = arith.constant 0 : i32
        %dma_start3A_199 = tpu.memref_slice %arg7[%dma_start3A_197, %dma_start3A_198] : memref<10240x64xf32, #tpu.memory_space<vmem_shared>> -> memref<10240x64xf32, #tpu.memory_space<vmem_shared>>
        tpu.enqueue_indirect_dma source(%dma_start3A_199 : memref<10240x64xf32, #tpu.memory_space<vmem_shared>>) target(%arg12 : memref<64x64xf32, #tpu.memory_space<vmem>>) offsets(%dma_start3A_196 : memref<64xi32, #tpu.memory_space<vmem>>) semaphore(%arg14 : memref<!tpu.dma_semaphore, #tpu.memory_space<semaphore_mem>>)
      } else {
      }
      "tpu.region"() ({
        %run_scoped3A = tpu.sem_alloc : memref<!tpu.dma_semaphore, #tpu.memory_space<semaphore_mem>>
        %dma_start3A_190 = arith.constant 0 : i32
        %dma_start3A_191 = tpu.memref_slice %arg10[%add3A_161, %dma_start3A_190] : memref<80x64xi32, #tpu.memory_space<vmem>> -> memref<1x64xi32, #tpu.memory_space<vmem>>
        %dma_start3A_192 = tpu.memref_squeeze %dma_start3A_191 : memref<1x64xi32, #tpu.memory_space<vmem>> -> memref<64xi32, #tpu.memory_space<vmem>>
        %dma_start3A_193 = arith.constant 0 : i32
        %dma_start3A_194 = arith.constant 0 : i32
        %dma_start3A_195 = tpu.memref_slice %arg8[%dma_start3A_193, %dma_start3A_194] : memref<10240x64xf32, #tpu.memory_space<vmem_shared>> -> memref<10240x64xf32, #tpu.memory_space<vmem_shared>>
        tpu.enqueue_indirect_dma source(%arg11 : memref<64x64xf32, #tpu.memory_space<vmem>>) target(%dma_start3A_195 : memref<10240x64xf32, #tpu.memory_space<vmem_shared>>) offsets(%dma_start3A_192 : memref<64xi32, #tpu.memory_space<vmem>>) semaphore(%run_scoped3A : memref<!tpu.dma_semaphore, #tpu.memory_space<semaphore_mem>>) {add = true}
        %dma_wait3A_196 = arith.constant 0 : i32
        %dma_wait3A_197 = tpu.memref_slice %arg10[%add3A_161, %dma_wait3A_196] : memref<80x64xi32, #tpu.memory_space<vmem>> -> memref<1x64xi32, #tpu.memory_space<vmem>>
        %dma_wait3A_198 = tpu.memref_squeeze %dma_wait3A_197 : memref<1x64xi32, #tpu.memory_space<vmem>> -> memref<64xi32, #tpu.memory_space<vmem>>
        %dma_wait3A_199 = arith.constant 0 : i32
        %dma_wait3A_200 = arith.constant 0 : i32
        %dma_wait3A_201 = tpu.memref_slice %arg8[%dma_wait3A_199, %dma_wait3A_200] : memref<10240x64xf32, #tpu.memory_space<vmem_shared>> -> memref<10240x64xf32, #tpu.memory_space<vmem_shared>>
        tpu.wait_indirect_dma semaphore(%run_scoped3A : memref<!tpu.dma_semaphore, #tpu.memory_space<semaphore_mem>>) src(%arg11 : memref<64x64xf32, #tpu.memory_space<vmem>>) dst(%dma_wait3A_201 : memref<10240x64xf32, #tpu.memory_space<vmem_shared>>)
        tpu.yield
      }) : () -> ()
      %add3A_173 = arith.constant 1 : i32
      %add3A_174 = arith.addi %add3A_159, %add3A_173 : i32
      %dma_wait3A_175 = arith.constant 0 : i32
      %dma_wait3A_176 = tpu.memref_slice %arg9[%add3A_174, %dma_wait3A_175] : memref<80x64xi32, #tpu.memory_space<vmem>> -> memref<1x64xi32, #tpu.memory_space<vmem>>
      %dma_wait3A_177 = tpu.memref_squeeze %dma_wait3A_176 : memref<1x64xi32, #tpu.memory_space<vmem>> -> memref<64xi32, #tpu.memory_space<vmem>>
      %dma_wait3A_178 = arith.constant 0 : i32
      %dma_wait3A_179 = arith.constant 0 : i32
      %dma_wait3A_180 = tpu.memref_slice %arg7[%dma_wait3A_178, %dma_wait3A_179] : memref<10240x64xf32, #tpu.memory_space<vmem_shared>> -> memref<10240x64xf32, #tpu.memory_space<vmem_shared>>
      tpu.wait_indirect_dma semaphore(%arg14 : memref<!tpu.dma_semaphore, #tpu.memory_space<semaphore_mem>>) src(%dma_wait3A_180 : memref<10240x64xf32, #tpu.memory_space<vmem_shared>>) dst(%arg12 : memref<64x64xf32, #tpu.memory_space<vmem>>)
      %add3A_181 = arith.constant 2 : i32
      %add3A_182 = arith.addi %add3A_174, %add3A_181 : i32
      %sub3A_183 = arith.constant 1 : i32
      %sub3A_184 = arith.subi %add3A_182, %sub3A_183 : i32
      %lt3A_185 = arith.constant 80 : i32
      %lt3A_186 = arith.cmpi slt, %sub3A_184, %lt3A_185 : i32
      %convert_element_type3A_187 = arith.extui %lt3A_186 : i1 to i32
      %cond3A_188 = arith.constant 0 : i32
      %cond3A_189 = arith.cmpi ne, %convert_element_type3A_187, %cond3A_188 : i32
      scf.if %cond3A_189 {
        %add3A_190 = arith.constant 2 : i32
        %add3A_191 = arith.addi %add3A_174, %add3A_190 : i32
        %sub3A_192 = arith.constant 1 : i32
        %sub3A_193 = arith.subi %add3A_191, %sub3A_192 : i32
        %dma_start3A_194 = arith.constant 0 : i32
        %dma_start3A_195 = tpu.memref_slice %arg9[%sub3A_193, %dma_start3A_194] : memref<80x64xi32, #tpu.memory_space<vmem>> -> memref<1x64xi32, #tpu.memory_space<vmem>>
        %dma_start3A_196 = tpu.memref_squeeze %dma_start3A_195 : memref<1x64xi32, #tpu.memory_space<vmem>> -> memref<64xi32, #tpu.memory_space<vmem>>
        %dma_start3A_197 = arith.constant 0 : i32
        %dma_start3A_198 = arith.constant 0 : i32
        %dma_start3A_199 = tpu.memref_slice %arg7[%dma_start3A_197, %dma_start3A_198] : memref<10240x64xf32, #tpu.memory_space<vmem_shared>> -> memref<10240x64xf32, #tpu.memory_space<vmem_shared>>
        tpu.enqueue_indirect_dma source(%dma_start3A_199 : memref<10240x64xf32, #tpu.memory_space<vmem_shared>>) target(%arg11 : memref<64x64xf32, #tpu.memory_space<vmem>>) offsets(%dma_start3A_196 : memref<64xi32, #tpu.memory_space<vmem>>) semaphore(%arg13 : memref<!tpu.dma_semaphore, #tpu.memory_space<semaphore_mem>>)
      } else {
      }
      "tpu.region"() ({
        %run_scoped3A = tpu.sem_alloc : memref<!tpu.dma_semaphore, #tpu.memory_space<semaphore_mem>>
        %dma_start3A_190 = arith.constant 0 : i32
        %dma_start3A_191 = tpu.memref_slice %arg10[%add3A_174, %dma_start3A_190] : memref<80x64xi32, #tpu.memory_space<vmem>> -> memref<1x64xi32, #tpu.memory_space<vmem>>
        %dma_start3A_192 = tpu.memref_squeeze %dma_start3A_191 : memref<1x64xi32, #tpu.memory_space<vmem>> -> memref<64xi32, #tpu.memory_space<vmem>>
        %dma_start3A_193 = arith.constant 0 : i32
        %dma_start3A_194 = arith.constant 0 : i32
        %dma_start3A_195 = tpu.memref_slice %arg8[%dma_start3A_193, %dma_start3A_194] : memref<10240x64xf32, #tpu.memory_space<vmem_shared>> -> memref<10240x64xf32, #tpu.memory_space<vmem_shared>>
        tpu.enqueue_indirect_dma source(%arg12 : memref<64x64xf32, #tpu.memory_space<vmem>>) target(%dma_start3A_195 : memref<10240x64xf32, #tpu.memory_space<vmem_shared>>) offsets(%dma_start3A_192 : memref<64xi32, #tpu.memory_space<vmem>>) semaphore(%run_scoped3A : memref<!tpu.dma_semaphore, #tpu.memory_space<semaphore_mem>>) {add = true}
        %dma_wait3A_196 = arith.constant 0 : i32
        %dma_wait3A_197 = tpu.memref_slice %arg10[%add3A_174, %dma_wait3A_196] : memref<80x64xi32, #tpu.memory_space<vmem>> -> memref<1x64xi32, #tpu.memory_space<vmem>>
        %dma_wait3A_198 = tpu.memref_squeeze %dma_wait3A_197 : memref<1x64xi32, #tpu.memory_space<vmem>> -> memref<64xi32, #tpu.memory_space<vmem>>
        %dma_wait3A_199 = arith.constant 0 : i32
        %dma_wait3A_200 = arith.constant 0 : i32
        %dma_wait3A_201 = tpu.memref_slice %arg8[%dma_wait3A_199, %dma_wait3A_200] : memref<10240x64xf32, #tpu.memory_space<vmem_shared>> -> memref<10240x64xf32, #tpu.memory_space<vmem_shared>>
        tpu.wait_indirect_dma semaphore(%run_scoped3A : memref<!tpu.dma_semaphore, #tpu.memory_space<semaphore_mem>>) src(%arg12 : memref<64x64xf32, #tpu.memory_space<vmem>>) dst(%dma_wait3A_201 : memref<10240x64xf32, #tpu.memory_space<vmem_shared>>)
        tpu.yield
      }) : () -> ()
    }
    %scan3A_46 = arith.constant 40 : i32
    %mul3A_47 = arith.constant 2 : i32
    %mul3A_48 = arith.muli %add3A, %mul3A_47 : i32
    %add3A_49 = arith.constant 1 : i32
    %add3A_50 = arith.addi %mul3A_48, %add3A_49 : i32
    "tpu.region"() ({
      %run_scoped3A = tpu.sem_alloc : memref<!tpu.dma_semaphore, #tpu.memory_space<semaphore_mem>>
      %dma_start3A_155 = arith.constant 0 : i32
      %dma_start3A_156 = arith.constant 0 : i32
      %dma_start3A_157 = tpu.memref_slice %arg4[%add3A_50, %dma_start3A_155, %dma_start3A_156] : memref<64x80x64xi32, #tpu.memory_space<hbm>> -> memref<1x80x64xi32, #tpu.memory_space<hbm>>
      %dma_start3A_158 = tpu.memref_squeeze %dma_start3A_157 : memref<1x80x64xi32, #tpu.memory_space<hbm>> -> memref<80x64xi32, #tpu.memory_space<hbm>>
      %dma_start3A_159 = arith.constant 0 : i32
      %dma_start3A_160 = arith.constant 0 : i32
      %dma_start3A_161 = tpu.memref_slice %arg4[%add3A_50, %dma_start3A_159, %dma_start3A_160] : memref<64x80x64xi32, #tpu.memory_space<hbm>> -> memref<1x80x64xi32, #tpu.memory_space<hbm>>
      %dma_start3A_162 = tpu.memref_squeeze %dma_start3A_161 : memref<1x80x64xi32, #tpu.memory_space<hbm>> -> memref<80x64xi32, #tpu.memory_space<hbm>>
      tpu.enqueue_dma source(%dma_start3A_162 : memref<80x64xi32, #tpu.memory_space<hbm>>) target(%arg9 : memref<80x64xi32, #tpu.memory_space<vmem>>) target_semaphore(%run_scoped3A : memref<!tpu.dma_semaphore, #tpu.memory_space<semaphore_mem>>)
      %dma_wait3A = arith.constant 0 : i32
      %dma_wait3A_163 = arith.constant 0 : i32
      %dma_wait3A_164 = tpu.memref_slice %arg4[%add3A_50, %dma_wait3A, %dma_wait3A_163] : memref<64x80x64xi32, #tpu.memory_space<hbm>> -> memref<1x80x64xi32, #tpu.memory_space<hbm>>
      %dma_wait3A_165 = tpu.memref_squeeze %dma_wait3A_164 : memref<1x80x64xi32, #tpu.memory_space<hbm>> -> memref<80x64xi32, #tpu.memory_space<hbm>>
      %dma_wait3A_166 = arith.constant 0 : i32
      %dma_wait3A_167 = arith.constant 0 : i32
      %dma_wait3A_168 = tpu.memref_slice %arg4[%add3A_50, %dma_wait3A_166, %dma_wait3A_167] : memref<64x80x64xi32, #tpu.memory_space<hbm>> -> memref<1x80x64xi32, #tpu.memory_space<hbm>>
      %dma_wait3A_169 = tpu.memref_squeeze %dma_wait3A_168 : memref<1x80x64xi32, #tpu.memory_space<hbm>> -> memref<80x64xi32, #tpu.memory_space<hbm>>
      tpu.wait_dma2 semaphore(%run_scoped3A : memref<!tpu.dma_semaphore, #tpu.memory_space<semaphore_mem>>) src(%dma_wait3A_169 : memref<80x64xi32, #tpu.memory_space<hbm>>) dst(%arg9 : memref<80x64xi32, #tpu.memory_space<vmem>>)
      tpu.yield
    }) : () -> ()
    %mul3A_51 = arith.constant 2 : i32
    %mul3A_52 = arith.muli %add3A, %mul3A_51 : i32
    %add3A_53 = arith.constant 1 : i32
    %add3A_54 = arith.addi %mul3A_52, %add3A_53 : i32
    "tpu.region"() ({
      %run_scoped3A = tpu.sem_alloc : memref<!tpu.dma_semaphore, #tpu.memory_space<semaphore_mem>>
      %dma_start3A_155 = arith.constant 0 : i32
      %dma_start3A_156 = arith.constant 0 : i32
      %dma_start3A_157 = tpu.memref_slice %arg5[%add3A_54, %dma_start3A_155, %dma_start3A_156] : memref<64x80x64xi32, #tpu.memory_space<hbm>> -> memref<1x80x64xi32, #tpu.memory_space<hbm>>
      %dma_start3A_158 = tpu.memref_squeeze %dma_start3A_157 : memref<1x80x64xi32, #tpu.memory_space<hbm>> -> memref<80x64xi32, #tpu.memory_space<hbm>>
      %dma_start3A_159 = arith.constant 0 : i32
      %dma_start3A_160 = arith.constant 0 : i32
      %dma_start3A_161 = tpu.memref_slice %arg5[%add3A_54, %dma_start3A_159, %dma_start3A_160] : memref<64x80x64xi32, #tpu.memory_space<hbm>> -> memref<1x80x64xi32, #tpu.memory_space<hbm>>
      %dma_start3A_162 = tpu.memref_squeeze %dma_start3A_161 : memref<1x80x64xi32, #tpu.memory_space<hbm>> -> memref<80x64xi32, #tpu.memory_space<hbm>>
      tpu.enqueue_dma source(%dma_start3A_162 : memref<80x64xi32, #tpu.memory_space<hbm>>) target(%arg10 : memref<80x64xi32, #tpu.memory_space<vmem>>) target_semaphore(%run_scoped3A : memref<!tpu.dma_semaphore, #tpu.memory_space<semaphore_mem>>)
      %dma_wait3A = arith.constant 0 : i32
      %dma_wait3A_163 = arith.constant 0 : i32
      %dma_wait3A_164 = tpu.memref_slice %arg5[%add3A_54, %dma_wait3A, %dma_wait3A_163] : memref<64x80x64xi32, #tpu.memory_space<hbm>> -> memref<1x80x64xi32, #tpu.memory_space<hbm>>
      %dma_wait3A_165 = tpu.memref_squeeze %dma_wait3A_164 : memref<1x80x64xi32, #tpu.memory_space<hbm>> -> memref<80x64xi32, #tpu.memory_space<hbm>>
      %dma_wait3A_166 = arith.constant 0 : i32
      %dma_wait3A_167 = arith.constant 0 : i32
      %dma_wait3A_168 = tpu.memref_slice %arg5[%add3A_54, %dma_wait3A_166, %dma_wait3A_167] : memref<64x80x64xi32, #tpu.memory_space<hbm>> -> memref<1x80x64xi32, #tpu.memory_space<hbm>>
      %dma_wait3A_169 = tpu.memref_squeeze %dma_wait3A_168 : memref<1x80x64xi32, #tpu.memory_space<hbm>> -> memref<80x64xi32, #tpu.memory_space<hbm>>
      tpu.wait_dma2 semaphore(%run_scoped3A : memref<!tpu.dma_semaphore, #tpu.memory_space<semaphore_mem>>) src(%dma_wait3A_169 : memref<80x64xi32, #tpu.memory_space<hbm>>) dst(%arg10 : memref<80x64xi32, #tpu.memory_space<vmem>>)
      tpu.yield
    }) : () -> ()
    %dma_start3A_55 = arith.constant 0 : i32
    %dma_start3A_56 = arith.constant 0 : i32
    %dma_start3A_57 = tpu.memref_slice %arg9[%dma_start3A_55, %dma_start3A_56] : memref<80x64xi32, #tpu.memory_space<vmem>> -> memref<1x64xi32, #tpu.memory_space<vmem>>
    %dma_start3A_58 = tpu.memref_squeeze %dma_start3A_57 : memref<1x64xi32, #tpu.memory_space<vmem>> -> memref<64xi32, #tpu.memory_space<vmem>>
    %dma_start3A_59 = arith.constant 0 : i32
    %dma_start3A_60 = arith.constant 0 : i32
    %dma_start3A_61 = tpu.memref_slice %arg7[%dma_start3A_59, %dma_start3A_60] : memref<10240x64xf32, #tpu.memory_space<vmem_shared>> -> memref<10240x64xf32, #tpu.memory_space<vmem_shared>>
    tpu.enqueue_indirect_dma source(%dma_start3A_61 : memref<10240x64xf32, #tpu.memory_space<vmem_shared>>) target(%arg11 : memref<64x64xf32, #tpu.memory_space<vmem>>) offsets(%dma_start3A_58 : memref<64xi32, #tpu.memory_space<vmem>>) semaphore(%arg13 : memref<!tpu.dma_semaphore, #tpu.memory_space<semaphore_mem>>)
    %scan3A_62 = arith.constant 0 : i32
    %scan3A_63 = arith.constant 40 : i32
    %scan3A_64 = arith.addi %scan3A_62, %scan3A_63 : i32
    %scan3A_65 = arith.constant 1 : i32
    scf.for %scan3A_155 = %scan3A_62 to %scan3A_64 step %scan3A_65  : i32 {
      %mul3A_156 = arith.constant 2 : i32
      %mul3A_157 = arith.muli %scan3A_155, %mul3A_156 : i32
      %add3A_158 = arith.constant 0 : i32
      %add3A_159 = arith.addi %add3A_158, %mul3A_157 : i32
      %add3A_160 = arith.constant 0 : i32
      %add3A_161 = arith.addi %add3A_159, %add3A_160 : i32
      %dma_wait3A = arith.constant 0 : i32
      %dma_wait3A_162 = tpu.memref_slice %arg9[%add3A_161, %dma_wait3A] : memref<80x64xi32, #tpu.memory_space<vmem>> -> memref<1x64xi32, #tpu.memory_space<vmem>>
      %dma_wait3A_163 = tpu.memref_squeeze %dma_wait3A_162 : memref<1x64xi32, #tpu.memory_space<vmem>> -> memref<64xi32, #tpu.memory_space<vmem>>
      %dma_wait3A_164 = arith.constant 0 : i32
      %dma_wait3A_165 = arith.constant 0 : i32
      %dma_wait3A_166 = tpu.memref_slice %arg7[%dma_wait3A_164, %dma_wait3A_165] : memref<10240x64xf32, #tpu.memory_space<vmem_shared>> -> memref<10240x64xf32, #tpu.memory_space<vmem_shared>>
      tpu.wait_indirect_dma semaphore(%arg13 : memref<!tpu.dma_semaphore, #tpu.memory_space<semaphore_mem>>) src(%dma_wait3A_166 : memref<10240x64xf32, #tpu.memory_space<vmem_shared>>) dst(%arg11 : memref<64x64xf32, #tpu.memory_space<vmem>>)
      %add3A_167 = arith.constant 2 : i32
      %add3A_168 = arith.addi %add3A_161, %add3A_167 : i32
      %sub3A = arith.constant 1 : i32
      %sub3A_169 = arith.subi %add3A_168, %sub3A : i32
      %lt3A_170 = arith.constant 80 : i32
      %lt3A_171 = arith.cmpi slt, %sub3A_169, %lt3A_170 : i32
      %convert_element_type3A = arith.extui %lt3A_171 : i1 to i32
      %cond3A = arith.constant 0 : i32
      %cond3A_172 = arith.cmpi ne, %convert_element_type3A, %cond3A : i32
      scf.if %cond3A_172 {
        %add3A_190 = arith.constant 2 : i32
        %add3A_191 = arith.addi %add3A_161, %add3A_190 : i32
        %sub3A_192 = arith.constant 1 : i32
        %sub3A_193 = arith.subi %add3A_191, %sub3A_192 : i32
        %dma_start3A_194 = arith.constant 0 : i32
        %dma_start3A_195 = tpu.memref_slice %arg9[%sub3A_193, %dma_start3A_194] : memref<80x64xi32, #tpu.memory_space<vmem>> -> memref<1x64xi32, #tpu.memory_space<vmem>>
        %dma_start3A_196 = tpu.memref_squeeze %dma_start3A_195 : memref<1x64xi32, #tpu.memory_space<vmem>> -> memref<64xi32, #tpu.memory_space<vmem>>
        %dma_start3A_197 = arith.constant 0 : i32
        %dma_start3A_198 = arith.constant 0 : i32
        %dma_start3A_199 = tpu.memref_slice %arg7[%dma_start3A_197, %dma_start3A_198] : memref<10240x64xf32, #tpu.memory_space<vmem_shared>> -> memref<10240x64xf32, #tpu.memory_space<vmem_shared>>
        tpu.enqueue_indirect_dma source(%dma_start3A_199 : memref<10240x64xf32, #tpu.memory_space<vmem_shared>>) target(%arg12 : memref<64x64xf32, #tpu.memory_space<vmem>>) offsets(%dma_start3A_196 : memref<64xi32, #tpu.memory_space<vmem>>) semaphore(%arg14 : memref<!tpu.dma_semaphore, #tpu.memory_space<semaphore_mem>>)
      } else {
      }
      "tpu.region"() ({
        %run_scoped3A = tpu.sem_alloc : memref<!tpu.dma_semaphore, #tpu.memory_space<semaphore_mem>>
        %dma_start3A_190 = arith.constant 0 : i32
        %dma_start3A_191 = tpu.memref_slice %arg10[%add3A_161, %dma_start3A_190] : memref<80x64xi32, #tpu.memory_space<vmem>> -> memref<1x64xi32, #tpu.memory_space<vmem>>
        %dma_start3A_192 = tpu.memref_squeeze %dma_start3A_191 : memref<1x64xi32, #tpu.memory_space<vmem>> -> memref<64xi32, #tpu.memory_space<vmem>>
        %dma_start3A_193 = arith.constant 0 : i32
        %dma_start3A_194 = arith.constant 0 : i32
        %dma_start3A_195 = tpu.memref_slice %arg8[%dma_start3A_193, %dma_start3A_194] : memref<10240x64xf32, #tpu.memory_space<vmem_shared>> -> memref<10240x64xf32, #tpu.memory_space<vmem_shared>>
        tpu.enqueue_indirect_dma source(%arg11 : memref<64x64xf32, #tpu.memory_space<vmem>>) target(%dma_start3A_195 : memref<10240x64xf32, #tpu.memory_space<vmem_shared>>) offsets(%dma_start3A_192 : memref<64xi32, #tpu.memory_space<vmem>>) semaphore(%run_scoped3A : memref<!tpu.dma_semaphore, #tpu.memory_space<semaphore_mem>>) {add = true}
        %dma_wait3A_196 = arith.constant 0 : i32
        %dma_wait3A_197 = tpu.memref_slice %arg10[%add3A_161, %dma_wait3A_196] : memref<80x64xi32, #tpu.memory_space<vmem>> -> memref<1x64xi32, #tpu.memory_space<vmem>>
        %dma_wait3A_198 = tpu.memref_squeeze %dma_wait3A_197 : memref<1x64xi32, #tpu.memory_space<vmem>> -> memref<64xi32, #tpu.memory_space<vmem>>
        %dma_wait3A_199 = arith.constant 0 : i32
        %dma_wait3A_200 = arith.constant 0 : i32
        %dma_wait3A_201 = tpu.memref_slice %arg8[%dma_wait3A_199, %dma_wait3A_200] : memref<10240x64xf32, #tpu.memory_space<vmem_shared>> -> memref<10240x64xf32, #tpu.memory_space<vmem_shared>>
        tpu.wait_indirect_dma semaphore(%run_scoped3A : memref<!tpu.dma_semaphore, #tpu.memory_space<semaphore_mem>>) src(%arg11 : memref<64x64xf32, #tpu.memory_space<vmem>>) dst(%dma_wait3A_201 : memref<10240x64xf32, #tpu.memory_space<vmem_shared>>)
        tpu.yield
      }) : () -> ()
      %add3A_173 = arith.constant 1 : i32
      %add3A_174 = arith.addi %add3A_159, %add3A_173 : i32
      %dma_wait3A_175 = arith.constant 0 : i32
      %dma_wait3A_176 = tpu.memref_slice %arg9[%add3A_174, %dma_wait3A_175] : memref<80x64xi32, #tpu.memory_space<vmem>> -> memref<1x64xi32, #tpu.memory_space<vmem>>
      %dma_wait3A_177 = tpu.memref_squeeze %dma_wait3A_176 : memref<1x64xi32, #tpu.memory_space<vmem>> -> memref<64xi32, #tpu.memory_space<vmem>>
      %dma_wait3A_178 = arith.constant 0 : i32
      %dma_wait3A_179 = arith.constant 0 : i32
      %dma_wait3A_180 = tpu.memref_slice %arg7[%dma_wait3A_178, %dma_wait3A_179] : memref<10240x64xf32, #tpu.memory_space<vmem_shared>> -> memref<10240x64xf32, #tpu.memory_space<vmem_shared>>
      tpu.wait_indirect_dma semaphore(%arg14 : memref<!tpu.dma_semaphore, #tpu.memory_space<semaphore_mem>>) src(%dma_wait3A_180 : memref<10240x64xf32, #tpu.memory_space<vmem_shared>>) dst(%arg12 : memref<64x64xf32, #tpu.memory_space<vmem>>)
      %add3A_181 = arith.constant 2 : i32
      %add3A_182 = arith.addi %add3A_174, %add3A_181 : i32
      %sub3A_183 = arith.constant 1 : i32
      %sub3A_184 = arith.subi %add3A_182, %sub3A_183 : i32
      %lt3A_185 = arith.constant 80 : i32
      %lt3A_186 = arith.cmpi slt, %sub3A_184, %lt3A_185 : i32
      %convert_element_type3A_187 = arith.extui %lt3A_186 : i1 to i32
      %cond3A_188 = arith.constant 0 : i32
      %cond3A_189 = arith.cmpi ne, %convert_element_type3A_187, %cond3A_188 : i32
      scf.if %cond3A_189 {
        %add3A_190 = arith.constant 2 : i32
        %add3A_191 = arith.addi %add3A_174, %add3A_190 : i32
        %sub3A_192 = arith.constant 1 : i32
        %sub3A_193 = arith.subi %add3A_191, %sub3A_192 : i32
        %dma_start3A_194 = arith.constant 0 : i32
        %dma_start3A_195 = tpu.memref_slice %arg9[%sub3A_193, %dma_start3A_194] : memref<80x64xi32, #tpu.memory_space<vmem>> -> memref<1x64xi32, #tpu.memory_space<vmem>>
        %dma_start3A_196 = tpu.memref_squeeze %dma_start3A_195 : memref<1x64xi32, #tpu.memory_space<vmem>> -> memref<64xi32, #tpu.memory_space<vmem>>
        %dma_start3A_197 = arith.constant 0 : i32
        %dma_start3A_198 = arith.constant 0 : i32
        %dma_start3A_199 = tpu.memref_slice %arg7[%dma_start3A_197, %dma_start3A_198] : memref<10240x64xf32, #tpu.memory_space<vmem_shared>> -> memref<10240x64xf32, #tpu.memory_space<vmem_shared>>
        tpu.enqueue_indirect_dma source(%dma_start3A_199 : memref<10240x64xf32, #tpu.memory_space<vmem_shared>>) target(%arg11 : memref<64x64xf32, #tpu.memory_space<vmem>>) offsets(%dma_start3A_196 : memref<64xi32, #tpu.memory_space<vmem>>) semaphore(%arg13 : memref<!tpu.dma_semaphore, #tpu.memory_space<semaphore_mem>>)
      } else {
      }
      "tpu.region"() ({
        %run_scoped3A = tpu.sem_alloc : memref<!tpu.dma_semaphore, #tpu.memory_space<semaphore_mem>>
        %dma_start3A_190 = arith.constant 0 : i32
        %dma_start3A_191 = tpu.memref_slice %arg10[%add3A_174, %dma_start3A_190] : memref<80x64xi32, #tpu.memory_space<vmem>> -> memref<1x64xi32, #tpu.memory_space<vmem>>
        %dma_start3A_192 = tpu.memref_squeeze %dma_start3A_191 : memref<1x64xi32, #tpu.memory_space<vmem>> -> memref<64xi32, #tpu.memory_space<vmem>>
        %dma_start3A_193 = arith.constant 0 : i32
        %dma_start3A_194 = arith.constant 0 : i32
        %dma_start3A_195 = tpu.memref_slice %arg8[%dma_start3A_193, %dma_start3A_194] : memref<10240x64xf32, #tpu.memory_space<vmem_shared>> -> memref<10240x64xf32, #tpu.memory_space<vmem_shared>>
        tpu.enqueue_indirect_dma source(%arg12 : memref<64x64xf32, #tpu.memory_space<vmem>>) target(%dma_start3A_195 : memref<10240x64xf32, #tpu.memory_space<vmem_shared>>) offsets(%dma_start3A_192 : memref<64xi32, #tpu.memory_space<vmem>>) semaphore(%run_scoped3A : memref<!tpu.dma_semaphore, #tpu.memory_space<semaphore_mem>>) {add = true}
        %dma_wait3A_196 = arith.constant 0 : i32
        %dma_wait3A_197 = tpu.memref_slice %arg10[%add3A_174, %dma_wait3A_196] : memref<80x64xi32, #tpu.memory_space<vmem>> -> memref<1x64xi32, #tpu.memory_space<vmem>>
        %dma_wait3A_198 = tpu.memref_squeeze %dma_wait3A_197 : memref<1x64xi32, #tpu.memory_space<vmem>> -> memref<64xi32, #tpu.memory_space<vmem>>
        %dma_wait3A_199 = arith.constant 0 : i32
        %dma_wait3A_200 = arith.constant 0 : i32
        %dma_wait3A_201 = tpu.memref_slice %arg8[%dma_wait3A_199, %dma_wait3A_200] : memref<10240x64xf32, #tpu.memory_space<vmem_shared>> -> memref<10240x64xf32, #tpu.memory_space<vmem_shared>>
        tpu.wait_indirect_dma semaphore(%run_scoped3A : memref<!tpu.dma_semaphore, #tpu.memory_space<semaphore_mem>>) src(%arg12 : memref<64x64xf32, #tpu.memory_space<vmem>>) dst(%dma_wait3A_201 : memref<10240x64xf32, #tpu.memory_space<vmem_shared>>)
        tpu.yield
      }) : () -> ()
    }
    %scan3A_66 = arith.constant 40 : i32
    %barrier3A_67 = arith.constant 0 : index
    tpu.barrier barrier_id(%barrier3A_67)
    %scan3A_68 = arith.constant 0 : i32
    %scan3A_69 = arith.constant 0 : i32
    %scan3A_70 = arith.constant 10 : i32
    %scan3A_71 = arith.addi %scan3A_69, %scan3A_70 : i32
    %scan3A_72 = arith.constant 1 : i32
    %scan3A_73 = scf.for %scan3A_155 = %scan3A_69 to %scan3A_71 step %scan3A_72 iter_args(%scan3A_156 = %scan3A_68) -> (i32)  : i32 {
      %mul3A_157 = arith.constant 640 : i32
      %mul3A_158 = arith.muli %arg1, %mul3A_157 : i32
      %mul3A_159 = arith.constant 64 : i32
      %mul3A_160 = arith.muli %scan3A_155, %mul3A_159 : i32
      %add3A_161 = arith.addi %mul3A_158, %mul3A_160 : i32
      %mul3A_162 = arith.constant 2 : i32
      %mul3A_163 = arith.muli %arg0, %mul3A_162 : i32
      %add3A_164 = arith.constant 0 : i32
      %add3A_165 = arith.addi %mul3A_163, %add3A_164 : i32
      %mul3A_166 = arith.constant 10240 : i32
      %mul3A_167 = arith.muli %add3A_165, %mul3A_166 : i32
      %add3A_168 = arith.addi %mul3A_167, %add3A_161 : i32
      "tpu.region"() ({
        %run_scoped3A = tpu.sem_alloc : memref<!tpu.dma_semaphore, #tpu.memory_space<semaphore_mem>>
        %dma_start3A_170 = arith.constant 0 : i32
        %dma_start3A_171 = tpu.memref_slice %arg6[%add3A_168, %dma_start3A_170] : memref<40960x64xf32, #tpu.memory_space<hbm>> -> memref<64x64xf32, #tpu.memory_space<hbm>>
        %dma_start3A_172 = arith.constant 0 : i32
        %dma_start3A_173 = tpu.memref_slice %arg8[%add3A_161, %dma_start3A_172] : memref<10240x64xf32, #tpu.memory_space<vmem_shared>> -> memref<64x64xf32, #tpu.memory_space<vmem_shared>>
        tpu.enqueue_dma source(%dma_start3A_173 : memref<64x64xf32, #tpu.memory_space<vmem_shared>>) target(%dma_start3A_171 : memref<64x64xf32, #tpu.memory_space<hbm>>) target_semaphore(%run_scoped3A : memref<!tpu.dma_semaphore, #tpu.memory_space<semaphore_mem>>)
        %dma_wait3A = arith.constant 0 : i32
        %dma_wait3A_174 = tpu.memref_slice %arg6[%add3A_168, %dma_wait3A] : memref<40960x64xf32, #tpu.memory_space<hbm>> -> memref<64x64xf32, #tpu.memory_space<hbm>>
        %dma_wait3A_175 = arith.constant 0 : i32
        %dma_wait3A_176 = tpu.memref_slice %arg8[%add3A_161, %dma_wait3A_175] : memref<10240x64xf32, #tpu.memory_space<vmem_shared>> -> memref<64x64xf32, #tpu.memory_space<vmem_shared>>
        tpu.wait_dma2 semaphore(%run_scoped3A : memref<!tpu.dma_semaphore, #tpu.memory_space<semaphore_mem>>) src(%dma_wait3A_176 : memref<64x64xf32, #tpu.memory_space<vmem_shared>>) dst(%dma_wait3A_174 : memref<64x64xf32, #tpu.memory_space<hbm>>)
        tpu.yield
      }) : () -> ()
      %scan3A_169 = arith.constant 0 : i32
      scf.yield %scan3A_169 : i32
    }
    %scan3A_74 = arith.constant 10 : i32
    %scan3A_75 = arith.constant 0 : i32
    %scan3A_76 = arith.constant 0 : i32
    %scan3A_77 = arith.constant 256 : i32
    %scan3A_78 = arith.addi %scan3A_76, %scan3A_77 : i32
    %scan3A_79 = arith.constant 1 : i32
    %scan3A_80 = scf.for %scan3A_155 = %scan3A_76 to %scan3A_78 step %scan3A_79 iter_args(%scan3A_156 = %scan3A_75) -> (i32)  : i32 {
      %jit3A_157 = arith.constant 4 : i32
      %div3A = arith.divsi %scan3A_155, %jit3A_157 : i32
      %sign3A = arith.constant 0 : i32
      %sign3A_158 = arith.cmpi sgt, %scan3A_155, %sign3A : i32
      %sign3A_159 = arith.extui %sign3A_158 : i1 to i32
      %sign3A_160 = arith.constant 0 : i32
      %sign3A_161 = arith.cmpi slt, %scan3A_155, %sign3A_160 : i32
      %sign3A_162 = arith.extui %sign3A_161 : i1 to i32
      %sign3A_163 = arith.subi %sign3A_159, %sign3A_162 : i32
      %sign3A_164 = arith.constant 0 : i32
      %sign3A_165 = arith.cmpi sgt, %jit3A_157, %sign3A_164 : i32
      %sign3A_166 = arith.extui %sign3A_165 : i1 to i32
      %sign3A_167 = arith.constant 0 : i32
      %sign3A_168 = arith.cmpi slt, %jit3A_157, %sign3A_167 : i32
      %sign3A_169 = arith.extui %sign3A_168 : i1 to i32
      %sign3A_170 = arith.subi %sign3A_166, %sign3A_169 : i32
      %ne3A = arith.cmpi ne, %sign3A_163, %sign3A_170 : i32
      %rem3A = arith.remsi %scan3A_155, %jit3A_157 : i32
      %ne3A_171 = arith.constant 0 : i32
      %ne3A_172 = arith.cmpi ne, %rem3A, %ne3A_171 : i32
      %and3A = arith.andi %ne3A, %ne3A_172 : i1
      %sub3A = arith.constant 1 : i32
      %sub3A_173 = arith.subi %div3A, %sub3A : i32
      %select_n3A_174 = arith.select %and3A, %sub3A_173, %div3A : i32
      %jit3A_175 = arith.constant 4 : i32
      %eq3A = arith.constant 0 : i32
      %eq3A_176 = arith.cmpi eq, %jit3A_175, %eq3A : i32
      %jit3A_177 = arith.constant 1 : i32
      %select_n3A_178 = arith.select %eq3A_176, %jit3A_177, %jit3A_175 : i32
      %rem3A_179 = arith.remsi %scan3A_155, %select_n3A_178 : i32
      %ne3A_180 = arith.constant 0 : i32
      %ne3A_181 = arith.cmpi ne, %rem3A_179, %ne3A_180 : i32
      %lt3A_182 = arith.constant 0 : i32
      %lt3A_183 = arith.cmpi slt, %rem3A_179, %lt3A_182 : i32
      %lt3A_184 = arith.constant 0 : i32
      %lt3A_185 = arith.cmpi slt, %select_n3A_178, %lt3A_184 : i32
      %ne3A_186 = arith.xori %lt3A_183, %lt3A_185 : i1
      %and3A_187 = arith.andi %ne3A_186, %ne3A_181 : i1
      %add3A_188 = arith.addi %rem3A_179, %select_n3A_178 : i32
      %select_n3A_189 = arith.select %and3A_187, %add3A_188, %rem3A_179 : i32
      %mul3A_190 = arith.constant 16 : i32
      %mul3A_191 = arith.muli %select_n3A_189, %mul3A_190 : i32
      %swap3A = arith.index_cast %select_n3A_174 : i32 to index
      %swap3A_192 = arith.index_cast %mul3A_191 : i32 to index
      %swap3A_193 = tpu.vector_load %arg11[%swap3A, %swap3A_192] {strides = array<i32>} : memref<64x64xf32, #tpu.memory_space<vmem>>, vector<1x16xf32>,
      %swap3A_194 = vector.shape_cast %swap3A_193 : vector<1x16xf32> to vector<16xf32>
      %swap3A_195 = vector.shape_cast %broadcast_in_dim3A_1 : vector<16xf32> to vector<1x16xf32>
      tpu.vector_store %arg11[%swap3A, %swap3A_192], %swap3A_195 {strides = array<i32>} : memref<64x64xf32, #tpu.memory_space<vmem>>, vector<1x16xf32>,
      %scan3A_196 = arith.constant 0 : i32
      scf.yield %scan3A_196 : i32
    }
    %scan3A_81 = arith.constant 256 : i32
    %scan3A_82 = arith.constant 0 : i32
    %scan3A_83 = arith.constant 0 : i32
    %scan3A_84 = arith.constant 10 : i32
    %scan3A_85 = arith.addi %scan3A_83, %scan3A_84 : i32
    %scan3A_86 = arith.constant 1 : i32
    %scan3A_87 = scf.for %scan3A_155 = %scan3A_83 to %scan3A_85 step %scan3A_86 iter_args(%scan3A_156 = %scan3A_82) -> (i32)  : i32 {
      %mul3A_157 = arith.constant 640 : i32
      %mul3A_158 = arith.muli %arg1, %mul3A_157 : i32
      %mul3A_159 = arith.constant 64 : i32
      %mul3A_160 = arith.muli %scan3A_155, %mul3A_159 : i32
      %add3A_161 = arith.addi %mul3A_158, %mul3A_160 : i32
      "tpu.region"() ({
        %run_scoped3A = tpu.sem_alloc : memref<!tpu.dma_semaphore, #tpu.memory_space<semaphore_mem>>
        %dma_start3A_163 = arith.constant 0 : i32
        %dma_start3A_164 = tpu.memref_slice %arg8[%add3A_161, %dma_start3A_163] : memref<10240x64xf32, #tpu.memory_space<vmem_shared>> -> memref<64x64xf32, #tpu.memory_space<vmem_shared>>
        %dma_start3A_165 = arith.constant 0 : i32
        %dma_start3A_166 = tpu.memref_slice %arg8[%add3A_161, %dma_start3A_165] : memref<10240x64xf32, #tpu.memory_space<vmem_shared>> -> memref<64x64xf32, #tpu.memory_space<vmem_shared>>
        tpu.enqueue_dma source(%arg11 : memref<64x64xf32, #tpu.memory_space<vmem>>) target(%dma_start3A_166 : memref<64x64xf32, #tpu.memory_space<vmem_shared>>) target_semaphore(%run_scoped3A : memref<!tpu.dma_semaphore, #tpu.memory_space<semaphore_mem>>)
        %dma_wait3A = arith.constant 0 : i32
        %dma_wait3A_167 = tpu.memref_slice %arg8[%add3A_161, %dma_wait3A] : memref<10240x64xf32, #tpu.memory_space<vmem_shared>> -> memref<64x64xf32, #tpu.memory_space<vmem_shared>>
        %dma_wait3A_168 = arith.constant 0 : i32
        %dma_wait3A_169 = tpu.memref_slice %arg8[%add3A_161, %dma_wait3A_168] : memref<10240x64xf32, #tpu.memory_space<vmem_shared>> -> memref<64x64xf32, #tpu.memory_space<vmem_shared>>
        tpu.wait_dma2 semaphore(%run_scoped3A : memref<!tpu.dma_semaphore, #tpu.memory_space<semaphore_mem>>) src(%arg11 : memref<64x64xf32, #tpu.memory_space<vmem>>) dst(%dma_wait3A_169 : memref<64x64xf32, #tpu.memory_space<vmem_shared>>)
        tpu.yield
      }) : () -> ()
      %scan3A_162 = arith.constant 0 : i32
      scf.yield %scan3A_162 : i32
    }
    %scan3A_88 = arith.constant 10 : i32
    %lt3A_89 = arith.constant 15 : i32
    %lt3A_90 = arith.cmpi slt, %arg1, %lt3A_89 : i32
    %jit3A_91 = arith.constant 8 : i32
    %jit3A_92 = arith.constant 5 : i32
    %select_n3A_93 = arith.select %lt3A_90, %jit3A_91, %jit3A_92 : i32
    %while3A_94 = arith.constant 0 : i32
    %while3A_95 = arith.constant 0 : i32
    %while3A_96 = arith.subi %select_n3A_93, %while3A_94 : i32
    %while3A_97 = arith.addi %while3A_94, %while3A_96 : i32
    %while3A_98 = arith.constant 1 : i32
    %while3A_99 = arith.divsi %while3A_96, %while3A_98 : i32
    %while3A_100 = arith.muli %while3A_99, %while3A_98 : i32
    %while3A_101 = arith.addi %while3A_94, %while3A_100 : i32
    %while3A_102 = arith.constant 1 : i32
    %while3A_103 = scf.for %while3A_155 = %while3A_94 to %while3A_101 step %while3A_102 iter_args(%while3A_156 = %while3A_95) -> (i32)  : i32 {
      %mul3A_157 = arith.constant 640 : i32
      %mul3A_158 = arith.muli %arg1, %mul3A_157 : i32
      %mul3A_159 = arith.constant 80 : i32
      %mul3A_160 = arith.muli %while3A_155, %mul3A_159 : i32
      %add3A_161 = arith.addi %mul3A_158, %mul3A_160 : i32
      "tpu.region"() ({
        %run_scoped3A = tpu.sem_alloc : memref<!tpu.dma_semaphore, #tpu.memory_space<semaphore_mem>>
        %dma_start3A_163 = arith.constant 0 : i32
        %dma_start3A_164 = tpu.memref_slice %arg7[%add3A_161, %dma_start3A_163] : memref<10240x64xf32, #tpu.memory_space<vmem_shared>> -> memref<80x64xf32, #tpu.memory_space<vmem_shared>>
        %dma_start3A_165 = arith.constant 0 : i32
        %dma_start3A_166 = tpu.memref_slice %arg3[%add3A_161, %dma_start3A_165] : memref<10000x64xf32, #tpu.memory_space<hbm>> -> memref<80x64xf32, #tpu.memory_space<hbm>>
        tpu.enqueue_dma source(%dma_start3A_166 : memref<80x64xf32, #tpu.memory_space<hbm>>) target(%dma_start3A_164 : memref<80x64xf32, #tpu.memory_space<vmem_shared>>) target_semaphore(%run_scoped3A : memref<!tpu.dma_semaphore, #tpu.memory_space<semaphore_mem>>)
        %dma_wait3A = arith.constant 0 : i32
        %dma_wait3A_167 = tpu.memref_slice %arg7[%add3A_161, %dma_wait3A] : memref<10240x64xf32, #tpu.memory_space<vmem_shared>> -> memref<80x64xf32, #tpu.memory_space<vmem_shared>>
        %dma_wait3A_168 = arith.constant 0 : i32
        %dma_wait3A_169 = tpu.memref_slice %arg3[%add3A_161, %dma_wait3A_168] : memref<10000x64xf32, #tpu.memory_space<hbm>> -> memref<80x64xf32, #tpu.memory_space<hbm>>
        tpu.wait_dma2 semaphore(%run_scoped3A : memref<!tpu.dma_semaphore, #tpu.memory_space<semaphore_mem>>) src(%dma_wait3A_169 : memref<80x64xf32, #tpu.memory_space<hbm>>) dst(%dma_wait3A_167 : memref<80x64xf32, #tpu.memory_space<vmem_shared>>)
        tpu.yield
      }) : () -> ()
      %while3A_162 = arith.constant 0 : i32
      scf.yield %while3A_162 : i32
    }
    %while3A_104 = arith.constant 1 : i32
    %while3A_105 = scf.for %while3A_155 = %while3A_101 to %while3A_97 step %while3A_104 iter_args(%while3A_156 = %while3A_103) -> (i32)  : i32 {
      %mul3A_157 = arith.constant 640 : i32
      %mul3A_158 = arith.muli %arg1, %mul3A_157 : i32
      %mul3A_159 = arith.constant 80 : i32
      %mul3A_160 = arith.muli %while3A_155, %mul3A_159 : i32
      %add3A_161 = arith.addi %mul3A_158, %mul3A_160 : i32
      "tpu.region"() ({
        %run_scoped3A = tpu.sem_alloc : memref<!tpu.dma_semaphore, #tpu.memory_space<semaphore_mem>>
        %dma_start3A_163 = arith.constant 0 : i32
        %dma_start3A_164 = tpu.memref_slice %arg7[%add3A_161, %dma_start3A_163] : memref<10240x64xf32, #tpu.memory_space<vmem_shared>> -> memref<80x64xf32, #tpu.memory_space<vmem_shared>>
        %dma_start3A_165 = arith.constant 0 : i32
        %dma_start3A_166 = tpu.memref_slice %arg3[%add3A_161, %dma_start3A_165] : memref<10000x64xf32, #tpu.memory_space<hbm>> -> memref<80x64xf32, #tpu.memory_space<hbm>>
        tpu.enqueue_dma source(%dma_start3A_166 : memref<80x64xf32, #tpu.memory_space<hbm>>) target(%dma_start3A_164 : memref<80x64xf32, #tpu.memory_space<vmem_shared>>) target_semaphore(%run_scoped3A : memref<!tpu.dma_semaphore, #tpu.memory_space<semaphore_mem>>)
        %dma_wait3A = arith.constant 0 : i32
        %dma_wait3A_167 = tpu.memref_slice %arg7[%add3A_161, %dma_wait3A] : memref<10240x64xf32, #tpu.memory_space<vmem_shared>> -> memref<80x64xf32, #tpu.memory_space<vmem_shared>>
        %dma_wait3A_168 = arith.constant 0 : i32
        %dma_wait3A_169 = tpu.memref_slice %arg3[%add3A_161, %dma_wait3A_168] : memref<10000x64xf32, #tpu.memory_space<hbm>> -> memref<80x64xf32, #tpu.memory_space<hbm>>
        tpu.wait_dma2 semaphore(%run_scoped3A : memref<!tpu.dma_semaphore, #tpu.memory_space<semaphore_mem>>) src(%dma_wait3A_169 : memref<80x64xf32, #tpu.memory_space<hbm>>) dst(%dma_wait3A_167 : memref<80x64xf32, #tpu.memory_space<vmem_shared>>)
        tpu.yield
      }) : () -> ()
      %while3A_162 = arith.constant 0 : i32
      scf.yield %while3A_162 : i32
    }
    %barrier3A_106 = arith.constant 0 : index
    tpu.barrier barrier_id(%barrier3A_106)
    %mul3A_107 = arith.constant 2 : i32
    %mul3A_108 = arith.muli %add3A, %mul3A_107 : i32
    %add3A_109 = arith.constant 0 : i32
    %add3A_110 = arith.addi %mul3A_108, %add3A_109 : i32
    "tpu.region"() ({
      %run_scoped3A = tpu.sem_alloc : memref<!tpu.dma_semaphore, #tpu.memory_space<semaphore_mem>>
      %dma_start3A_155 = arith.constant 0 : i32
      %dma_start3A_156 = arith.constant 0 : i32
      %dma_start3A_157 = tpu.memref_slice %arg4[%add3A_110, %dma_start3A_155, %dma_start3A_156] : memref<64x80x64xi32, #tpu.memory_space<hbm>> -> memref<1x80x64xi32, #tpu.memory_space<hbm>>
      %dma_start3A_158 = tpu.memref_squeeze %dma_start3A_157 : memref<1x80x64xi32, #tpu.memory_space<hbm>> -> memref<80x64xi32, #tpu.memory_space<hbm>>
      %dma_start3A_159 = arith.constant 0 : i32
      %dma_start3A_160 = arith.constant 0 : i32
      %dma_start3A_161 = tpu.memref_slice %arg4[%add3A_110, %dma_start3A_159, %dma_start3A_160] : memref<64x80x64xi32, #tpu.memory_space<hbm>> -> memref<1x80x64xi32, #tpu.memory_space<hbm>>
      %dma_start3A_162 = tpu.memref_squeeze %dma_start3A_161 : memref<1x80x64xi32, #tpu.memory_space<hbm>> -> memref<80x64xi32, #tpu.memory_space<hbm>>
      tpu.enqueue_dma source(%dma_start3A_162 : memref<80x64xi32, #tpu.memory_space<hbm>>) target(%arg9 : memref<80x64xi32, #tpu.memory_space<vmem>>) target_semaphore(%run_scoped3A : memref<!tpu.dma_semaphore, #tpu.memory_space<semaphore_mem>>)
      %dma_wait3A = arith.constant 0 : i32
      %dma_wait3A_163 = arith.constant 0 : i32
      %dma_wait3A_164 = tpu.memref_slice %arg4[%add3A_110, %dma_wait3A, %dma_wait3A_163] : memref<64x80x64xi32, #tpu.memory_space<hbm>> -> memref<1x80x64xi32, #tpu.memory_space<hbm>>
      %dma_wait3A_165 = tpu.memref_squeeze %dma_wait3A_164 : memref<1x80x64xi32, #tpu.memory_space<hbm>> -> memref<80x64xi32, #tpu.memory_space<hbm>>
      %dma_wait3A_166 = arith.constant 0 : i32
      %dma_wait3A_167 = arith.constant 0 : i32
      %dma_wait3A_168 = tpu.memref_slice %arg4[%add3A_110, %dma_wait3A_166, %dma_wait3A_167] : memref<64x80x64xi32, #tpu.memory_space<hbm>> -> memref<1x80x64xi32, #tpu.memory_space<hbm>>
      %dma_wait3A_169 = tpu.memref_squeeze %dma_wait3A_168 : memref<1x80x64xi32, #tpu.memory_space<hbm>> -> memref<80x64xi32, #tpu.memory_space<hbm>>
      tpu.wait_dma2 semaphore(%run_scoped3A : memref<!tpu.dma_semaphore, #tpu.memory_space<semaphore_mem>>) src(%dma_wait3A_169 : memref<80x64xi32, #tpu.memory_space<hbm>>) dst(%arg9 : memref<80x64xi32, #tpu.memory_space<vmem>>)
      tpu.yield
    }) : () -> ()
    %mul3A_111 = arith.constant 2 : i32
    %mul3A_112 = arith.muli %add3A, %mul3A_111 : i32
    %add3A_113 = arith.constant 0 : i32
    %add3A_114 = arith.addi %mul3A_112, %add3A_113 : i32
    "tpu.region"() ({
      %run_scoped3A = tpu.sem_alloc : memref<!tpu.dma_semaphore, #tpu.memory_space<semaphore_mem>>
      %dma_start3A_155 = arith.constant 0 : i32
      %dma_start3A_156 = arith.constant 0 : i32
      %dma_start3A_157 = tpu.memref_slice %arg5[%add3A_114, %dma_start3A_155, %dma_start3A_156] : memref<64x80x64xi32, #tpu.memory_space<hbm>> -> memref<1x80x64xi32, #tpu.memory_space<hbm>>
      %dma_start3A_158 = tpu.memref_squeeze %dma_start3A_157 : memref<1x80x64xi32, #tpu.memory_space<hbm>> -> memref<80x64xi32, #tpu.memory_space<hbm>>
      %dma_start3A_159 = arith.constant 0 : i32
      %dma_start3A_160 = arith.constant 0 : i32
      %dma_start3A_161 = tpu.memref_slice %arg5[%add3A_114, %dma_start3A_159, %dma_start3A_160] : memref<64x80x64xi32, #tpu.memory_space<hbm>> -> memref<1x80x64xi32, #tpu.memory_space<hbm>>
      %dma_start3A_162 = tpu.memref_squeeze %dma_start3A_161 : memref<1x80x64xi32, #tpu.memory_space<hbm>> -> memref<80x64xi32, #tpu.memory_space<hbm>>
      tpu.enqueue_dma source(%dma_start3A_162 : memref<80x64xi32, #tpu.memory_space<hbm>>) target(%arg10 : memref<80x64xi32, #tpu.memory_space<vmem>>) target_semaphore(%run_scoped3A : memref<!tpu.dma_semaphore, #tpu.memory_space<semaphore_mem>>)
      %dma_wait3A = arith.constant 0 : i32
      %dma_wait3A_163 = arith.constant 0 : i32
      %dma_wait3A_164 = tpu.memref_slice %arg5[%add3A_114, %dma_wait3A, %dma_wait3A_163] : memref<64x80x64xi32, #tpu.memory_space<hbm>> -> memref<1x80x64xi32, #tpu.memory_space<hbm>>
      %dma_wait3A_165 = tpu.memref_squeeze %dma_wait3A_164 : memref<1x80x64xi32, #tpu.memory_space<hbm>> -> memref<80x64xi32, #tpu.memory_space<hbm>>
      %dma_wait3A_166 = arith.constant 0 : i32
      %dma_wait3A_167 = arith.constant 0 : i32
      %dma_wait3A_168 = tpu.memref_slice %arg5[%add3A_114, %dma_wait3A_166, %dma_wait3A_167] : memref<64x80x64xi32, #tpu.memory_space<hbm>> -> memref<1x80x64xi32, #tpu.memory_space<hbm>>
      %dma_wait3A_169 = tpu.memref_squeeze %dma_wait3A_168 : memref<1x80x64xi32, #tpu.memory_space<hbm>> -> memref<80x64xi32, #tpu.memory_space<hbm>>
      tpu.wait_dma2 semaphore(%run_scoped3A : memref<!tpu.dma_semaphore, #tpu.memory_space<semaphore_mem>>) src(%dma_wait3A_169 : memref<80x64xi32, #tpu.memory_space<hbm>>) dst(%arg10 : memref<80x64xi32, #tpu.memory_space<vmem>>)
      tpu.yield
    }) : () -> ()
    %dma_start3A_115 = arith.constant 0 : i32
    %dma_start3A_116 = arith.constant 0 : i32
    %dma_start3A_117 = tpu.memref_slice %arg9[%dma_start3A_115, %dma_start3A_116] : memref<80x64xi32, #tpu.memory_space<vmem>> -> memref<1x64xi32, #tpu.memory_space<vmem>>
    %dma_start3A_118 = tpu.memref_squeeze %dma_start3A_117 : memref<1x64xi32, #tpu.memory_space<vmem>> -> memref<64xi32, #tpu.memory_space<vmem>>
    %dma_start3A_119 = arith.constant 0 : i32
    %dma_start3A_120 = arith.constant 0 : i32
    %dma_start3A_121 = tpu.memref_slice %arg7[%dma_start3A_119, %dma_start3A_120] : memref<10240x64xf32, #tpu.memory_space<vmem_shared>> -> memref<10240x64xf32, #tpu.memory_space<vmem_shared>>
    tpu.enqueue_indirect_dma source(%dma_start3A_121 : memref<10240x64xf32, #tpu.memory_space<vmem_shared>>) target(%arg11 : memref<64x64xf32, #tpu.memory_space<vmem>>) offsets(%dma_start3A_118 : memref<64xi32, #tpu.memory_space<vmem>>) semaphore(%arg13 : memref<!tpu.dma_semaphore, #tpu.memory_space<semaphore_mem>>)
    %scan3A_122 = arith.constant 0 : i32
    %scan3A_123 = arith.constant 40 : i32
    %scan3A_124 = arith.addi %scan3A_122, %scan3A_123 : i32
    %scan3A_125 = arith.constant 1 : i32
    scf.for %scan3A_155 = %scan3A_122 to %scan3A_124 step %scan3A_125  : i32 {
      %mul3A_156 = arith.constant 2 : i32
      %mul3A_157 = arith.muli %scan3A_155, %mul3A_156 : i32
      %add3A_158 = arith.constant 0 : i32
      %add3A_159 = arith.addi %add3A_158, %mul3A_157 : i32
      %add3A_160 = arith.constant 0 : i32
      %add3A_161 = arith.addi %add3A_159, %add3A_160 : i32
      %dma_wait3A = arith.constant 0 : i32
      %dma_wait3A_162 = tpu.memref_slice %arg9[%add3A_161, %dma_wait3A] : memref<80x64xi32, #tpu.memory_space<vmem>> -> memref<1x64xi32, #tpu.memory_space<vmem>>
      %dma_wait3A_163 = tpu.memref_squeeze %dma_wait3A_162 : memref<1x64xi32, #tpu.memory_space<vmem>> -> memref<64xi32, #tpu.memory_space<vmem>>
      %dma_wait3A_164 = arith.constant 0 : i32
      %dma_wait3A_165 = arith.constant 0 : i32
      %dma_wait3A_166 = tpu.memref_slice %arg7[%dma_wait3A_164, %dma_wait3A_165] : memref<10240x64xf32, #tpu.memory_space<vmem_shared>> -> memref<10240x64xf32, #tpu.memory_space<vmem_shared>>
      tpu.wait_indirect_dma semaphore(%arg13 : memref<!tpu.dma_semaphore, #tpu.memory_space<semaphore_mem>>) src(%dma_wait3A_166 : memref<10240x64xf32, #tpu.memory_space<vmem_shared>>) dst(%arg11 : memref<64x64xf32, #tpu.memory_space<vmem>>)
      %add3A_167 = arith.constant 2 : i32
      %add3A_168 = arith.addi %add3A_161, %add3A_167 : i32
      %sub3A = arith.constant 1 : i32
      %sub3A_169 = arith.subi %add3A_168, %sub3A : i32
      %lt3A_170 = arith.constant 80 : i32
      %lt3A_171 = arith.cmpi slt, %sub3A_169, %lt3A_170 : i32
      %convert_element_type3A = arith.extui %lt3A_171 : i1 to i32
      %cond3A = arith.constant 0 : i32
      %cond3A_172 = arith.cmpi ne, %convert_element_type3A, %cond3A : i32
      scf.if %cond3A_172 {
        %add3A_190 = arith.constant 2 : i32
        %add3A_191 = arith.addi %add3A_161, %add3A_190 : i32
        %sub3A_192 = arith.constant 1 : i32
        %sub3A_193 = arith.subi %add3A_191, %sub3A_192 : i32
        %dma_start3A_194 = arith.constant 0 : i32
        %dma_start3A_195 = tpu.memref_slice %arg9[%sub3A_193, %dma_start3A_194] : memref<80x64xi32, #tpu.memory_space<vmem>> -> memref<1x64xi32, #tpu.memory_space<vmem>>
        %dma_start3A_196 = tpu.memref_squeeze %dma_start3A_195 : memref<1x64xi32, #tpu.memory_space<vmem>> -> memref<64xi32, #tpu.memory_space<vmem>>
        %dma_start3A_197 = arith.constant 0 : i32
        %dma_start3A_198 = arith.constant 0 : i32
        %dma_start3A_199 = tpu.memref_slice %arg7[%dma_start3A_197, %dma_start3A_198] : memref<10240x64xf32, #tpu.memory_space<vmem_shared>> -> memref<10240x64xf32, #tpu.memory_space<vmem_shared>>
        tpu.enqueue_indirect_dma source(%dma_start3A_199 : memref<10240x64xf32, #tpu.memory_space<vmem_shared>>) target(%arg12 : memref<64x64xf32, #tpu.memory_space<vmem>>) offsets(%dma_start3A_196 : memref<64xi32, #tpu.memory_space<vmem>>) semaphore(%arg14 : memref<!tpu.dma_semaphore, #tpu.memory_space<semaphore_mem>>)
      } else {
      }
      "tpu.region"() ({
        %run_scoped3A = tpu.sem_alloc : memref<!tpu.dma_semaphore, #tpu.memory_space<semaphore_mem>>
        %dma_start3A_190 = arith.constant 0 : i32
        %dma_start3A_191 = tpu.memref_slice %arg10[%add3A_161, %dma_start3A_190] : memref<80x64xi32, #tpu.memory_space<vmem>> -> memref<1x64xi32, #tpu.memory_space<vmem>>
        %dma_start3A_192 = tpu.memref_squeeze %dma_start3A_191 : memref<1x64xi32, #tpu.memory_space<vmem>> -> memref<64xi32, #tpu.memory_space<vmem>>
        %dma_start3A_193 = arith.constant 0 : i32
        %dma_start3A_194 = arith.constant 0 : i32
        %dma_start3A_195 = tpu.memref_slice %arg8[%dma_start3A_193, %dma_start3A_194] : memref<10240x64xf32, #tpu.memory_space<vmem_shared>> -> memref<10240x64xf32, #tpu.memory_space<vmem_shared>>
        tpu.enqueue_indirect_dma source(%arg11 : memref<64x64xf32, #tpu.memory_space<vmem>>) target(%dma_start3A_195 : memref<10240x64xf32, #tpu.memory_space<vmem_shared>>) offsets(%dma_start3A_192 : memref<64xi32, #tpu.memory_space<vmem>>) semaphore(%run_scoped3A : memref<!tpu.dma_semaphore, #tpu.memory_space<semaphore_mem>>) {add = true}
        %dma_wait3A_196 = arith.constant 0 : i32
        %dma_wait3A_197 = tpu.memref_slice %arg10[%add3A_161, %dma_wait3A_196] : memref<80x64xi32, #tpu.memory_space<vmem>> -> memref<1x64xi32, #tpu.memory_space<vmem>>
        %dma_wait3A_198 = tpu.memref_squeeze %dma_wait3A_197 : memref<1x64xi32, #tpu.memory_space<vmem>> -> memref<64xi32, #tpu.memory_space<vmem>>
        %dma_wait3A_199 = arith.constant 0 : i32
        %dma_wait3A_200 = arith.constant 0 : i32
        %dma_wait3A_201 = tpu.memref_slice %arg8[%dma_wait3A_199, %dma_wait3A_200] : memref<10240x64xf32, #tpu.memory_space<vmem_shared>> -> memref<10240x64xf32, #tpu.memory_space<vmem_shared>>
        tpu.wait_indirect_dma semaphore(%run_scoped3A : memref<!tpu.dma_semaphore, #tpu.memory_space<semaphore_mem>>) src(%arg11 : memref<64x64xf32, #tpu.memory_space<vmem>>) dst(%dma_wait3A_201 : memref<10240x64xf32, #tpu.memory_space<vmem_shared>>)
        tpu.yield
      }) : () -> ()
      %add3A_173 = arith.constant 1 : i32
      %add3A_174 = arith.addi %add3A_159, %add3A_173 : i32
      %dma_wait3A_175 = arith.constant 0 : i32
      %dma_wait3A_176 = tpu.memref_slice %arg9[%add3A_174, %dma_wait3A_175] : memref<80x64xi32, #tpu.memory_space<vmem>> -> memref<1x64xi32, #tpu.memory_space<vmem>>
      %dma_wait3A_177 = tpu.memref_squeeze %dma_wait3A_176 : memref<1x64xi32, #tpu.memory_space<vmem>> -> memref<64xi32, #tpu.memory_space<vmem>>
      %dma_wait3A_178 = arith.constant 0 : i32
      %dma_wait3A_179 = arith.constant 0 : i32
      %dma_wait3A_180 = tpu.memref_slice %arg7[%dma_wait3A_178, %dma_wait3A_179] : memref<10240x64xf32, #tpu.memory_space<vmem_shared>> -> memref<10240x64xf32, #tpu.memory_space<vmem_shared>>
      tpu.wait_indirect_dma semaphore(%arg14 : memref<!tpu.dma_semaphore, #tpu.memory_space<semaphore_mem>>) src(%dma_wait3A_180 : memref<10240x64xf32, #tpu.memory_space<vmem_shared>>) dst(%arg12 : memref<64x64xf32, #tpu.memory_space<vmem>>)
      %add3A_181 = arith.constant 2 : i32
      %add3A_182 = arith.addi %add3A_174, %add3A_181 : i32
      %sub3A_183 = arith.constant 1 : i32
      %sub3A_184 = arith.subi %add3A_182, %sub3A_183 : i32
      %lt3A_185 = arith.constant 80 : i32
      %lt3A_186 = arith.cmpi slt, %sub3A_184, %lt3A_185 : i32
      %convert_element_type3A_187 = arith.extui %lt3A_186 : i1 to i32
      %cond3A_188 = arith.constant 0 : i32
      %cond3A_189 = arith.cmpi ne, %convert_element_type3A_187, %cond3A_188 : i32
      scf.if %cond3A_189 {
        %add3A_190 = arith.constant 2 : i32
        %add3A_191 = arith.addi %add3A_174, %add3A_190 : i32
        %sub3A_192 = arith.constant 1 : i32
        %sub3A_193 = arith.subi %add3A_191, %sub3A_192 : i32
        %dma_start3A_194 = arith.constant 0 : i32
        %dma_start3A_195 = tpu.memref_slice %arg9[%sub3A_193, %dma_start3A_194] : memref<80x64xi32, #tpu.memory_space<vmem>> -> memref<1x64xi32, #tpu.memory_space<vmem>>
        %dma_start3A_196 = tpu.memref_squeeze %dma_start3A_195 : memref<1x64xi32, #tpu.memory_space<vmem>> -> memref<64xi32, #tpu.memory_space<vmem>>
        %dma_start3A_197 = arith.constant 0 : i32
        %dma_start3A_198 = arith.constant 0 : i32
        %dma_start3A_199 = tpu.memref_slice %arg7[%dma_start3A_197, %dma_start3A_198] : memref<10240x64xf32, #tpu.memory_space<vmem_shared>> -> memref<10240x64xf32, #tpu.memory_space<vmem_shared>>
        tpu.enqueue_indirect_dma source(%dma_start3A_199 : memref<10240x64xf32, #tpu.memory_space<vmem_shared>>) target(%arg11 : memref<64x64xf32, #tpu.memory_space<vmem>>) offsets(%dma_start3A_196 : memref<64xi32, #tpu.memory_space<vmem>>) semaphore(%arg13 : memref<!tpu.dma_semaphore, #tpu.memory_space<semaphore_mem>>)
      } else {
      }
      "tpu.region"() ({
        %run_scoped3A = tpu.sem_alloc : memref<!tpu.dma_semaphore, #tpu.memory_space<semaphore_mem>>
        %dma_start3A_190 = arith.constant 0 : i32
        %dma_start3A_191 = tpu.memref_slice %arg10[%add3A_174, %dma_start3A_190] : memref<80x64xi32, #tpu.memory_space<vmem>> -> memref<1x64xi32, #tpu.memory_space<vmem>>
        %dma_start3A_192 = tpu.memref_squeeze %dma_start3A_191 : memref<1x64xi32, #tpu.memory_space<vmem>> -> memref<64xi32, #tpu.memory_space<vmem>>
        %dma_start3A_193 = arith.constant 0 : i32
        %dma_start3A_194 = arith.constant 0 : i32
        %dma_start3A_195 = tpu.memref_slice %arg8[%dma_start3A_193, %dma_start3A_194] : memref<10240x64xf32, #tpu.memory_space<vmem_shared>> -> memref<10240x64xf32, #tpu.memory_space<vmem_shared>>
        tpu.enqueue_indirect_dma source(%arg12 : memref<64x64xf32, #tpu.memory_space<vmem>>) target(%dma_start3A_195 : memref<10240x64xf32, #tpu.memory_space<vmem_shared>>) offsets(%dma_start3A_192 : memref<64xi32, #tpu.memory_space<vmem>>) semaphore(%run_scoped3A : memref<!tpu.dma_semaphore, #tpu.memory_space<semaphore_mem>>) {add = true}
        %dma_wait3A_196 = arith.constant 0 : i32
        %dma_wait3A_197 = tpu.memref_slice %arg10[%add3A_174, %dma_wait3A_196] : memref<80x64xi32, #tpu.memory_space<vmem>> -> memref<1x64xi32, #tpu.memory_space<vmem>>
        %dma_wait3A_198 = tpu.memref_squeeze %dma_wait3A_197 : memref<1x64xi32, #tpu.memory_space<vmem>> -> memref<64xi32, #tpu.memory_space<vmem>>
        %dma_wait3A_199 = arith.constant 0 : i32
        %dma_wait3A_200 = arith.constant 0 : i32
        %dma_wait3A_201 = tpu.memref_slice %arg8[%dma_wait3A_199, %dma_wait3A_200] : memref<10240x64xf32, #tpu.memory_space<vmem_shared>> -> memref<10240x64xf32, #tpu.memory_space<vmem_shared>>
        tpu.wait_indirect_dma semaphore(%run_scoped3A : memref<!tpu.dma_semaphore, #tpu.memory_space<semaphore_mem>>) src(%arg12 : memref<64x64xf32, #tpu.memory_space<vmem>>) dst(%dma_wait3A_201 : memref<10240x64xf32, #tpu.memory_space<vmem_shared>>)
        tpu.yield
      }) : () -> ()
    }
    %scan3A_126 = arith.constant 40 : i32
    %mul3A_127 = arith.constant 2 : i32
    %mul3A_128 = arith.muli %add3A, %mul3A_127 : i32
    %add3A_129 = arith.constant 1 : i32
    %add3A_130 = arith.addi %mul3A_128, %add3A_129 : i32
    "tpu.region"() ({
      %run_scoped3A = tpu.sem_alloc : memref<!tpu.dma_semaphore, #tpu.memory_space<semaphore_mem>>
      %dma_start3A_155 = arith.constant 0 : i32
      %dma_start3A_156 = arith.constant 0 : i32
      %dma_start3A_157 = tpu.memref_slice %arg4[%add3A_130, %dma_start3A_155, %dma_start3A_156] : memref<64x80x64xi32, #tpu.memory_space<hbm>> -> memref<1x80x64xi32, #tpu.memory_space<hbm>>
      %dma_start3A_158 = tpu.memref_squeeze %dma_start3A_157 : memref<1x80x64xi32, #tpu.memory_space<hbm>> -> memref<80x64xi32, #tpu.memory_space<hbm>>
      %dma_start3A_159 = arith.constant 0 : i32
      %dma_start3A_160 = arith.constant 0 : i32
      %dma_start3A_161 = tpu.memref_slice %arg4[%add3A_130, %dma_start3A_159, %dma_start3A_160] : memref<64x80x64xi32, #tpu.memory_space<hbm>> -> memref<1x80x64xi32, #tpu.memory_space<hbm>>
      %dma_start3A_162 = tpu.memref_squeeze %dma_start3A_161 : memref<1x80x64xi32, #tpu.memory_space<hbm>> -> memref<80x64xi32, #tpu.memory_space<hbm>>
      tpu.enqueue_dma source(%dma_start3A_162 : memref<80x64xi32, #tpu.memory_space<hbm>>) target(%arg9 : memref<80x64xi32, #tpu.memory_space<vmem>>) target_semaphore(%run_scoped3A : memref<!tpu.dma_semaphore, #tpu.memory_space<semaphore_mem>>)
      %dma_wait3A = arith.constant 0 : i32
      %dma_wait3A_163 = arith.constant 0 : i32
      %dma_wait3A_164 = tpu.memref_slice %arg4[%add3A_130, %dma_wait3A, %dma_wait3A_163] : memref<64x80x64xi32, #tpu.memory_space<hbm>> -> memref<1x80x64xi32, #tpu.memory_space<hbm>>
      %dma_wait3A_165 = tpu.memref_squeeze %dma_wait3A_164 : memref<1x80x64xi32, #tpu.memory_space<hbm>> -> memref<80x64xi32, #tpu.memory_space<hbm>>
      %dma_wait3A_166 = arith.constant 0 : i32
      %dma_wait3A_167 = arith.constant 0 : i32
      %dma_wait3A_168 = tpu.memref_slice %arg4[%add3A_130, %dma_wait3A_166, %dma_wait3A_167] : memref<64x80x64xi32, #tpu.memory_space<hbm>> -> memref<1x80x64xi32, #tpu.memory_space<hbm>>
      %dma_wait3A_169 = tpu.memref_squeeze %dma_wait3A_168 : memref<1x80x64xi32, #tpu.memory_space<hbm>> -> memref<80x64xi32, #tpu.memory_space<hbm>>
      tpu.wait_dma2 semaphore(%run_scoped3A : memref<!tpu.dma_semaphore, #tpu.memory_space<semaphore_mem>>) src(%dma_wait3A_169 : memref<80x64xi32, #tpu.memory_space<hbm>>) dst(%arg9 : memref<80x64xi32, #tpu.memory_space<vmem>>)
      tpu.yield
    }) : () -> ()
    %mul3A_131 = arith.constant 2 : i32
    %mul3A_132 = arith.muli %add3A, %mul3A_131 : i32
    %add3A_133 = arith.constant 1 : i32
    %add3A_134 = arith.addi %mul3A_132, %add3A_133 : i32
    "tpu.region"() ({
      %run_scoped3A = tpu.sem_alloc : memref<!tpu.dma_semaphore, #tpu.memory_space<semaphore_mem>>
      %dma_start3A_155 = arith.constant 0 : i32
      %dma_start3A_156 = arith.constant 0 : i32
      %dma_start3A_157 = tpu.memref_slice %arg5[%add3A_134, %dma_start3A_155, %dma_start3A_156] : memref<64x80x64xi32, #tpu.memory_space<hbm>> -> memref<1x80x64xi32, #tpu.memory_space<hbm>>
      %dma_start3A_158 = tpu.memref_squeeze %dma_start3A_157 : memref<1x80x64xi32, #tpu.memory_space<hbm>> -> memref<80x64xi32, #tpu.memory_space<hbm>>
      %dma_start3A_159 = arith.constant 0 : i32
      %dma_start3A_160 = arith.constant 0 : i32
      %dma_start3A_161 = tpu.memref_slice %arg5[%add3A_134, %dma_start3A_159, %dma_start3A_160] : memref<64x80x64xi32, #tpu.memory_space<hbm>> -> memref<1x80x64xi32, #tpu.memory_space<hbm>>
      %dma_start3A_162 = tpu.memref_squeeze %dma_start3A_161 : memref<1x80x64xi32, #tpu.memory_space<hbm>> -> memref<80x64xi32, #tpu.memory_space<hbm>>
      tpu.enqueue_dma source(%dma_start3A_162 : memref<80x64xi32, #tpu.memory_space<hbm>>) target(%arg10 : memref<80x64xi32, #tpu.memory_space<vmem>>) target_semaphore(%run_scoped3A : memref<!tpu.dma_semaphore, #tpu.memory_space<semaphore_mem>>)
      %dma_wait3A = arith.constant 0 : i32
      %dma_wait3A_163 = arith.constant 0 : i32
      %dma_wait3A_164 = tpu.memref_slice %arg5[%add3A_134, %dma_wait3A, %dma_wait3A_163] : memref<64x80x64xi32, #tpu.memory_space<hbm>> -> memref<1x80x64xi32, #tpu.memory_space<hbm>>
      %dma_wait3A_165 = tpu.memref_squeeze %dma_wait3A_164 : memref<1x80x64xi32, #tpu.memory_space<hbm>> -> memref<80x64xi32, #tpu.memory_space<hbm>>
      %dma_wait3A_166 = arith.constant 0 : i32
      %dma_wait3A_167 = arith.constant 0 : i32
      %dma_wait3A_168 = tpu.memref_slice %arg5[%add3A_134, %dma_wait3A_166, %dma_wait3A_167] : memref<64x80x64xi32, #tpu.memory_space<hbm>> -> memref<1x80x64xi32, #tpu.memory_space<hbm>>
      %dma_wait3A_169 = tpu.memref_squeeze %dma_wait3A_168 : memref<1x80x64xi32, #tpu.memory_space<hbm>> -> memref<80x64xi32, #tpu.memory_space<hbm>>
      tpu.wait_dma2 semaphore(%run_scoped3A : memref<!tpu.dma_semaphore, #tpu.memory_space<semaphore_mem>>) src(%dma_wait3A_169 : memref<80x64xi32, #tpu.memory_space<hbm>>) dst(%arg10 : memref<80x64xi32, #tpu.memory_space<vmem>>)
      tpu.yield
    }) : () -> ()
    %dma_start3A_135 = arith.constant 0 : i32
    %dma_start3A_136 = arith.constant 0 : i32
    %dma_start3A_137 = tpu.memref_slice %arg9[%dma_start3A_135, %dma_start3A_136] : memref<80x64xi32, #tpu.memory_space<vmem>> -> memref<1x64xi32, #tpu.memory_space<vmem>>
    %dma_start3A_138 = tpu.memref_squeeze %dma_start3A_137 : memref<1x64xi32, #tpu.memory_space<vmem>> -> memref<64xi32, #tpu.memory_space<vmem>>
    %dma_start3A_139 = arith.constant 0 : i32
    %dma_start3A_140 = arith.constant 0 : i32
    %dma_start3A_141 = tpu.memref_slice %arg7[%dma_start3A_139, %dma_start3A_140] : memref<10240x64xf32, #tpu.memory_space<vmem_shared>> -> memref<10240x64xf32, #tpu.memory_space<vmem_shared>>
    tpu.enqueue_indirect_dma source(%dma_start3A_141 : memref<10240x64xf32, #tpu.memory_space<vmem_shared>>) target(%arg11 : memref<64x64xf32, #tpu.memory_space<vmem>>) offsets(%dma_start3A_138 : memref<64xi32, #tpu.memory_space<vmem>>) semaphore(%arg13 : memref<!tpu.dma_semaphore, #tpu.memory_space<semaphore_mem>>)
    %scan3A_142 = arith.constant 0 : i32
    %scan3A_143 = arith.constant 40 : i32
    %scan3A_144 = arith.addi %scan3A_142, %scan3A_143 : i32
    %scan3A_145 = arith.constant 1 : i32
    scf.for %scan3A_155 = %scan3A_142 to %scan3A_144 step %scan3A_145  : i32 {
      %mul3A_156 = arith.constant 2 : i32
      %mul3A_157 = arith.muli %scan3A_155, %mul3A_156 : i32
      %add3A_158 = arith.constant 0 : i32
      %add3A_159 = arith.addi %add3A_158, %mul3A_157 : i32
      %add3A_160 = arith.constant 0 : i32
      %add3A_161 = arith.addi %add3A_159, %add3A_160 : i32
      %dma_wait3A = arith.constant 0 : i32
      %dma_wait3A_162 = tpu.memref_slice %arg9[%add3A_161, %dma_wait3A] : memref<80x64xi32, #tpu.memory_space<vmem>> -> memref<1x64xi32, #tpu.memory_space<vmem>>
      %dma_wait3A_163 = tpu.memref_squeeze %dma_wait3A_162 : memref<1x64xi32, #tpu.memory_space<vmem>> -> memref<64xi32, #tpu.memory_space<vmem>>
      %dma_wait3A_164 = arith.constant 0 : i32
      %dma_wait3A_165 = arith.constant 0 : i32
      %dma_wait3A_166 = tpu.memref_slice %arg7[%dma_wait3A_164, %dma_wait3A_165] : memref<10240x64xf32, #tpu.memory_space<vmem_shared>> -> memref<10240x64xf32, #tpu.memory_space<vmem_shared>>
      tpu.wait_indirect_dma semaphore(%arg13 : memref<!tpu.dma_semaphore, #tpu.memory_space<semaphore_mem>>) src(%dma_wait3A_166 : memref<10240x64xf32, #tpu.memory_space<vmem_shared>>) dst(%arg11 : memref<64x64xf32, #tpu.memory_space<vmem>>)
      %add3A_167 = arith.constant 2 : i32
      %add3A_168 = arith.addi %add3A_161, %add3A_167 : i32
      %sub3A = arith.constant 1 : i32
      %sub3A_169 = arith.subi %add3A_168, %sub3A : i32
      %lt3A_170 = arith.constant 80 : i32
      %lt3A_171 = arith.cmpi slt, %sub3A_169, %lt3A_170 : i32
      %convert_element_type3A = arith.extui %lt3A_171 : i1 to i32
      %cond3A = arith.constant 0 : i32
      %cond3A_172 = arith.cmpi ne, %convert_element_type3A, %cond3A : i32
      scf.if %cond3A_172 {
        %add3A_190 = arith.constant 2 : i32
        %add3A_191 = arith.addi %add3A_161, %add3A_190 : i32
        %sub3A_192 = arith.constant 1 : i32
        %sub3A_193 = arith.subi %add3A_191, %sub3A_192 : i32
        %dma_start3A_194 = arith.constant 0 : i32
        %dma_start3A_195 = tpu.memref_slice %arg9[%sub3A_193, %dma_start3A_194] : memref<80x64xi32, #tpu.memory_space<vmem>> -> memref<1x64xi32, #tpu.memory_space<vmem>>
        %dma_start3A_196 = tpu.memref_squeeze %dma_start3A_195 : memref<1x64xi32, #tpu.memory_space<vmem>> -> memref<64xi32, #tpu.memory_space<vmem>>
        %dma_start3A_197 = arith.constant 0 : i32
        %dma_start3A_198 = arith.constant 0 : i32
        %dma_start3A_199 = tpu.memref_slice %arg7[%dma_start3A_197, %dma_start3A_198] : memref<10240x64xf32, #tpu.memory_space<vmem_shared>> -> memref<10240x64xf32, #tpu.memory_space<vmem_shared>>
        tpu.enqueue_indirect_dma source(%dma_start3A_199 : memref<10240x64xf32, #tpu.memory_space<vmem_shared>>) target(%arg12 : memref<64x64xf32, #tpu.memory_space<vmem>>) offsets(%dma_start3A_196 : memref<64xi32, #tpu.memory_space<vmem>>) semaphore(%arg14 : memref<!tpu.dma_semaphore, #tpu.memory_space<semaphore_mem>>)
      } else {
      }
      "tpu.region"() ({
        %run_scoped3A = tpu.sem_alloc : memref<!tpu.dma_semaphore, #tpu.memory_space<semaphore_mem>>
        %dma_start3A_190 = arith.constant 0 : i32
        %dma_start3A_191 = tpu.memref_slice %arg10[%add3A_161, %dma_start3A_190] : memref<80x64xi32, #tpu.memory_space<vmem>> -> memref<1x64xi32, #tpu.memory_space<vmem>>
        %dma_start3A_192 = tpu.memref_squeeze %dma_start3A_191 : memref<1x64xi32, #tpu.memory_space<vmem>> -> memref<64xi32, #tpu.memory_space<vmem>>
        %dma_start3A_193 = arith.constant 0 : i32
        %dma_start3A_194 = arith.constant 0 : i32
        %dma_start3A_195 = tpu.memref_slice %arg8[%dma_start3A_193, %dma_start3A_194] : memref<10240x64xf32, #tpu.memory_space<vmem_shared>> -> memref<10240x64xf32, #tpu.memory_space<vmem_shared>>
        tpu.enqueue_indirect_dma source(%arg11 : memref<64x64xf32, #tpu.memory_space<vmem>>) target(%dma_start3A_195 : memref<10240x64xf32, #tpu.memory_space<vmem_shared>>) offsets(%dma_start3A_192 : memref<64xi32, #tpu.memory_space<vmem>>) semaphore(%run_scoped3A : memref<!tpu.dma_semaphore, #tpu.memory_space<semaphore_mem>>) {add = true}
        %dma_wait3A_196 = arith.constant 0 : i32
        %dma_wait3A_197 = tpu.memref_slice %arg10[%add3A_161, %dma_wait3A_196] : memref<80x64xi32, #tpu.memory_space<vmem>> -> memref<1x64xi32, #tpu.memory_space<vmem>>
        %dma_wait3A_198 = tpu.memref_squeeze %dma_wait3A_197 : memref<1x64xi32, #tpu.memory_space<vmem>> -> memref<64xi32, #tpu.memory_space<vmem>>
        %dma_wait3A_199 = arith.constant 0 : i32
        %dma_wait3A_200 = arith.constant 0 : i32
        %dma_wait3A_201 = tpu.memref_slice %arg8[%dma_wait3A_199, %dma_wait3A_200] : memref<10240x64xf32, #tpu.memory_space<vmem_shared>> -> memref<10240x64xf32, #tpu.memory_space<vmem_shared>>
        tpu.wait_indirect_dma semaphore(%run_scoped3A : memref<!tpu.dma_semaphore, #tpu.memory_space<semaphore_mem>>) src(%arg11 : memref<64x64xf32, #tpu.memory_space<vmem>>) dst(%dma_wait3A_201 : memref<10240x64xf32, #tpu.memory_space<vmem_shared>>)
        tpu.yield
      }) : () -> ()
      %add3A_173 = arith.constant 1 : i32
      %add3A_174 = arith.addi %add3A_159, %add3A_173 : i32
      %dma_wait3A_175 = arith.constant 0 : i32
      %dma_wait3A_176 = tpu.memref_slice %arg9[%add3A_174, %dma_wait3A_175] : memref<80x64xi32, #tpu.memory_space<vmem>> -> memref<1x64xi32, #tpu.memory_space<vmem>>
      %dma_wait3A_177 = tpu.memref_squeeze %dma_wait3A_176 : memref<1x64xi32, #tpu.memory_space<vmem>> -> memref<64xi32, #tpu.memory_space<vmem>>
      %dma_wait3A_178 = arith.constant 0 : i32
      %dma_wait3A_179 = arith.constant 0 : i32
      %dma_wait3A_180 = tpu.memref_slice %arg7[%dma_wait3A_178, %dma_wait3A_179] : memref<10240x64xf32, #tpu.memory_space<vmem_shared>> -> memref<10240x64xf32, #tpu.memory_space<vmem_shared>>
      tpu.wait_indirect_dma semaphore(%arg14 : memref<!tpu.dma_semaphore, #tpu.memory_space<semaphore_mem>>) src(%dma_wait3A_180 : memref<10240x64xf32, #tpu.memory_space<vmem_shared>>) dst(%arg12 : memref<64x64xf32, #tpu.memory_space<vmem>>)
      %add3A_181 = arith.constant 2 : i32
      %add3A_182 = arith.addi %add3A_174, %add3A_181 : i32
      %sub3A_183 = arith.constant 1 : i32
      %sub3A_184 = arith.subi %add3A_182, %sub3A_183 : i32
      %lt3A_185 = arith.constant 80 : i32
      %lt3A_186 = arith.cmpi slt, %sub3A_184, %lt3A_185 : i32
      %convert_element_type3A_187 = arith.extui %lt3A_186 : i1 to i32
      %cond3A_188 = arith.constant 0 : i32
      %cond3A_189 = arith.cmpi ne, %convert_element_type3A_187, %cond3A_188 : i32
      scf.if %cond3A_189 {
        %add3A_190 = arith.constant 2 : i32
        %add3A_191 = arith.addi %add3A_174, %add3A_190 : i32
        %sub3A_192 = arith.constant 1 : i32
        %sub3A_193 = arith.subi %add3A_191, %sub3A_192 : i32
        %dma_start3A_194 = arith.constant 0 : i32
        %dma_start3A_195 = tpu.memref_slice %arg9[%sub3A_193, %dma_start3A_194] : memref<80x64xi32, #tpu.memory_space<vmem>> -> memref<1x64xi32, #tpu.memory_space<vmem>>
        %dma_start3A_196 = tpu.memref_squeeze %dma_start3A_195 : memref<1x64xi32, #tpu.memory_space<vmem>> -> memref<64xi32, #tpu.memory_space<vmem>>
        %dma_start3A_197 = arith.constant 0 : i32
        %dma_start3A_198 = arith.constant 0 : i32
        %dma_start3A_199 = tpu.memref_slice %arg7[%dma_start3A_197, %dma_start3A_198] : memref<10240x64xf32, #tpu.memory_space<vmem_shared>> -> memref<10240x64xf32, #tpu.memory_space<vmem_shared>>
        tpu.enqueue_indirect_dma source(%dma_start3A_199 : memref<10240x64xf32, #tpu.memory_space<vmem_shared>>) target(%arg11 : memref<64x64xf32, #tpu.memory_space<vmem>>) offsets(%dma_start3A_196 : memref<64xi32, #tpu.memory_space<vmem>>) semaphore(%arg13 : memref<!tpu.dma_semaphore, #tpu.memory_space<semaphore_mem>>)
      } else {
      }
      "tpu.region"() ({
        %run_scoped3A = tpu.sem_alloc : memref<!tpu.dma_semaphore, #tpu.memory_space<semaphore_mem>>
        %dma_start3A_190 = arith.constant 0 : i32
        %dma_start3A_191 = tpu.memref_slice %arg10[%add3A_174, %dma_start3A_190] : memref<80x64xi32, #tpu.memory_space<vmem>> -> memref<1x64xi32, #tpu.memory_space<vmem>>
        %dma_start3A_192 = tpu.memref_squeeze %dma_start3A_191 : memref<1x64xi32, #tpu.memory_space<vmem>> -> memref<64xi32, #tpu.memory_space<vmem>>
        %dma_start3A_193 = arith.constant 0 : i32
        %dma_start3A_194 = arith.constant 0 : i32
        %dma_start3A_195 = tpu.memref_slice %arg8[%dma_start3A_193, %dma_start3A_194] : memref<10240x64xf32, #tpu.memory_space<vmem_shared>> -> memref<10240x64xf32, #tpu.memory_space<vmem_shared>>
        tpu.enqueue_indirect_dma source(%arg12 : memref<64x64xf32, #tpu.memory_space<vmem>>) target(%dma_start3A_195 : memref<10240x64xf32, #tpu.memory_space<vmem_shared>>) offsets(%dma_start3A_192 : memref<64xi32, #tpu.memory_space<vmem>>) semaphore(%run_scoped3A : memref<!tpu.dma_semaphore, #tpu.memory_space<semaphore_mem>>) {add = true}
        %dma_wait3A_196 = arith.constant 0 : i32
        %dma_wait3A_197 = tpu.memref_slice %arg10[%add3A_174, %dma_wait3A_196] : memref<80x64xi32, #tpu.memory_space<vmem>> -> memref<1x64xi32, #tpu.memory_space<vmem>>
        %dma_wait3A_198 = tpu.memref_squeeze %dma_wait3A_197 : memref<1x64xi32, #tpu.memory_space<vmem>> -> memref<64xi32, #tpu.memory_space<vmem>>
        %dma_wait3A_199 = arith.constant 0 : i32
        %dma_wait3A_200 = arith.constant 0 : i32
        %dma_wait3A_201 = tpu.memref_slice %arg8[%dma_wait3A_199, %dma_wait3A_200] : memref<10240x64xf32, #tpu.memory_space<vmem_shared>> -> memref<10240x64xf32, #tpu.memory_space<vmem_shared>>
        tpu.wait_indirect_dma semaphore(%run_scoped3A : memref<!tpu.dma_semaphore, #tpu.memory_space<semaphore_mem>>) src(%arg12 : memref<64x64xf32, #tpu.memory_space<vmem>>) dst(%dma_wait3A_201 : memref<10240x64xf32, #tpu.memory_space<vmem_shared>>)
        tpu.yield
      }) : () -> ()
    }
    %scan3A_146 = arith.constant 40 : i32
    %barrier3A_147 = arith.constant 0 : index
    tpu.barrier barrier_id(%barrier3A_147)
    %scan3A_148 = arith.constant 0 : i32
    %scan3A_149 = arith.constant 0 : i32
    %scan3A_150 = arith.constant 10 : i32
    %scan3A_151 = arith.addi %scan3A_149, %scan3A_150 : i32
    %scan3A_152 = arith.constant 1 : i32
    %scan3A_153 = scf.for %scan3A_155 = %scan3A_149 to %scan3A_151 step %scan3A_152 iter_args(%scan3A_156 = %scan3A_148) -> (i32)  : i32 {
      %mul3A_157 = arith.constant 640 : i32
      %mul3A_158 = arith.muli %arg1, %mul3A_157 : i32
      %mul3A_159 = arith.constant 64 : i32
      %mul3A_160 = arith.muli %scan3A_155, %mul3A_159 : i32
      %add3A_161 = arith.addi %mul3A_158, %mul3A_160 : i32
      %mul3A_162 = arith.constant 2 : i32
      %mul3A_163 = arith.muli %arg0, %mul3A_162 : i32
      %add3A_164 = arith.constant 1 : i32
      %add3A_165 = arith.addi %mul3A_163, %add3A_164 : i32
      %mul3A_166 = arith.constant 10240 : i32
      %mul3A_167 = arith.muli %add3A_165, %mul3A_166 : i32
      %add3A_168 = arith.addi %mul3A_167, %add3A_161 : i32
      "tpu.region"() ({
        %run_scoped3A = tpu.sem_alloc : memref<!tpu.dma_semaphore, #tpu.memory_space<semaphore_mem>>
        %dma_start3A_170 = arith.constant 0 : i32
        %dma_start3A_171 = tpu.memref_slice %arg6[%add3A_168, %dma_start3A_170] : memref<40960x64xf32, #tpu.memory_space<hbm>> -> memref<64x64xf32, #tpu.memory_space<hbm>>
        %dma_start3A_172 = arith.constant 0 : i32
        %dma_start3A_173 = tpu.memref_slice %arg8[%add3A_161, %dma_start3A_172] : memref<10240x64xf32, #tpu.memory_space<vmem_shared>> -> memref<64x64xf32, #tpu.memory_space<vmem_shared>>
        tpu.enqueue_dma source(%dma_start3A_173 : memref<64x64xf32, #tpu.memory_space<vmem_shared>>) target(%dma_start3A_171 : memref<64x64xf32, #tpu.memory_space<hbm>>) target_semaphore(%run_scoped3A : memref<!tpu.dma_semaphore, #tpu.memory_space<semaphore_mem>>)
        %dma_wait3A = arith.constant 0 : i32
        %dma_wait3A_174 = tpu.memref_slice %arg6[%add3A_168, %dma_wait3A] : memref<40960x64xf32, #tpu.memory_space<hbm>> -> memref<64x64xf32, #tpu.memory_space<hbm>>
        %dma_wait3A_175 = arith.constant 0 : i32
        %dma_wait3A_176 = tpu.memref_slice %arg8[%add3A_161, %dma_wait3A_175] : memref<10240x64xf32, #tpu.memory_space<vmem_shared>> -> memref<64x64xf32, #tpu.memory_space<vmem_shared>>
        tpu.wait_dma2 semaphore(%run_scoped3A : memref<!tpu.dma_semaphore, #tpu.memory_space<semaphore_mem>>) src(%dma_wait3A_176 : memref<64x64xf32, #tpu.memory_space<vmem_shared>>) dst(%dma_wait3A_174 : memref<64x64xf32, #tpu.memory_space<hbm>>)
        tpu.yield
      }) : () -> ()
      %scan3A_169 = arith.constant 0 : i32
      scf.yield %scan3A_169 : i32
    }
    %scan3A_154 = arith.constant 10 : i32
    return
  }
}

module attributes {stable_mosaic.version = 14 : i64} {
  func.func @body(%arg0: i32, %arg1: memref<1000x128xf32, #tpu.memory_space<vmem>>, %arg2: memref<128x128xf32, #tpu.memory_space<vmem>>, %arg3: memref<1000x64xf32, #tpu.memory_space<vmem>>, %arg4: memref<1000x64xf32, #tpu.memory_space<vmem>>) attributes {dimension_semantics = [#tpu.dimension_semantics<arbitrary>], iteration_bounds = array<i64: 10>, scalar_prefetch = 0 : i64, scratch_operands = 0 : i64, tpu.core_type = #tpu.core_type<tc>, window_params = [{transform_indices = @transform_0, window_bounds = array<i64: 1000, 128>}, {pipeline_mode = #tpu.pipeline_mode<synchronous>, transform_indices = @transform_1, window_bounds = array<i64: 128, 128>}, {transform_indices = @transform_2, window_bounds = array<i64: 1000, 64>}, {transform_indices = @transform_3, window_bounds = array<i64: 1000, 64>}]} {
    %get3A = arith.constant 0 : index
    %get3A_0 = arith.constant 0 : index
    %get3A_1 = vector.load %arg1[%get3A, %get3A_0] : memref<1000x128xf32, #tpu.memory_space<vmem>>, vector<1000x128xf32>
    %get3A_2 = arith.constant 0 : index
    %get3A_3 = arith.constant 0 : index
    %get3A_4 = vector.load %arg2[%get3A_2, %get3A_3] : memref<128x128xf32, #tpu.memory_space<vmem>>, vector<128x128xf32>
    %dot_general3A = arith.constant dense<0.000000e+00> : vector<1000x128xf32>
    %dot_general3A_5 = tpu.matmul %get3A_1, %get3A_4, %dot_general3A {dimension_numbers = #tpu.dot_dimension_numbers<[1], [0], [0], [1], [0, 0, 1, 1], [], []>, transpose_lhs_hint = false} : vector<1000x128xf32>, vector<128x128xf32>, vector<1000x128xf32> -> vector<1000x128xf32>
    %slice3A = vector.extract_strided_slice %dot_general3A_5 {offsets = [0, 0], sizes = [1000, 64], strides = [1, 1]} : vector<1000x128xf32> to vector<1000x64xf32>
    %swap3A = arith.constant 0 : index
    %swap3A_6 = arith.constant 0 : index
    %swap3A_7 = vector.load %arg3[%swap3A, %swap3A_6] : memref<1000x64xf32, #tpu.memory_space<vmem>>, vector<1000x64xf32>
    tpu.vector_store %arg3[%swap3A, %swap3A_6], %slice3A {strides = array<i32>} : memref<1000x64xf32, #tpu.memory_space<vmem>>, vector<1000x64xf32>,
    %slice3A_8 = vector.extract_strided_slice %dot_general3A_5 {offsets = [0, 64], sizes = [1000, 64], strides = [1, 1]} : vector<1000x128xf32> to vector<1000x64xf32>
    %swap3A_9 = arith.constant 0 : index
    %swap3A_10 = arith.constant 0 : index
    %swap3A_11 = vector.load %arg4[%swap3A_9, %swap3A_10] : memref<1000x64xf32, #tpu.memory_space<vmem>>, vector<1000x64xf32>
    tpu.vector_store %arg4[%swap3A_9, %swap3A_10], %slice3A_8 {strides = array<i32>} : memref<1000x64xf32, #tpu.memory_space<vmem>>, vector<1000x64xf32>,
    return
  }
  func.func @transform_0(%arg0: i32) -> (i32, i32) {
    %c0_i32 = arith.constant 0 : i32
    %c0_i32_0 = arith.constant 0 : i32
    return %arg0, %c0_i32 : i32, i32
  }
  func.func @transform_1(%arg0: i32) -> (i32, i32) {
    %c0_i32 = arith.constant 0 : i32
    %c0_i32_0 = arith.constant 0 : i32
    %c0_i32_1 = arith.constant 0 : i32
    return %c0_i32, %c0_i32_0 : i32, i32
  }
  func.func @transform_2(%arg0: i32) -> (i32, i32) {
    %c0_i32 = arith.constant 0 : i32
    %c0_i32_0 = arith.constant 0 : i32
    return %arg0, %c0_i32 : i32, i32
  }
  func.func @transform_3(%arg0: i32) -> (i32, i32) {
    %c0_i32 = arith.constant 0 : i32
    %c0_i32_0 = arith.constant 0 : i32
    return %arg0, %c0_i32 : i32, i32
  }
}

module attributes {stable_mosaic.version = 14 : i64} {
  func.func @body(%arg0: i32, %arg1: memref<1000x128xf32, #tpu.memory_space<vmem>>, %arg2: memref<1000x64xf32, #tpu.memory_space<vmem>>, %arg3: memref<1000x64xf32, #tpu.memory_space<vmem>>, %arg4: memref<1000x64xf32, #tpu.memory_space<vmem>>, %arg5: memref<1000x64xf32, #tpu.memory_space<vmem>>, %arg6: memref<1000x1xf32, #tpu.memory_space<vmem>>, %arg7: memref<1000x1xf32, #tpu.memory_space<vmem>>, %arg8: memref<128x128xf32, #tpu.memory_space<vmem>>, %arg9: memref<128x128xf32, #tpu.memory_space<vmem>>, %arg10: memref<1000x128xf32, #tpu.memory_space<vmem>>, %arg11: memref<1000x64xf32, #tpu.memory_space<vmem>>, %arg12: memref<1000x64xf32, #tpu.memory_space<vmem>>) attributes {dimension_semantics = [#tpu.dimension_semantics<arbitrary>], iteration_bounds = array<i64: 10>, scalar_prefetch = 0 : i64, scratch_operands = 0 : i64, tpu.core_type = #tpu.core_type<tc>, window_params = [{transform_indices = @transform_0, window_bounds = array<i64: 1000, 128>}, {transform_indices = @transform_1, window_bounds = array<i64: 1000, 64>}, {transform_indices = @transform_2, window_bounds = array<i64: 1000, 64>}, {transform_indices = @transform_3, window_bounds = array<i64: 1000, 64>}, {transform_indices = @transform_4, window_bounds = array<i64: 1000, 64>}, {transform_indices = @transform_5, window_bounds = array<i64: 1000, 1>}, {transform_indices = @transform_6, window_bounds = array<i64: 1000, 1>}, {pipeline_mode = #tpu.pipeline_mode<synchronous>, transform_indices = @transform_7, window_bounds = array<i64: 128, 128>}, {pipeline_mode = #tpu.pipeline_mode<synchronous>, transform_indices = @transform_8, window_bounds = array<i64: 128, 128>}, {transform_indices = @transform_9, window_bounds = array<i64: 1000, 128>}, {transform_indices = @transform_10, window_bounds = array<i64: 1000, 64>}, {transform_indices = @transform_11, window_bounds = array<i64: 1000, 64>}]} {
    %get3A = arith.constant 0 : index
    %get3A_0 = arith.constant 0 : index
    %get3A_1 = vector.load %arg6[%get3A, %get3A_0] : memref<1000x1xf32, #tpu.memory_space<vmem>>, vector<1000x1xf32>
    %get3A_2 = arith.constant 0 : index
    %get3A_3 = arith.constant 0 : index
    %get3A_4 = vector.load %arg7[%get3A_2, %get3A_3] : memref<1000x1xf32, #tpu.memory_space<vmem>>, vector<1000x1xf32>
    %add3A = arith.addf %get3A_1, %get3A_4 : vector<1000x1xf32>
    %max3A = arith.constant 1.000000e+00 : f32
    %max3A_5 = vector.broadcast %max3A : f32 to vector<1000x1xf32>
    %max3A_6 = arith.maximumf %add3A, %max3A_5 : vector<1000x1xf32>
    %get3A_7 = arith.constant 0 : index
    %get3A_8 = arith.constant 0 : index
    %get3A_9 = vector.load %arg2[%get3A_7, %get3A_8] : memref<1000x64xf32, #tpu.memory_space<vmem>>, vector<1000x64xf32>
    %get3A_10 = arith.constant 0 : index
    %get3A_11 = arith.constant 0 : index
    %get3A_12 = vector.load %arg4[%get3A_10, %get3A_11] : memref<1000x64xf32, #tpu.memory_space<vmem>>, vector<1000x64xf32>
    %add3A_13 = arith.addf %get3A_9, %get3A_12 : vector<1000x64xf32>
    %get3A_14 = arith.constant 0 : index
    %get3A_15 = arith.constant 0 : index
    %get3A_16 = vector.load %arg3[%get3A_14, %get3A_15] : memref<1000x64xf32, #tpu.memory_space<vmem>>, vector<1000x64xf32>
    %get3A_17 = arith.constant 0 : index
    %get3A_18 = arith.constant 0 : index
    %get3A_19 = vector.load %arg5[%get3A_17, %get3A_18] : memref<1000x64xf32, #tpu.memory_space<vmem>>, vector<1000x64xf32>
    %add3A_20 = arith.addf %get3A_16, %get3A_19 : vector<1000x64xf32>
    %concatenate3A = tpu.concatenate %add3A_13, %add3A_20 in 1 : vector<1000x64xf32>, vector<1000x64xf32> -> vector<1000x128xf32>
    %div3A = vector.broadcast %max3A_6 : vector<1000x1xf32> to vector<1000x128xf32>
    %div3A_21 = arith.divf %concatenate3A, %div3A : vector<1000x128xf32>
    %get3A_22 = arith.constant 0 : index
    %get3A_23 = arith.constant 0 : index
    %get3A_24 = vector.load %arg1[%get3A_22, %get3A_23] : memref<1000x128xf32, #tpu.memory_space<vmem>>, vector<1000x128xf32>
    %get3A_25 = arith.constant 0 : index
    %get3A_26 = arith.constant 0 : index
    %get3A_27 = vector.load %arg8[%get3A_25, %get3A_26] : memref<128x128xf32, #tpu.memory_space<vmem>>, vector<128x128xf32>
    %dot_general3A = arith.constant dense<0.000000e+00> : vector<1000x128xf32>
    %dot_general3A_28 = tpu.matmul %get3A_24, %get3A_27, %dot_general3A {dimension_numbers = #tpu.dot_dimension_numbers<[1], [0], [0], [1], [0, 0, 1, 1], [], []>, transpose_lhs_hint = false} : vector<1000x128xf32>, vector<128x128xf32>, vector<1000x128xf32> -> vector<1000x128xf32>
    %add3A_29 = arith.addf %dot_general3A_28, %div3A_21 : vector<1000x128xf32>
    %tanh3A = math.tanh %add3A_29 : vector<1000x128xf32>
    %swap3A = arith.constant 0 : index
    %swap3A_30 = arith.constant 0 : index
    %swap3A_31 = vector.load %arg10[%swap3A, %swap3A_30] : memref<1000x128xf32, #tpu.memory_space<vmem>>, vector<1000x128xf32>
    tpu.vector_store %arg10[%swap3A, %swap3A_30], %tanh3A {strides = array<i32>} : memref<1000x128xf32, #tpu.memory_space<vmem>>, vector<1000x128xf32>,
    %get3A_32 = arith.constant 0 : index
    %get3A_33 = arith.constant 0 : index
    %get3A_34 = vector.load %arg9[%get3A_32, %get3A_33] : memref<128x128xf32, #tpu.memory_space<vmem>>, vector<128x128xf32>
    %dot_general3A_35 = arith.constant dense<0.000000e+00> : vector<1000x128xf32>
    %dot_general3A_36 = tpu.matmul %tanh3A, %get3A_34, %dot_general3A_35 {dimension_numbers = #tpu.dot_dimension_numbers<[1], [0], [0], [1], [0, 0, 1, 1], [], []>, transpose_lhs_hint = false} : vector<1000x128xf32>, vector<128x128xf32>, vector<1000x128xf32> -> vector<1000x128xf32>
    %slice3A = vector.extract_strided_slice %dot_general3A_36 {offsets = [0, 0], sizes = [1000, 64], strides = [1, 1]} : vector<1000x128xf32> to vector<1000x64xf32>
    %swap3A_37 = arith.constant 0 : index
    %swap3A_38 = arith.constant 0 : index
    %swap3A_39 = vector.load %arg11[%swap3A_37, %swap3A_38] : memref<1000x64xf32, #tpu.memory_space<vmem>>, vector<1000x64xf32>
    tpu.vector_store %arg11[%swap3A_37, %swap3A_38], %slice3A {strides = array<i32>} : memref<1000x64xf32, #tpu.memory_space<vmem>>, vector<1000x64xf32>,
    %slice3A_40 = vector.extract_strided_slice %dot_general3A_36 {offsets = [0, 64], sizes = [1000, 64], strides = [1, 1]} : vector<1000x128xf32> to vector<1000x64xf32>
    %swap3A_41 = arith.constant 0 : index
    %swap3A_42 = arith.constant 0 : index
    %swap3A_43 = vector.load %arg12[%swap3A_41, %swap3A_42] : memref<1000x64xf32, #tpu.memory_space<vmem>>, vector<1000x64xf32>
    tpu.vector_store %arg12[%swap3A_41, %swap3A_42], %slice3A_40 {strides = array<i32>} : memref<1000x64xf32, #tpu.memory_space<vmem>>, vector<1000x64xf32>,
    return
  }
  func.func @transform_0(%arg0: i32) -> (i32, i32) {
    %c0_i32 = arith.constant 0 : i32
    %c0_i32_0 = arith.constant 0 : i32
    return %arg0, %c0_i32 : i32, i32
  }
  func.func @transform_1(%arg0: i32) -> (i32, i32) {
    %c0_i32 = arith.constant 0 : i32
    %c0_i32_0 = arith.constant 0 : i32
    return %arg0, %c0_i32 : i32, i32
  }
  func.func @transform_2(%arg0: i32) -> (i32, i32) {
    %c0_i32 = arith.constant 0 : i32
    %c0_i32_0 = arith.constant 0 : i32
    return %arg0, %c0_i32 : i32, i32
  }
  func.func @transform_3(%arg0: i32) -> (i32, i32) {
    %c0_i32 = arith.constant 0 : i32
    %c0_i32_0 = arith.constant 0 : i32
    return %arg0, %c0_i32 : i32, i32
  }
  func.func @transform_4(%arg0: i32) -> (i32, i32) {
    %c0_i32 = arith.constant 0 : i32
    %c0_i32_0 = arith.constant 0 : i32
    return %arg0, %c0_i32 : i32, i32
  }
  func.func @transform_5(%arg0: i32) -> (i32, i32) {
    %c0_i32 = arith.constant 0 : i32
    %c0_i32_0 = arith.constant 0 : i32
    return %arg0, %c0_i32 : i32, i32
  }
  func.func @transform_6(%arg0: i32) -> (i32, i32) {
    %c0_i32 = arith.constant 0 : i32
    %c0_i32_0 = arith.constant 0 : i32
    return %arg0, %c0_i32 : i32, i32
  }
  func.func @transform_7(%arg0: i32) -> (i32, i32) {
    %c0_i32 = arith.constant 0 : i32
    %c0_i32_0 = arith.constant 0 : i32
    %c0_i32_1 = arith.constant 0 : i32
    return %c0_i32, %c0_i32_0 : i32, i32
  }
  func.func @transform_8(%arg0: i32) -> (i32, i32) {
    %c0_i32 = arith.constant 0 : i32
    %c0_i32_0 = arith.constant 0 : i32
    %c0_i32_1 = arith.constant 0 : i32
    return %c0_i32, %c0_i32_0 : i32, i32
  }
  func.func @transform_9(%arg0: i32) -> (i32, i32) {
    %c0_i32 = arith.constant 0 : i32
    %c0_i32_0 = arith.constant 0 : i32
    return %arg0, %c0_i32 : i32, i32
  }
  func.func @transform_10(%arg0: i32) -> (i32, i32) {
    %c0_i32 = arith.constant 0 : i32
    %c0_i32_0 = arith.constant 0 : i32
    return %arg0, %c0_i32 : i32, i32
  }
  func.func @transform_11(%arg0: i32) -> (i32, i32) {
    %c0_i32 = arith.constant 0 : i32
    %c0_i32_0 = arith.constant 0 : i32
    return %arg0, %c0_i32 : i32, i32
  }
}

module attributes {stable_mosaic.version = 14 : i64} {
  func.func @body(%arg0: i32, %arg1: memref<1000x128xf32, #tpu.memory_space<vmem>>, %arg2: memref<1000x64xf32, #tpu.memory_space<vmem>>, %arg3: memref<1000x64xf32, #tpu.memory_space<vmem>>, %arg4: memref<1000x64xf32, #tpu.memory_space<vmem>>, %arg5: memref<1000x64xf32, #tpu.memory_space<vmem>>, %arg6: memref<1000x1xf32, #tpu.memory_space<vmem>>, %arg7: memref<1000x1xf32, #tpu.memory_space<vmem>>, %arg8: memref<128x128xf32, #tpu.memory_space<vmem>>, %arg9: memref<128x10xf32, #tpu.memory_space<vmem>>, %arg10: memref<10x10xf32, #tpu.memory_space<vmem>>, %arg11: memref<10xf32, #tpu.memory_space<vmem>>, %arg12: memref<10x10xf32, #tpu.memory_space<vmem>>, %arg13: memref<10xf32, #tpu.memory_space<vmem>>, %arg14: memref<10x1xf32, #tpu.memory_space<vmem>>, %arg15: memref<1xf32, #tpu.memory_space<vmem>>, %arg16: memref<1x1xf32, #tpu.memory_space<vmem>>, %arg17: memref<1x128xf32, #tpu.memory_space<vmem>>) attributes {dimension_semantics = [#tpu.dimension_semantics<arbitrary>], iteration_bounds = array<i64: 10>, scalar_prefetch = 0 : i64, scratch_operands = 1 : i64, tpu.core_type = #tpu.core_type<tc>, window_params = [{transform_indices = @transform_0, window_bounds = array<i64: 1000, 128>}, {transform_indices = @transform_1, window_bounds = array<i64: 1000, 64>}, {transform_indices = @transform_2, window_bounds = array<i64: 1000, 64>}, {transform_indices = @transform_3, window_bounds = array<i64: 1000, 64>}, {transform_indices = @transform_4, window_bounds = array<i64: 1000, 64>}, {transform_indices = @transform_5, window_bounds = array<i64: 1000, 1>}, {transform_indices = @transform_6, window_bounds = array<i64: 1000, 1>}, {pipeline_mode = #tpu.pipeline_mode<synchronous>, transform_indices = @transform_7, window_bounds = array<i64: 128, 128>}, {pipeline_mode = #tpu.pipeline_mode<synchronous>, transform_indices = @transform_8, window_bounds = array<i64: 128, 10>}, {pipeline_mode = #tpu.pipeline_mode<synchronous>, transform_indices = @transform_9, window_bounds = array<i64: 10, 10>}, {pipeline_mode = #tpu.pipeline_mode<synchronous>, transform_indices = @transform_10, window_bounds = array<i64: 10>}, {pipeline_mode = #tpu.pipeline_mode<synchronous>, transform_indices = @transform_11, window_bounds = array<i64: 10, 10>}, {pipeline_mode = #tpu.pipeline_mode<synchronous>, transform_indices = @transform_12, window_bounds = array<i64: 10>}, {pipeline_mode = #tpu.pipeline_mode<synchronous>, transform_indices = @transform_13, window_bounds = array<i64: 10, 1>}, {pipeline_mode = #tpu.pipeline_mode<synchronous>, transform_indices = @transform_14, window_bounds = array<i64: 1>}, {pipeline_mode = #tpu.pipeline_mode<synchronous>, transform_indices = @transform_15, window_bounds = array<i64: 1, 1>}]} {
    %get3A = arith.constant 0 : index
    %get3A_0 = arith.constant 0 : index
    %get3A_1 = vector.load %arg6[%get3A, %get3A_0] : memref<1000x1xf32, #tpu.memory_space<vmem>>, vector<1000x1xf32>
    %get3A_2 = arith.constant 0 : index
    %get3A_3 = arith.constant 0 : index
    %get3A_4 = vector.load %arg7[%get3A_2, %get3A_3] : memref<1000x1xf32, #tpu.memory_space<vmem>>, vector<1000x1xf32>
    %add3A = arith.addf %get3A_1, %get3A_4 : vector<1000x1xf32>
    %max3A = arith.constant 1.000000e+00 : f32
    %max3A_5 = vector.broadcast %max3A : f32 to vector<1000x1xf32>
    %max3A_6 = arith.maximumf %add3A, %max3A_5 : vector<1000x1xf32>
    %get3A_7 = arith.constant 0 : index
    %get3A_8 = arith.constant 0 : index
    %get3A_9 = vector.load %arg2[%get3A_7, %get3A_8] : memref<1000x64xf32, #tpu.memory_space<vmem>>, vector<1000x64xf32>
    %get3A_10 = arith.constant 0 : index
    %get3A_11 = arith.constant 0 : index
    %get3A_12 = vector.load %arg4[%get3A_10, %get3A_11] : memref<1000x64xf32, #tpu.memory_space<vmem>>, vector<1000x64xf32>
    %add3A_13 = arith.addf %get3A_9, %get3A_12 : vector<1000x64xf32>
    %get3A_14 = arith.constant 0 : index
    %get3A_15 = arith.constant 0 : index
    %get3A_16 = vector.load %arg3[%get3A_14, %get3A_15] : memref<1000x64xf32, #tpu.memory_space<vmem>>, vector<1000x64xf32>
    %get3A_17 = arith.constant 0 : index
    %get3A_18 = arith.constant 0 : index
    %get3A_19 = vector.load %arg5[%get3A_17, %get3A_18] : memref<1000x64xf32, #tpu.memory_space<vmem>>, vector<1000x64xf32>
    %add3A_20 = arith.addf %get3A_16, %get3A_19 : vector<1000x64xf32>
    %concatenate3A = tpu.concatenate %add3A_13, %add3A_20 in 1 : vector<1000x64xf32>, vector<1000x64xf32> -> vector<1000x128xf32>
    %div3A = vector.broadcast %max3A_6 : vector<1000x1xf32> to vector<1000x128xf32>
    %div3A_21 = arith.divf %concatenate3A, %div3A : vector<1000x128xf32>
    %get3A_22 = arith.constant 0 : index
    %get3A_23 = arith.constant 0 : index
    %get3A_24 = vector.load %arg1[%get3A_22, %get3A_23] : memref<1000x128xf32, #tpu.memory_space<vmem>>, vector<1000x128xf32>
    %get3A_25 = arith.constant 0 : index
    %get3A_26 = arith.constant 0 : index
    %get3A_27 = vector.load %arg8[%get3A_25, %get3A_26] : memref<128x128xf32, #tpu.memory_space<vmem>>, vector<128x128xf32>
    %dot_general3A = arith.constant dense<0.000000e+00> : vector<1000x128xf32>
    %dot_general3A_28 = tpu.matmul %get3A_24, %get3A_27, %dot_general3A {dimension_numbers = #tpu.dot_dimension_numbers<[1], [0], [0], [1], [0, 0, 1, 1], [], []>, transpose_lhs_hint = false} : vector<1000x128xf32>, vector<128x128xf32>, vector<1000x128xf32> -> vector<1000x128xf32>
    %add3A_29 = arith.addf %dot_general3A_28, %div3A_21 : vector<1000x128xf32>
    %tanh3A = math.tanh %add3A_29 : vector<1000x128xf32>
    %reduce_sum3A = arith.constant dense<0.000000e+00> : vector<128xf32>
    %reduce_sum3A_30 = vector.multi_reduction <add>, %tanh3A, %reduce_sum3A [0] : vector<1000x128xf32> to vector<128xf32>
    %broadcast_in_dim3A = vector.shape_cast %reduce_sum3A_30 : vector<128xf32> to vector<1x128xf32>
    %eq3A = arith.constant 0 : i32
    %eq3A_31 = arith.cmpi eq, %arg0, %eq3A : i32
    %convert_element_type3A = arith.extui %eq3A_31 : i1 to i32
    %cond3A = arith.constant 0 : i32
    %cond3A_32 = arith.cmpi ne, %convert_element_type3A, %cond3A : i32
    scf.if %cond3A_32 {
      %swap3A = arith.constant 0 : index
      %swap3A_42 = arith.constant 0 : index
      %swap3A_43 = vector.load %arg17[%swap3A, %swap3A_42] : memref<1x128xf32, #tpu.memory_space<vmem>>, vector<1x128xf32>
      tpu.vector_store %arg17[%swap3A, %swap3A_42], %broadcast_in_dim3A {strides = array<i32>} : memref<1x128xf32, #tpu.memory_space<vmem>>, vector<1x128xf32>,
    } else {
    }
    %gt3A = arith.constant 0 : i32
    %gt3A_33 = arith.cmpi sgt, %arg0, %gt3A : i32
    %convert_element_type3A_34 = arith.extui %gt3A_33 : i1 to i32
    %cond3A_35 = arith.constant 0 : i32
    %cond3A_36 = arith.cmpi ne, %convert_element_type3A_34, %cond3A_35 : i32
    scf.if %cond3A_36 {
      %get3A_42 = arith.constant 0 : index
      %get3A_43 = arith.constant 0 : index
      %get3A_44 = vector.load %arg17[%get3A_42, %get3A_43] : memref<1x128xf32, #tpu.memory_space<vmem>>, vector<1x128xf32>
      %add3A_45 = arith.addf %get3A_44, %broadcast_in_dim3A : vector<1x128xf32>
      %swap3A = arith.constant 0 : index
      %swap3A_46 = arith.constant 0 : index
      %swap3A_47 = vector.load %arg17[%swap3A, %swap3A_46] : memref<1x128xf32, #tpu.memory_space<vmem>>, vector<1x128xf32>
      tpu.vector_store %arg17[%swap3A, %swap3A_46], %add3A_45 {strides = array<i32>} : memref<1x128xf32, #tpu.memory_space<vmem>>, vector<1x128xf32>,
    } else {
    }
    %eq3A_37 = arith.constant 9 : i32
    %eq3A_38 = arith.cmpi eq, %arg0, %eq3A_37 : i32
    %convert_element_type3A_39 = arith.extui %eq3A_38 : i1 to i32
    %cond3A_40 = arith.constant 0 : i32
    %cond3A_41 = arith.cmpi ne, %convert_element_type3A_39, %cond3A_40 : i32
    scf.if %cond3A_41 {
      %get3A_42 = arith.constant 0 : index
      %get3A_43 = arith.constant 0 : index
      %get3A_44 = vector.load %arg17[%get3A_42, %get3A_43] : memref<1x128xf32, #tpu.memory_space<vmem>>, vector<1x128xf32>
      %mul3A = arith.constant 9.99999974E-5 : f32
      %mul3A_45 = vector.broadcast %mul3A : f32 to vector<1x128xf32>
      %mul3A_46 = arith.mulf %get3A_44, %mul3A_45 : vector<1x128xf32>
      %get3A_47 = arith.constant 0 : index
      %get3A_48 = arith.constant 0 : index
      %get3A_49 = vector.load %arg9[%get3A_47, %get3A_48] : memref<128x10xf32, #tpu.memory_space<vmem>>, vector<128x10xf32>
      %dot_general3A_50 = arith.constant dense<0.000000e+00> : vector<1x10xf32>
      %dot_general3A_51 = tpu.matmul %mul3A_46, %get3A_49, %dot_general3A_50 {dimension_numbers = #tpu.dot_dimension_numbers<[1], [0], [0], [1], [0, 0, 1, 1], [], []>, transpose_lhs_hint = false} : vector<1x128xf32>, vector<128x10xf32>, vector<1x10xf32> -> vector<1x10xf32>
      %get3A_52 = arith.constant 0 : index
      %get3A_53 = arith.constant 0 : index
      %get3A_54 = vector.load %arg10[%get3A_52, %get3A_53] : memref<10x10xf32, #tpu.memory_space<vmem>>, vector<10x10xf32>
      %dot_general3A_55 = arith.constant dense<0.000000e+00> : vector<1x10xf32>
      %dot_general3A_56 = tpu.matmul %dot_general3A_51, %get3A_54, %dot_general3A_55 {dimension_numbers = #tpu.dot_dimension_numbers<[1], [0], [0], [1], [0, 0, 1, 1], [], []>, transpose_lhs_hint = false} : vector<1x10xf32>, vector<10x10xf32>, vector<1x10xf32> -> vector<1x10xf32>
      %get3A_57 = arith.constant 0 : index
      %get3A_58 = vector.load %arg11[%get3A_57] : memref<10xf32, #tpu.memory_space<vmem>>, vector<10xf32>
      %broadcast_in_dim3A_59 = vector.shape_cast %get3A_58 : vector<10xf32> to vector<1x10xf32>
      %add3A_60 = arith.addf %dot_general3A_56, %broadcast_in_dim3A_59 : vector<1x10xf32>
      %tanh3A_61 = math.tanh %add3A_60 : vector<1x10xf32>
      %get3A_62 = arith.constant 0 : index
      %get3A_63 = arith.constant 0 : index
      %get3A_64 = vector.load %arg12[%get3A_62, %get3A_63] : memref<10x10xf32, #tpu.memory_space<vmem>>, vector<10x10xf32>
      %dot_general3A_65 = arith.constant dense<0.000000e+00> : vector<1x10xf32>
      %dot_general3A_66 = tpu.matmul %tanh3A_61, %get3A_64, %dot_general3A_65 {dimension_numbers = #tpu.dot_dimension_numbers<[1], [0], [0], [1], [0, 0, 1, 1], [], []>, transpose_lhs_hint = false} : vector<1x10xf32>, vector<10x10xf32>, vector<1x10xf32> -> vector<1x10xf32>
      %get3A_67 = arith.constant 0 : index
      %get3A_68 = vector.load %arg13[%get3A_67] : memref<10xf32, #tpu.memory_space<vmem>>, vector<10xf32>
      %broadcast_in_dim3A_69 = vector.shape_cast %get3A_68 : vector<10xf32> to vector<1x10xf32>
      %add3A_70 = arith.addf %dot_general3A_66, %broadcast_in_dim3A_69 : vector<1x10xf32>
      %tanh3A_71 = math.tanh %add3A_70 : vector<1x10xf32>
      %get3A_72 = arith.constant 0 : index
      %get3A_73 = arith.constant 0 : index
      %get3A_74 = vector.load %arg14[%get3A_72, %get3A_73] : memref<10x1xf32, #tpu.memory_space<vmem>>, vector<10x1xf32>
      %dot_general3A_75 = arith.constant dense<0.000000e+00> : vector<1x1xf32>
      %dot_general3A_76 = tpu.matmul %tanh3A_71, %get3A_74, %dot_general3A_75 {dimension_numbers = #tpu.dot_dimension_numbers<[1], [0], [0], [1], [0, 0, 1, 1], [], []>, transpose_lhs_hint = false} : vector<1x10xf32>, vector<10x1xf32>, vector<1x1xf32> -> vector<1x1xf32>
      %get3A_77 = arith.constant 0 : index
      %get3A_78 = vector.load %arg15[%get3A_77] : memref<1xf32, #tpu.memory_space<vmem>>, vector<1xf32>
      %broadcast_in_dim3A_79 = vector.shape_cast %get3A_78 : vector<1xf32> to vector<1x1xf32>
      %add3A_80 = arith.addf %dot_general3A_76, %broadcast_in_dim3A_79 : vector<1x1xf32>
      %neg3A = arith.constant 0.000000e+00 : f32
      %neg3A_81 = vector.broadcast %neg3A : f32 to vector<1x1xf32>
      %neg3A_82 = arith.subf %neg3A_81, %add3A_80 : vector<1x1xf32>
      %exp3A = math.exp %neg3A_82 : vector<1x1xf32>
      %add3A_83 = arith.constant 1.000000e+00 : f32
      %add3A_84 = vector.broadcast %add3A_83 : f32 to vector<1x1xf32>
      %add3A_85 = arith.addf %add3A_84, %exp3A : vector<1x1xf32>
      %div3A_86 = arith.constant 1.000000e+00 : f32
      %div3A_87 = vector.broadcast %div3A_86 : f32 to vector<1x1xf32>
      %div3A_88 = arith.divf %div3A_87, %add3A_85 : vector<1x1xf32>
      %swap3A = arith.constant 0 : index
      %swap3A_89 = arith.constant 0 : index
      %swap3A_90 = vector.load %arg16[%swap3A, %swap3A_89] : memref<1x1xf32, #tpu.memory_space<vmem>>, vector<1x1xf32>
      tpu.vector_store %arg16[%swap3A, %swap3A_89], %div3A_88 {strides = array<i32>} : memref<1x1xf32, #tpu.memory_space<vmem>>, vector<1x1xf32>,
    } else {
    }
    return
  }
  func.func @transform_0(%arg0: i32) -> (i32, i32) {
    %c0_i32 = arith.constant 0 : i32
    %c0_i32_0 = arith.constant 0 : i32
    return %arg0, %c0_i32 : i32, i32
  }
  func.func @transform_1(%arg0: i32) -> (i32, i32) {
    %c0_i32 = arith.constant 0 : i32
    %c0_i32_0 = arith.constant 0 : i32
    return %arg0, %c0_i32 : i32, i32
  }
  func.func @transform_2(%arg0: i32) -> (i32, i32) {
    %c0_i32 = arith.constant 0 : i32
    %c0_i32_0 = arith.constant 0 : i32
    return %arg0, %c0_i32 : i32, i32
  }
  func.func @transform_3(%arg0: i32) -> (i32, i32) {
    %c0_i32 = arith.constant 0 : i32
    %c0_i32_0 = arith.constant 0 : i32
    return %arg0, %c0_i32 : i32, i32
  }
  func.func @transform_4(%arg0: i32) -> (i32, i32) {
    %c0_i32 = arith.constant 0 : i32
    %c0_i32_0 = arith.constant 0 : i32
    return %arg0, %c0_i32 : i32, i32
  }
  func.func @transform_5(%arg0: i32) -> (i32, i32) {
    %c0_i32 = arith.constant 0 : i32
    %c0_i32_0 = arith.constant 0 : i32
    return %arg0, %c0_i32 : i32, i32
  }
  func.func @transform_6(%arg0: i32) -> (i32, i32) {
    %c0_i32 = arith.constant 0 : i32
    %c0_i32_0 = arith.constant 0 : i32
    return %arg0, %c0_i32 : i32, i32
  }
  func.func @transform_7(%arg0: i32) -> (i32, i32) {
    %c0_i32 = arith.constant 0 : i32
    %c0_i32_0 = arith.constant 0 : i32
    %c0_i32_1 = arith.constant 0 : i32
    return %c0_i32, %c0_i32_0 : i32, i32
  }
  func.func @transform_8(%arg0: i32) -> (i32, i32) {
    %c0_i32 = arith.constant 0 : i32
    %c0_i32_0 = arith.constant 0 : i32
    %c0_i32_1 = arith.constant 0 : i32
    return %c0_i32, %c0_i32_0 : i32, i32
  }
  func.func @transform_9(%arg0: i32) -> (i32, i32) {
    %c0_i32 = arith.constant 0 : i32
    %c0_i32_0 = arith.constant 0 : i32
    %c0_i32_1 = arith.constant 0 : i32
    return %c0_i32, %c0_i32_0 : i32, i32
  }
  func.func @transform_10(%arg0: i32) -> i32 {
    %c0_i32 = arith.constant 0 : i32
    %c0_i32_0 = arith.constant 0 : i32
    return %c0_i32 : i32
  }
  func.func @transform_11(%arg0: i32) -> (i32, i32) {
    %c0_i32 = arith.constant 0 : i32
    %c0_i32_0 = arith.constant 0 : i32
    %c0_i32_1 = arith.constant 0 : i32
    return %c0_i32, %c0_i32_0 : i32, i32
  }
  func.func @transform_12(%arg0: i32) -> i32 {
    %c0_i32 = arith.constant 0 : i32
    %c0_i32_0 = arith.constant 0 : i32
    return %c0_i32 : i32
  }
  func.func @transform_13(%arg0: i32) -> (i32, i32) {
    %c0_i32 = arith.constant 0 : i32
    %c0_i32_0 = arith.constant 0 : i32
    %c0_i32_1 = arith.constant 0 : i32
    return %c0_i32, %c0_i32_0 : i32, i32
  }
  func.func @transform_14(%arg0: i32) -> i32 {
    %c0_i32 = arith.constant 0 : i32
    %c0_i32_0 = arith.constant 0 : i32
    return %c0_i32 : i32
  }
  func.func @transform_15(%arg0: i32) -> (i32, i32) {
    %c0_i32 = arith.constant 0 : i32
    %c0_i32_0 = arith.constant 0 : i32
    %c0_i32_1 = arith.constant 0 : i32
    return %c0_i32, %c0_i32_0 : i32, i32
  }
}

</mosaic_0001>

<sc_bundles>
// kernel: kernel.10.cloned.1.call-start
scs
__scs_entry_jumppad:
0x0: {  	(pc) =	sbr.rel $0x88, $3  }
0x1: {  	(tag) =	ssettag $0x0;
	lr =	simm.s32 $0x1  }
0x2: {  	[smem:$0x3F94] =	sst lr;
	_ =	strace $0xD0000000  }
0x3: {  	_ = 	snop  }
0x4: {  	_ = 	snop  }
0x5: {  	_ = 	snop  }
0x6: {  	_ = 	snop  }
0x7: {  	_ = 	snop  }
__scs_overlays_trampoline_lowered:
0x8: {  	[smem:$0x3FA3] =	sst s0  }
0x9: {  	[smem:$0x3FA4] =	sst s1  }
0xa: {  	[smem:$0x3FA5] =	sst s2  }
0xb: {  	[smem:$0x3FA6] =	sst s3  }
0xc: {  	[smem:$0x3FA7] =	sst s4  }
0xd: {  	[smem:$0x3FA8] =	sst s5  }
0xe: {  	[smem:$0x3FA9] =	sst s6  }
0xf: {  	[smem:$0x3FAA] =	sst s7  }
0x10: {  	[smem:$0x3FAB] =	sst s8  }
0x11: {  	[smem:$0x3FAC] =	sst s9;
	s0 =	simm.s32 @!p0 $0x0  }
0x12: {  	s1 =	sld [smem:$0x3F92];
	s0 =	simm.s32 @p0 $0x1  }
0x13: {  	[smem:$0x3FAD] =	sst s0;
	s0 =	simm.s32 @!p1 $0x0  }
0x14: {  	s2 =	sld [smem:$0x3F91];
	s0 =	simm.s32 @p1 $0x1  }
0x15: {  	[smem:$0x3FAE] =	sst s0;
	s0 =	simm.s32 @!p2 $0x0  }
0x16: {  	s3 =	sld [smem:$0x3FDB];
	s0 =	simm.s32 @p2 $0x1  }
0x17: {  	s4 =	simm.s32 $0x1BF5;
	[smem:$0x3FB0] =	sst s0  }
0x18: {  	s0 =	sld [smem:$0x3F93];
	_ =	swait.ge [sflag:s4], $0x0  }
0x19: {  	s7 =	sld [smem:$0x3F94]  }
0x1a: {  	s8 =	sadd.s32 $0xFFFFE003, lr  }
0x1b: {  	s9 =	sadd.s32 $0xFFFFFEF7, lr;
	s5 =	simm.s32 $0xFFFFFFFF;
	p2 =	slt.u32 s8, $0xFFFFF086  }
0x1c: {  	p1 =	slt.u32 s9, $0xF7A;
	s5 =	simm.s32 @!p2 $0x0  }
0x1d: {  	s5 =	simm.s32 @p1 $0x1;
	p0 =	seq.s32 s7, s2  }
0x1e: {  	s7 =	smul.u32 @!p0 $0xF7A, s2;
	p2 =	seq.s32 @!p0 s5, $0x0  }
0x1f: {  	s9 =	smul.u32 $0xF7A, s1;
	s8 =	simm.s32 @!p0 $0x1BF5;
	p2 =	por !p2, p0  }
0x20: {  	[sflag:s8] =	ssyncset.s32 @!p0 $0xFFFFF086;
	s6 =	sadd.s32 @!p0 s3, s7;
	s7 =	simm.s32 @!p0 $0x108  }
0x21: {  	s3 =	sadd.s32 s3, s9;
	s6 =	sadd.s32 @!p0 $0x88, s6;
	s7 =	simm.s32 @p2 $0x1082  }
0x22: {  	[simem:s7], [sflag:s8] =	dma.local @!p0 [hbm:s6], $0xF7A  }
0x23: {  	s9 =	sor.u32 $0xD0000000, s2;
	s6 =	simm.s32 $0x108;
	_ =	swait.ge @!p0 [sflag:s8], $0x0  }
0x24: {  	s3 =	sadd.s32 $0x88, s3;
	s6 =	simm.s32 @!p1 $0x1082;
	[sflag:s4] =	ssyncset.s32 $0xFFFFF086  }
0x25: {  	[simem:s6], [sflag:s4] =	dma.local [hbm:s3], $0xF7A  }
0x26: {  	[smem:$0x3F94] =	sst s1;
	(tag) =	ssettag s2;
	_ =	strace s9  }
0x27: {  	s1 =	sld [smem:$0x3FA4]  }
0x28: {  	s2 =	sld [smem:$0x3FA5]  }
0x29: {  	s4 =	sld [smem:$0x3FA7]  }
0x2a: {  	p0 =	seq.s32 s5, $0x0;
	s5 =	sld [smem:$0x3FA8]  }
0x2b: {  	s6 =	sld [smem:$0x3FA9]  }
0x2c: {  	s7 =	sld [smem:$0x3FAA]  }
0x2d: {  	s3 =	simm.s32 $0x108;
	s8 =	sld [smem:$0x3FAB]  }
0x2e: {  	s3 =	simm.s32 @!p0 $0x1082;
	s9 =	sld [smem:$0x3FAC]  }
0x2f: {  	lr =	sadd.s32 s0, s3;
	s0 =	sld [smem:$0x3FA3]  }
0x30: {  	s3 =	sld [smem:$0x3FA6]  }
0x31: {  	[smem:$0x3FAF] =	sst s10  }
0x32: {  	s10 =	sld [smem:$0x3FAD];
	_ =	sdelay $0x3  }
0x33: {  	p0 =	seq.s32 s10, $0x1;
	s10 =	sld [smem:$0x3FAF];
	_ =	sdelay $0x3  }
0x34: {  	[smem:$0x3FAF] =	sst s10  }
0x35: {  	s10 =	sld [smem:$0x3FAE];
	_ =	sdelay $0x3  }
0x36: {  	p1 =	seq.s32 s10, $0x1;
	s10 =	sld [smem:$0x3FAF];
	_ =	sdelay $0x3  }
0x37: {  	[smem:$0x3FAF] =	sst s10  }
0x38: {  	s10 =	sld [smem:$0x3FB0]  }
0x39: {  	_ = 	snop;
	(pc) =	sbr.ind lr, $3  }
0x3a: {  	_ = 	snop  }
0x3b: {  	_ = 	snop  }
0x3c: {  	p2 =	seq.s32 s10, $0x1;
	s10 =	sld [smem:$0x3FAF]  }
0x3d: {  	_ =	shalt  }
0x3e: {  	_ =	shalt  }
0x3f: {  	_ =	shalt  }
0x40: {  	_ =	shalt  }
0x41: {  	_ =	shalt  }
0x42: {  	_ =	shalt  }
0x43: {  	_ =	shalt  }
0x44: {  	_ =	shalt  }
0x45: {  	_ =	shalt  }
0x46: {  	_ =	shalt  }
0x47: {  	_ =	shalt  }
0x48: {  	_ =	shalt  }
0x49: {  	_ =	shalt  }
0x4a: {  	_ =	shalt  }
0x4b: {  	_ =	shalt  }
0x4c: {  	_ =	shalt  }
0x4d: {  	_ =	shalt  }
0x4e: {  	_ =	shalt  }
0x4f: {  	_ =	shalt  }
0x50: {  	_ =	shalt  }
0x51: {  	_ =	shalt  }
0x52: {  	_ =	shalt  }
0x53: {  	_ =	shalt  }
0x54: {  	_ =	shalt  }
0x55: {  	_ =	shalt  }
0x56: {  	_ =	shalt  }
0x57: {  	_ =	shalt  }
0x58: {  	_ =	shalt  }
0x59: {  	_ =	shalt  }
0x5a: {  	_ =	shalt  }
0x5b: {  	_ =	shalt  }
0x5c: {  	_ =	shalt  }
0x5d: {  	_ =	shalt  }
0x5e: {  	_ =	shalt  }
0x5f: {  	_ =	shalt  }
0x60: {  	_ =	shalt  }
0x61: {  	_ =	shalt  }
0x62: {  	_ =	shalt  }
0x63: {  	_ =	shalt  }
0x64: {  	_ =	shalt  }
0x65: {  	_ =	shalt  }
0x66: {  	_ =	shalt  }
0x67: {  	_ =	shalt  }
0x68: {  	_ =	shalt  }
0x69: {  	_ =	shalt  }
0x6a: {  	_ =	shalt  }
0x6b: {  	_ =	shalt  }
0x6c: {  	_ =	shalt  }
0x6d: {  	_ =	shalt  }
0x6e: {  	_ =	shalt  }
0x6f: {  	_ =	shalt  }
0x70: {  	_ =	shalt  }
0x71: {  	_ =	shalt  }
0x72: {  	_ =	shalt  }
0x73: {  	_ =	shalt  }
0x74: {  	_ =	shalt  }
0x75: {  	_ =	shalt  }
0x76: {  	_ =	shalt  }
0x77: {  	_ =	shalt  }
0x78: {  	_ =	shalt  }
0x79: {  	_ =	shalt  }
0x7a: {  	_ =	shalt  }
0x7b: {  	_ =	shalt  }
0x7c: {  	_ =	shalt  }
0x7d: {  	_ =	shalt  }
0x7e: {  	_ =	shalt  }
0x7f: {  	_ =	shalt  }
0x80: {  	_ =	shalt  }
0x81: {  	_ =	shalt  }
0x82: {  	_ =	shalt  }
0x83: {  	_ =	shalt  }
0x84: {  	_ =	shalt  }
0x85: {  	_ =	shalt  }
0x86: {  	_ =	shalt  }
0x87: {  	_ =	shalt  }
.Lfunc_end0:
.L_simem_size_0:
called_computation.1_lowered:
.L_overlay_start_0:
0x88: {  	s2 =	sld [smem:$0x3FD9]  }
0x89: {  	s3 =	sld [smem:$0x3FFE];
	_ =	sdelay $0x1  }
0x8a: {  	s1 =	srdreg.scid  }
0x8b: {  	s0 =	sand.u32 $0x1, s1  }
0x8c: {  	s16 =	sshll.u32 s0, $0xA;
	s2 =	sadd.s32 s3, s2  }
0x8d: {  	s2 =	sadd.s32 s2, s16  }
0x8e: {  	[smem:$0x3FBB] =	sst s2  }
0x8f: {  	_ = 	snop  }
0x90: {  	(tm) =	ssettm $0x1  }
0x91: {  	s17 =	sld [smem:$0x3FFB];
	_ =	sdelay $0x3  }
0x92: {  	_ =	strace s17  }
0x93: {  	s2 =	sld [smem:$0x3FFC];
	_ =	sdelay $0x3  }
0x94: {  	_ =	strace s2  }
0x95: {  	s2 =	sld [smem:$0x3FFD];
	_ =	sdelay $0x3  }
0x96: {  	_ =	strace s2  }
0x97: {  	_ =	strace $0x8FFFFFFF  }
0x98: {  	s18 =	sld [smem:$0x3FDB];
	_ =	sdelay $0x1  }
0x99: {  	s19 =	simm.s32 $_scs_section_size  }
0x9a: {  	s4 =	simm.s32 $_size__tile_overlayer_lowered;
	s5 =	simm.s32 $_tile_overlayer_lowered  }
0x9b: {  	s22 =	simm.s32 $0x1BFF;
	s21 =	sshll.u32 s5, $0x1;
	s2 =	sadd.s32 s19, s18  }
0x9c: {  	s6 =	simm.s32 $0x0;
	s20 =	sshll.u32 s4, $0x1;
	s4 =	sadd.s32 s21, s2  }
0x9d: {  	[timem:s6], [sflag:s22] =	dma.local [hbm:s4], s20  }
0x9e: {  	_ =	swait.ge [sflag:s22], s20  }
0x9f: {  	s3 =	ssub.s32 $0x0, s20;
	[sflag:s22] =	ssyncset.done $0x0  }
0xa0: {  	[sflag:s22] =	ssyncadd.s32 s3;
	_ =	sdelay $0x1  }
0xa1: {  	s23 =	simm.s32 $0x1B8B  }
0xa2: {  	_ =	swait.ge [sflag:s23], $0x1  }
0xa3: {  	[sflag:s23] =	ssyncset.done $0x0  }
0xa4: {  	s25 =	simm.s32 $0x1B8E;
	s24 =	sld [smem:$0x3FFE];
	[sflag:s23] =	ssyncadd.s32 $0xFFFFFFFF  }
0xa5: {  	s26 =	simm.s32 $execute0_lowered;
	[smem:$0x3FD2] =	sst s25  }
0xa6: {  	s4 =	sshll.u32 s26, $0x1;
	_ =	strace $0x80000049;
	[dreg:$0x1] =	wrdreg $0xFFFFFFFF  }
0xa7: {  	s28 =	simm.s32 $_size_execute0_lowered;
	s2 =	sadd.s32 s2, s4;
	[dreg:$0x0] =	wrdreg $0x0  }
0xa8: {  	s4 =	sshll.u32 s28, $0x1;
	[dreg:$0x2] =	wrdreg s2  }
0xa9: {  	[dreg:$0x3] =	wrdreg s4  }
0xaa: {  	[dreg:$0x4] =	wrdreg $0xC0  }
0xab: {  	_ =	task [dreg:s6], $0x5FFFF  }
0xac: {  	[dreg:$0x1] =	wrdreg $0xFFFFFFFF  }
0xad: {  	[dreg:$0x0] =	wrdreg $0x60  }
0xae: {  	[dreg:$0x2] =	wrdreg s24  }
0xaf: {  	[dreg:$0x3] =	wrdreg $0xA0000  }
0xb0: {  	[dreg:$0x4] =	wrdreg $0x0  }
0xb1: {  	[dreg:$0x5] =	wrdreg $0x9  }
0xb2: {  	_ =	task.clear_ibuf [dreg:s6], $0x6FFFF;
	_ =	strace $0x90000049  }
0xb3: {  	s29 =	simm.s32 $0x9;
	_ =	strace $0x8000004B  }
0xb4: {  	_ =	swait.ge [sflag:s29], $0x1  }
0xb5: {  	[sflag:s29] =	ssyncadd.s32 $0xFFFFFFFF  }
0xb6: {  	_ =	strace $0x9000004B  }
0xb7: {  	_ =	sfence  }
0xb8: {  	s30 =	sld [smem:$0x0];
	_ =	sdelay $0x2  }
0xb9: {  	s31 =	sshll.u32 s1, $0xD;
	s1 =	sshrl.u32 s1, $0x2  }
0xba: {  	s3 =	sand.u32 $0x4000, s31;
	s1 =	sadd.s32 s1, s30  }
0xbb: {  	s0 =	sor.u32 s3, s0;
	s1 =	sshll.u32 s1, $0x11  }
0xbc: {  	s0 =	sor.u32 s1, s0  }
0xbd: {  	s0 =	sadd.s32 $0x8F2B, s0  }
0xbe: {  	[sflag:s0] =	ssyncadd.remote.s32 $0x1  }
0xbf: {  	_ =	sfence.sel $0xFFFF  }
0xc0: {  	[dreg:$0x0] =	wrdreg $0xFFFFFFFF;
	(pc) =	sbr.abs _section_cstart, $3  }
0xc1: {  	[dreg:$0x1] =	wrdreg $0xFFFFFFFF  }
0xc2: {  	_ =	task.clear_ibuf [dreg:s6], $0x2FFFF;
	_ =	strace $0x9FFFFFFF  }
0xc3: {  	(tm) =	ssettm $0x7FFFFFFF  }
tec
execute0_lowered:
.L_overlay_start_1:
0x0: {  	(tag) =	ssettag $0x1  }
0x1: {  	s0 =	rddreg [dreg:$0x0];
	s1 =	srdreg.scid  }
0x2: {  	s2 =	simm.s32 $0x0;
	s16 =	stileid.u32;
	s3 =	sand.u32 $0x1, s1  }
0x3: {  	[smem:$0x7FF] =	sst s2;
	s21 =	sshll.u32 s16, $0x1;
	s4 =	sadd.s32 $0x29C00, s0  }
0x4: {  	s11 =	smul.u32 $0x280, s16;
	s5 =	sadd.s32 $0x33C00, s0;
	s1 =	sshll.u32 s3, $0x5  }
0x5: {  	s2 =	sadd.s32 $0x3DC00, s0;
	s12 =	smul.u32 $0x5000, s3;
	s1 =	sor.u32 s21, s1  }
0x6: {  	s30 =	sadd.s32 $0x2800, s0;
	s6 =	ssub.s32 $0x2, s3;
	s7 =	smul.u32 $0x1400, s1  }
0x7: {  	p0 =	seq.s32 s16, $0xF;
	s8 =	sshrl.u32 s6, $0x1;
	s9 =	smul.u32 $0x280, s1  }
0x8: {  	s1 =	ssub.s32 s6, s8;
	s10 =	sadd.s32 $0x2800, s12;
	s26 =	sadd.s32 s12, s11  }
0x9: {  	s6 =	sadd.s32 $0x100, s11;
	s25 =	sadd.s32 s11, s10;
	s22 =	sshrl.u32 s7, $0x3  }
0xa: {  	s13 =	sadd.s32 s12, s6;
	s1 =	smax.u32 s1, $0x1;
	s23 =	sadd.s32 $0x280, s22  }
0xb: {  	s24 =	sadd.s32 s4, s9;
	s29 =	sadd.s32 s5, s9;
	s4 =	sadd.s32 s4, s23  }
0xc: {  	s15 =	sshll.u32 s13, $0x3;
	s3 =	sadd.s32 s5, s23;
	[dreg:$0x4] =	wrdreg s4  }
0xd: {  	s5 =	sshll.u32 s26, $0x3;
	[dreg:$0x5] =	wrdreg s3;
	s3 =	sor.u32 $0x40, s11  }
0xe: {  	s4 =	sshll.u32 s25, $0x3;
	s5 =	sadd.s32 s2, s5;
	s25 =	sadd.s32 s6, s10  }
0xf: {  	s28 =	sadd.s32 s12, s3;
	s4 =	sadd.s32 s2, s4;
	[dreg:$0x7] =	wrdreg s5  }
0x10: {  	s5 =	sadd.s32 $0x80, s11;
	s20 =	sadd.s32 s3, s10;
	s7 =	sshll.u32 s28, $0x3  }
0x11: {  	[dreg:$0x6] =	wrdreg s4;
	s8 =	sadd.s32 s12, s5;
	s4 =	sadd.s32 s2, s7  }
0x12: {  	s7 =	sshll.u32 s8, $0x3;
	[dreg:$0x8] =	wrdreg s4;
	s4 =	sadd.s32 $0xC0, s11  }
0x13: {  	s22 =	sadd.s32 s5, s10;
	s7 =	sadd.s32 s2, s7;
	s9 =	sadd.s32 s12, s4  }
0x14: {  	[dreg:$0x9] =	wrdreg s7;
	s7 =	sadd.s32 s2, s15;
	s23 =	sadd.s32 s4, s10  }
0x15: {  	s8 =	sshll.u32 s9, $0x3;
	[dreg:$0xb] =	wrdreg s7;
	s7 =	sadd.s32 $0x180, s11  }
0x16: {  	s9 =	sadd.s32 $0x1C0, s11;
	s14 =	sadd.s32 s2, s8;
	s8 =	sadd.s32 $0x140, s11  }
0x17: {  	s15 =	sadd.s32 s12, s9;
	[dreg:$0xa] =	wrdreg s14;
	s13 =	sadd.s32 s12, s8  }
0x18: {  	s14 =	sadd.s32 s12, s7;
	s18 =	sshll.u32 s15, $0x3;
	s15 =	sshll.u32 s20, $0x3  }
0x19: {  	s13 =	sshll.u32 s13, $0x3;
	s14 =	sshll.u32 s14, $0x3;
	s21 =	sadd.s32 s2, s15  }
0x1a: {  	s15 =	sshll.u32 s25, $0x3;
	s25 =	rddreg [dreg:$0x1];
	s13 =	sadd.s32 s2, s13  }
0x1b: {  	s17 =	sadd.s32 s2, s14;
	[dreg:$0x11] =	wrdreg s21;
	s28 =	sadd.s32 s2, s15  }
0x1c: {  	s15 =	sadd.s32 s7, s10;
	[dreg:$0xc] =	wrdreg s13;
	s13 =	sadd.s32 s2, s18  }
0x1d: {  	s21 =	smul.u32 $0x28000, s16;
	[dreg:$0xe] =	wrdreg s13;
	s13 =	sadd.s32 $0x200, s11  }
0x1e: {  	[dreg:$0xd] =	wrdreg s17;
	s11 =	sadd.s32 $0x240, s11;
	s19 =	sadd.s32 s12, s13  }
0x1f: {  	[dreg:$0x14] =	wrdreg s28;
	s12 =	sadd.s32 s12, s11;
	s14 =	sshll.u32 s19, $0x3  }
0x20: {  	s17 =	sadd.s32 s9, s10;
	s12 =	sshll.u32 s12, $0x3;
	s14 =	sadd.s32 s2, s14  }
0x21: {  	s20 =	sadd.s32 s13, s10;
	s12 =	sadd.s32 s2, s12;
	[dreg:$0xf] =	wrdreg s14  }
0x22: {  	[dreg:$0x10] =	wrdreg s12;
	s12 =	sshll.u32 s22, $0x3;
	s14 =	sshll.u32 s23, $0x3  }
0x23: {  	s23 =	sshll.u32 s3, $0x6;
	s3 =	sshll.u32 s4, $0x6;
	s12 =	sadd.s32 s2, s12  }
0x24: {  	s26 =	sadd.s32 s2, s14;
	s14 =	sadd.s32 s8, s10;
	[dreg:$0x12] =	wrdreg s12  }
0x25: {  	s10 =	sadd.s32 s11, s10;
	[dreg:$0x13] =	wrdreg s26;
	s12 =	sshll.u32 s14, $0x3  }
0x26: {  	s14 =	sshll.u32 s15, $0x3;
	s26 =	rddreg [dreg:$0x2];
	s12 =	sadd.s32 s2, s12  }
0x27: {  	s15 =	sshll.u32 s17, $0x3;
	s18 =	sadd.s32 s2, s14;
	[dreg:$0x15] =	wrdreg s12  }
0x28: {  	s19 =	sadd.s32 s2, s15;
	[dreg:$0x16] =	wrdreg s18;
	s12 =	sshll.u32 s20, $0x3  }
0x29: {  	s10 =	sshll.u32 s10, $0x3;
	[dreg:$0x17] =	wrdreg s19;
	s12 =	sadd.s32 s2, s12  }
0x2a: {  	s2 =	sadd.s32 s2, s10;
	s10 =	simm.s32 $0x5;
	[dreg:$0x18] =	wrdreg s12  }
0x2b: {  	s4 =	sshll.u32 s6, $0x6;
	[dreg:$0x19] =	wrdreg s2;
	s10 =	simm.s32 @!p0 $0x8  }
0x2c: {  	s6 =	sshll.u32 s8, $0x6;
	_ =	strace $0x8000004A;
	[dreg:$0x1a] =	wrdreg s10  }
0x2d: {  	s28 =	sadd.s32 s23, s25;
	s8 =	sshll.u32 s9, $0x6;
	[dreg:$0x1b] =	wrdreg s1  }
0x2e: {  	s2 =	sshll.u32 s5, $0x6;
	s5 =	sadd.s32 s4, s25;
	[dreg:$0x1c] =	wrdreg s28  }
0x2f: {  	s22 =	sshrl.u32 s21, $0x2;
	s9 =	sadd.s32 s8, s25;
	[dreg:$0x1f] =	wrdreg s5  }
0x30: {  	s31 =	sadd.s32 $0x16200, s0;
	s0 =	sadd.s32 s22, s26;
	[smem:$0x7EF] =	sst s9  }
0x31: {  	s1 =	sadd.s32 s2, s25;
	[smem:$0x7F2] =	sst s0  }
0x32: {  	s10 =	sshll.u32 s13, $0x6;
	s13 =	sadd.s32 s22, s25;
	[dreg:$0x1d] =	wrdreg s1  }
0x33: {  	s1 =	sadd.s32 s3, s25;
	[smem:$0x7FB] =	sst s13  }
0x34: {  	s14 =	sadd.s32 $0x1000, s13;
	[dreg:$0x1e] =	wrdreg s1  }
0x35: {  	s15 =	sadd.s32 $0x2000, s13;
	[smem:$0x7F3] =	sst s14  }
0x36: {  	s17 =	sadd.s32 $0x3000, s13;
	[smem:$0x7F4] =	sst s15  }
0x37: {  	s18 =	sadd.s32 $0x4000, s13;
	[smem:$0x7F5] =	sst s17  }
0x38: {  	s19 =	sadd.s32 $0x5000, s13;
	[smem:$0x7F6] =	sst s18  }
0x39: {  	s7 =	sshll.u32 s7, $0x6;
	s20 =	sadd.s32 $0x6000, s13;
	[smem:$0x7F7] =	sst s19  }
0x3a: {  	s8 =	simm.s32 $0x40;
	s21 =	sadd.s32 $0x7000, s13;
	[smem:$0x7F8] =	sst s20  }
0x3b: {  	s12 =	sshll.u32 s11, $0x6;
	s22 =	sadd.s32 $0x8000, s13;
	[smem:$0x7F9] =	sst s21  }
0x3c: {  	s28 =	smul.u32 $0xA000, s16;
	s23 =	sadd.s32 $0x9000, s13;
	[smem:$0x7FA] =	sst s22  }
0x3d: {  	s11 =	simm.s32 $0x2;
	s0 =	simm.s32 $0x16800;
	[smem:$0x7FC] =	sst s23  }
0x3e: {  	s9 =	simm.s32 $0x1;
	s1 =	sadd.s32 s6, s25;
	[smem:$0x7FD] =	sst s28  }
0x3f: {  	s3 =	simm.s32 $0x0;
	[smem:$0x7ED] =	sst s1;
	s1 =	sadd.s32 s7, s25  }
0x40: {  	s6 =	simm.s32 $0x14000;
	[smem:$0x7EE] =	sst s1;
	s1 =	sadd.s32 s10, s25  }
0x41: {  	s15 =	simm.s32 $0x15400;
	[smem:$0x7F0] =	sst s1;
	s1 =	sadd.s32 s12, s25  }
0x42: {  	v0 =	vimm.f32 $0.0e+00;
	s10 =	simm.s32 $0x17800;
	[smem:$0x7F1] =	sst s1;
	s1 =	simm.s32 $0x3  }
.LBB2_1:
0x43: {  	s4 =	simm.s32 $0x0  }
0x44: {  	s2 =	sand.u32 $0x3F00, s4  }
0x45: {  	s5 =	sand.u32 $0x30, s4;
	s2 =	sshrl.u32 s2, $0x2  }
0x46: {  	s4 =	simm.s32 $0x40;
	s2 =	sor.u32 s5, s2;
	s5 =	simm.s32 $0x0  }
.LBB2_2:
0x47: {  	p0 =	sne.s32 s4, $0x3FC0  }
0x48: {  	[tilespmem:s2+$0x16800] =	vst v0;
	s5 =	sadd.s32 $0x10, s5;
	s2 =	smov.u32 s4;
	s4 =	sadd.s32 $0x40, s4  }
.Ltmp0:
0x49: {  	(pc) =	sbr.rel @p0 .LBB2_2-.Ltmp0, $4  }
0x4a: {  	_ = 	snop  }
0x4b: {  	s2 =	sand.u32 $0x3F00, s2  }
0x4c: {  	s7 =	sand.u32 $0x30, s5;
	s2 =	sshrl.u32 s2, $0x2  }
0x4d: {  	s2 =	sor.u32 s7, s2  }
0x4e: {  	s12 =	sld [smem:$0x7FB];
	_ =	sdelay $0x1  }
0x4f: {  	[tilespmem:s2+$0x16800] =	vst v0  }
0x50: {  	[spmem:s12] =	stream.linear.scatter [tilespmem:s0], [sflag:$0x3], $0x1000, $0x38;
	[tilespmem:$0x18800] =	vst v63  }
0x51: {  	_ =	swait.ge [sflag:s1], $0x1000  }
0x52: {  	s13 =	sld [smem:$0x7F3]  }
0x53: {  	[sflag:s1] =	ssyncset.done $0x0  }
0x54: {  	[sflag:s1] =	ssyncadd.s32 $0xFFFFF000  }
0x55: {  	[spmem:s13] =	stream.linear.scatter [tilespmem:s0], [sflag:$0x3], $0x1000, $0x38;
	[tilespmem:$0x18800] =	vst v63  }
0x56: {  	_ =	swait.ge [sflag:s1], $0x1000  }
0x57: {  	s14 =	sld [smem:$0x7F4]  }
0x58: {  	[sflag:s1] =	ssyncset.done $0x0  }
0x59: {  	[sflag:s1] =	ssyncadd.s32 $0xFFFFF000  }
0x5a: {  	[spmem:s14] =	stream.linear.scatter [tilespmem:s0], [sflag:$0x3], $0x1000, $0x38;
	[tilespmem:$0x18800] =	vst v63  }
0x5b: {  	_ =	swait.ge [sflag:s1], $0x1000  }
0x5c: {  	s16 =	sld [smem:$0x7F5]  }
0x5d: {  	[sflag:s1] =	ssyncset.done $0x0  }
0x5e: {  	[sflag:s1] =	ssyncadd.s32 $0xFFFFF000  }
0x5f: {  	[spmem:s16] =	stream.linear.scatter [tilespmem:s0], [sflag:$0x3], $0x1000, $0x38;
	[tilespmem:$0x18800] =	vst v63  }
0x60: {  	_ =	swait.ge [sflag:s1], $0x1000  }
0x61: {  	s17 =	sld [smem:$0x7F6]  }
0x62: {  	[sflag:s1] =	ssyncset.done $0x0  }
0x63: {  	[sflag:s1] =	ssyncadd.s32 $0xFFFFF000  }
0x64: {  	[spmem:s17] =	stream.linear.scatter [tilespmem:s0], [sflag:$0x3], $0x1000, $0x38;
	[tilespmem:$0x18800] =	vst v63  }
0x65: {  	_ =	swait.ge [sflag:s1], $0x1000  }
0x66: {  	s18 =	sld [smem:$0x7F7]  }
0x67: {  	[sflag:s1] =	ssyncset.done $0x0  }
0x68: {  	[sflag:s1] =	ssyncadd.s32 $0xFFFFF000  }
0x69: {  	[spmem:s18] =	stream.linear.scatter [tilespmem:s0], [sflag:$0x3], $0x1000, $0x38;
	[tilespmem:$0x18800] =	vst v63  }
0x6a: {  	_ =	swait.ge [sflag:s1], $0x1000  }
0x6b: {  	s19 =	sld [smem:$0x7F8]  }
0x6c: {  	[sflag:s1] =	ssyncset.done $0x0  }
0x6d: {  	[sflag:s1] =	ssyncadd.s32 $0xFFFFF000  }
0x6e: {  	[spmem:s19] =	stream.linear.scatter [tilespmem:s0], [sflag:$0x3], $0x1000, $0x38;
	[tilespmem:$0x18800] =	vst v63  }
0x6f: {  	_ =	swait.ge [sflag:s1], $0x1000  }
0x70: {  	s20 =	sld [smem:$0x7F9]  }
0x71: {  	[sflag:s1] =	ssyncset.done $0x0  }
0x72: {  	[sflag:s1] =	ssyncadd.s32 $0xFFFFF000  }
0x73: {  	[spmem:s20] =	stream.linear.scatter [tilespmem:s0], [sflag:$0x3], $0x1000, $0x38;
	[tilespmem:$0x18800] =	vst v63  }
0x74: {  	_ =	swait.ge [sflag:s1], $0x1000  }
0x75: {  	s21 =	sld [smem:$0x7FA]  }
0x76: {  	[sflag:s1] =	ssyncset.done $0x0  }
0x77: {  	[sflag:s1] =	ssyncadd.s32 $0xFFFFF000  }
0x78: {  	[spmem:s21] =	stream.linear.scatter [tilespmem:s0], [sflag:$0x3], $0x1000, $0x38;
	[tilespmem:$0x18800] =	vst v63  }
0x79: {  	_ =	swait.ge [sflag:s1], $0x1000  }
0x7a: {  	s22 =	sld [smem:$0x7FC]  }
0x7b: {  	[sflag:s1] =	ssyncset.done $0x0  }
0x7c: {  	[sflag:s1] =	ssyncadd.s32 $0xFFFFF000  }
0x7d: {  	[spmem:s22] =	stream.linear.scatter [tilespmem:s0], [sflag:$0x3], $0x1000, $0x38;
	[tilespmem:$0x18800] =	vst v63  }
0x7e: {  	_ =	swait.ge [sflag:s1], $0x1000  }
0x7f: {  	s17 =	sld [smem:$0x7FD]  }
0x80: {  	s23 =	stileid.u32;
	s13 =	sld [smem:$0x7F2]  }
0x81: {  	s7 =	sshll.u32 s23, $0x6  }
0x82: {  	s4 =	sor.u32 $0x1C03, s7;
	[sflag:s1] =	ssyncset.done $0x0;
	s5 =	sshrl.u32 s17, $0x3  }
0x83: {  	[sflag:s1] =	ssyncadd.s32 $0xFFFFF000;
	s16 =	sshrl.u32 s13, $0x3;
	s28 =	sadd.s32 s30, s5  }
0x84: {  	[spmem:s16], [sflag:s4] =	dma.local [hbm:s28], $0x280  }
0x85: {  	s2 =	rddreg [dreg:$0x1a]  }
0x86: {  	p0 =	sne.s32 s2, $0x1  }
.Ltmp1:
0x87: {  	_ = 	snop;
	(pc) =	sbr.rel @!p0 .LBB2_5-.Ltmp1, $2  }
0x88: {  	_ =	sdelay $0x2  }
0x89: {  	s14 =	sadd.s32 $0x1400, s13;
	s12 =	sadd.s32 $0xFFFFFFFF, s2  }
.LBB2_4:
0x8a: {  	_ =	swait.ge [sflag:s1], $0x280  }
0x8b: {  	s17 =	sadd.s32 $0x1400, s17;
	s18 =	sshrl.u32 s14, $0x3;
	p1 =	sne.s32 s12, $0x1  }
.Ltmp2:
0x8c: {  	s2 =	sshrl.u32 s17, $0x3;
	[sflag:s1] =	ssyncset.done $0x0;
	(pc) =	sbr.rel @p1 .LBB2_4-.Ltmp2, $4  }
0x8d: {  	s4 =	sor.u32 $0x1C03, s7;
	s2 =	sadd.s32 s30, s2;
	[sflag:s1] =	ssyncadd.s32 $0xFFFFFD80  }
0x8e: {  	[spmem:s18], [sflag:s4] =	dma.local [hbm:s2], $0x280  }
0x8f: {  	s12 =	sadd.s32 $0xFFFFFFFF, s12  }
0x90: {  	s14 =	sadd.s32 $0x1400, s14  }
.LBB2_5:
0x91: {  	_ =	swait.ge [sflag:s1], $0x280  }
0x92: {  	[sflag:s1] =	ssyncset.done $0x0  }
0x93: {  	[sflag:s1] =	ssyncadd.s32 $0xFFFFFD80  }
0x94: {  	s2 =	simm.s32 $0x0;
	[bflag:$0x0] =	sbarrier.arrive $0xFFFF  }
0x95: {  	[tilespmem:s6], [sflag:$0x3] =	stream.linear.gather [hbm4b:s24+s2], $0x1400, $0x38;
	[tilespmem:$0x18800] =	vst v63  }
0x96: {  	_ =	swait.ge [sflag:s1], $0x1400  }
0x97: {  	[sflag:s1] =	ssyncset.done $0x0  }
0x98: {  	[sflag:s1] =	ssyncadd.s32 $0xFFFFEC00  }
0x99: {  	[tilespmem:s15], [sflag:$0x3] =	stream.linear.gather [hbm4b:s29+s2], $0x1400, $0x38;
	[tilespmem:$0x18800] =	vst v63  }
0x9a: {  	_ =	swait.ge [sflag:s1], $0x1400  }
0x9b: {  	[sflag:s1] =	ssyncset.done $0x0  }
0x9c: {  	[sflag:s1] =	ssyncadd.s32 $0xFFFFEC00  }
0x9d: {  	[tilespmem:s0], [sflag:$0x1] =	stream.indirect.gather [spmem:s26], $0x40, s6, s8, $0xb8;
	[tilespmem:$0x18800] =	vst v63  }
0x9e: {  	_ =	swait.ge [sflag:s9], $0x1000  }
0x9f: {  	[sflag:s9] =	ssyncset.done $0x0  }
0xa0: {  	s22 =	simm.s32 $0x14040;
	[sflag:s9] =	ssyncadd.s32 $0xFFFFF000  }
0xa1: {  	[tilespmem:s10], [sflag:$0x2] =	stream.indirect.gather [spmem:s26], $0x40, s22, s8, $0xb8;
	[tilespmem:$0x18800] =	vst v63  }
0xa2: {  	s23 =	simm.s32 $0x15400  }
0xa3: {  	[spmem:s25] =	stream.indirect.scatter.add.f32 [tilespmem:s0], [sflag:$0x3], $0x40, s23, s8, $0xb8;
	[tilespmem:$0x18800] =	vst v63  }
0xa4: {  	_ =	swait.ge [sflag:s1], $0x1000  }
0xa5: {  	[sflag:s1] =	ssyncset.done $0x0  }
0xa6: {  	[sflag:s1] =	ssyncadd.s32 $0xFFFFF000  }
0xa7: {  	_ =	swait.ge [sflag:s11], $0x1000  }
0xa8: {  	[sflag:s11] =	ssyncset.done $0x0  }
0xa9: {  	s28 =	simm.s32 $0x14080;
	[sflag:s11] =	ssyncadd.s32 $0xFFFFF000  }
0xaa: {  	[tilespmem:s0], [sflag:$0x1] =	stream.indirect.gather [spmem:s26], $0x40, s28, s8, $0xb8;
	[tilespmem:$0x18800] =	vst v63  }
0xab: {  	s13 =	smov.u32 s29;
	s29 =	simm.s32 $0x15440  }
0xac: {  	[spmem:s25] =	stream.indirect.scatter.add.f32 [tilespmem:s10], [sflag:$0x3], $0x40, s29, s8, $0xb8;
	[tilespmem:$0x18800] =	vst v63  }
0xad: {  	_ =	swait.ge [sflag:s1], $0x1000  }
0xae: {  	s7 =	simm.s32 $0x200;
	[sflag:s1] =	ssyncset.done $0x0  }
.LBB2_6:
0xaf: {  	p1 =	sne.s32 s7, $0x4C00  }
0xb0: {  	[sflag:s1] =	ssyncadd.s32 $0xFFFFF000;
	s2 =	smov.u32 s7;
	s7 =	sadd.s32 $0x200, s7  }
0xb1: {  	_ = 	snop  }
0xb2: {  	_ =	swait.ge [sflag:s9], $0x1000  }
0xb3: {  	s2 =	sshra.s32 s2, $0x2;
	[sflag:s9] =	ssyncset.done $0x0  }
0xb4: {  	s12 =	sadd.s32 $0x14040, s2;
	[sflag:s9] =	ssyncadd.s32 $0xFFFFF000  }
0xb5: {  	[tilespmem:s10], [sflag:$0x2] =	stream.indirect.gather [spmem:s26], $0x40, s12, s8, $0xb8;
	[tilespmem:$0x18800] =	vst v63  }
0xb6: {  	s12 =	sadd.s32 $0x15400, s2  }
0xb7: {  	[spmem:s25] =	stream.indirect.scatter.add.f32 [tilespmem:s0], [sflag:$0x3], $0x40, s12, s8, $0xb8;
	[tilespmem:$0x18800] =	vst v63  }
0xb8: {  	_ =	swait.ge [sflag:s1], $0x1000  }
0xb9: {  	[sflag:s1] =	ssyncset.done $0x0  }
0xba: {  	[sflag:s1] =	ssyncadd.s32 $0xFFFFF000  }
0xbb: {  	_ =	swait.ge [sflag:s11], $0x1000  }
0xbc: {  	[sflag:s11] =	ssyncset.done $0x0  }
0xbd: {  	s12 =	sadd.s32 $0x14080, s2;
	[sflag:s11] =	ssyncadd.s32 $0xFFFFF000  }
0xbe: {  	[tilespmem:s0], [sflag:$0x1] =	stream.indirect.gather [spmem:s26], $0x40, s12, s8, $0xb8;
	[tilespmem:$0x18800] =	vst v63  }
.Ltmp3:
0xbf: {  	_ = 	snop;
	(pc) =	sbr.rel @p1 .LBB2_6-.Ltmp3, $4  }
0xc0: {  	s2 =	sadd.s32 $0x15440, s2  }
0xc1: {  	[spmem:s25] =	stream.indirect.scatter.add.f32 [tilespmem:s10], [sflag:$0x3], $0x40, s2, s8, $0xb8;
	[tilespmem:$0x18800] =	vst v63  }
0xc2: {  	_ =	swait.ge [sflag:s1], $0x1000  }
0xc3: {  	[sflag:s1] =	ssyncset.done $0x0  }
0xc4: {  	[sflag:s1] =	ssyncadd.s32 $0xFFFFF000  }
0xc5: {  	_ =	swait.ge [sflag:s9], $0x1000  }
0xc6: {  	[sflag:s9] =	ssyncset.done $0x0  }
0xc7: {  	s2 =	simm.s32 $0x153C0;
	[sflag:s9] =	ssyncadd.s32 $0xFFFFF000  }
0xc8: {  	[tilespmem:s10], [sflag:$0x2] =	stream.indirect.gather [spmem:s26], $0x40, s2, s8, $0xb8;
	[tilespmem:$0x18800] =	vst v63  }
0xc9: {  	s18 =	simm.s32 $0x16780  }
0xca: {  	[spmem:s25] =	stream.indirect.scatter.add.f32 [tilespmem:s0], [sflag:$0x3], $0x40, s18, s8, $0xb8;
	[tilespmem:$0x18800] =	vst v63  }
0xcb: {  	_ =	swait.ge [sflag:s1], $0x1000  }
0xcc: {  	[sflag:s1] =	ssyncset.done $0x0  }
0xcd: {  	[sflag:s1] =	ssyncadd.s32 $0xFFFFF000  }
0xce: {  	_ =	swait.ge [sflag:s11], $0x1000  }
0xcf: {  	[sflag:s11] =	ssyncset.done $0x0  }
0xd0: {  	s19 =	simm.s32 $0x167C0;
	[sflag:s11] =	ssyncadd.s32 $0xFFFFF000  }
0xd1: {  	[spmem:s25] =	stream.indirect.scatter.add.f32 [tilespmem:s10], [sflag:$0x3], $0x40, s19, s8, $0xb8;
	[tilespmem:$0x18800] =	vst v63  }
0xd2: {  	_ =	swait.ge [sflag:s1], $0x1000  }
0xd3: {  	[sflag:s1] =	ssyncset.done $0x0  }
0xd4: {  	s20 =	simm.s32 $0x0;
	s7 =	rddreg [dreg:$0x4];
	[sflag:s1] =	ssyncadd.s32 $0xFFFFF000  }
0xd5: {  	[tilespmem:s6], [sflag:$0x3] =	stream.linear.gather [hbm4b:s7+s20], $0x1400, $0x38;
	[tilespmem:$0x18800] =	vst v63  }
0xd6: {  	_ =	swait.ge [sflag:s1], $0x1400  }
0xd7: {  	[sflag:s1] =	ssyncset.done $0x0  }
0xd8: {  	s21 =	rddreg [dreg:$0x5];
	[sflag:s1] =	ssyncadd.s32 $0xFFFFEC00  }
0xd9: {  	[tilespmem:s15], [sflag:$0x3] =	stream.linear.gather [hbm4b:s21+s20], $0x1400, $0x38;
	[tilespmem:$0x18800] =	vst v63  }
0xda: {  	_ =	swait.ge [sflag:s1], $0x1400  }
0xdb: {  	[sflag:s1] =	ssyncset.done $0x0  }
0xdc: {  	[sflag:s1] =	ssyncadd.s32 $0xFFFFEC00  }
0xdd: {  	[tilespmem:s0], [sflag:$0x1] =	stream.indirect.gather [spmem:s26], $0x40, s6, s8, $0xb8;
	[tilespmem:$0x18800] =	vst v63  }
0xde: {  	_ =	swait.ge [sflag:s9], $0x1000  }
0xdf: {  	[sflag:s9] =	ssyncset.done $0x0  }
0xe0: {  	s22 =	simm.s32 $0x14040;
	[sflag:s9] =	ssyncadd.s32 $0xFFFFF000  }
0xe1: {  	[tilespmem:s10], [sflag:$0x2] =	stream.indirect.gather [spmem:s26], $0x40, s22, s8, $0xb8;
	[tilespmem:$0x18800] =	vst v63  }
0xe2: {  	s23 =	simm.s32 $0x15400  }
0xe3: {  	[spmem:s25] =	stream.indirect.scatter.add.f32 [tilespmem:s0], [sflag:$0x3], $0x40, s23, s8, $0xb8;
	[tilespmem:$0x18800] =	vst v63  }
0xe4: {  	_ =	swait.ge [sflag:s1], $0x1000  }
0xe5: {  	[sflag:s1] =	ssyncset.done $0x0  }
0xe6: {  	[sflag:s1] =	ssyncadd.s32 $0xFFFFF000  }
0xe7: {  	_ =	swait.ge [sflag:s11], $0x1000  }
0xe8: {  	[sflag:s11] =	ssyncset.done $0x0  }
0xe9: {  	s29 =	smov.u32 s24;
	s24 =	simm.s32 $0x14080;
	[sflag:s11] =	ssyncadd.s32 $0xFFFFF000  }
0xea: {  	[tilespmem:s0], [sflag:$0x1] =	stream.indirect.gather [spmem:s26], $0x40, s24, s8, $0xb8;
	[tilespmem:$0x18800] =	vst v63  }
0xeb: {  	s28 =	simm.s32 $0x15440  }
0xec: {  	[spmem:s25] =	stream.indirect.scatter.add.f32 [tilespmem:s10], [sflag:$0x3], $0x40, s28, s8, $0xb8;
	[tilespmem:$0x18800] =	vst v63  }
0xed: {  	_ =	swait.ge [sflag:s1], $0x1000  }
0xee: {  	s7 =	simm.s32 $0x200;
	[sflag:s1] =	ssyncset.done $0x0  }
.LBB2_8:
0xef: {  	p1 =	sne.s32 s7, $0x4C00  }
0xf0: {  	[sflag:s1] =	ssyncadd.s32 $0xFFFFF000;
	s2 =	smov.u32 s7;
	s7 =	sadd.s32 $0x200, s7  }
0xf1: {  	_ = 	snop  }
0xf2: {  	_ =	swait.ge [sflag:s9], $0x1000  }
0xf3: {  	s2 =	sshra.s32 s2, $0x2;
	[sflag:s9] =	ssyncset.done $0x0  }
0xf4: {  	s12 =	sadd.s32 $0x14040, s2;
	[sflag:s9] =	ssyncadd.s32 $0xFFFFF000  }
0xf5: {  	[tilespmem:s10], [sflag:$0x2] =	stream.indirect.gather [spmem:s26], $0x40, s12, s8, $0xb8;
	[tilespmem:$0x18800] =	vst v63  }
0xf6: {  	s12 =	sadd.s32 $0x15400, s2  }
0xf7: {  	[spmem:s25] =	stream.indirect.scatter.add.f32 [tilespmem:s0], [sflag:$0x3], $0x40, s12, s8, $0xb8;
	[tilespmem:$0x18800] =	vst v63  }
0xf8: {  	_ =	swait.ge [sflag:s1], $0x1000  }
0xf9: {  	[sflag:s1] =	ssyncset.done $0x0  }
0xfa: {  	[sflag:s1] =	ssyncadd.s32 $0xFFFFF000  }
0xfb: {  	_ =	swait.ge [sflag:s11], $0x1000  }
0xfc: {  	[sflag:s11] =	ssyncset.done $0x0  }
0xfd: {  	s12 =	sadd.s32 $0x14080, s2;
	[sflag:s11] =	ssyncadd.s32 $0xFFFFF000  }
0xfe: {  	[tilespmem:s0], [sflag:$0x1] =	stream.indirect.gather [spmem:s26], $0x40, s12, s8, $0xb8;
	[tilespmem:$0x18800] =	vst v63  }
.Ltmp4:
0xff: {  	_ = 	snop;
	(pc) =	sbr.rel @p1 .LBB2_8-.Ltmp4, $4  }
0x100: {  	s2 =	sadd.s32 $0x15440, s2  }
0x101: {  	[spmem:s25] =	stream.indirect.scatter.add.f32 [tilespmem:s10], [sflag:$0x3], $0x40, s2, s8, $0xb8;
	[tilespmem:$0x18800] =	vst v63  }
0x102: {  	_ =	swait.ge [sflag:s1], $0x1000  }
0x103: {  	[sflag:s1] =	ssyncset.done $0x0  }
0x104: {  	[sflag:s1] =	ssyncadd.s32 $0xFFFFF000  }
0x105: {  	_ =	swait.ge [sflag:s9], $0x1000  }
0x106: {  	[sflag:s9] =	ssyncset.done $0x0  }
0x107: {  	s2 =	simm.s32 $0x153C0;
	[sflag:s9] =	ssyncadd.s32 $0xFFFFF000  }
0x108: {  	[tilespmem:s10], [sflag:$0x2] =	stream.indirect.gather [spmem:s26], $0x40, s2, s8, $0xb8;
	[tilespmem:$0x18800] =	vst v63  }
0x109: {  	s17 =	simm.s32 $0x16780  }
0x10a: {  	[spmem:s25] =	stream.indirect.scatter.add.f32 [tilespmem:s0], [sflag:$0x3], $0x40, s17, s8, $0xb8;
	[tilespmem:$0x18800] =	vst v63  }
0x10b: {  	_ =	swait.ge [sflag:s1], $0x1000  }
0x10c: {  	[sflag:s1] =	ssyncset.done $0x0  }
0x10d: {  	[sflag:s1] =	ssyncadd.s32 $0xFFFFF000  }
0x10e: {  	_ =	swait.ge [sflag:s11], $0x1000  }
0x10f: {  	[sflag:s11] =	ssyncset.done $0x0  }
0x110: {  	s18 =	simm.s32 $0x167C0;
	[sflag:s11] =	ssyncadd.s32 $0xFFFFF000  }
0x111: {  	[spmem:s25] =	stream.indirect.scatter.add.f32 [tilespmem:s10], [sflag:$0x3], $0x40, s18, s8, $0xb8;
	[tilespmem:$0x18800] =	vst v63  }
0x112: {  	_ =	swait.ge [sflag:s1], $0x1000  }
0x113: {  	[sflag:s1] =	ssyncset.done $0x0  }
0x114: {  	[sflag:s1] =	ssyncadd.s32 $0xFFFFF000  }
0x115: {  	[bflag:$0x0] =	sbarrier.arrive $0xFFFF  }
0x116: {  	s19 =	sld [smem:$0x7FB];
	_ =	sdelay $0x2  }
0x117: {  	s20 =	rddreg [dreg:$0x7];
	s17 =	sshrl.u32 s19, $0x3  }
0x118: {  	[hbm:s20], [sflag:s4] =	dma.local [spmem:s17], $0x200  }
0x119: {  	_ =	swait.ge [sflag:s1], $0x200  }
0x11a: {  	[sflag:s1] =	ssyncset.done $0x0;
	s21 =	rddreg [dreg:$0x1c]  }
0x11b: {  	s22 =	rddreg [dreg:$0x8];
	[sflag:s1] =	ssyncadd.s32 $0xFFFFFE00;
	s18 =	sshrl.u32 s21, $0x3  }
0x11c: {  	[hbm:s22], [sflag:s4] =	dma.local [spmem:s18], $0x200  }
0x11d: {  	_ =	swait.ge [sflag:s1], $0x200  }
0x11e: {  	[sflag:s1] =	ssyncset.done $0x0;
	s23 =	rddreg [dreg:$0x1d]  }
0x11f: {  	s24 =	rddreg [dreg:$0x9];
	[sflag:s1] =	ssyncadd.s32 $0xFFFFFE00;
	s19 =	sshrl.u32 s23, $0x3  }
0x120: {  	[hbm:s24], [sflag:s4] =	dma.local [spmem:s19], $0x200  }
0x121: {  	_ =	swait.ge [sflag:s1], $0x200  }
0x122: {  	[sflag:s1] =	ssyncset.done $0x0;
	s7 =	rddreg [dreg:$0x1e]  }
0x123: {  	s12 =	rddreg [dreg:$0xa];
	[sflag:s1] =	ssyncadd.s32 $0xFFFFFE00;
	s20 =	sshrl.u32 s7, $0x3  }
0x124: {  	[hbm:s12], [sflag:s4] =	dma.local [spmem:s20], $0x200  }
0x125: {  	_ =	swait.ge [sflag:s1], $0x200  }
0x126: {  	[sflag:s1] =	ssyncset.done $0x0;
	s14 =	rddreg [dreg:$0x1f]  }
0x127: {  	s15 =	rddreg [dreg:$0xb];
	[sflag:s1] =	ssyncadd.s32 $0xFFFFFE00;
	s21 =	sshrl.u32 s14, $0x3  }
0x128: {  	[hbm:s15], [sflag:s4] =	dma.local [spmem:s21], $0x200  }
0x129: {  	_ =	swait.ge [sflag:s1], $0x200  }
0x12a: {  	s22 =	sld [smem:$0x7ED];
	_ =	sdelay $0x1  }
0x12b: {  	[sflag:s1] =	ssyncset.done $0x0  }
0x12c: {  	s23 =	rddreg [dreg:$0xc];
	[sflag:s1] =	ssyncadd.s32 $0xFFFFFE00;
	s22 =	sshrl.u32 s22, $0x3  }
0x12d: {  	[hbm:s23], [sflag:s4] =	dma.local [spmem:s22], $0x200  }
0x12e: {  	_ =	swait.ge [sflag:s1], $0x200  }
0x12f: {  	s24 =	sld [smem:$0x7EE];
	_ =	sdelay $0x1  }
0x130: {  	[sflag:s1] =	ssyncset.done $0x0  }
0x131: {  	s7 =	rddreg [dreg:$0xd];
	[sflag:s1] =	ssyncadd.s32 $0xFFFFFE00;
	s23 =	sshrl.u32 s24, $0x3  }
0x132: {  	[hbm:s7], [sflag:s4] =	dma.local [spmem:s23], $0x200  }
0x133: {  	_ =	swait.ge [sflag:s1], $0x200  }
0x134: {  	s12 =	sld [smem:$0x7EF];
	_ =	sdelay $0x1  }
0x135: {  	[sflag:s1] =	ssyncset.done $0x0  }
0x136: {  	s14 =	rddreg [dreg:$0xe];
	[sflag:s1] =	ssyncadd.s32 $0xFFFFFE00;
	s7 =	sshrl.u32 s12, $0x3  }
0x137: {  	[hbm:s14], [sflag:s4] =	dma.local [spmem:s7], $0x200  }
0x138: {  	_ =	swait.ge [sflag:s1], $0x200  }
0x139: {  	s15 =	sld [smem:$0x7F0];
	_ =	sdelay $0x1  }
0x13a: {  	[sflag:s1] =	ssyncset.done $0x0  }
0x13b: {  	s24 =	rddreg [dreg:$0xf];
	[sflag:s1] =	ssyncadd.s32 $0xFFFFFE00;
	s28 =	sshrl.u32 s15, $0x3  }
0x13c: {  	[hbm:s24], [sflag:s4] =	dma.local [spmem:s28], $0x200  }
0x13d: {  	_ =	swait.ge [sflag:s1], $0x200  }
0x13e: {  	s12 =	sld [smem:$0x7F1];
	_ =	sdelay $0x1  }
0x13f: {  	[sflag:s1] =	ssyncset.done $0x0  }
0x140: {  	s14 =	rddreg [dreg:$0x10];
	[sflag:s1] =	ssyncadd.s32 $0xFFFFFE00;
	s12 =	sshrl.u32 s12, $0x3  }
0x141: {  	[hbm:s14], [sflag:s4] =	dma.local [spmem:s12], $0x200  }
0x142: {  	s14 =	simm.s32 $0x0  }
0x143: {  	_ =	swait.ge [sflag:s1], $0x200;
	s15 =	sand.u32 $0x3F00, s14  }
0x144: {  	s24 =	sand.u32 $0x30, s14;
	[sflag:s1] =	ssyncset.done $0x0;
	s2 =	sshrl.u32 s15, $0x2  }
0x145: {  	[sflag:s1] =	ssyncadd.s32 $0xFFFFFE00;
	s24 =	sor.u32 s24, s2;
	s2 =	simm.s32 $0x40  }
.LBB2_10:
0x146: {  	p1 =	sne.s32 s2, $0x3FC0  }
0x147: {  	[tilespmem:s24+$0x16800] =	vst v0;
	s14 =	sadd.s32 $0x10, s14;
	s24 =	smov.u32 s2;
	s2 =	sadd.s32 $0x40, s2  }
.Ltmp5:
0x148: {  	(pc) =	sbr.rel @p1 .LBB2_10-.Ltmp5, $4  }
0x149: {  	_ = 	snop  }
0x14a: {  	s24 =	sand.u32 $0x3F00, s24  }
0x14b: {  	s15 =	sand.u32 $0x30, s14;
	s24 =	sshrl.u32 s24, $0x2  }
0x14c: {  	s24 =	sor.u32 s15, s24  }
0x14d: {  	s2 =	sld [smem:$0x7FB];
	_ =	sdelay $0x1  }
0x14e: {  	[tilespmem:s24+$0x16800] =	vst v0  }
0x14f: {  	[spmem:s2] =	stream.linear.scatter [tilespmem:s0], [sflag:$0x3], $0x1000, $0x38;
	[tilespmem:$0x18800] =	vst v63  }
0x150: {  	_ =	swait.ge [sflag:s1], $0x1000  }
0x151: {  	s15 =	sld [smem:$0x7F3]  }
0x152: {  	[sflag:s1] =	ssyncset.done $0x0  }
0x153: {  	[sflag:s1] =	ssyncadd.s32 $0xFFFFF000  }
0x154: {  	[spmem:s15] =	stream.linear.scatter [tilespmem:s0], [sflag:$0x3], $0x1000, $0x38;
	[tilespmem:$0x18800] =	vst v63  }
0x155: {  	_ =	swait.ge [sflag:s1], $0x1000  }
0x156: {  	s24 =	sld [smem:$0x7F4]  }
0x157: {  	[sflag:s1] =	ssyncset.done $0x0  }
0x158: {  	[sflag:s1] =	ssyncadd.s32 $0xFFFFF000  }
0x159: {  	[spmem:s24] =	stream.linear.scatter [tilespmem:s0], [sflag:$0x3], $0x1000, $0x38;
	[tilespmem:$0x18800] =	vst v63  }
0x15a: {  	_ =	swait.ge [sflag:s1], $0x1000  }
0x15b: {  	s14 =	sld [smem:$0x7F5]  }
0x15c: {  	[sflag:s1] =	ssyncset.done $0x0  }
0x15d: {  	[sflag:s1] =	ssyncadd.s32 $0xFFFFF000  }
0x15e: {  	[spmem:s14] =	stream.linear.scatter [tilespmem:s0], [sflag:$0x3], $0x1000, $0x38;
	[tilespmem:$0x18800] =	vst v63  }
0x15f: {  	_ =	swait.ge [sflag:s1], $0x1000  }
0x160: {  	s15 =	sld [smem:$0x7F6]  }
0x161: {  	[sflag:s1] =	ssyncset.done $0x0  }
0x162: {  	[sflag:s1] =	ssyncadd.s32 $0xFFFFF000  }
0x163: {  	[spmem:s15] =	stream.linear.scatter [tilespmem:s0], [sflag:$0x3], $0x1000, $0x38;
	[tilespmem:$0x18800] =	vst v63  }
0x164: {  	_ =	swait.ge [sflag:s1], $0x1000  }
0x165: {  	s24 =	sld [smem:$0x7F7]  }
0x166: {  	[sflag:s1] =	ssyncset.done $0x0  }
0x167: {  	[sflag:s1] =	ssyncadd.s32 $0xFFFFF000  }
0x168: {  	[spmem:s24] =	stream.linear.scatter [tilespmem:s0], [sflag:$0x3], $0x1000, $0x38;
	[tilespmem:$0x18800] =	vst v63  }
0x169: {  	_ =	swait.ge [sflag:s1], $0x1000  }
0x16a: {  	s14 =	sld [smem:$0x7F8]  }
0x16b: {  	[sflag:s1] =	ssyncset.done $0x0  }
0x16c: {  	[sflag:s1] =	ssyncadd.s32 $0xFFFFF000  }
0x16d: {  	[spmem:s14] =	stream.linear.scatter [tilespmem:s0], [sflag:$0x3], $0x1000, $0x38;
	[tilespmem:$0x18800] =	vst v63  }
0x16e: {  	_ =	swait.ge [sflag:s1], $0x1000  }
0x16f: {  	s15 =	sld [smem:$0x7F9]  }
0x170: {  	[sflag:s1] =	ssyncset.done $0x0  }
0x171: {  	[sflag:s1] =	ssyncadd.s32 $0xFFFFF000  }
0x172: {  	[spmem:s15] =	stream.linear.scatter [tilespmem:s0], [sflag:$0x3], $0x1000, $0x38;
	[tilespmem:$0x18800] =	vst v63  }
0x173: {  	_ =	swait.ge [sflag:s1], $0x1000  }
0x174: {  	s24 =	sld [smem:$0x7FA]  }
0x175: {  	[sflag:s1] =	ssyncset.done $0x0  }
0x176: {  	[sflag:s1] =	ssyncadd.s32 $0xFFFFF000  }
0x177: {  	[spmem:s24] =	stream.linear.scatter [tilespmem:s0], [sflag:$0x3], $0x1000, $0x38;
	[tilespmem:$0x18800] =	vst v63  }
0x178: {  	_ =	swait.ge [sflag:s1], $0x1000  }
0x179: {  	s14 =	sld [smem:$0x7FC]  }
0x17a: {  	[sflag:s1] =	ssyncset.done $0x0  }
0x17b: {  	[sflag:s1] =	ssyncadd.s32 $0xFFFFF000  }
0x17c: {  	[spmem:s14] =	stream.linear.scatter [tilespmem:s0], [sflag:$0x3], $0x1000, $0x38;
	[tilespmem:$0x18800] =	vst v63  }
0x17d: {  	_ =	swait.ge [sflag:s1], $0x1000  }
0x17e: {  	[sflag:s1] =	ssyncset.done $0x0  }
0x17f: {  	s15 =	sadd.s32 s31, s5;
	[sflag:s1] =	ssyncadd.s32 $0xFFFFF000  }
0x180: {  	[spmem:s16], [sflag:s4] =	dma.local [hbm:s15], $0x280  }
.Ltmp6:
0x181: {  	s2 =	rddreg [dreg:$0x1a];
	_ =	swait.ge [sflag:s1], $0x280;
	(pc) =	sbr.rel @!p0 .LBB2_13-.Ltmp6, $3  }
0x182: {  	s24 =	sld [smem:$0x7FD];
	_ =	sdelay $0x1  }
0x183: {  	s16 =	sld [smem:$0x7F2]  }
0x184: {  	s5 =	sadd.s32 $0xFFFFFFFF, s2;
	s14 =	sadd.s32 $0x1400, s24  }
.LBB2_12:
0x185: {  	s2 =	sshrl.u32 s14, $0x3;
	[sflag:s1] =	ssyncset.done $0x0  }
0x186: {  	s16 =	sadd.s32 $0x1400, s16;
	p0 =	sne.s32 s5, $0x1;
	s2 =	sadd.s32 s31, s2  }
.Ltmp7:
0x187: {  	s15 =	sshrl.u32 s16, $0x3;
	[sflag:s1] =	ssyncadd.s32 $0xFFFFFD80;
	(pc) =	sbr.rel @p0 .LBB2_12-.Ltmp7, $3  }
0x188: {  	[spmem:s15], [sflag:s4] =	dma.local [hbm:s2], $0x280  }
0x189: {  	s5 =	sadd.s32 $0xFFFFFFFF, s5;
	_ =	sdelay $0x1  }
0x18a: {  	s14 =	sadd.s32 $0x1400, s14;
	_ =	swait.ge [sflag:s1], $0x280  }
.LBB2_13:
0x18b: {  	[sflag:s1] =	ssyncset.done $0x0  }
0x18c: {  	[sflag:s1] =	ssyncadd.s32 $0xFFFFFD80  }
0x18d: {  	s2 =	simm.s32 $0x0;
	[bflag:$0x0] =	sbarrier.arrive $0xFFFF  }
0x18e: {  	[tilespmem:s6], [sflag:$0x3] =	stream.linear.gather [hbm4b:s29+s2], $0x1400, $0x38;
	[tilespmem:$0x18800] =	vst v63  }
0x18f: {  	_ =	swait.ge [sflag:s1], $0x1400  }
0x190: {  	[sflag:s1] =	ssyncset.done $0x0  }
0x191: {  	s15 =	simm.s32 $0x15400;
	[sflag:s1] =	ssyncadd.s32 $0xFFFFEC00  }
0x192: {  	[tilespmem:s15], [sflag:$0x3] =	stream.linear.gather [hbm4b:s13+s2], $0x1400, $0x38;
	[tilespmem:$0x18800] =	vst v63  }
0x193: {  	_ =	swait.ge [sflag:s1], $0x1400  }
0x194: {  	[sflag:s1] =	ssyncset.done $0x0  }
0x195: {  	[sflag:s1] =	ssyncadd.s32 $0xFFFFEC00  }
0x196: {  	[tilespmem:s0], [sflag:$0x1] =	stream.indirect.gather [spmem:s26], $0x40, s6, s8, $0xb8;
	[tilespmem:$0x18800] =	vst v63  }
0x197: {  	_ =	swait.ge [sflag:s9], $0x1000  }
0x198: {  	[sflag:s9] =	ssyncset.done $0x0  }
0x199: {  	s5 =	simm.s32 $0x14040;
	[sflag:s9] =	ssyncadd.s32 $0xFFFFF000  }
0x19a: {  	[tilespmem:s10], [sflag:$0x2] =	stream.indirect.gather [spmem:s26], $0x40, s5, s8, $0xb8;
	[tilespmem:$0x18800] =	vst v63  }
0x19b: {  	s24 =	smov.u32 s29;
	s29 =	smov.u32 s13;
	s13 =	simm.s32 $0x15400  }
0x19c: {  	[spmem:s25] =	stream.indirect.scatter.add.f32 [tilespmem:s0], [sflag:$0x3], $0x40, s13, s8, $0xb8;
	[tilespmem:$0x18800] =	vst v63  }
0x19d: {  	_ =	swait.ge [sflag:s1], $0x1000  }
0x19e: {  	[sflag:s1] =	ssyncset.done $0x0  }
0x19f: {  	[sflag:s1] =	ssyncadd.s32 $0xFFFFF000  }
0x1a0: {  	_ =	swait.ge [sflag:s11], $0x1000  }
0x1a1: {  	[sflag:s11] =	ssyncset.done $0x0  }
0x1a2: {  	s14 =	simm.s32 $0x14080;
	[sflag:s11] =	ssyncadd.s32 $0xFFFFF000  }
0x1a3: {  	[tilespmem:s0], [sflag:$0x1] =	stream.indirect.gather [spmem:s26], $0x40, s14, s8, $0xb8;
	[tilespmem:$0x18800] =	vst v63  }
0x1a4: {  	s16 =	simm.s32 $0x15440  }
0x1a5: {  	[spmem:s25] =	stream.indirect.scatter.add.f32 [tilespmem:s10], [sflag:$0x3], $0x40, s16, s8, $0xb8;
	[tilespmem:$0x18800] =	vst v63  }
0x1a6: {  	_ =	swait.ge [sflag:s1], $0x1000  }
0x1a7: {  	s5 =	simm.s32 $0x200;
	[sflag:s1] =	ssyncset.done $0x0  }
.LBB2_14:
0x1a8: {  	p0 =	sne.s32 s5, $0x4C00  }
0x1a9: {  	[sflag:s1] =	ssyncadd.s32 $0xFFFFF000;
	s2 =	smov.u32 s5;
	s5 =	sadd.s32 $0x200, s5  }
0x1aa: {  	_ = 	snop  }
0x1ab: {  	_ =	swait.ge [sflag:s9], $0x1000  }
0x1ac: {  	s2 =	sshra.s32 s2, $0x2;
	[sflag:s9] =	ssyncset.done $0x0  }
0x1ad: {  	s14 =	sadd.s32 $0x14040, s2;
	[sflag:s9] =	ssyncadd.s32 $0xFFFFF000  }
0x1ae: {  	[tilespmem:s10], [sflag:$0x2] =	stream.indirect.gather [spmem:s26], $0x40, s14, s8, $0xb8;
	[tilespmem:$0x18800] =	vst v63  }
0x1af: {  	s14 =	sadd.s32 $0x15400, s2  }
0x1b0: {  	[spmem:s25] =	stream.indirect.scatter.add.f32 [tilespmem:s0], [sflag:$0x3], $0x40, s14, s8, $0xb8;
	[tilespmem:$0x18800] =	vst v63  }
0x1b1: {  	_ =	swait.ge [sflag:s1], $0x1000  }
0x1b2: {  	[sflag:s1] =	ssyncset.done $0x0  }
0x1b3: {  	[sflag:s1] =	ssyncadd.s32 $0xFFFFF000  }
0x1b4: {  	_ =	swait.ge [sflag:s11], $0x1000  }
0x1b5: {  	[sflag:s11] =	ssyncset.done $0x0  }
0x1b6: {  	s14 =	sadd.s32 $0x14080, s2;
	[sflag:s11] =	ssyncadd.s32 $0xFFFFF000  }
0x1b7: {  	[tilespmem:s0], [sflag:$0x1] =	stream.indirect.gather [spmem:s26], $0x40, s14, s8, $0xb8;
	[tilespmem:$0x18800] =	vst v63  }
.Ltmp8:
0x1b8: {  	_ = 	snop;
	(pc) =	sbr.rel @p0 .LBB2_14-.Ltmp8, $4  }
0x1b9: {  	s2 =	sadd.s32 $0x15440, s2  }
0x1ba: {  	[spmem:s25] =	stream.indirect.scatter.add.f32 [tilespmem:s10], [sflag:$0x3], $0x40, s2, s8, $0xb8;
	[tilespmem:$0x18800] =	vst v63  }
0x1bb: {  	_ =	swait.ge [sflag:s1], $0x1000  }
0x1bc: {  	[sflag:s1] =	ssyncset.done $0x0  }
0x1bd: {  	[sflag:s1] =	ssyncadd.s32 $0xFFFFF000  }
0x1be: {  	_ =	swait.ge [sflag:s9], $0x1000  }
0x1bf: {  	[sflag:s9] =	ssyncset.done $0x0  }
0x1c0: {  	s2 =	simm.s32 $0x153C0;
	[sflag:s9] =	ssyncadd.s32 $0xFFFFF000  }
0x1c1: {  	[tilespmem:s10], [sflag:$0x2] =	stream.indirect.gather [spmem:s26], $0x40, s2, s8, $0xb8;
	[tilespmem:$0x18800] =	vst v63  }
0x1c2: {  	s5 =	simm.s32 $0x16780  }
0x1c3: {  	[spmem:s25] =	stream.indirect.scatter.add.f32 [tilespmem:s0], [sflag:$0x3], $0x40, s5, s8, $0xb8;
	[tilespmem:$0x18800] =	vst v63  }
0x1c4: {  	_ =	swait.ge [sflag:s1], $0x1000  }
0x1c5: {  	[sflag:s1] =	ssyncset.done $0x0  }
0x1c6: {  	[sflag:s1] =	ssyncadd.s32 $0xFFFFF000  }
0x1c7: {  	_ =	swait.ge [sflag:s11], $0x1000  }
0x1c8: {  	[sflag:s11] =	ssyncset.done $0x0  }
0x1c9: {  	s13 =	simm.s32 $0x167C0;
	[sflag:s11] =	ssyncadd.s32 $0xFFFFF000  }
0x1ca: {  	[spmem:s25] =	stream.indirect.scatter.add.f32 [tilespmem:s10], [sflag:$0x3], $0x40, s13, s8, $0xb8;
	[tilespmem:$0x18800] =	vst v63  }
0x1cb: {  	_ =	swait.ge [sflag:s1], $0x1000  }
0x1cc: {  	[sflag:s1] =	ssyncset.done $0x0  }
0x1cd: {  	s14 =	simm.s32 $0x0;
	s5 =	rddreg [dreg:$0x4];
	[sflag:s1] =	ssyncadd.s32 $0xFFFFF000  }
0x1ce: {  	[tilespmem:s6], [sflag:$0x3] =	stream.linear.gather [hbm4b:s5+s14], $0x1400, $0x38;
	[tilespmem:$0x18800] =	vst v63  }
0x1cf: {  	_ =	swait.ge [sflag:s1], $0x1400  }
0x1d0: {  	[sflag:s1] =	ssyncset.done $0x0  }
0x1d1: {  	s16 =	rddreg [dreg:$0x5];
	[sflag:s1] =	ssyncadd.s32 $0xFFFFEC00  }
0x1d2: {  	[tilespmem:s15], [sflag:$0x3] =	stream.linear.gather [hbm4b:s16+s14], $0x1400, $0x38;
	[tilespmem:$0x18800] =	vst v63  }
0x1d3: {  	_ =	swait.ge [sflag:s1], $0x1400  }
0x1d4: {  	[sflag:s1] =	ssyncset.done $0x0  }
0x1d5: {  	[sflag:s1] =	ssyncadd.s32 $0xFFFFEC00  }
0x1d6: {  	[tilespmem:s0], [sflag:$0x1] =	stream.indirect.gather [spmem:s26], $0x40, s6, s8, $0xb8;
	[tilespmem:$0x18800] =	vst v63  }
0x1d7: {  	_ =	swait.ge [sflag:s9], $0x1000  }
0x1d8: {  	[sflag:s9] =	ssyncset.done $0x0  }
0x1d9: {  	s5 =	simm.s32 $0x14040;
	[sflag:s9] =	ssyncadd.s32 $0xFFFFF000  }
0x1da: {  	[tilespmem:s10], [sflag:$0x2] =	stream.indirect.gather [spmem:s26], $0x40, s5, s8, $0xb8;
	[tilespmem:$0x18800] =	vst v63  }
0x1db: {  	s13 =	simm.s32 $0x15400  }
0x1dc: {  	[spmem:s25] =	stream.indirect.scatter.add.f32 [tilespmem:s0], [sflag:$0x3], $0x40, s13, s8, $0xb8;
	[tilespmem:$0x18800] =	vst v63  }
0x1dd: {  	_ =	swait.ge [sflag:s1], $0x1000  }
0x1de: {  	[sflag:s1] =	ssyncset.done $0x0  }
0x1df: {  	[sflag:s1] =	ssyncadd.s32 $0xFFFFF000  }
0x1e0: {  	_ =	swait.ge [sflag:s11], $0x1000  }
0x1e1: {  	[sflag:s11] =	ssyncset.done $0x0  }
0x1e2: {  	s14 =	simm.s32 $0x14080;
	[sflag:s11] =	ssyncadd.s32 $0xFFFFF000  }
0x1e3: {  	[tilespmem:s0], [sflag:$0x1] =	stream.indirect.gather [spmem:s26], $0x40, s14, s8, $0xb8;
	[tilespmem:$0x18800] =	vst v63  }
0x1e4: {  	s16 =	simm.s32 $0x15440  }
0x1e5: {  	[spmem:s25] =	stream.indirect.scatter.add.f32 [tilespmem:s10], [sflag:$0x3], $0x40, s16, s8, $0xb8;
	[tilespmem:$0x18800] =	vst v63  }
0x1e6: {  	_ =	swait.ge [sflag:s1], $0x1000  }
0x1e7: {  	s5 =	simm.s32 $0x200;
	[sflag:s1] =	ssyncset.done $0x0  }
.LBB2_16:
0x1e8: {  	p0 =	sne.s32 s5, $0x4C00  }
0x1e9: {  	[sflag:s1] =	ssyncadd.s32 $0xFFFFF000;
	s2 =	smov.u32 s5;
	s5 =	sadd.s32 $0x200, s5  }
0x1ea: {  	_ = 	snop  }
0x1eb: {  	_ =	swait.ge [sflag:s9], $0x1000  }
0x1ec: {  	s2 =	sshra.s32 s2, $0x2;
	[sflag:s9] =	ssyncset.done $0x0  }
0x1ed: {  	s14 =	sadd.s32 $0x14040, s2;
	[sflag:s9] =	ssyncadd.s32 $0xFFFFF000  }
0x1ee: {  	[tilespmem:s10], [sflag:$0x2] =	stream.indirect.gather [spmem:s26], $0x40, s14, s8, $0xb8;
	[tilespmem:$0x18800] =	vst v63  }
0x1ef: {  	s14 =	sadd.s32 $0x15400, s2  }
0x1f0: {  	[spmem:s25] =	stream.indirect.scatter.add.f32 [tilespmem:s0], [sflag:$0x3], $0x40, s14, s8, $0xb8;
	[tilespmem:$0x18800] =	vst v63  }
0x1f1: {  	_ =	swait.ge [sflag:s1], $0x1000  }
0x1f2: {  	[sflag:s1] =	ssyncset.done $0x0  }
0x1f3: {  	[sflag:s1] =	ssyncadd.s32 $0xFFFFF000  }
0x1f4: {  	_ =	swait.ge [sflag:s11], $0x1000  }
0x1f5: {  	[sflag:s11] =	ssyncset.done $0x0  }
0x1f6: {  	s14 =	sadd.s32 $0x14080, s2;
	[sflag:s11] =	ssyncadd.s32 $0xFFFFF000  }
0x1f7: {  	[tilespmem:s0], [sflag:$0x1] =	stream.indirect.gather [spmem:s26], $0x40, s14, s8, $0xb8;
	[tilespmem:$0x18800] =	vst v63  }
.Ltmp9:
0x1f8: {  	_ = 	snop;
	(pc) =	sbr.rel @p0 .LBB2_16-.Ltmp9, $4  }
0x1f9: {  	s2 =	sadd.s32 $0x15440, s2  }
0x1fa: {  	[spmem:s25] =	stream.indirect.scatter.add.f32 [tilespmem:s10], [sflag:$0x3], $0x40, s2, s8, $0xb8;
	[tilespmem:$0x18800] =	vst v63  }
0x1fb: {  	_ =	swait.ge [sflag:s1], $0x1000  }
0x1fc: {  	[sflag:s1] =	ssyncset.done $0x0  }
0x1fd: {  	[sflag:s1] =	ssyncadd.s32 $0xFFFFF000  }
0x1fe: {  	_ =	swait.ge [sflag:s9], $0x1000  }
0x1ff: {  	[sflag:s9] =	ssyncset.done $0x0  }
0x200: {  	s2 =	simm.s32 $0x153C0;
	[sflag:s9] =	ssyncadd.s32 $0xFFFFF000  }
0x201: {  	[tilespmem:s10], [sflag:$0x2] =	stream.indirect.gather [spmem:s26], $0x40, s2, s8, $0xb8;
	[tilespmem:$0x18800] =	vst v63  }
0x202: {  	s16 =	simm.s32 $0x16780  }
0x203: {  	[spmem:s25] =	stream.indirect.scatter.add.f32 [tilespmem:s0], [sflag:$0x3], $0x40, s16, s8, $0xb8;
	[tilespmem:$0x18800] =	vst v63  }
0x204: {  	_ =	swait.ge [sflag:s1], $0x1000  }
0x205: {  	[sflag:s1] =	ssyncset.done $0x0  }
0x206: {  	[sflag:s1] =	ssyncadd.s32 $0xFFFFF000  }
0x207: {  	_ =	swait.ge [sflag:s11], $0x1000  }
0x208: {  	[sflag:s11] =	ssyncset.done $0x0  }
0x209: {  	s5 =	simm.s32 $0x167C0;
	[sflag:s11] =	ssyncadd.s32 $0xFFFFF000  }
0x20a: {  	[spmem:s25] =	stream.indirect.scatter.add.f32 [tilespmem:s10], [sflag:$0x3], $0x40, s5, s8, $0xb8;
	[tilespmem:$0x18800] =	vst v63  }
0x20b: {  	_ =	swait.ge [sflag:s1], $0x1000  }
0x20c: {  	[sflag:s1] =	ssyncset.done $0x0  }
0x20d: {  	[sflag:s1] =	ssyncadd.s32 $0xFFFFF000  }
0x20e: {  	[bflag:$0x0] =	sbarrier.arrive $0xFFFF  }
0x20f: {  	s13 =	rddreg [dreg:$0x6]  }
0x210: {  	[hbm:s13], [sflag:s4] =	dma.local [spmem:s17], $0x200  }
0x211: {  	_ =	swait.ge [sflag:s1], $0x200  }
0x212: {  	[sflag:s1] =	ssyncset.done $0x0  }
0x213: {  	s14 =	rddreg [dreg:$0x11];
	[sflag:s1] =	ssyncadd.s32 $0xFFFFFE00  }
0x214: {  	[hbm:s14], [sflag:s4] =	dma.local [spmem:s18], $0x200  }
0x215: {  	_ =	swait.ge [sflag:s1], $0x200  }
0x216: {  	[sflag:s1] =	ssyncset.done $0x0  }
0x217: {  	s16 =	rddreg [dreg:$0x12];
	[sflag:s1] =	ssyncadd.s32 $0xFFFFFE00  }
0x218: {  	[hbm:s16], [sflag:s4] =	dma.local [spmem:s19], $0x200  }
0x219: {  	_ =	swait.ge [sflag:s1], $0x200  }
0x21a: {  	[sflag:s1] =	ssyncset.done $0x0  }
0x21b: {  	s17 =	rddreg [dreg:$0x13];
	[sflag:s1] =	ssyncadd.s32 $0xFFFFFE00  }
0x21c: {  	[hbm:s17], [sflag:s4] =	dma.local [spmem:s20], $0x200  }
0x21d: {  	_ =	swait.ge [sflag:s1], $0x200  }
0x21e: {  	[sflag:s1] =	ssyncset.done $0x0  }
0x21f: {  	s18 =	rddreg [dreg:$0x14];
	[sflag:s1] =	ssyncadd.s32 $0xFFFFFE00  }
0x220: {  	[hbm:s18], [sflag:s4] =	dma.local [spmem:s21], $0x200  }
0x221: {  	_ =	swait.ge [sflag:s1], $0x200  }
0x222: {  	[sflag:s1] =	ssyncset.done $0x0  }
0x223: {  	s19 =	rddreg [dreg:$0x15];
	[sflag:s1] =	ssyncadd.s32 $0xFFFFFE00  }
0x224: {  	[hbm:s19], [sflag:s4] =	dma.local [spmem:s22], $0x200  }
0x225: {  	_ =	swait.ge [sflag:s1], $0x200  }
0x226: {  	[sflag:s1] =	ssyncset.done $0x0  }
0x227: {  	s20 =	rddreg [dreg:$0x16];
	[sflag:s1] =	ssyncadd.s32 $0xFFFFFE00  }
0x228: {  	[hbm:s20], [sflag:s4] =	dma.local [spmem:s23], $0x200  }
0x229: {  	_ =	swait.ge [sflag:s1], $0x200  }
0x22a: {  	[sflag:s1] =	ssyncset.done $0x0  }
0x22b: {  	s21 =	rddreg [dreg:$0x17];
	[sflag:s1] =	ssyncadd.s32 $0xFFFFFE00  }
0x22c: {  	[hbm:s21], [sflag:s4] =	dma.local [spmem:s7], $0x200  }
0x22d: {  	_ =	swait.ge [sflag:s1], $0x200  }
0x22e: {  	[sflag:s1] =	ssyncset.done $0x0  }
0x22f: {  	s22 =	rddreg [dreg:$0x18];
	[sflag:s1] =	ssyncadd.s32 $0xFFFFFE00  }
0x230: {  	[hbm:s22], [sflag:s4] =	dma.local [spmem:s28], $0x200  }
0x231: {  	_ =	swait.ge [sflag:s1], $0x200  }
0x232: {  	[sflag:s1] =	ssyncset.done $0x0  }
0x233: {  	s23 =	rddreg [dreg:$0x19];
	[sflag:s1] =	ssyncadd.s32 $0xFFFFFE00  }
0x234: {  	[hbm:s23], [sflag:s4] =	dma.local [spmem:s12], $0x200  }
0x235: {  	_ =	swait.ge [sflag:s1], $0x200  }
0x236: {  	s3 =	sadd.s32 $0x1, s3;
	s28 =	rddreg [dreg:$0x1b]  }
0x237: {  	p0 =	sne.s32 s3, s28  }
.Ltmp10:
0x238: {  	_ = 	snop;
	(pc) =	sbr.rel @p0 .LBB2_1-.Ltmp10, $3  }
0x239: {  	_ =	sdelay $0x1  }
0x23a: {  	[sflag:s1] =	ssyncset.done $0x0  }
0x23b: {  	[sflag:s1] =	ssyncadd.s32 $0xFFFFFE00  }
0x23c: {  	_ =	sfence.sel $0x180000  }
0x23d: {  	[bflag:$0x0] =	sbarrier.arrive $0xFFFF  }
0x23e: {  	_ =	strace $0x9000004A  }
0x23f: {  	s0 =	stileid.u32;
	[bflag:$0x2] =	sbarrier.arrive $0xFFFF  }
0x240: {  	p0 =	sne.s32 s0, $0x0;
	s0 =	rddreg [dreg:$0x3]  }
0x241: {  	s0 =	sadd.s32 @!p0 $0x100000, s0  }
0x242: {  	[sflag:s0] =	ssyncadd.tile.s32 @!p0 $0x1;
	_ =	shalt  }
.Lfunc_end2:
_tile_overlayer_lowered:
.L_overlay_start_2:
0x243: {  	(tag) =	ssettag $0x2  }
0x244: {  	s0 =	rddreg [dreg:$0x0];
	s2 =	stileid.u32  }
0x245: {  	s1 =	rddreg [dreg:$0x1];
	p0 =	sne.s32 s2, $0x0  }
0x246: {  	s3 =	rddreg [dreg:$0x2];
	[bflag:$0x3] =	sbarrier.arrive $0xFFFF;
	s2 =	simm.s32 @!p0 $0x1C03  }
0x247: {  	[timem:s3], [sflag:s2] =	dma.local @!p0 [hbm:s0], s1  }
0x248: {  	s0 =	simm.s32 @!p0 $0x3  }
0x249: {  	_ =	swait.ge @!p0 [sflag:s0], s1  }
0x24a: {  	s1 =	ssub.s32 @!p0 $0x0, s1;
	[sflag:s0] =	ssyncset.done @!p0 $0x0  }
0x24b: {  	[sflag:s0] =	ssyncadd.s32 @!p0 s1  }
0x24c: {  	[bflag:$0x3] =	sbarrier.arrive $0xFFFF  }
0x24d: {  	_ =	shalt  }

// kernel: kernel.7.cloned.1.call-start
scs
__scs_entry_jumppad:
0x0: {  	(pc) =	sbr.rel $0x88, $3  }
0x1: {  	(tag) =	ssettag $0x0;
	lr =	simm.s32 $0x1  }
0x2: {  	[smem:$0x3F94] =	sst lr;
	_ =	strace $0xD0000000  }
0x3: {  	_ = 	snop  }
0x4: {  	_ = 	snop  }
0x5: {  	_ = 	snop  }
0x6: {  	_ = 	snop  }
0x7: {  	_ = 	snop  }
__scs_overlays_trampoline_lowered:
0x8: {  	[smem:$0x3FA3] =	sst s0  }
0x9: {  	[smem:$0x3FA4] =	sst s1  }
0xa: {  	[smem:$0x3FA5] =	sst s2  }
0xb: {  	[smem:$0x3FA6] =	sst s3  }
0xc: {  	[smem:$0x3FA7] =	sst s4  }
0xd: {  	[smem:$0x3FA8] =	sst s5  }
0xe: {  	[smem:$0x3FA9] =	sst s6  }
0xf: {  	[smem:$0x3FAA] =	sst s7  }
0x10: {  	[smem:$0x3FAB] =	sst s8  }
0x11: {  	[smem:$0x3FAC] =	sst s9;
	s0 =	simm.s32 @!p0 $0x0  }
0x12: {  	s1 =	sld [smem:$0x3F92];
	s0 =	simm.s32 @p0 $0x1  }
0x13: {  	[smem:$0x3FAD] =	sst s0;
	s0 =	simm.s32 @!p1 $0x0  }
0x14: {  	s2 =	sld [smem:$0x3F91];
	s0 =	simm.s32 @p1 $0x1  }
0x15: {  	[smem:$0x3FAE] =	sst s0;
	s0 =	simm.s32 @!p2 $0x0  }
0x16: {  	s3 =	sld [smem:$0x3FDB];
	s0 =	simm.s32 @p2 $0x1  }
0x17: {  	s4 =	simm.s32 $0x1BF5;
	[smem:$0x3FB0] =	sst s0  }
0x18: {  	s0 =	sld [smem:$0x3F93];
	_ =	swait.ge [sflag:s4], $0x0  }
0x19: {  	s7 =	sld [smem:$0x3F94]  }
0x1a: {  	s8 =	sadd.s32 $0xFFFFE003, lr  }
0x1b: {  	s9 =	sadd.s32 $0xFFFFFEF7, lr;
	s5 =	simm.s32 $0xFFFFFFFF;
	p2 =	slt.u32 s8, $0xFFFFF086  }
0x1c: {  	p1 =	slt.u32 s9, $0xF7A;
	s5 =	simm.s32 @!p2 $0x0  }
0x1d: {  	s5 =	simm.s32 @p1 $0x1;
	p0 =	seq.s32 s7, s2  }
0x1e: {  	s7 =	smul.u32 @!p0 $0xF7A, s2;
	p2 =	seq.s32 @!p0 s5, $0x0  }
0x1f: {  	s9 =	smul.u32 $0xF7A, s1;
	s8 =	simm.s32 @!p0 $0x1BF5;
	p2 =	por !p2, p0  }
0x20: {  	[sflag:s8] =	ssyncset.s32 @!p0 $0xFFFFF086;
	s6 =	sadd.s32 @!p0 s3, s7;
	s7 =	simm.s32 @!p0 $0x108  }
0x21: {  	s3 =	sadd.s32 s3, s9;
	s6 =	sadd.s32 @!p0 $0x88, s6;
	s7 =	simm.s32 @p2 $0x1082  }
0x22: {  	[simem:s7], [sflag:s8] =	dma.local @!p0 [hbm:s6], $0xF7A  }
0x23: {  	s9 =	sor.u32 $0xD0000000, s2;
	s6 =	simm.s32 $0x108;
	_ =	swait.ge @!p0 [sflag:s8], $0x0  }
0x24: {  	s3 =	sadd.s32 $0x88, s3;
	s6 =	simm.s32 @!p1 $0x1082;
	[sflag:s4] =	ssyncset.s32 $0xFFFFF086  }
0x25: {  	[simem:s6], [sflag:s4] =	dma.local [hbm:s3], $0xF7A  }
0x26: {  	[smem:$0x3F94] =	sst s1;
	(tag) =	ssettag s2;
	_ =	strace s9  }
0x27: {  	s1 =	sld [smem:$0x3FA4]  }
0x28: {  	s2 =	sld [smem:$0x3FA5]  }
0x29: {  	s4 =	sld [smem:$0x3FA7]  }
0x2a: {  	p0 =	seq.s32 s5, $0x0;
	s5 =	sld [smem:$0x3FA8]  }
0x2b: {  	s6 =	sld [smem:$0x3FA9]  }
0x2c: {  	s7 =	sld [smem:$0x3FAA]  }
0x2d: {  	s3 =	simm.s32 $0x108;
	s8 =	sld [smem:$0x3FAB]  }
0x2e: {  	s3 =	simm.s32 @!p0 $0x1082;
	s9 =	sld [smem:$0x3FAC]  }
0x2f: {  	lr =	sadd.s32 s0, s3;
	s0 =	sld [smem:$0x3FA3]  }
0x30: {  	s3 =	sld [smem:$0x3FA6]  }
0x31: {  	[smem:$0x3FAF] =	sst s10  }
0x32: {  	s10 =	sld [smem:$0x3FAD];
	_ =	sdelay $0x3  }
0x33: {  	p0 =	seq.s32 s10, $0x1;
	s10 =	sld [smem:$0x3FAF];
	_ =	sdelay $0x3  }
0x34: {  	[smem:$0x3FAF] =	sst s10  }
0x35: {  	s10 =	sld [smem:$0x3FAE];
	_ =	sdelay $0x3  }
0x36: {  	p1 =	seq.s32 s10, $0x1;
	s10 =	sld [smem:$0x3FAF];
	_ =	sdelay $0x3  }
0x37: {  	[smem:$0x3FAF] =	sst s10  }
0x38: {  	s10 =	sld [smem:$0x3FB0]  }
0x39: {  	_ = 	snop;
	(pc) =	sbr.ind lr, $3  }
0x3a: {  	_ = 	snop  }
0x3b: {  	_ = 	snop  }
0x3c: {  	p2 =	seq.s32 s10, $0x1;
	s10 =	sld [smem:$0x3FAF]  }
0x3d: {  	_ =	shalt  }
0x3e: {  	_ =	shalt  }
0x3f: {  	_ =	shalt  }
0x40: {  	_ =	shalt  }
0x41: {  	_ =	shalt  }
0x42: {  	_ =	shalt  }
0x43: {  	_ =	shalt  }
0x44: {  	_ =	shalt  }
0x45: {  	_ =	shalt  }
0x46: {  	_ =	shalt  }
0x47: {  	_ =	shalt  }
0x48: {  	_ =	shalt  }
0x49: {  	_ =	shalt  }
0x4a: {  	_ =	shalt  }
0x4b: {  	_ =	shalt  }
0x4c: {  	_ =	shalt  }
0x4d: {  	_ =	shalt  }
0x4e: {  	_ =	shalt  }
0x4f: {  	_ =	shalt  }
0x50: {  	_ =	shalt  }
0x51: {  	_ =	shalt  }
0x52: {  	_ =	shalt  }
0x53: {  	_ =	shalt  }
0x54: {  	_ =	shalt  }
0x55: {  	_ =	shalt  }
0x56: {  	_ =	shalt  }
0x57: {  	_ =	shalt  }
0x58: {  	_ =	shalt  }
0x59: {  	_ =	shalt  }
0x5a: {  	_ =	shalt  }
0x5b: {  	_ =	shalt  }
0x5c: {  	_ =	shalt  }
0x5d: {  	_ =	shalt  }
0x5e: {  	_ =	shalt  }
0x5f: {  	_ =	shalt  }
0x60: {  	_ =	shalt  }
0x61: {  	_ =	shalt  }
0x62: {  	_ =	shalt  }
0x63: {  	_ =	shalt  }
0x64: {  	_ =	shalt  }
0x65: {  	_ =	shalt  }
0x66: {  	_ =	shalt  }
0x67: {  	_ =	shalt  }
0x68: {  	_ =	shalt  }
0x69: {  	_ =	shalt  }
0x6a: {  	_ =	shalt  }
0x6b: {  	_ =	shalt  }
0x6c: {  	_ =	shalt  }
0x6d: {  	_ =	shalt  }
0x6e: {  	_ =	shalt  }
0x6f: {  	_ =	shalt  }
0x70: {  	_ =	shalt  }
0x71: {  	_ =	shalt  }
0x72: {  	_ =	shalt  }
0x73: {  	_ =	shalt  }
0x74: {  	_ =	shalt  }
0x75: {  	_ =	shalt  }
0x76: {  	_ =	shalt  }
0x77: {  	_ =	shalt  }
0x78: {  	_ =	shalt  }
0x79: {  	_ =	shalt  }
0x7a: {  	_ =	shalt  }
0x7b: {  	_ =	shalt  }
0x7c: {  	_ =	shalt  }
0x7d: {  	_ =	shalt  }
0x7e: {  	_ =	shalt  }
0x7f: {  	_ =	shalt  }
0x80: {  	_ =	shalt  }
0x81: {  	_ =	shalt  }
0x82: {  	_ =	shalt  }
0x83: {  	_ =	shalt  }
0x84: {  	_ =	shalt  }
0x85: {  	_ =	shalt  }
0x86: {  	_ =	shalt  }
0x87: {  	_ =	shalt  }
.Lfunc_end0:
.L_simem_size_0:
called_computation_lowered:
.L_overlay_start_0:
0x88: {  	s2 =	sld [smem:$0x3FD9]  }
0x89: {  	s3 =	sld [smem:$0x3FFE];
	_ =	sdelay $0x1  }
0x8a: {  	s1 =	srdreg.scid  }
0x8b: {  	s0 =	sand.u32 $0x1, s1  }
0x8c: {  	s16 =	sshll.u32 s0, $0xA;
	s2 =	sadd.s32 s3, s2  }
0x8d: {  	s2 =	sadd.s32 s2, s16  }
0x8e: {  	[smem:$0x3FBB] =	sst s2  }
0x8f: {  	_ = 	snop  }
0x90: {  	(tm) =	ssettm $0x1  }
0x91: {  	s17 =	sld [smem:$0x3FFB];
	_ =	sdelay $0x3  }
0x92: {  	_ =	strace s17  }
0x93: {  	s2 =	sld [smem:$0x3FFC];
	_ =	sdelay $0x3  }
0x94: {  	_ =	strace s2  }
0x95: {  	s2 =	sld [smem:$0x3FFD];
	_ =	sdelay $0x3  }
0x96: {  	_ =	strace s2  }
0x97: {  	_ =	strace $0x8FFFFFFF  }
0x98: {  	s18 =	sld [smem:$0x3FDB];
	_ =	sdelay $0x1  }
0x99: {  	s19 =	simm.s32 $_scs_section_size  }
0x9a: {  	s4 =	simm.s32 $_size__tile_overlayer_lowered;
	s5 =	simm.s32 $_tile_overlayer_lowered  }
0x9b: {  	s22 =	simm.s32 $0x1BFF;
	s21 =	sshll.u32 s5, $0x1;
	s2 =	sadd.s32 s19, s18  }
0x9c: {  	s6 =	simm.s32 $0x0;
	s20 =	sshll.u32 s4, $0x1;
	s4 =	sadd.s32 s21, s2  }
0x9d: {  	[timem:s6], [sflag:s22] =	dma.local [hbm:s4], s20  }
0x9e: {  	_ =	swait.ge [sflag:s22], s20  }
0x9f: {  	s3 =	ssub.s32 $0x0, s20;
	[sflag:s22] =	ssyncset.done $0x0  }
0xa0: {  	[sflag:s22] =	ssyncadd.s32 s3;
	_ =	sdelay $0x1  }
0xa1: {  	s23 =	simm.s32 $0x1B8B  }
0xa2: {  	_ =	swait.ge [sflag:s23], $0x1  }
0xa3: {  	[sflag:s23] =	ssyncset.done $0x0  }
0xa4: {  	s25 =	simm.s32 $0x1B8E;
	s24 =	sld [smem:$0x3FFE];
	[sflag:s23] =	ssyncadd.s32 $0xFFFFFFFF  }
0xa5: {  	s26 =	simm.s32 $execute0_lowered;
	[smem:$0x3FD2] =	sst s25  }
0xa6: {  	s4 =	sshll.u32 s26, $0x1;
	_ =	strace $0x80000046;
	[dreg:$0x1] =	wrdreg $0xFFFFFFFF  }
0xa7: {  	s28 =	simm.s32 $_size_execute0_lowered;
	s2 =	sadd.s32 s2, s4;
	[dreg:$0x0] =	wrdreg $0x0  }
0xa8: {  	s4 =	sshll.u32 s28, $0x1;
	[dreg:$0x2] =	wrdreg s2  }
0xa9: {  	[dreg:$0x3] =	wrdreg s4  }
0xaa: {  	[dreg:$0x4] =	wrdreg $0xC0  }
0xab: {  	_ =	task [dreg:s6], $0x5FFFF  }
0xac: {  	[dreg:$0x1] =	wrdreg $0xFFFFFFFF  }
0xad: {  	[dreg:$0x0] =	wrdreg $0x60  }
0xae: {  	[dreg:$0x2] =	wrdreg s24  }
0xaf: {  	[dreg:$0x3] =	wrdreg $0xA0000  }
0xb0: {  	[dreg:$0x4] =	wrdreg $0x188000  }
0xb1: {  	[dreg:$0x5] =	wrdreg $0x0  }
0xb2: {  	[dreg:$0x6] =	wrdreg $0x9  }
0xb3: {  	_ =	task.clear_ibuf [dreg:s6], $0x7FFFF;
	_ =	strace $0x90000046  }
0xb4: {  	s29 =	simm.s32 $0x9;
	_ =	strace $0x80000048  }
0xb5: {  	_ =	swait.ge [sflag:s29], $0x1  }
0xb6: {  	[sflag:s29] =	ssyncadd.s32 $0xFFFFFFFF  }
0xb7: {  	_ =	strace $0x90000048  }
0xb8: {  	_ =	sfence  }
0xb9: {  	s30 =	sld [smem:$0x0];
	_ =	sdelay $0x2  }
0xba: {  	s31 =	sshll.u32 s1, $0xD;
	s1 =	sshrl.u32 s1, $0x2  }
0xbb: {  	s3 =	sand.u32 $0x4000, s31;
	s1 =	sadd.s32 s1, s30  }
0xbc: {  	s0 =	sor.u32 s3, s0;
	s1 =	sshll.u32 s1, $0x11  }
0xbd: {  	s0 =	sor.u32 s1, s0  }
0xbe: {  	s0 =	sadd.s32 $0x8F2B, s0  }
0xbf: {  	[sflag:s0] =	ssyncadd.remote.s32 $0x1  }
0xc0: {  	_ =	sfence.sel $0xFFFF  }
0xc1: {  	[dreg:$0x0] =	wrdreg $0xFFFFFFFF;
	(pc) =	sbr.abs _section_cstart, $3  }
0xc2: {  	[dreg:$0x1] =	wrdreg $0xFFFFFFFF  }
0xc3: {  	_ =	task.clear_ibuf [dreg:s6], $0x2FFFF;
	_ =	strace $0x9FFFFFFF  }
0xc4: {  	(tm) =	ssettm $0x7FFFFFFF  }
0xc5: {  	_ =	shalt  }
tec
execute0_lowered:
.L_overlay_start_1:
0x0: {  	(tag) =	ssettag $0x1  }
0x1: {  	s0 =	rddreg [dreg:$0x0];
	s1 =	srdreg.scid  }
0x2: {  	s3 =	simm.s32 $0x0;
	s18 =	stileid.u32;
	s29 =	rddreg [dreg:$0x3]  }
0x3: {  	s2 =	sand.u32 $0x1, s1;
	s1 =	smul.u32 $0x280, s18;
	s5 =	sshll.u32 s18, $0x1  }
0x4: {  	[smem:$0x7FF] =	sst s3;
	s4 =	sshll.u32 s2, $0x5;
	s3 =	smul.u32 $0x2800, s2  }
0x5: {  	s6 =	sadd.s32 $0x29C00, s0;
	s15 =	smul.u32 $0x5000, s2;
	s5 =	sor.u32 s5, s4  }
0x6: {  	s7 =	sadd.s32 $0x33C00, s0;
	s9 =	ssub.s32 $0x2, s2;
	s8 =	smul.u32 $0x1400, s5  }
0x7: {  	s4 =	sadd.s32 $0x3DC00, s0;
	s10 =	sshrl.u32 s9, $0x1;
	s5 =	smul.u32 $0x280, s5  }
0x8: {  	s2 =	ssub.s32 s9, s10;
	s13 =	sadd.s32 $0x2800, s15;
	s3 =	sadd.s32 s1, s3  }
0x9: {  	s28 =	sadd.s32 s15, s1;
	s26 =	sadd.s32 s1, s13;
	s3 =	sshrl.u32 s3, $0x3  }
0xa: {  	s8 =	sshrl.u32 s8, $0x3;
	s23 =	sadd.s32 s6, s5;
	s5 =	sadd.s32 s7, s5  }
0xb: {  	s30 =	sshll.u32 s26, $0x3;
	[dreg:$0x5] =	wrdreg s23;
	s8 =	sadd.s32 $0x280, s8  }
0xc: {  	s3 =	sadd.s32 s3, s0;
	[dreg:$0x6] =	wrdreg s5;
	s24 =	sadd.s32 s6, s8  }
0xd: {  	s5 =	sor.u32 $0x40, s1;
	s25 =	sadd.s32 s7, s8;
	[dreg:$0x7] =	wrdreg s24  }
0xe: {  	s6 =	sshll.u32 s28, $0x3;
	s7 =	sadd.s32 s4, s30;
	[dreg:$0x8] =	wrdreg s25  }
0xf: {  	s8 =	sadd.s32 s15, s5;
	[dreg:$0x9] =	wrdreg s7;
	s6 =	sadd.s32 s4, s6  }
0x10: {  	s9 =	sshll.u32 s8, $0x3;
	s7 =	sadd.s32 $0x80, s1;
	[dreg:$0xa] =	wrdreg s6  }
0x11: {  	s6 =	sadd.s32 $0xC0, s1;
	s8 =	sadd.s32 s4, s9;
	s10 =	sadd.s32 s15, s7  }
0x12: {  	s21 =	sadd.s32 s7, s13;
	[dreg:$0xb] =	wrdreg s8;
	s11 =	sadd.s32 s15, s6  }
0x13: {  	s12 =	sshll.u32 s10, $0x3;
	s8 =	sadd.s32 $0x100, s1;
	s22 =	sadd.s32 s6, s13  }
0x14: {  	s9 =	sshll.u32 s11, $0x3;
	s10 =	sadd.s32 s4, s12;
	s14 =	sadd.s32 s15, s8  }
0x15: {  	s23 =	sadd.s32 s8, s13;
	[dreg:$0xc] =	wrdreg s10;
	s9 =	sadd.s32 s4, s9  }
0x16: {  	s11 =	sshll.u32 s14, $0x3;
	s10 =	sadd.s32 $0x140, s1;
	s25 =	sshll.u32 s23, $0x3  }
0x17: {  	s23 =	smax.u32 s2, $0x1;
	[dreg:$0xd] =	wrdreg s9;
	s9 =	sadd.s32 $0x180, s1  }
0x18: {  	s11 =	sadd.s32 s4, s11;
	s16 =	sadd.s32 s15, s10;
	s26 =	sadd.s32 s10, s13  }
0x19: {  	[dreg:$0xe] =	wrdreg s11;
	s12 =	sadd.s32 s15, s9;
	s14 =	sshll.u32 s16, $0x3  }
0x1a: {  	s11 =	sadd.s32 $0x1C0, s1;
	s12 =	sshll.u32 s12, $0x3;
	s14 =	sadd.s32 s4, s14  }
0x1b: {  	s17 =	sadd.s32 s15, s11;
	[dreg:$0xf] =	wrdreg s14;
	s12 =	sadd.s32 s4, s12  }
0x1c: {  	s16 =	sshll.u32 s17, $0x3;
	s14 =	sadd.s32 $0x200, s1;
	[dreg:$0x10] =	wrdreg s12  }
0x1d: {  	s12 =	sadd.s32 $0x240, s1;
	s16 =	sadd.s32 s4, s16;
	s19 =	sadd.s32 s15, s14  }
0x1e: {  	[dreg:$0x11] =	wrdreg s16;
	s15 =	sadd.s32 s15, s12;
	s16 =	sshll.u32 s19, $0x3  }
0x1f: {  	s17 =	sadd.s32 s5, s13;
	s15 =	sshll.u32 s15, $0x3;
	s16 =	sadd.s32 s4, s16  }
0x20: {  	s20 =	sshll.u32 s17, $0x3;
	[dreg:$0x12] =	wrdreg s16;
	s15 =	sadd.s32 s4, s15  }
0x21: {  	s16 =	sshll.u32 s22, $0x3;
	[dreg:$0x13] =	wrdreg s15;
	s15 =	sadd.s32 s4, s20  }
0x22: {  	s28 =	sadd.s32 s9, s13;
	s24 =	sadd.s32 s4, s16;
	[dreg:$0x14] =	wrdreg s15  }
0x23: {  	s30 =	sadd.s32 s11, s13;
	s15 =	sshll.u32 s21, $0x3;
	[dreg:$0x16] =	wrdreg s24  }
0x24: {  	s17 =	sshll.u32 s30, $0x3;
	s24 =	rddreg [dreg:$0x1];
	s15 =	sadd.s32 s4, s15  }
0x25: {  	s16 =	sshll.u32 s28, $0x3;
	[dreg:$0x15] =	wrdreg s15;
	s15 =	sadd.s32 s4, s25  }
0x26: {  	s16 =	sadd.s32 s4, s16;
	[dreg:$0x17] =	wrdreg s15;
	s15 =	sshll.u32 s26, $0x3  }
0x27: {  	s30 =	sshll.u32 s7, $0x6;
	[dreg:$0x19] =	wrdreg s16;
	s15 =	sadd.s32 s4, s15  }
0x28: {  	s19 =	sadd.s32 s14, s13;
	[dreg:$0x18] =	wrdreg s15;
	s15 =	sadd.s32 s4, s17  }
0x29: {  	s13 =	sadd.s32 s12, s13;
	[dreg:$0x1a] =	wrdreg s15;
	s15 =	sshll.u32 s19, $0x3  }
0x2a: {  	s13 =	sshll.u32 s13, $0x3;
	s26 =	rddreg [dreg:$0x2];
	s15 =	sadd.s32 s4, s15  }
0x2b: {  	s20 =	smul.u32 $0x28000, s18;
	s4 =	sadd.s32 s4, s13;
	[dreg:$0x1b] =	wrdreg s15  }
0x2c: {  	s22 =	sadd.s32 $0x8DC00, s3;
	s1 =	sadd.s32 s1, s26;
	[dreg:$0x1c] =	wrdreg s4  }
0x2d: {  	s21 =	sshrl.u32 s20, $0x2;
	_ =	strace $0x80000047;
	[dreg:$0x1d] =	wrdreg s1  }
0x2e: {  	s3 =	sadd.s32 s30, s24;
	s13 =	sadd.s32 s21, s24;
	[dreg:$0x1e] =	wrdreg s22  }
0x2f: {  	s4 =	sshll.u32 s6, $0x6;
	s6 =	sshll.u32 s10, $0x6;
	[dreg:$0x1f] =	wrdreg s23  }
0x30: {  	s10 =	sshll.u32 s14, $0x6;
	s14 =	sadd.s32 $0x1000, s13;
	[smem:$0x7EA] =	sst s3  }
0x31: {  	s15 =	sadd.s32 $0x2000, s13;
	[smem:$0x7F2] =	sst s14  }
0x32: {  	s16 =	sadd.s32 $0x3000, s13;
	[smem:$0x7F3] =	sst s15  }
0x33: {  	s19 =	sadd.s32 $0x4000, s13;
	[smem:$0x7F4] =	sst s16  }
0x34: {  	s31 =	sadd.s32 $0x2800, s0;
	s20 =	sadd.s32 $0x5000, s13;
	[smem:$0x7F5] =	sst s19  }
0x35: {  	p0 =	seq.s32 s18, $0xF;
	s30 =	smul.u32 $0xA000, s18;
	[smem:$0x7F6] =	sst s20  }
0x36: {  	s2 =	simm.s32 $0x2;
	s28 =	sshll.u32 s5, $0x6;
	[smem:$0x7FA] =	sst s13  }
0x37: {  	s5 =	sshll.u32 s8, $0x6;
	s1 =	sadd.s32 s28, s24;
	[smem:$0x7FC] =	sst s30  }
0x38: {  	s8 =	sshll.u32 s9, $0x6;
	s7 =	sadd.s32 s6, s24;
	[smem:$0x7E9] =	sst s1  }
0x39: {  	s9 =	sshll.u32 s11, $0x6;
	s11 =	sadd.s32 s10, s24;
	[smem:$0x7ED] =	sst s7  }
0x3a: {  	s12 =	sshll.u32 s12, $0x6;
	s22 =	sadd.s32 $0x7000, s13;
	[smem:$0x7F0] =	sst s11  }
0x3b: {  	s25 =	sadd.s32 $0x16200, s0;
	s23 =	sadd.s32 $0x8000, s13;
	[smem:$0x7F8] =	sst s22  }
0x3c: {  	s17 =	simm.s32 $0x5;
	s28 =	sadd.s32 $0x9000, s13;
	[smem:$0x7F9] =	sst s23  }
0x3d: {  	s17 =	simm.s32 @!p0 $0x8;
	s1 =	sadd.s32 s4, s24;
	[smem:$0x7FB] =	sst s28  }
0x3e: {  	s11 =	sadd.s32 s21, s29;
	s21 =	sadd.s32 $0x6000, s13;
	[smem:$0x7EB] =	sst s1  }
0x3f: {  	s10 =	simm.s32 $0x3;
	s14 =	simm.s32 $0x1;
	[smem:$0x7F7] =	sst s21  }
0x40: {  	s15 =	simm.s32 $0x17800;
	s1 =	sadd.s32 s5, s24;
	[smem:$0x7FD] =	sst s11  }
0x41: {  	s16 =	simm.s32 $0x18D00;
	[smem:$0x7EC] =	sst s1;
	s1 =	sadd.s32 s8, s24  }
0x42: {  	s13 =	simm.s32 $0x40;
	[smem:$0x7EE] =	sst s1;
	s1 =	sadd.s32 s9, s24  }
0x43: {  	s8 =	simm.s32 $0x14000;
	[smem:$0x7EF] =	sst s1;
	s1 =	sadd.s32 s12, s24  }
0x44: {  	v0 =	vimm.f32 $0.0e+00;
	v1 =	vimm.f32 $1.000000000e+00;
	s9 =	simm.s32 $0x16800;
	[smem:$0x7F1] =	sst s1;
	s1 =	simm.s32 $0x0  }
.LBB2_1:
0x45: {  	[tilespmem:$0x18A80] =	vst v0  }
0x46: {  	[tilespmem:$0x18A90] =	vst v0  }
0x47: {  	[tilespmem:$0x18AA0] =	vst v0  }
0x48: {  	[tilespmem:$0x18AB0] =	vst v0  }
0x49: {  	[tilespmem:$0x18AC0] =	vst v0  }
0x4a: {  	[tilespmem:$0x18AD0] =	vst v0  }
0x4b: {  	[tilespmem:$0x18AE0] =	vst v0  }
0x4c: {  	[tilespmem:$0x18AF0] =	vst v0  }
0x4d: {  	[tilespmem:$0x18B00] =	vst v0  }
0x4e: {  	[tilespmem:$0x18B10] =	vst v0  }
0x4f: {  	[tilespmem:$0x18B20] =	vst v0  }
0x50: {  	[tilespmem:$0x18B30] =	vst v0  }
0x51: {  	[tilespmem:$0x18B40] =	vst v0  }
0x52: {  	[tilespmem:$0x18B50] =	vst v0  }
0x53: {  	[tilespmem:$0x18B60] =	vst v0  }
0x54: {  	[tilespmem:$0x18B70] =	vst v0  }
0x55: {  	[tilespmem:$0x18B80] =	vst v0  }
0x56: {  	[tilespmem:$0x18B90] =	vst v0  }
0x57: {  	[tilespmem:$0x18BA0] =	vst v0  }
0x58: {  	[tilespmem:$0x18BB0] =	vst v0  }
0x59: {  	[tilespmem:$0x18BC0] =	vst v0  }
0x5a: {  	[tilespmem:$0x18BD0] =	vst v0  }
0x5b: {  	[tilespmem:$0x18BE0] =	vst v0  }
0x5c: {  	[tilespmem:$0x18BF0] =	vst v0  }
0x5d: {  	[tilespmem:$0x18C00] =	vst v0  }
0x5e: {  	[tilespmem:$0x18C10] =	vst v0  }
0x5f: {  	[tilespmem:$0x18C20] =	vst v0  }
0x60: {  	[tilespmem:$0x18C30] =	vst v0  }
0x61: {  	[tilespmem:$0x18C40] =	vst v0  }
0x62: {  	[tilespmem:$0x18C50] =	vst v0  }
0x63: {  	[tilespmem:$0x18C60] =	vst v0  }
0x64: {  	[tilespmem:$0x18C70] =	vst v0  }
0x65: {  	[tilespmem:$0x18C80] =	vst v0  }
0x66: {  	[tilespmem:$0x18C90] =	vst v0  }
0x67: {  	[tilespmem:$0x18CA0] =	vst v0  }
0x68: {  	[tilespmem:$0x18CB0] =	vst v0  }
0x69: {  	[tilespmem:$0x18CC0] =	vst v0  }
0x6a: {  	[tilespmem:$0x18CD0] =	vst v0  }
0x6b: {  	[tilespmem:$0x18CE0] =	vst v0  }
0x6c: {  	[tilespmem:$0x18CF0] =	vst v0  }
0x6d: {  	[tilespmem:$0x18D00] =	vst v1;
	s3 =	simm.s32 $0x0  }
0x6e: {  	[tilespmem:$0x18D10] =	vst v1;
	s0 =	sand.u32 $0x3F00, s3  }
0x6f: {  	[tilespmem:$0x18D20] =	vst v1;
	s3 =	sand.u32 $0x30, s3;
	s4 =	sshrl.u32 s0, $0x2  }
0x70: {  	[tilespmem:$0x18D30] =	vst v1;
	s0 =	simm.s32 $0x40;
	s4 =	sor.u32 s3, s4;
	s3 =	simm.s32 $0x0  }
.LBB2_2:
0x71: {  	p0 =	sne.s32 s0, $0x3FC0  }
0x72: {  	[tilespmem:s4+$0x16800] =	vst v0;
	s3 =	sadd.s32 $0x10, s3;
	s4 =	smov.u32 s0;
	s0 =	sadd.s32 $0x40, s0  }
.Ltmp0:
0x73: {  	(pc) =	sbr.rel @p0 .LBB2_2-.Ltmp0, $4  }
0x74: {  	_ = 	snop  }
0x75: {  	s4 =	sand.u32 $0x3F00, s4  }
0x76: {  	s5 =	sand.u32 $0x30, s3;
	s4 =	sshrl.u32 s4, $0x2  }
0x77: {  	s4 =	sor.u32 s5, s4  }
0x78: {  	s0 =	sld [smem:$0x7FA];
	_ =	sdelay $0x1  }
0x79: {  	[tilespmem:s4+$0x16800] =	vst v0  }
0x7a: {  	[spmem:s0] =	stream.linear.scatter [tilespmem:s9], [sflag:$0x3], $0x1000, $0x38;
	[tilespmem:$0x18D40] =	vst v63  }
0x7b: {  	_ =	swait.ge [sflag:s10], $0x1000  }
0x7c: {  	s5 =	sld [smem:$0x7F2]  }
0x7d: {  	[sflag:s10] =	ssyncset.done $0x0  }
0x7e: {  	[sflag:s10] =	ssyncadd.s32 $0xFFFFF000  }
0x7f: {  	[spmem:s5] =	stream.linear.scatter [tilespmem:s9], [sflag:$0x3], $0x1000, $0x38;
	[tilespmem:$0x18D40] =	vst v63  }
0x80: {  	_ =	swait.ge [sflag:s10], $0x1000  }
0x81: {  	s6 =	sld [smem:$0x7F3]  }
0x82: {  	[sflag:s10] =	ssyncset.done $0x0  }
0x83: {  	[sflag:s10] =	ssyncadd.s32 $0xFFFFF000  }
0x84: {  	[spmem:s6] =	stream.linear.scatter [tilespmem:s9], [sflag:$0x3], $0x1000, $0x38;
	[tilespmem:$0x18D40] =	vst v63  }
0x85: {  	_ =	swait.ge [sflag:s10], $0x1000  }
0x86: {  	s7 =	sld [smem:$0x7F4]  }
0x87: {  	[sflag:s10] =	ssyncset.done $0x0  }
0x88: {  	[sflag:s10] =	ssyncadd.s32 $0xFFFFF000  }
0x89: {  	[spmem:s7] =	stream.linear.scatter [tilespmem:s9], [sflag:$0x3], $0x1000, $0x38;
	[tilespmem:$0x18D40] =	vst v63  }
0x8a: {  	_ =	swait.ge [sflag:s10], $0x1000  }
0x8b: {  	s12 =	sld [smem:$0x7F5]  }
0x8c: {  	[sflag:s10] =	ssyncset.done $0x0  }
0x8d: {  	[sflag:s10] =	ssyncadd.s32 $0xFFFFF000  }
0x8e: {  	[spmem:s12] =	stream.linear.scatter [tilespmem:s9], [sflag:$0x3], $0x1000, $0x38;
	[tilespmem:$0x18D40] =	vst v63  }
0x8f: {  	_ =	swait.ge [sflag:s10], $0x1000  }
0x90: {  	s18 =	sld [smem:$0x7F6]  }
0x91: {  	[sflag:s10] =	ssyncset.done $0x0  }
0x92: {  	[sflag:s10] =	ssyncadd.s32 $0xFFFFF000  }
0x93: {  	[spmem:s18] =	stream.linear.scatter [tilespmem:s9], [sflag:$0x3], $0x1000, $0x38;
	[tilespmem:$0x18D40] =	vst v63  }
0x94: {  	_ =	swait.ge [sflag:s10], $0x1000  }
0x95: {  	s19 =	sld [smem:$0x7F7]  }
0x96: {  	[sflag:s10] =	ssyncset.done $0x0  }
0x97: {  	[sflag:s10] =	ssyncadd.s32 $0xFFFFF000  }
0x98: {  	[spmem:s19] =	stream.linear.scatter [tilespmem:s9], [sflag:$0x3], $0x1000, $0x38;
	[tilespmem:$0x18D40] =	vst v63  }
0x99: {  	_ =	swait.ge [sflag:s10], $0x1000  }
0x9a: {  	s20 =	sld [smem:$0x7F8]  }
0x9b: {  	[sflag:s10] =	ssyncset.done $0x0  }
0x9c: {  	[sflag:s10] =	ssyncadd.s32 $0xFFFFF000  }
0x9d: {  	[spmem:s20] =	stream.linear.scatter [tilespmem:s9], [sflag:$0x3], $0x1000, $0x38;
	[tilespmem:$0x18D40] =	vst v63  }
0x9e: {  	_ =	swait.ge [sflag:s10], $0x1000  }
0x9f: {  	s21 =	sld [smem:$0x7F9]  }
0xa0: {  	[sflag:s10] =	ssyncset.done $0x0  }
0xa1: {  	[sflag:s10] =	ssyncadd.s32 $0xFFFFF000  }
0xa2: {  	[spmem:s21] =	stream.linear.scatter [tilespmem:s9], [sflag:$0x3], $0x1000, $0x38;
	[tilespmem:$0x18D40] =	vst v63  }
0xa3: {  	_ =	swait.ge [sflag:s10], $0x1000  }
0xa4: {  	s22 =	sld [smem:$0x7FB]  }
0xa5: {  	[sflag:s10] =	ssyncset.done $0x0  }
0xa6: {  	[sflag:s10] =	ssyncadd.s32 $0xFFFFF000  }
0xa7: {  	[spmem:s22] =	stream.linear.scatter [tilespmem:s9], [sflag:$0x3], $0x1000, $0x38;
	[tilespmem:$0x18D40] =	vst v63  }
0xa8: {  	_ =	swait.ge [sflag:s10], $0x1000  }
0xa9: {  	[sflag:s10] =	ssyncset.done $0x0  }
0xaa: {  	s3 =	simm.s32 $0x18A80;
	s23 =	rddreg [dreg:$0x1d];
	[sflag:s10] =	ssyncadd.s32 $0xFFFFF000  }
0xab: {  	[spmem:s23] =	stream.linear.scatter [tilespmem:s3], [sflag:$0x3], $0x280, $0x38;
	[tilespmem:$0x18D40] =	vst v63  }
0xac: {  	_ =	swait.ge [sflag:s10], $0x280  }
0xad: {  	s28 =	stileid.u32;
	p0 =	sne.s32 s17, $0x1;
	s7 =	sld [smem:$0x7FC]  }
.Ltmp1:
0xae: {  	s0 =	sshll.u32 s28, $0x6;
	(pc) =	sbr.rel @!p0 .LBB2_5-.Ltmp1, $4  }
0xaf: {  	s6 =	sadd.s32 $0x1400, s11;
	s19 =	sor.u32 $0x1C03, s0  }
0xb0: {  	s21 =	sshrl.u32 s11, $0x3;
	[sflag:s10] =	ssyncset.done $0x0;
	s20 =	sshrl.u32 s7, $0x3  }
0xb1: {  	s3 =	sadd.s32 $0xFFFFFFFF, s17;
	[sflag:s10] =	ssyncadd.s32 $0xFFFFFD80;
	s30 =	sadd.s32 s31, s20  }
0xb2: {  	[spmem:s21], [sflag:s19] =	dma.local [hbm:s30], $0x280  }
.LBB2_4:
0xb3: {  	_ =	swait.ge [sflag:s10], $0x280  }
0xb4: {  	s7 =	sadd.s32 $0x1400, s7;
	s5 =	sshrl.u32 s6, $0x3;
	p1 =	sne.s32 s3, $0x1  }
.Ltmp2:
0xb5: {  	s4 =	sshrl.u32 s7, $0x3;
	[sflag:s10] =	ssyncset.done $0x0;
	(pc) =	sbr.rel @p1 .LBB2_4-.Ltmp2, $4  }
0xb6: {  	s19 =	sor.u32 $0x1C03, s0;
	s4 =	sadd.s32 s31, s4;
	[sflag:s10] =	ssyncadd.s32 $0xFFFFFD80  }
0xb7: {  	[spmem:s5], [sflag:s19] =	dma.local [hbm:s4], $0x280  }
0xb8: {  	s3 =	sadd.s32 $0xFFFFFFFF, s3  }
0xb9: {  	s6 =	sadd.s32 $0x1400, s6  }
.LBB2_5:
0xba: {  	_ =	swait.ge [sflag:s10], $0x280  }
0xbb: {  	[sflag:s10] =	ssyncset.done $0x0  }
0xbc: {  	[sflag:s10] =	ssyncadd.s32 $0xFFFFFD80  }
0xbd: {  	[bflag:$0x0] =	sbarrier.arrive $0xFFFF  }
0xbe: {  	s0 =	simm.s32 $0x0;
	s3 =	rddreg [dreg:$0x5]  }
0xbf: {  	[tilespmem:s8], [sflag:$0x3] =	stream.linear.gather [hbm4b:s3+s0], $0x1400, $0x38;
	[tilespmem:$0x18D40] =	vst v63  }
0xc0: {  	_ =	swait.ge [sflag:s10], $0x1400  }
0xc1: {  	[sflag:s10] =	ssyncset.done $0x0  }
0xc2: {  	s4 =	simm.s32 $0x15400;
	s18 =	rddreg [dreg:$0x6];
	[sflag:s10] =	ssyncadd.s32 $0xFFFFEC00  }
0xc3: {  	[tilespmem:s4], [sflag:$0x3] =	stream.linear.gather [hbm4b:s18+s0], $0x1400, $0x38;
	[tilespmem:$0x18D40] =	vst v63  }
0xc4: {  	_ =	swait.ge [sflag:s10], $0x1400  }
0xc5: {  	[sflag:s10] =	ssyncset.done $0x0  }
0xc6: {  	[sflag:s10] =	ssyncadd.s32 $0xFFFFEC00  }
0xc7: {  	[tilespmem:s9], [sflag:$0x1] =	stream.indirect.gather [spmem:s29], $0x40, s8, s13, $0xb8;
	[tilespmem:$0x18D40] =	vst v63  }
0xc8: {  	_ =	swait.ge [sflag:s14], $0x1000  }
0xc9: {  	[sflag:s14] =	ssyncset.done $0x0  }
0xca: {  	s22 =	simm.s32 $0x14040;
	[sflag:s14] =	ssyncadd.s32 $0xFFFFF000  }
0xcb: {  	[tilespmem:s15], [sflag:$0x2] =	stream.indirect.gather [spmem:s29], $0x40, s22, s13, $0xb8;
	[tilespmem:$0x18D40] =	vst v63  }
0xcc: {  	s23 =	simm.s32 $0x15400  }
0xcd: {  	[spmem:s24] =	stream.indirect.scatter.add.f32 [tilespmem:s9], [sflag:$0x3], $0x40, s23, s13, $0xb8;
	[tilespmem:$0x18D40] =	vst v63  }
0xce: {  	_ =	swait.ge [sflag:s10], $0x1000  }
0xcf: {  	[sflag:s10] =	ssyncset.done $0x0  }
0xd0: {  	[sflag:s10] =	ssyncadd.s32 $0xFFFFF000  }
0xd1: {  	[spmem:s26] =	stream.indirect.scatter.add.f32 [tilespmem:s16], [sflag:$0x3], $0x1, s23, s13, $0xb8;
	[tilespmem:$0x18D40] =	vst v63  }
0xd2: {  	_ =	swait.ge [sflag:s10], $0x40  }
0xd3: {  	[sflag:s10] =	ssyncset.done $0x0  }
0xd4: {  	[sflag:s10] =	ssyncadd.s32 $0xFFFFFFC0  }
0xd5: {  	_ =	swait.ge [sflag:s2], $0x1000  }
0xd6: {  	[sflag:s2] =	ssyncset.done $0x0  }
0xd7: {  	s28 =	simm.s32 $0x14080;
	[sflag:s2] =	ssyncadd.s32 $0xFFFFF000  }
0xd8: {  	[tilespmem:s9], [sflag:$0x1] =	stream.indirect.gather [spmem:s29], $0x40, s28, s13, $0xb8;
	[tilespmem:$0x18D40] =	vst v63  }
0xd9: {  	s30 =	simm.s32 $0x15440  }
0xda: {  	[spmem:s24] =	stream.indirect.scatter.add.f32 [tilespmem:s15], [sflag:$0x3], $0x40, s30, s13, $0xb8;
	[tilespmem:$0x18D40] =	vst v63  }
0xdb: {  	_ =	swait.ge [sflag:s10], $0x1000  }
0xdc: {  	[sflag:s10] =	ssyncset.done $0x0  }
0xdd: {  	[sflag:s10] =	ssyncadd.s32 $0xFFFFF000  }
0xde: {  	[spmem:s26] =	stream.indirect.scatter.add.f32 [tilespmem:s16], [sflag:$0x3], $0x1, s30, s13, $0xb8;
	[tilespmem:$0x18D40] =	vst v63  }
0xdf: {  	_ =	swait.ge [sflag:s10], $0x40  }
0xe0: {  	s0 =	simm.s32 $0x200;
	[sflag:s10] =	ssyncset.done $0x0  }
.LBB2_6:
0xe1: {  	p1 =	sne.s32 s0, $0x4C00  }
0xe2: {  	[sflag:s10] =	ssyncadd.s32 $0xFFFFFFC0;
	s3 =	smov.u32 s0;
	s0 =	sadd.s32 $0x200, s0  }
0xe3: {  	_ =	swait.ge [sflag:s14], $0x1000  }
0xe4: {  	s3 =	sshra.s32 s3, $0x2;
	[sflag:s14] =	ssyncset.done $0x0  }
0xe5: {  	s4 =	sadd.s32 $0x14040, s3;
	[sflag:s14] =	ssyncadd.s32 $0xFFFFF000  }
0xe6: {  	[tilespmem:s15], [sflag:$0x2] =	stream.indirect.gather [spmem:s29], $0x40, s4, s13, $0xb8;
	[tilespmem:$0x18D40] =	vst v63  }
0xe7: {  	s4 =	sadd.s32 $0x15400, s3  }
0xe8: {  	[spmem:s24] =	stream.indirect.scatter.add.f32 [tilespmem:s9], [sflag:$0x3], $0x40, s4, s13, $0xb8;
	[tilespmem:$0x18D40] =	vst v63  }
0xe9: {  	_ =	swait.ge [sflag:s10], $0x1000  }
0xea: {  	[sflag:s10] =	ssyncset.done $0x0  }
0xeb: {  	[sflag:s10] =	ssyncadd.s32 $0xFFFFF000  }
0xec: {  	[spmem:s26] =	stream.indirect.scatter.add.f32 [tilespmem:s16], [sflag:$0x3], $0x1, s4, s13, $0xb8;
	[tilespmem:$0x18D40] =	vst v63  }
0xed: {  	_ =	swait.ge [sflag:s10], $0x40  }
0xee: {  	[sflag:s10] =	ssyncset.done $0x0  }
0xef: {  	[sflag:s10] =	ssyncadd.s32 $0xFFFFFFC0  }
0xf0: {  	_ =	swait.ge [sflag:s2], $0x1000  }
0xf1: {  	[sflag:s2] =	ssyncset.done $0x0  }
0xf2: {  	s4 =	sadd.s32 $0x14080, s3;
	[sflag:s2] =	ssyncadd.s32 $0xFFFFF000  }
0xf3: {  	[tilespmem:s9], [sflag:$0x1] =	stream.indirect.gather [spmem:s29], $0x40, s4, s13, $0xb8;
	[tilespmem:$0x18D40] =	vst v63  }
0xf4: {  	s3 =	sadd.s32 $0x15440, s3  }
0xf5: {  	[spmem:s24] =	stream.indirect.scatter.add.f32 [tilespmem:s15], [sflag:$0x3], $0x40, s3, s13, $0xb8;
	[tilespmem:$0x18D40] =	vst v63  }
0xf6: {  	_ =	swait.ge [sflag:s10], $0x1000  }
.Ltmp3:
0xf7: {  	[sflag:s10] =	ssyncset.done $0x0;
	(pc) =	sbr.rel @p1 .LBB2_6-.Ltmp3, $4  }
0xf8: {  	[sflag:s10] =	ssyncadd.s32 $0xFFFFF000  }
0xf9: {  	[spmem:s26] =	stream.indirect.scatter.add.f32 [tilespmem:s16], [sflag:$0x3], $0x1, s3, s13, $0xb8;
	[tilespmem:$0x18D40] =	vst v63  }
0xfa: {  	_ =	swait.ge [sflag:s10], $0x40  }
0xfb: {  	[sflag:s10] =	ssyncset.done $0x0  }
0xfc: {  	[sflag:s10] =	ssyncadd.s32 $0xFFFFFFC0  }
0xfd: {  	_ =	swait.ge [sflag:s14], $0x1000  }
0xfe: {  	[sflag:s14] =	ssyncset.done $0x0  }
0xff: {  	s0 =	simm.s32 $0x153C0;
	[sflag:s14] =	ssyncadd.s32 $0xFFFFF000  }
0x100: {  	[tilespmem:s15], [sflag:$0x2] =	stream.indirect.gather [spmem:s29], $0x40, s0, s13, $0xb8;
	[tilespmem:$0x18D40] =	vst v63  }
0x101: {  	s7 =	simm.s32 $0x16780  }
0x102: {  	[spmem:s24] =	stream.indirect.scatter.add.f32 [tilespmem:s9], [sflag:$0x3], $0x40, s7, s13, $0xb8;
	[tilespmem:$0x18D40] =	vst v63  }
0x103: {  	_ =	swait.ge [sflag:s10], $0x1000  }
0x104: {  	[sflag:s10] =	ssyncset.done $0x0  }
0x105: {  	[sflag:s10] =	ssyncadd.s32 $0xFFFFF000  }
0x106: {  	[spmem:s26] =	stream.indirect.scatter.add.f32 [tilespmem:s16], [sflag:$0x3], $0x1, s7, s13, $0xb8;
	[tilespmem:$0x18D40] =	vst v63  }
0x107: {  	_ =	swait.ge [sflag:s10], $0x40  }
0x108: {  	[sflag:s10] =	ssyncset.done $0x0  }
0x109: {  	[sflag:s10] =	ssyncadd.s32 $0xFFFFFFC0  }
0x10a: {  	_ =	swait.ge [sflag:s2], $0x1000  }
0x10b: {  	[sflag:s2] =	ssyncset.done $0x0  }
0x10c: {  	s12 =	simm.s32 $0x167C0;
	[sflag:s2] =	ssyncadd.s32 $0xFFFFF000  }
0x10d: {  	[spmem:s24] =	stream.indirect.scatter.add.f32 [tilespmem:s15], [sflag:$0x3], $0x40, s12, s13, $0xb8;
	[tilespmem:$0x18D40] =	vst v63  }
0x10e: {  	_ =	swait.ge [sflag:s10], $0x1000  }
0x10f: {  	[sflag:s10] =	ssyncset.done $0x0  }
0x110: {  	[sflag:s10] =	ssyncadd.s32 $0xFFFFF000  }
0x111: {  	[spmem:s26] =	stream.indirect.scatter.add.f32 [tilespmem:s16], [sflag:$0x3], $0x1, s12, s13, $0xb8;
	[tilespmem:$0x18D40] =	vst v63  }
0x112: {  	_ =	swait.ge [sflag:s10], $0x40  }
0x113: {  	s11 =	smov.u32 s17;
	[sflag:s10] =	ssyncset.done $0x0  }
0x114: {  	s17 =	simm.s32 $0x0;
	s3 =	rddreg [dreg:$0x7];
	[sflag:s10] =	ssyncadd.s32 $0xFFFFFFC0  }
0x115: {  	[tilespmem:s8], [sflag:$0x3] =	stream.linear.gather [hbm4b:s3+s17], $0x1400, $0x38;
	[tilespmem:$0x18D40] =	vst v63  }
0x116: {  	_ =	swait.ge [sflag:s10], $0x1400  }
0x117: {  	[sflag:s10] =	ssyncset.done $0x0  }
0x118: {  	s4 =	simm.s32 $0x15400;
	s18 =	rddreg [dreg:$0x8];
	[sflag:s10] =	ssyncadd.s32 $0xFFFFEC00  }
0x119: {  	[tilespmem:s4], [sflag:$0x3] =	stream.linear.gather [hbm4b:s18+s17], $0x1400, $0x38;
	[tilespmem:$0x18D40] =	vst v63  }
0x11a: {  	_ =	swait.ge [sflag:s10], $0x1400  }
0x11b: {  	[sflag:s10] =	ssyncset.done $0x0  }
0x11c: {  	[sflag:s10] =	ssyncadd.s32 $0xFFFFEC00  }
0x11d: {  	[tilespmem:s9], [sflag:$0x1] =	stream.indirect.gather [spmem:s29], $0x40, s8, s13, $0xb8;
	[tilespmem:$0x18D40] =	vst v63  }
0x11e: {  	_ =	swait.ge [sflag:s14], $0x1000  }
0x11f: {  	[sflag:s14] =	ssyncset.done $0x0  }
0x120: {  	s22 =	simm.s32 $0x14040;
	[sflag:s14] =	ssyncadd.s32 $0xFFFFF000  }
0x121: {  	[tilespmem:s15], [sflag:$0x2] =	stream.indirect.gather [spmem:s29], $0x40, s22, s13, $0xb8;
	[tilespmem:$0x18D40] =	vst v63  }
0x122: {  	s23 =	simm.s32 $0x15400  }
0x123: {  	[spmem:s24] =	stream.indirect.scatter.add.f32 [tilespmem:s9], [sflag:$0x3], $0x40, s23, s13, $0xb8;
	[tilespmem:$0x18D40] =	vst v63  }
0x124: {  	_ =	swait.ge [sflag:s10], $0x1000  }
0x125: {  	[sflag:s10] =	ssyncset.done $0x0  }
0x126: {  	[sflag:s10] =	ssyncadd.s32 $0xFFFFF000  }
0x127: {  	[spmem:s26] =	stream.indirect.scatter.add.f32 [tilespmem:s16], [sflag:$0x3], $0x1, s23, s13, $0xb8;
	[tilespmem:$0x18D40] =	vst v63  }
0x128: {  	_ =	swait.ge [sflag:s10], $0x40  }
0x129: {  	[sflag:s10] =	ssyncset.done $0x0  }
0x12a: {  	[sflag:s10] =	ssyncadd.s32 $0xFFFFFFC0  }
0x12b: {  	_ =	swait.ge [sflag:s2], $0x1000  }
0x12c: {  	[sflag:s2] =	ssyncset.done $0x0  }
0x12d: {  	s28 =	simm.s32 $0x14080;
	[sflag:s2] =	ssyncadd.s32 $0xFFFFF000  }
0x12e: {  	[tilespmem:s9], [sflag:$0x1] =	stream.indirect.gather [spmem:s29], $0x40, s28, s13, $0xb8;
	[tilespmem:$0x18D40] =	vst v63  }
0x12f: {  	s30 =	simm.s32 $0x15440  }
0x130: {  	[spmem:s24] =	stream.indirect.scatter.add.f32 [tilespmem:s15], [sflag:$0x3], $0x40, s30, s13, $0xb8;
	[tilespmem:$0x18D40] =	vst v63  }
0x131: {  	_ =	swait.ge [sflag:s10], $0x1000  }
0x132: {  	[sflag:s10] =	ssyncset.done $0x0  }
0x133: {  	[sflag:s10] =	ssyncadd.s32 $0xFFFFF000  }
0x134: {  	[spmem:s26] =	stream.indirect.scatter.add.f32 [tilespmem:s16], [sflag:$0x3], $0x1, s30, s13, $0xb8;
	[tilespmem:$0x18D40] =	vst v63  }
0x135: {  	_ =	swait.ge [sflag:s10], $0x40  }
0x136: {  	s0 =	simm.s32 $0x200;
	[sflag:s10] =	ssyncset.done $0x0  }
.LBB2_8:
0x137: {  	p1 =	sne.s32 s0, $0x4C00  }
0x138: {  	[sflag:s10] =	ssyncadd.s32 $0xFFFFFFC0;
	s3 =	smov.u32 s0;
	s0 =	sadd.s32 $0x200, s0  }
0x139: {  	_ =	swait.ge [sflag:s14], $0x1000  }
0x13a: {  	s3 =	sshra.s32 s3, $0x2;
	[sflag:s14] =	ssyncset.done $0x0  }
0x13b: {  	s4 =	sadd.s32 $0x14040, s3;
	[sflag:s14] =	ssyncadd.s32 $0xFFFFF000  }
0x13c: {  	[tilespmem:s15], [sflag:$0x2] =	stream.indirect.gather [spmem:s29], $0x40, s4, s13, $0xb8;
	[tilespmem:$0x18D40] =	vst v63  }
0x13d: {  	s4 =	sadd.s32 $0x15400, s3  }
0x13e: {  	[spmem:s24] =	stream.indirect.scatter.add.f32 [tilespmem:s9], [sflag:$0x3], $0x40, s4, s13, $0xb8;
	[tilespmem:$0x18D40] =	vst v63  }
0x13f: {  	_ =	swait.ge [sflag:s10], $0x1000  }
0x140: {  	[sflag:s10] =	ssyncset.done $0x0  }
0x141: {  	[sflag:s10] =	ssyncadd.s32 $0xFFFFF000  }
0x142: {  	[spmem:s26] =	stream.indirect.scatter.add.f32 [tilespmem:s16], [sflag:$0x3], $0x1, s4, s13, $0xb8;
	[tilespmem:$0x18D40] =	vst v63  }
0x143: {  	_ =	swait.ge [sflag:s10], $0x40  }
0x144: {  	[sflag:s10] =	ssyncset.done $0x0  }
0x145: {  	[sflag:s10] =	ssyncadd.s32 $0xFFFFFFC0  }
0x146: {  	_ =	swait.ge [sflag:s2], $0x1000  }
0x147: {  	[sflag:s2] =	ssyncset.done $0x0  }
0x148: {  	s4 =	sadd.s32 $0x14080, s3;
	[sflag:s2] =	ssyncadd.s32 $0xFFFFF000  }
0x149: {  	[tilespmem:s9], [sflag:$0x1] =	stream.indirect.gather [spmem:s29], $0x40, s4, s13, $0xb8;
	[tilespmem:$0x18D40] =	vst v63  }
0x14a: {  	s3 =	sadd.s32 $0x15440, s3  }
0x14b: {  	[spmem:s24] =	stream.indirect.scatter.add.f32 [tilespmem:s15], [sflag:$0x3], $0x40, s3, s13, $0xb8;
	[tilespmem:$0x18D40] =	vst v63  }
0x14c: {  	_ =	swait.ge [sflag:s10], $0x1000  }
.Ltmp4:
0x14d: {  	[sflag:s10] =	ssyncset.done $0x0;
	(pc) =	sbr.rel @p1 .LBB2_8-.Ltmp4, $4  }
0x14e: {  	[sflag:s10] =	ssyncadd.s32 $0xFFFFF000  }
0x14f: {  	[spmem:s26] =	stream.indirect.scatter.add.f32 [tilespmem:s16], [sflag:$0x3], $0x1, s3, s13, $0xb8;
	[tilespmem:$0x18D40] =	vst v63  }
0x150: {  	_ =	swait.ge [sflag:s10], $0x40  }
0x151: {  	[sflag:s10] =	ssyncset.done $0x0  }
0x152: {  	[sflag:s10] =	ssyncadd.s32 $0xFFFFFFC0  }
0x153: {  	_ =	swait.ge [sflag:s14], $0x1000  }
0x154: {  	[sflag:s14] =	ssyncset.done $0x0  }
0x155: {  	s0 =	simm.s32 $0x153C0;
	[sflag:s14] =	ssyncadd.s32 $0xFFFFF000  }
0x156: {  	[tilespmem:s15], [sflag:$0x2] =	stream.indirect.gather [spmem:s29], $0x40, s0, s13, $0xb8;
	[tilespmem:$0x18D40] =	vst v63  }
0x157: {  	s22 =	simm.s32 $0x16780  }
0x158: {  	[spmem:s24] =	stream.indirect.scatter.add.f32 [tilespmem:s9], [sflag:$0x3], $0x40, s22, s13, $0xb8;
	[tilespmem:$0x18D40] =	vst v63  }
0x159: {  	_ =	swait.ge [sflag:s10], $0x1000  }
0x15a: {  	[sflag:s10] =	ssyncset.done $0x0  }
0x15b: {  	[sflag:s10] =	ssyncadd.s32 $0xFFFFF000  }
0x15c: {  	[spmem:s26] =	stream.indirect.scatter.add.f32 [tilespmem:s16], [sflag:$0x3], $0x1, s22, s13, $0xb8;
	[tilespmem:$0x18D40] =	vst v63  }
0x15d: {  	_ =	swait.ge [sflag:s10], $0x40  }
0x15e: {  	[sflag:s10] =	ssyncset.done $0x0  }
0x15f: {  	[sflag:s10] =	ssyncadd.s32 $0xFFFFFFC0  }
0x160: {  	_ =	swait.ge [sflag:s2], $0x1000  }
0x161: {  	[sflag:s2] =	ssyncset.done $0x0  }
0x162: {  	s23 =	simm.s32 $0x167C0;
	[sflag:s2] =	ssyncadd.s32 $0xFFFFF000  }
0x163: {  	[spmem:s24] =	stream.indirect.scatter.add.f32 [tilespmem:s15], [sflag:$0x3], $0x40, s23, s13, $0xb8;
	[tilespmem:$0x18D40] =	vst v63  }
0x164: {  	_ =	swait.ge [sflag:s10], $0x1000  }
0x165: {  	[sflag:s10] =	ssyncset.done $0x0  }
0x166: {  	[sflag:s10] =	ssyncadd.s32 $0xFFFFF000  }
0x167: {  	[spmem:s26] =	stream.indirect.scatter.add.f32 [tilespmem:s16], [sflag:$0x3], $0x1, s23, s13, $0xb8;
	[tilespmem:$0x18D40] =	vst v63  }
0x168: {  	_ =	swait.ge [sflag:s10], $0x40  }
0x169: {  	[sflag:s10] =	ssyncset.done $0x0  }
0x16a: {  	[sflag:s10] =	ssyncadd.s32 $0xFFFFFFC0  }
0x16b: {  	[bflag:$0x0] =	sbarrier.arrive $0xFFFF  }
0x16c: {  	s3 =	sld [smem:$0x7FA];
	_ =	sdelay $0x2  }
0x16d: {  	s4 =	rddreg [dreg:$0xa];
	s22 =	sshrl.u32 s3, $0x3  }
0x16e: {  	[hbm:s4], [sflag:s19] =	dma.local [spmem:s22], $0x200  }
0x16f: {  	_ =	swait.ge [sflag:s10], $0x200  }
0x170: {  	s5 =	sld [smem:$0x7E9];
	_ =	sdelay $0x1  }
0x171: {  	[sflag:s10] =	ssyncset.done $0x0  }
0x172: {  	s6 =	rddreg [dreg:$0xb];
	[sflag:s10] =	ssyncadd.s32 $0xFFFFFE00;
	s23 =	sshrl.u32 s5, $0x3  }
0x173: {  	[hbm:s6], [sflag:s19] =	dma.local [spmem:s23], $0x200  }
0x174: {  	_ =	swait.ge [sflag:s10], $0x200  }
0x175: {  	s7 =	sld [smem:$0x7EA];
	_ =	sdelay $0x1  }
0x176: {  	[sflag:s10] =	ssyncset.done $0x0  }
0x177: {  	s8 =	rddreg [dreg:$0xc];
	[sflag:s10] =	ssyncadd.s32 $0xFFFFFE00;
	s28 =	sshrl.u32 s7, $0x3  }
0x178: {  	[hbm:s8], [sflag:s19] =	dma.local [spmem:s28], $0x200  }
0x179: {  	_ =	swait.ge [sflag:s10], $0x200  }
0x17a: {  	s12 =	sld [smem:$0x7EB];
	_ =	sdelay $0x1  }
0x17b: {  	[sflag:s10] =	ssyncset.done $0x0  }
0x17c: {  	s17 =	rddreg [dreg:$0xd];
	[sflag:s10] =	ssyncadd.s32 $0xFFFFFE00;
	s30 =	sshrl.u32 s12, $0x3  }
0x17d: {  	[hbm:s17], [sflag:s19] =	dma.local [spmem:s30], $0x200  }
0x17e: {  	_ =	swait.ge [sflag:s10], $0x200  }
0x17f: {  	s18 =	sld [smem:$0x7EC];
	_ =	sdelay $0x1  }
0x180: {  	[sflag:s10] =	ssyncset.done $0x0  }
0x181: {  	s3 =	rddreg [dreg:$0xe];
	[sflag:s10] =	ssyncadd.s32 $0xFFFFFE00;
	s6 =	sshrl.u32 s18, $0x3  }
0x182: {  	[hbm:s3], [sflag:s19] =	dma.local [spmem:s6], $0x200  }
0x183: {  	_ =	swait.ge [sflag:s10], $0x200  }
0x184: {  	s4 =	sld [smem:$0x7ED];
	_ =	sdelay $0x1  }
0x185: {  	[sflag:s10] =	ssyncset.done $0x0  }
0x186: {  	s5 =	rddreg [dreg:$0xf];
	[sflag:s10] =	ssyncadd.s32 $0xFFFFFE00;
	s12 =	sshrl.u32 s4, $0x3  }
0x187: {  	[hbm:s5], [sflag:s19] =	dma.local [spmem:s12], $0x200  }
0x188: {  	_ =	swait.ge [sflag:s10], $0x200  }
0x189: {  	s7 =	sld [smem:$0x7EE];
	_ =	sdelay $0x1  }
0x18a: {  	[sflag:s10] =	ssyncset.done $0x0  }
0x18b: {  	s8 =	rddreg [dreg:$0x10];
	[sflag:s10] =	ssyncadd.s32 $0xFFFFFE00;
	s7 =	sshrl.u32 s7, $0x3  }
0x18c: {  	[hbm:s8], [sflag:s19] =	dma.local [spmem:s7], $0x200  }
0x18d: {  	_ =	swait.ge [sflag:s10], $0x200  }
0x18e: {  	s17 =	sld [smem:$0x7EF];
	_ =	sdelay $0x1  }
0x18f: {  	[sflag:s10] =	ssyncset.done $0x0  }
0x190: {  	s18 =	rddreg [dreg:$0x11];
	[sflag:s10] =	ssyncadd.s32 $0xFFFFFE00;
	s3 =	sshrl.u32 s17, $0x3  }
0x191: {  	[hbm:s18], [sflag:s19] =	dma.local [spmem:s3], $0x200  }
0x192: {  	_ =	swait.ge [sflag:s10], $0x200  }
0x193: {  	s4 =	sld [smem:$0x7F0];
	_ =	sdelay $0x1  }
0x194: {  	[sflag:s10] =	ssyncset.done $0x0  }
0x195: {  	[sflag:s10] =	ssyncadd.s32 $0xFFFFFE00;
	s0 =	sshrl.u32 s4, $0x3;
	s4 =	rddreg [dreg:$0x12]  }
0x196: {  	[hbm:s4], [sflag:s19] =	dma.local [spmem:s0], $0x200  }
0x197: {  	_ =	swait.ge [sflag:s10], $0x200  }
0x198: {  	s5 =	sld [smem:$0x7F1];
	_ =	sdelay $0x1  }
0x199: {  	[sflag:s10] =	ssyncset.done $0x0  }
0x19a: {  	s8 =	rddreg [dreg:$0x13];
	[sflag:s10] =	ssyncadd.s32 $0xFFFFFE00;
	s18 =	sshrl.u32 s5, $0x3  }
0x19b: {  	[hbm:s8], [sflag:s19] =	dma.local [spmem:s18], $0x200  }
0x19c: {  	_ =	swait.ge [sflag:s10], $0x200  }
0x19d: {  	s8 =	simm.s32 $0x0;
	[sflag:s10] =	ssyncset.done $0x0;
	s17 =	rddreg [dreg:$0x1d]  }
0x19e: {  	s5 =	rddreg [dreg:$0x1e];
	[sflag:s10] =	ssyncadd.s32 $0xFFFFFE00;
	s4 =	sshrl.u32 s17, $0x3  }
0x19f: {  	[hbm:s5], [sflag:s19] =	dma.local [spmem:s4], $0x50  }
0x1a0: {  	s5 =	sand.u32 $0x3F00, s8;
	_ =	swait.ge [sflag:s10], $0x50  }
0x1a1: {  	s17 =	sand.u32 $0x30, s8;
	s4 =	sshrl.u32 s5, $0x2;
	[sflag:s10] =	ssyncset.done $0x0  }
0x1a2: {  	s5 =	sor.u32 s17, s4;
	s4 =	simm.s32 $0x40;
	[sflag:s10] =	ssyncadd.s32 $0xFFFFFFB0  }
.LBB2_10:
0x1a3: {  	p1 =	sne.s32 s4, $0x3FC0  }
0x1a4: {  	[tilespmem:s5+$0x16800] =	vst v0;
	s8 =	sadd.s32 $0x10, s8;
	s5 =	smov.u32 s4;
	s4 =	sadd.s32 $0x40, s4  }
.Ltmp5:
0x1a5: {  	(pc) =	sbr.rel @p1 .LBB2_10-.Ltmp5, $4  }
0x1a6: {  	_ = 	snop  }
0x1a7: {  	s5 =	sand.u32 $0x3F00, s5  }
0x1a8: {  	s17 =	sand.u32 $0x30, s8;
	s5 =	sshrl.u32 s5, $0x2  }
0x1a9: {  	s5 =	sor.u32 s17, s5  }
0x1aa: {  	s4 =	sld [smem:$0x7FA];
	_ =	sdelay $0x1  }
0x1ab: {  	[tilespmem:s5+$0x16800] =	vst v0  }
0x1ac: {  	[spmem:s4] =	stream.linear.scatter [tilespmem:s9], [sflag:$0x3], $0x1000, $0x38;
	[tilespmem:$0x18D40] =	vst v63  }
0x1ad: {  	_ =	swait.ge [sflag:s10], $0x1000  }
0x1ae: {  	s5 =	sld [smem:$0x7F2]  }
0x1af: {  	[sflag:s10] =	ssyncset.done $0x0  }
0x1b0: {  	[sflag:s10] =	ssyncadd.s32 $0xFFFFF000  }
0x1b1: {  	[spmem:s5] =	stream.linear.scatter [tilespmem:s9], [sflag:$0x3], $0x1000, $0x38;
	[tilespmem:$0x18D40] =	vst v63  }
0x1b2: {  	_ =	swait.ge [sflag:s10], $0x1000  }
0x1b3: {  	s8 =	sld [smem:$0x7F3]  }
0x1b4: {  	[sflag:s10] =	ssyncset.done $0x0  }
0x1b5: {  	[sflag:s10] =	ssyncadd.s32 $0xFFFFF000  }
0x1b6: {  	[spmem:s8] =	stream.linear.scatter [tilespmem:s9], [sflag:$0x3], $0x1000, $0x38;
	[tilespmem:$0x18D40] =	vst v63  }
0x1b7: {  	_ =	swait.ge [sflag:s10], $0x1000  }
0x1b8: {  	s17 =	sld [smem:$0x7F4]  }
0x1b9: {  	[sflag:s10] =	ssyncset.done $0x0  }
0x1ba: {  	[sflag:s10] =	ssyncadd.s32 $0xFFFFF000  }
0x1bb: {  	[spmem:s17] =	stream.linear.scatter [tilespmem:s9], [sflag:$0x3], $0x1000, $0x38;
	[tilespmem:$0x18D40] =	vst v63  }
0x1bc: {  	_ =	swait.ge [sflag:s10], $0x1000  }
0x1bd: {  	s5 =	sld [smem:$0x7F5]  }
0x1be: {  	[sflag:s10] =	ssyncset.done $0x0  }
0x1bf: {  	[sflag:s10] =	ssyncadd.s32 $0xFFFFF000  }
0x1c0: {  	[spmem:s5] =	stream.linear.scatter [tilespmem:s9], [sflag:$0x3], $0x1000, $0x38;
	[tilespmem:$0x18D40] =	vst v63  }
0x1c1: {  	_ =	swait.ge [sflag:s10], $0x1000  }
0x1c2: {  	s8 =	sld [smem:$0x7F6]  }
0x1c3: {  	[sflag:s10] =	ssyncset.done $0x0  }
0x1c4: {  	[sflag:s10] =	ssyncadd.s32 $0xFFFFF000  }
0x1c5: {  	[spmem:s8] =	stream.linear.scatter [tilespmem:s9], [sflag:$0x3], $0x1000, $0x38;
	[tilespmem:$0x18D40] =	vst v63  }
0x1c6: {  	_ =	swait.ge [sflag:s10], $0x1000  }
0x1c7: {  	s17 =	sld [smem:$0x7F7]  }
0x1c8: {  	[sflag:s10] =	ssyncset.done $0x0  }
0x1c9: {  	[sflag:s10] =	ssyncadd.s32 $0xFFFFF000  }
0x1ca: {  	[spmem:s17] =	stream.linear.scatter [tilespmem:s9], [sflag:$0x3], $0x1000, $0x38;
	[tilespmem:$0x18D40] =	vst v63  }
0x1cb: {  	_ =	swait.ge [sflag:s10], $0x1000  }
0x1cc: {  	s5 =	sld [smem:$0x7F8]  }
0x1cd: {  	[sflag:s10] =	ssyncset.done $0x0  }
0x1ce: {  	[sflag:s10] =	ssyncadd.s32 $0xFFFFF000  }
0x1cf: {  	[spmem:s5] =	stream.linear.scatter [tilespmem:s9], [sflag:$0x3], $0x1000, $0x38;
	[tilespmem:$0x18D40] =	vst v63  }
0x1d0: {  	_ =	swait.ge [sflag:s10], $0x1000  }
0x1d1: {  	s8 =	sld [smem:$0x7F9]  }
0x1d2: {  	[sflag:s10] =	ssyncset.done $0x0  }
0x1d3: {  	[sflag:s10] =	ssyncadd.s32 $0xFFFFF000  }
0x1d4: {  	[spmem:s8] =	stream.linear.scatter [tilespmem:s9], [sflag:$0x3], $0x1000, $0x38;
	[tilespmem:$0x18D40] =	vst v63  }
0x1d5: {  	_ =	swait.ge [sflag:s10], $0x1000  }
0x1d6: {  	s17 =	sld [smem:$0x7FB]  }
0x1d7: {  	[sflag:s10] =	ssyncset.done $0x0  }
0x1d8: {  	[sflag:s10] =	ssyncadd.s32 $0xFFFFF000  }
0x1d9: {  	[spmem:s17] =	stream.linear.scatter [tilespmem:s9], [sflag:$0x3], $0x1000, $0x38;
	[tilespmem:$0x18D40] =	vst v63  }
0x1da: {  	_ =	swait.ge [sflag:s10], $0x1000  }
0x1db: {  	[sflag:s10] =	ssyncset.done $0x0  }
0x1dc: {  	s20 =	sadd.s32 s25, s20;
	[sflag:s10] =	ssyncadd.s32 $0xFFFFF000  }
0x1dd: {  	[spmem:s21], [sflag:s19] =	dma.local [hbm:s20], $0x280  }
0x1de: {  	_ =	swait.ge [sflag:s10], $0x280  }
.Ltmp6:
0x1df: {  	s21 =	sld [smem:$0x7FC];
	(pc) =	sbr.rel @!p0 .LBB2_13-.Ltmp6, $3  }
0x1e0: {  	s8 =	sadd.s32 $0xFFFFFFFF, s11;
	s17 =	smov.u32 s11;
	s11 =	sld [smem:$0x7FD]  }
0x1e1: {  	_ =	sdelay $0x1  }
0x1e2: {  	s20 =	sadd.s32 $0x1400, s21;
	s21 =	smov.u32 s11  }
.LBB2_12:
0x1e3: {  	s4 =	sshrl.u32 s20, $0x3;
	[sflag:s10] =	ssyncset.done $0x0  }
0x1e4: {  	s21 =	sadd.s32 $0x1400, s21;
	p0 =	sne.s32 s8, $0x1;
	s4 =	sadd.s32 s25, s4  }
.Ltmp7:
0x1e5: {  	s5 =	sshrl.u32 s21, $0x3;
	[sflag:s10] =	ssyncadd.s32 $0xFFFFFD80;
	(pc) =	sbr.rel @p0 .LBB2_12-.Ltmp7, $3  }
0x1e6: {  	[spmem:s5], [sflag:s19] =	dma.local [hbm:s4], $0x280  }
0x1e7: {  	s8 =	sadd.s32 $0xFFFFFFFF, s8;
	_ =	sdelay $0x1  }
0x1e8: {  	s20 =	sadd.s32 $0x1400, s20;
	_ =	swait.ge [sflag:s10], $0x280  }
.LBB2_13:
0x1e9: {  	[sflag:s10] =	ssyncset.done $0x0  }
0x1ea: {  	[sflag:s10] =	ssyncadd.s32 $0xFFFFFD80  }
0x1eb: {  	[bflag:$0x0] =	sbarrier.arrive $0xFFFF  }
0x1ec: {  	s4 =	simm.s32 $0x0;
	s8 =	simm.s32 $0x14000;
	s5 =	rddreg [dreg:$0x5]  }
0x1ed: {  	[tilespmem:s8], [sflag:$0x3] =	stream.linear.gather [hbm4b:s5+s4], $0x1400, $0x38;
	[tilespmem:$0x18D40] =	vst v63  }
0x1ee: {  	_ =	swait.ge [sflag:s10], $0x1400  }
0x1ef: {  	[sflag:s10] =	ssyncset.done $0x0  }
0x1f0: {  	s20 =	simm.s32 $0x15400;
	s21 =	rddreg [dreg:$0x6];
	[sflag:s10] =	ssyncadd.s32 $0xFFFFEC00  }
0x1f1: {  	[tilespmem:s20], [sflag:$0x3] =	stream.linear.gather [hbm4b:s21+s4], $0x1400, $0x38;
	[tilespmem:$0x18D40] =	vst v63  }
0x1f2: {  	_ =	swait.ge [sflag:s10], $0x1400  }
0x1f3: {  	[sflag:s10] =	ssyncset.done $0x0  }
0x1f4: {  	[sflag:s10] =	ssyncadd.s32 $0xFFFFEC00  }
0x1f5: {  	[tilespmem:s9], [sflag:$0x1] =	stream.indirect.gather [spmem:s29], $0x40, s8, s13, $0xb8;
	[tilespmem:$0x18D40] =	vst v63  }
0x1f6: {  	_ =	swait.ge [sflag:s14], $0x1000  }
0x1f7: {  	[sflag:s14] =	ssyncset.done $0x0  }
0x1f8: {  	s21 =	simm.s32 $0x14040;
	[sflag:s14] =	ssyncadd.s32 $0xFFFFF000  }
0x1f9: {  	[tilespmem:s15], [sflag:$0x2] =	stream.indirect.gather [spmem:s29], $0x40, s21, s13, $0xb8;
	[tilespmem:$0x18D40] =	vst v63  }
0x1fa: {  	s5 =	simm.s32 $0x15400  }
0x1fb: {  	[spmem:s24] =	stream.indirect.scatter.add.f32 [tilespmem:s9], [sflag:$0x3], $0x40, s5, s13, $0xb8;
	[tilespmem:$0x18D40] =	vst v63  }
0x1fc: {  	_ =	swait.ge [sflag:s10], $0x1000  }
0x1fd: {  	[sflag:s10] =	ssyncset.done $0x0  }
0x1fe: {  	[sflag:s10] =	ssyncadd.s32 $0xFFFFF000  }
0x1ff: {  	_ =	swait.ge [sflag:s2], $0x1000  }
0x200: {  	[sflag:s2] =	ssyncset.done $0x0  }
0x201: {  	s20 =	simm.s32 $0x14080;
	[sflag:s2] =	ssyncadd.s32 $0xFFFFF000  }
0x202: {  	[tilespmem:s9], [sflag:$0x1] =	stream.indirect.gather [spmem:s29], $0x40, s20, s13, $0xb8;
	[tilespmem:$0x18D40] =	vst v63  }
0x203: {  	s21 =	simm.s32 $0x15440  }
0x204: {  	[spmem:s24] =	stream.indirect.scatter.add.f32 [tilespmem:s15], [sflag:$0x3], $0x40, s21, s13, $0xb8;
	[tilespmem:$0x18D40] =	vst v63  }
0x205: {  	_ =	swait.ge [sflag:s10], $0x1000  }
0x206: {  	s20 =	simm.s32 $0x200;
	[sflag:s10] =	ssyncset.done $0x0  }
.LBB2_14:
0x207: {  	p0 =	sne.s32 s20, $0x4C00  }
0x208: {  	[sflag:s10] =	ssyncadd.s32 $0xFFFFF000;
	s4 =	smov.u32 s20;
	s20 =	sadd.s32 $0x200, s20  }
0x209: {  	_ = 	snop  }
0x20a: {  	_ =	swait.ge [sflag:s14], $0x1000  }
0x20b: {  	s4 =	sshra.s32 s4, $0x2;
	[sflag:s14] =	ssyncset.done $0x0  }
0x20c: {  	s5 =	sadd.s32 $0x14040, s4;
	[sflag:s14] =	ssyncadd.s32 $0xFFFFF000  }
0x20d: {  	[tilespmem:s15], [sflag:$0x2] =	stream.indirect.gather [spmem:s29], $0x40, s5, s13, $0xb8;
	[tilespmem:$0x18D40] =	vst v63  }
0x20e: {  	s5 =	sadd.s32 $0x15400, s4  }
0x20f: {  	[spmem:s24] =	stream.indirect.scatter.add.f32 [tilespmem:s9], [sflag:$0x3], $0x40, s5, s13, $0xb8;
	[tilespmem:$0x18D40] =	vst v63  }
0x210: {  	_ =	swait.ge [sflag:s10], $0x1000  }
0x211: {  	[sflag:s10] =	ssyncset.done $0x0  }
0x212: {  	[sflag:s10] =	ssyncadd.s32 $0xFFFFF000  }
0x213: {  	_ =	swait.ge [sflag:s2], $0x1000  }
0x214: {  	[sflag:s2] =	ssyncset.done $0x0  }
0x215: {  	s5 =	sadd.s32 $0x14080, s4;
	[sflag:s2] =	ssyncadd.s32 $0xFFFFF000  }
0x216: {  	[tilespmem:s9], [sflag:$0x1] =	stream.indirect.gather [spmem:s29], $0x40, s5, s13, $0xb8;
	[tilespmem:$0x18D40] =	vst v63  }
.Ltmp8:
0x217: {  	_ = 	snop;
	(pc) =	sbr.rel @p0 .LBB2_14-.Ltmp8, $4  }
0x218: {  	s4 =	sadd.s32 $0x15440, s4  }
0x219: {  	[spmem:s24] =	stream.indirect.scatter.add.f32 [tilespmem:s15], [sflag:$0x3], $0x40, s4, s13, $0xb8;
	[tilespmem:$0x18D40] =	vst v63  }
0x21a: {  	_ =	swait.ge [sflag:s10], $0x1000  }
0x21b: {  	[sflag:s10] =	ssyncset.done $0x0  }
0x21c: {  	[sflag:s10] =	ssyncadd.s32 $0xFFFFF000  }
0x21d: {  	_ =	swait.ge [sflag:s14], $0x1000  }
0x21e: {  	[sflag:s14] =	ssyncset.done $0x0  }
0x21f: {  	s4 =	simm.s32 $0x153C0;
	[sflag:s14] =	ssyncadd.s32 $0xFFFFF000  }
0x220: {  	[tilespmem:s15], [sflag:$0x2] =	stream.indirect.gather [spmem:s29], $0x40, s4, s13, $0xb8;
	[tilespmem:$0x18D40] =	vst v63  }
0x221: {  	s5 =	simm.s32 $0x16780  }
0x222: {  	[spmem:s24] =	stream.indirect.scatter.add.f32 [tilespmem:s9], [sflag:$0x3], $0x40, s5, s13, $0xb8;
	[tilespmem:$0x18D40] =	vst v63  }
0x223: {  	_ =	swait.ge [sflag:s10], $0x1000  }
0x224: {  	[sflag:s10] =	ssyncset.done $0x0  }
0x225: {  	[sflag:s10] =	ssyncadd.s32 $0xFFFFF000  }
0x226: {  	_ =	swait.ge [sflag:s2], $0x1000  }
0x227: {  	[sflag:s2] =	ssyncset.done $0x0  }
0x228: {  	s20 =	simm.s32 $0x167C0;
	[sflag:s2] =	ssyncadd.s32 $0xFFFFF000  }
0x229: {  	[spmem:s24] =	stream.indirect.scatter.add.f32 [tilespmem:s15], [sflag:$0x3], $0x40, s20, s13, $0xb8;
	[tilespmem:$0x18D40] =	vst v63  }
0x22a: {  	_ =	swait.ge [sflag:s10], $0x1000  }
0x22b: {  	[sflag:s10] =	ssyncset.done $0x0  }
0x22c: {  	s4 =	simm.s32 $0x0;
	s5 =	rddreg [dreg:$0x7];
	[sflag:s10] =	ssyncadd.s32 $0xFFFFF000  }
0x22d: {  	[tilespmem:s8], [sflag:$0x3] =	stream.linear.gather [hbm4b:s5+s4], $0x1400, $0x38;
	[tilespmem:$0x18D40] =	vst v63  }
0x22e: {  	_ =	swait.ge [sflag:s10], $0x1400  }
0x22f: {  	[sflag:s10] =	ssyncset.done $0x0  }
0x230: {  	s20 =	simm.s32 $0x15400;
	s21 =	rddreg [dreg:$0x8];
	[sflag:s10] =	ssyncadd.s32 $0xFFFFEC00  }
0x231: {  	[tilespmem:s20], [sflag:$0x3] =	stream.linear.gather [hbm4b:s21+s4], $0x1400, $0x38;
	[tilespmem:$0x18D40] =	vst v63  }
0x232: {  	_ =	swait.ge [sflag:s10], $0x1400  }
0x233: {  	[sflag:s10] =	ssyncset.done $0x0  }
0x234: {  	[sflag:s10] =	ssyncadd.s32 $0xFFFFEC00  }
0x235: {  	[tilespmem:s9], [sflag:$0x1] =	stream.indirect.gather [spmem:s29], $0x40, s8, s13, $0xb8;
	[tilespmem:$0x18D40] =	vst v63  }
0x236: {  	_ =	swait.ge [sflag:s14], $0x1000  }
0x237: {  	[sflag:s14] =	ssyncset.done $0x0  }
0x238: {  	s21 =	simm.s32 $0x14040;
	[sflag:s14] =	ssyncadd.s32 $0xFFFFF000  }
0x239: {  	[tilespmem:s15], [sflag:$0x2] =	stream.indirect.gather [spmem:s29], $0x40, s21, s13, $0xb8;
	[tilespmem:$0x18D40] =	vst v63  }
0x23a: {  	s5 =	simm.s32 $0x15400  }
0x23b: {  	[spmem:s24] =	stream.indirect.scatter.add.f32 [tilespmem:s9], [sflag:$0x3], $0x40, s5, s13, $0xb8;
	[tilespmem:$0x18D40] =	vst v63  }
0x23c: {  	_ =	swait.ge [sflag:s10], $0x1000  }
0x23d: {  	[sflag:s10] =	ssyncset.done $0x0  }
0x23e: {  	[sflag:s10] =	ssyncadd.s32 $0xFFFFF000  }
0x23f: {  	_ =	swait.ge [sflag:s2], $0x1000  }
0x240: {  	[sflag:s2] =	ssyncset.done $0x0  }
0x241: {  	s20 =	simm.s32 $0x14080;
	[sflag:s2] =	ssyncadd.s32 $0xFFFFF000  }
0x242: {  	[tilespmem:s9], [sflag:$0x1] =	stream.indirect.gather [spmem:s29], $0x40, s20, s13, $0xb8;
	[tilespmem:$0x18D40] =	vst v63  }
0x243: {  	s21 =	simm.s32 $0x15440  }
0x244: {  	[spmem:s24] =	stream.indirect.scatter.add.f32 [tilespmem:s15], [sflag:$0x3], $0x40, s21, s13, $0xb8;
	[tilespmem:$0x18D40] =	vst v63  }
0x245: {  	_ =	swait.ge [sflag:s10], $0x1000  }
0x246: {  	s20 =	simm.s32 $0x200;
	[sflag:s10] =	ssyncset.done $0x0  }
.LBB2_16:
0x247: {  	p0 =	sne.s32 s20, $0x4C00  }
0x248: {  	[sflag:s10] =	ssyncadd.s32 $0xFFFFF000;
	s4 =	smov.u32 s20;
	s20 =	sadd.s32 $0x200, s20  }
0x249: {  	_ = 	snop  }
0x24a: {  	_ =	swait.ge [sflag:s14], $0x1000  }
0x24b: {  	s4 =	sshra.s32 s4, $0x2;
	[sflag:s14] =	ssyncset.done $0x0  }
0x24c: {  	s5 =	sadd.s32 $0x14040, s4;
	[sflag:s14] =	ssyncadd.s32 $0xFFFFF000  }
0x24d: {  	[tilespmem:s15], [sflag:$0x2] =	stream.indirect.gather [spmem:s29], $0x40, s5, s13, $0xb8;
	[tilespmem:$0x18D40] =	vst v63  }
0x24e: {  	s5 =	sadd.s32 $0x15400, s4  }
0x24f: {  	[spmem:s24] =	stream.indirect.scatter.add.f32 [tilespmem:s9], [sflag:$0x3], $0x40, s5, s13, $0xb8;
	[tilespmem:$0x18D40] =	vst v63  }
0x250: {  	_ =	swait.ge [sflag:s10], $0x1000  }
0x251: {  	[sflag:s10] =	ssyncset.done $0x0  }
0x252: {  	[sflag:s10] =	ssyncadd.s32 $0xFFFFF000  }
0x253: {  	_ =	swait.ge [sflag:s2], $0x1000  }
0x254: {  	[sflag:s2] =	ssyncset.done $0x0  }
0x255: {  	s5 =	sadd.s32 $0x14080, s4;
	[sflag:s2] =	ssyncadd.s32 $0xFFFFF000  }
0x256: {  	[tilespmem:s9], [sflag:$0x1] =	stream.indirect.gather [spmem:s29], $0x40, s5, s13, $0xb8;
	[tilespmem:$0x18D40] =	vst v63  }
.Ltmp9:
0x257: {  	_ = 	snop;
	(pc) =	sbr.rel @p0 .LBB2_16-.Ltmp9, $4  }
0x258: {  	s4 =	sadd.s32 $0x15440, s4  }
0x259: {  	[spmem:s24] =	stream.indirect.scatter.add.f32 [tilespmem:s15], [sflag:$0x3], $0x40, s4, s13, $0xb8;
	[tilespmem:$0x18D40] =	vst v63  }
0x25a: {  	_ =	swait.ge [sflag:s10], $0x1000  }
0x25b: {  	[sflag:s10] =	ssyncset.done $0x0  }
0x25c: {  	[sflag:s10] =	ssyncadd.s32 $0xFFFFF000  }
0x25d: {  	_ =	swait.ge [sflag:s14], $0x1000  }
0x25e: {  	[sflag:s14] =	ssyncset.done $0x0  }
0x25f: {  	s4 =	simm.s32 $0x153C0;
	[sflag:s14] =	ssyncadd.s32 $0xFFFFF000  }
0x260: {  	[tilespmem:s15], [sflag:$0x2] =	stream.indirect.gather [spmem:s29], $0x40, s4, s13, $0xb8;
	[tilespmem:$0x18D40] =	vst v63  }
0x261: {  	s5 =	simm.s32 $0x16780  }
0x262: {  	[spmem:s24] =	stream.indirect.scatter.add.f32 [tilespmem:s9], [sflag:$0x3], $0x40, s5, s13, $0xb8;
	[tilespmem:$0x18D40] =	vst v63  }
0x263: {  	_ =	swait.ge [sflag:s10], $0x1000  }
0x264: {  	[sflag:s10] =	ssyncset.done $0x0  }
0x265: {  	[sflag:s10] =	ssyncadd.s32 $0xFFFFF000  }
0x266: {  	_ =	swait.ge [sflag:s2], $0x1000  }
0x267: {  	[sflag:s2] =	ssyncset.done $0x0  }
0x268: {  	s20 =	simm.s32 $0x167C0;
	[sflag:s2] =	ssyncadd.s32 $0xFFFFF000  }
0x269: {  	[spmem:s24] =	stream.indirect.scatter.add.f32 [tilespmem:s15], [sflag:$0x3], $0x40, s20, s13, $0xb8;
	[tilespmem:$0x18D40] =	vst v63  }
0x26a: {  	_ =	swait.ge [sflag:s10], $0x1000  }
0x26b: {  	[sflag:s10] =	ssyncset.done $0x0  }
0x26c: {  	[sflag:s10] =	ssyncadd.s32 $0xFFFFF000  }
0x26d: {  	[bflag:$0x0] =	sbarrier.arrive $0xFFFF  }
0x26e: {  	s21 =	rddreg [dreg:$0x9]  }
0x26f: {  	[hbm:s21], [sflag:s19] =	dma.local [spmem:s22], $0x200  }
0x270: {  	_ =	swait.ge [sflag:s10], $0x200  }
0x271: {  	[sflag:s10] =	ssyncset.done $0x0  }
0x272: {  	s22 =	rddreg [dreg:$0x14];
	[sflag:s10] =	ssyncadd.s32 $0xFFFFFE00  }
0x273: {  	[hbm:s22], [sflag:s19] =	dma.local [spmem:s23], $0x200  }
0x274: {  	_ =	swait.ge [sflag:s10], $0x200  }
0x275: {  	[sflag:s10] =	ssyncset.done $0x0  }
0x276: {  	s23 =	rddreg [dreg:$0x15];
	[sflag:s10] =	ssyncadd.s32 $0xFFFFFE00  }
0x277: {  	[hbm:s23], [sflag:s19] =	dma.local [spmem:s28], $0x200  }
0x278: {  	_ =	swait.ge [sflag:s10], $0x200  }
0x279: {  	[sflag:s10] =	ssyncset.done $0x0  }
0x27a: {  	s28 =	rddreg [dreg:$0x16];
	[sflag:s10] =	ssyncadd.s32 $0xFFFFFE00  }
0x27b: {  	[hbm:s28], [sflag:s19] =	dma.local [spmem:s30], $0x200  }
0x27c: {  	_ =	swait.ge [sflag:s10], $0x200  }
0x27d: {  	[sflag:s10] =	ssyncset.done $0x0  }
0x27e: {  	s5 =	rddreg [dreg:$0x17];
	[sflag:s10] =	ssyncadd.s32 $0xFFFFFE00  }
0x27f: {  	[hbm:s5], [sflag:s19] =	dma.local [spmem:s6], $0x200  }
0x280: {  	_ =	swait.ge [sflag:s10], $0x200  }
0x281: {  	[sflag:s10] =	ssyncset.done $0x0  }
0x282: {  	s20 =	rddreg [dreg:$0x18];
	[sflag:s10] =	ssyncadd.s32 $0xFFFFFE00  }
0x283: {  	[hbm:s20], [sflag:s19] =	dma.local [spmem:s12], $0x200  }
0x284: {  	_ =	swait.ge [sflag:s10], $0x200  }
0x285: {  	[sflag:s10] =	ssyncset.done $0x0  }
0x286: {  	s21 =	rddreg [dreg:$0x19];
	[sflag:s10] =	ssyncadd.s32 $0xFFFFFE00  }
0x287: {  	[hbm:s21], [sflag:s19] =	dma.local [spmem:s7], $0x200  }
0x288: {  	_ =	swait.ge [sflag:s10], $0x200  }
0x289: {  	[sflag:s10] =	ssyncset.done $0x0  }
0x28a: {  	s22 =	rddreg [dreg:$0x1a];
	[sflag:s10] =	ssyncadd.s32 $0xFFFFFE00  }
0x28b: {  	[hbm:s22], [sflag:s19] =	dma.local [spmem:s3], $0x200  }
0x28c: {  	_ =	swait.ge [sflag:s10], $0x200  }
0x28d: {  	[sflag:s10] =	ssyncset.done $0x0  }
0x28e: {  	s23 =	rddreg [dreg:$0x1b];
	[sflag:s10] =	ssyncadd.s32 $0xFFFFFE00  }
0x28f: {  	[hbm:s23], [sflag:s19] =	dma.local [spmem:s0], $0x200  }
0x290: {  	_ =	swait.ge [sflag:s10], $0x200  }
0x291: {  	[sflag:s10] =	ssyncset.done $0x0  }
0x292: {  	s28 =	rddreg [dreg:$0x1c];
	[sflag:s10] =	ssyncadd.s32 $0xFFFFFE00  }
0x293: {  	[hbm:s28], [sflag:s19] =	dma.local [spmem:s18], $0x200  }
0x294: {  	_ =	swait.ge [sflag:s10], $0x200  }
0x295: {  	s1 =	sadd.s32 $0x1, s1;
	s30 =	rddreg [dreg:$0x1f]  }
0x296: {  	p0 =	sne.s32 s1, s30  }
.Ltmp10:
0x297: {  	_ = 	snop;
	(pc) =	sbr.rel @p0 .LBB2_1-.Ltmp10, $3  }
0x298: {  	_ =	sdelay $0x1  }
0x299: {  	[sflag:s10] =	ssyncset.done $0x0  }
0x29a: {  	[sflag:s10] =	ssyncadd.s32 $0xFFFFFE00  }
0x29b: {  	_ =	sfence.sel $0x180000  }
0x29c: {  	[bflag:$0x0] =	sbarrier.arrive $0xFFFF  }
0x29d: {  	_ =	strace $0x90000047  }
0x29e: {  	s0 =	stileid.u32;
	[bflag:$0x2] =	sbarrier.arrive $0xFFFF  }
0x29f: {  	p0 =	sne.s32 s0, $0x0;
	s0 =	rddreg [dreg:$0x4]  }
0x2a0: {  	s0 =	sadd.s32 @!p0 $0x100000, s0  }
0x2a1: {  	[sflag:s0] =	ssyncadd.tile.s32 @!p0 $0x1;
	_ =	shalt  }
.Lfunc_end2:
_tile_overlayer_lowered:
.L_overlay_start_2:
0x2a2: {  	(tag) =	ssettag $0x2  }
0x2a3: {  	s0 =	rddreg [dreg:$0x0];
	s2 =	stileid.u32  }
0x2a4: {  	s1 =	rddreg [dreg:$0x1];
	p0 =	sne.s32 s2, $0x0  }
0x2a5: {  	s3 =	rddreg [dreg:$0x2];
	[bflag:$0x3] =	sbarrier.arrive $0xFFFF;
	s2 =	simm.s32 @!p0 $0x1C03  }
0x2a6: {  	[timem:s3], [sflag:s2] =	dma.local @!p0 [hbm:s0], s1  }
0x2a7: {  	s0 =	simm.s32 @!p0 $0x3  }
0x2a8: {  	_ =	swait.ge @!p0 [sflag:s0], s1  }
0x2a9: {  	s1 =	ssub.s32 @!p0 $0x0, s1;
	[sflag:s0] =	ssyncset.done @!p0 $0x0  }
0x2aa: {  	[sflag:s0] =	ssyncadd.s32 @!p0 s1  }
0x2ab: {  	[bflag:$0x3] =	sbarrier.arrive $0xFFFF  }
0x2ac: {  	_ =	shalt  }

</sc_bundles>
